<compile_context>
chip_gen: v7x
topology: tpu7x:2x2x1
jax: 0.10.2.dev20260603
libtpu: 0.0.44.dev20260713+nightly
codegen_flags: <defaults>
</compile_context>

<pallas_src>
import math

import jax
import jax.numpy as jnp
from jax import lax
from jax.experimental import pallas as pl
from jax.experimental.pallas import tpu as pltpu
from jax.experimental.pallas import tpu_sc as plsc

B, H, W = 2, 224, 224
GAUSS_DIM = 8
HEAD_IN = 64

HW = H * W
_PBLK = 6272
_NPB = HW // _PBLK

_SC_OWN = 14
_SC_HALO = 24


def _params_kernel(x_ref, w1_ref, b1_ref, w2_ref, b2_ref, out_ref):
    x = x_ref[0]
    w1 = w1_ref[...]
    w2 = w2_ref[...]
    feat = jax.lax.dot_general(w1, x, (((1,), (0,)), ((), ())),
                               preferred_element_type=jnp.float32)
    feat = jnp.maximum(feat + b1_ref[...], 0.0)
    pred = jax.lax.dot_general(w2, feat, (((1,), (0,)), ((), ())),
                               preferred_element_type=jnp.float32)
    pred = pred + b2_ref[...]

    rgb = pred[0:3]
    sg = 1.0 / (1.0 + jnp.exp(-pred[3:6]))
    theta = sg[0] * (2.0 * math.pi)
    sx = (sg[1] * 0.5 + 1e-6) * (W * 0.5)
    sy = (sg[2] * 0.5 + 1e-6) * (H * 0.5)
    off = jnp.tanh(pred[6:8])
    ct = jnp.cos(theta)
    st = jnp.sin(theta)
    sx2 = sx * sx
    sy2 = sy * sy
    ct2 = ct * ct
    st2 = st * st
    a = ct2 * sx2 + st2 * sy2
    bcov = ct * st * (sx2 - sy2)
    c = st2 * sx2 + ct2 * sy2
    det = a * c - bcov * bcov + 1e-12
    inv = 1.0 / det
    e0 = jnp.floor(off[0] - 0.5)
    e1 = jnp.floor(off[1] - 0.5)
    gx = e0 + 1.0 - off[0]
    gy = e1 + 1.0 - off[1]
    icx = -e0
    icy = -e1
    halfA = -0.5 * c * inv
    cb2 = bcov * inv
    halfC = -0.5 * a * inv
    out_ref[0] = jnp.concatenate(
        [gx[None], gy[None], icx[None], icy[None],
         halfA[None], cb2[None], halfC[None], rgb], axis=0)


def _sc_splat_body(pt_ref, out_ref, slab, fb):
    c = lax.axis_index("c")
    s = lax.axis_index("s")
    r0 = s * _SC_OWN
    lo = jnp.maximum(jnp.minimum(r0 - 4, H - _SC_HALO), 0)
    pltpu.sync_copy(pt_ref.at[c, :, pl.ds(lo, _SC_HALO), :], slab)
    offs = lo - r0

    zero16 = jnp.zeros((16,), jnp.float32)

    def zrow(r, _):
        for ch in range(3):
            for k in range(14):
                fb[ch, r, pl.ds(k * 16, 16)] = zero16
        return 0
    lax.fori_loop(0, _SC_OWN, zrow, 0)

    iotav = lax.iota(jnp.int32, 16)
    colv = iotav * 15

    def row_body(a, _):
        def grp_body(g, __):
            col = colv + g
            colm = col < W
            idxv = jnp.minimum(col, W - 1)
            gx = plsc.load_gather(slab.at[0, a], [idxv])
            gy = plsc.load_gather(slab.at[1, a], [idxv])
            icx = plsc.load_gather(slab.at[2, a], [idxv]).astype(jnp.int32)
            icy = plsc.load_gather(slab.at[3, a], [idxv]).astype(jnp.int32)
            hA = plsc.load_gather(slab.at[4, a], [idxv])
            cB2 = plsc.load_gather(slab.at[5, a], [idxv])
            hC = plsc.load_gather(slab.at[6, a], [idxv])
            rv = plsc.load_gather(slab.at[7, a], [idxv])
            gv = plsc.load_gather(slab.at[8, a], [idxv])
            bv = plsc.load_gather(slab.at[9, a], [idxv])
            cx = col - icx
            cyl = (a + offs) - icy
            uxs = [cx + dx for dx in range(-4, 5)]
            xms = [(ux >= 0) & (ux < W) & colm for ux in uxs]
            fxs = [gx + float(dx) for dx in range(-4, 5)]
            hfxs = [hA * fx for fx in fxs]

            for dy in range(-4, 5):
                uy = cyl + dy
                ym = (uy >= 0) & (uy < _SC_OWN)
                fy = gy + float(dy)
                xy = cB2 * fy
                ty = hC * fy * fy
                for dxi in range(9):
                    p = (hfxs[dxi] + xy) * fxs[dxi] + ty
                    alpha = jnp.minimum(jnp.exp(p), 1.0)
                    m = ym & xms[dxi]
                    ux = uxs[dxi]
                    plsc.addupdate_scatter(fb.at[0], [uy, ux], alpha * rv,
                                           mask=m)
                    plsc.addupdate_scatter(fb.at[1], [uy, ux], alpha * gv,
                                           mask=m)
                    plsc.addupdate_scatter(fb.at[2], [uy, ux], alpha * bv,
                                           mask=m)
            return 0
        lax.fori_loop(0, 15, grp_body, 0)
        return 0
    lax.fori_loop(0, _SC_HALO, row_body, 0)

    def crow(r, _):
        for ch in range(3):
            for k in range(14):
                v = fb[ch, r, pl.ds(k * 16, 16)]
                fb[ch, r, pl.ds(k * 16, 16)] = jnp.minimum(
                    jnp.maximum(v, 0.0), 1.0)
        return 0
    lax.fori_loop(0, _SC_OWN, crow, 0)
    pltpu.sync_copy(fb, out_ref.at[c, :, pl.ds(r0, _SC_OWN), :])


_sc_splat = pl.kernel(
    _sc_splat_body,
    out_type=jax.ShapeDtypeStruct((B, 3, H, W), jnp.float32),
    mesh=plsc.VectorSubcoreMesh(core_axis_name="c", subcore_axis_name="s"),
    scratch_types=[pltpu.VMEM((10, _SC_HALO, W), jnp.float32),
                   pltpu.VMEM((3, _SC_OWN, W), jnp.float32)],
    compiler_params=pltpu.CompilerParams(use_tc_tiling_on_sc=False,
                                         needs_layout_passes=False),
)


@jax.jit
def kernel(inp, enc_w, enc_b, head_w, head_b):
    xp = jnp.pad(inp, ((0, 0), (0, 0), (1, 1), (1, 1)))
    slabs = [xp[:, :, dy:dy + H, dx:dx + W]
             for dy in range(3) for dx in range(3)]
    x = jnp.stack(slabs, axis=2).reshape(B, 27, HW)
    x = jnp.pad(x, ((0, 0), (0, 5), (0, 0)))
    w1 = jnp.pad(enc_w.reshape(HEAD_IN, 27), ((0, 0), (0, 5)))
    w2 = head_w.reshape(GAUSS_DIM, HEAD_IN)
    b1 = enc_b.reshape(HEAD_IN, 1)
    b2 = head_b.reshape(GAUSS_DIM, 1)

    planes = pl.pallas_call(
        _params_kernel,
        grid=(B, _NPB),
        in_specs=[
            pl.BlockSpec((1, 32, _PBLK), lambda b, p: (b, 0, p)),
            pl.BlockSpec((HEAD_IN, 32), lambda b, p: (0, 0)),
            pl.BlockSpec((HEAD_IN, 1), lambda b, p: (0, 0)),
            pl.BlockSpec((GAUSS_DIM, HEAD_IN), lambda b, p: (0, 0)),
            pl.BlockSpec((GAUSS_DIM, 1), lambda b, p: (0, 0)),
        ],
        out_specs=pl.BlockSpec((1, 10, _PBLK), lambda b, p: (b, 0, p)),
        out_shape=jax.ShapeDtypeStruct((B, 10, HW), jnp.float32),
        compiler_params=pltpu.CompilerParams(
            allow_input_fusion=[True, False, False, False, False]),
    )(x, w1, b1, w2, b2)

    return _sc_splat(planes.reshape(B, 10, H, W))

# --- scband reference (transcript-rebuilt; emitter-appended) ---
"""Pipeline reference for scband-my-gaussian-simple-fast-1623497637993 (READ-ONLY COPY).

The authoritative reference and input builder live on the scoring server;
editing this copy changes nothing except your own understanding.
"""

import jax, jax.numpy as jnp
import numpy as np
import math

B, H, W = 2, 224, 224
GAUSS_DIM = 8
HEAD_IN = 64
R = 4  # pixel window radius (stand-in for radii/tile culling in the CUDA rasterizer)


def setup_inputs(seed: int = 0) -> dict:
    key = jax.random.key(seed)
    ks = jax.random.split(key, 5)
    inp = jax.random.uniform(ks[0], (B, 3, H, W), dtype=jnp.float32)
    enc_w = jax.random.normal(ks[1], (HEAD_IN, 3, 3, 3), dtype=jnp.float32) * 0.1
    enc_b = jnp.zeros((HEAD_IN,), dtype=jnp.float32)
    head_w = jax.random.normal(ks[2], (GAUSS_DIM, HEAD_IN, 1, 1), dtype=jnp.float32) * 0.1
    head_b = jnp.zeros((GAUSS_DIM,), dtype=jnp.float32)
    return {"inp": inp, "enc_w": enc_w, "enc_b": enc_b, "head_w": head_w, "head_b": head_b}


def _conv(x, w, b, pad):
    y = jax.lax.conv_general_dilated(x, w, window_strides=(1, 1), padding=pad,
                                     dimension_numbers=("NCHW", "OIHW", "NCHW"))
    return y + b[None, :, None, None]


def _get_coord(width, height):
    x = jnp.arange(width, dtype=jnp.float32)
    y = jnp.arange(height, dtype=jnp.float32)
    xg, yg = jnp.meshgrid(x, y, indexing="ij")
    xg = 2.0 * (xg / width) - 1.0
    yg = 2.0 * (yg / height) - 1.0
    return jnp.stack((yg, xg), axis=-1).reshape(-1, 2)


def _rasterize_one(rgb, scale_xy, theta, xyz):
    # project_gaussians_2d_scale_rot: ndc -> pixel centers, covariance from scale+rot, conic = inv(cov)
    px = 0.5 * (xyz[:, 0] + 1.0) * W
    py = 0.5 * (xyz[:, 1] + 1.0) * H
    sx = scale_xy[:, 0] * (W * 0.5)
    sy = scale_xy[:, 1] * (H * 0.5)
    ct = jnp.cos(theta)
    st = jnp.sin(theta)
    a = ct * ct * sx * sx + st * st * sy * sy
    bcov = ct * st * (sx * sx - sy * sy)
    c = st * st * sx * sx + ct * ct * sy * sy
    det = a * c - bcov * bcov + 1e-12
    cA = c / det
    cB = -bcov / det
    cC = a / det
    cx = jnp.floor(px).astype(jnp.int32)
    cy = jnp.floor(py).astype(jnp.int32)
    d = jnp.arange(-R, R + 1, dtype=jnp.int32)
    dx, dy = jnp.meshgrid(d, d, indexing="ij")
    dx = dx.reshape(-1)
    dy = dy.reshape(-1)
    ux = cx[:, None] + dx[None, :]
    uy = cy[:, None] + dy[None, :]
    fx = ux.astype(jnp.float32) + 0.5 - px[:, None]
    fy = uy.astype(jnp.float32) + 0.5 - py[:, None]
    power = -0.5 * (cA[:, None] * fx * fx + cC[:, None] * fy * fy) - cB[:, None] * fx * fy
    alpha = jnp.exp(jnp.minimum(power, 0.0))  # opacity == 1 in the original
    valid = (ux >= 0) & (ux < W) & (uy >= 0) & (uy < H)
    wgt = jnp.where(valid, alpha, 0.0)
    idx = jnp.where(valid, uy * W + ux, 0)
    contrib = wgt[:, :, None] * rgb[:, None, :]
    img = jnp.zeros((H * W, 3), dtype=jnp.float32).at[idx.reshape(-1)].add(contrib.reshape(-1, 3))
    img = img.reshape(H, W, 3).transpose(2, 0, 1)
    return jnp.clip(img, 0.0, 1.0)


def reference(inp, enc_w, enc_b, head_w, head_b):
    # encoder (stand-in for models.make(encoder_spec)): 3x3 conv + relu -> 64ch
    feat = jax.nn.relu(_conv(inp, enc_w, enc_b, "SAME"))
    # gauss_head: 1x1 conv 64 -> 8
    pred_map = _conv(feat, head_w, head_b, "VALID")
    pred = pred_map.reshape(B, GAUSS_DIM, -1).transpose(0, 2, 1)  # [B, H*W, 8]
    coord = _get_coord(H, W)
    coord = jnp.broadcast_to(coord[None], (B, H * W, 2))
    eps = 1e-6
    rgb = pred[..., 0:3]
    theta = jax.nn.sigmoid(pred[..., 3]) * 2.0 * math.pi
    scale_xy = jax.nn.sigmoid(pred[..., 4:6]) * 0.5 + eps
    offset = jnp.tanh(pred[..., 6:8])
    xyz1 = coord[..., 0] + 2.0 * offset[..., 0] / W - 1.0 / W
    xyz2 = coord[..., 1] + 2.0 * offset[..., 1] / H - 1.0 / H
    xyz = jnp.stack((xyz1, xyz2), axis=-1)
    imgs = [_rasterize_one(rgb[i], scale_xy[i], theta[i], xyz[i]) for i in range(B)]
    return jnp.stack(imgs, axis=0)

if __name__ == "__main__":
    import jax
    _d = setup_inputs()
    print(jax.jit(kernel)(*tuple(_d.values())))

</pallas_src>

<mosaic_0001>
#map = affine_map<(d0, d1) -> (0, 0, 0, 0)>
module attributes {stable_mosaic.version = 14 : i64} {
  func.func @_sc_splat_body(%arg0: i32, %arg1: i32, %arg2: memref<2x10x224x224xf32, #tpu.memory_space<hbm>>, %arg3: memref<2x3x224x224xf32, #tpu.memory_space<hbm>>, %arg4: memref<10x24x224xf32, #tpu.memory_space<vmem>>, %arg5: memref<3x14x224xf32, #tpu.memory_space<vmem>>) attributes {dimension_semantics = [#tpu.dimension_semantics<core_parallel>, #tpu.dimension_semantics<subcore_parallel>], iteration_bounds = array<i64: 2, 16>, scalar_prefetch = 0 : i64, scratch_operands = 2 : i64, tpu.core_type = #tpu.core_type<sc_vector_subcore>, window_params = [{transform_indices = #map}, {transform_indices = #map}]} {
    %mul3A = arith.constant 14 : i32
    %mul3A_0 = arith.muli %arg1, %mul3A : i32
    %sub3A = arith.constant 4 : i32
    %sub3A_1 = arith.subi %mul3A_0, %sub3A : i32
    %min3A = arith.constant 200 : i32
    %min3A_2 = arith.minsi %sub3A_1, %min3A : i32
    %max3A = arith.constant 0 : i32
    %max3A_3 = arith.maxsi %min3A_2, %max3A : i32
    "tpu.region"() ({
      %run_scoped3A = tpu.sem_alloc : memref<!tpu.dma_semaphore, #tpu.memory_space<semaphore_mem>>
      %dma_start3A = arith.constant 0 : i32
      %dma_start3A_29 = arith.constant 0 : i32
      %dma_start3A_30 = tpu.memref_slice %arg2[%arg0, %dma_start3A, %max3A_3, %dma_start3A_29] : memref<2x10x224x224xf32, #tpu.memory_space<hbm>> -> memref<1x10x24x224xf32, #tpu.memory_space<hbm>>
      %dma_start3A_31 = tpu.memref_squeeze %dma_start3A_30 : memref<1x10x24x224xf32, #tpu.memory_space<hbm>> -> memref<10x24x224xf32, #tpu.memory_space<hbm>>
      %dma_start3A_32 = arith.constant 0 : i32
      %dma_start3A_33 = arith.constant 0 : i32
      %dma_start3A_34 = tpu.memref_slice %arg2[%arg0, %dma_start3A_32, %max3A_3, %dma_start3A_33] : memref<2x10x224x224xf32, #tpu.memory_space<hbm>> -> memref<1x10x24x224xf32, #tpu.memory_space<hbm>>
      %dma_start3A_35 = tpu.memref_squeeze %dma_start3A_34 : memref<1x10x24x224xf32, #tpu.memory_space<hbm>> -> memref<10x24x224xf32, #tpu.memory_space<hbm>>
      tpu.enqueue_dma source(%dma_start3A_35 : memref<10x24x224xf32, #tpu.memory_space<hbm>>) target(%arg4 : memref<10x24x224xf32, #tpu.memory_space<vmem>>) target_semaphore(%run_scoped3A : memref<!tpu.dma_semaphore, #tpu.memory_space<semaphore_mem>>)
      %dma_wait3A = arith.constant 0 : i32
      %dma_wait3A_36 = arith.constant 0 : i32
      %dma_wait3A_37 = tpu.memref_slice %arg2[%arg0, %dma_wait3A, %max3A_3, %dma_wait3A_36] : memref<2x10x224x224xf32, #tpu.memory_space<hbm>> -> memref<1x10x24x224xf32, #tpu.memory_space<hbm>>
      %dma_wait3A_38 = tpu.memref_squeeze %dma_wait3A_37 : memref<1x10x24x224xf32, #tpu.memory_space<hbm>> -> memref<10x24x224xf32, #tpu.memory_space<hbm>>
      %dma_wait3A_39 = arith.constant 0 : i32
      %dma_wait3A_40 = arith.constant 0 : i32
      %dma_wait3A_41 = tpu.memref_slice %arg2[%arg0, %dma_wait3A_39, %max3A_3, %dma_wait3A_40] : memref<2x10x224x224xf32, #tpu.memory_space<hbm>> -> memref<1x10x24x224xf32, #tpu.memory_space<hbm>>
      %dma_wait3A_42 = tpu.memref_squeeze %dma_wait3A_41 : memref<1x10x24x224xf32, #tpu.memory_space<hbm>> -> memref<10x24x224xf32, #tpu.memory_space<hbm>>
      tpu.wait_dma2 semaphore(%run_scoped3A : memref<!tpu.dma_semaphore, #tpu.memory_space<semaphore_mem>>) src(%dma_wait3A_42 : memref<10x24x224xf32, #tpu.memory_space<hbm>>) dst(%arg4 : memref<10x24x224xf32, #tpu.memory_space<vmem>>)
      tpu.yield
    }) : () -> ()
    %sub3A_4 = arith.subi %max3A_3, %mul3A_0 : i32
    %broadcast_in_dim3A = arith.constant 0.000000e+00 : f32
    %broadcast_in_dim3A_5 = vector.broadcast %broadcast_in_dim3A : f32 to vector<16xf32>
    %scan3A = arith.constant 0 : i32
    %scan3A_6 = arith.constant 0 : i32
    %scan3A_7 = arith.constant 14 : i32
    %scan3A_8 = arith.addi %scan3A_6, %scan3A_7 : i32
    %scan3A_9 = arith.constant 1 : i32
    %scan3A_10 = scf.for %scan3A_29 = %scan3A_6 to %scan3A_8 step %scan3A_9 iter_args(%scan3A_30 = %scan3A) -> (i32)  : i32 {
      %swap3A = arith.constant 0 : i32
      %swap3A_31 = arith.index_cast %swap3A : i32 to index
      %swap3A_32 = arith.index_cast %scan3A_29 : i32 to index
      %swap3A_33 = arith.constant 0 : index
      %swap3A_34 = tpu.vector_load %arg5[%swap3A_31, %swap3A_32, %swap3A_33] {strides = array<i32>} : memref<3x14x224xf32, #tpu.memory_space<vmem>>, vector<16xf32>,
      tpu.vector_store %arg5[%swap3A_31, %swap3A_32, %swap3A_33], %broadcast_in_dim3A_5 {strides = array<i32>} : memref<3x14x224xf32, #tpu.memory_space<vmem>>, vector<16xf32>,
      %swap3A_35 = arith.constant 0 : i32
      %swap3A_36 = arith.index_cast %swap3A_35 : i32 to index
      %swap3A_37 = arith.index_cast %scan3A_29 : i32 to index
      %swap3A_38 = arith.constant 16 : index
      %swap3A_39 = tpu.vector_load %arg5[%swap3A_36, %swap3A_37, %swap3A_38] {strides = array<i32>} : memref<3x14x224xf32, #tpu.memory_space<vmem>>, vector<16xf32>,
      tpu.vector_store %arg5[%swap3A_36, %swap3A_37, %swap3A_38], %broadcast_in_dim3A_5 {strides = array<i32>} : memref<3x14x224xf32, #tpu.memory_space<vmem>>, vector<16xf32>,
      %swap3A_40 = arith.constant 0 : i32
      %swap3A_41 = arith.index_cast %swap3A_40 : i32 to index
      %swap3A_42 = arith.index_cast %scan3A_29 : i32 to index
      %swap3A_43 = arith.constant 32 : index
      %swap3A_44 = tpu.vector_load %arg5[%swap3A_41, %swap3A_42, %swap3A_43] {strides = array<i32>} : memref<3x14x224xf32, #tpu.memory_space<vmem>>, vector<16xf32>,
      tpu.vector_store %arg5[%swap3A_41, %swap3A_42, %swap3A_43], %broadcast_in_dim3A_5 {strides = array<i32>} : memref<3x14x224xf32, #tpu.memory_space<vmem>>, vector<16xf32>,
      %swap3A_45 = arith.constant 0 : i32
      %swap3A_46 = arith.index_cast %swap3A_45 : i32 to index
      %swap3A_47 = arith.index_cast %scan3A_29 : i32 to index
      %swap3A_48 = arith.constant 48 : index
      %swap3A_49 = tpu.vector_load %arg5[%swap3A_46, %swap3A_47, %swap3A_48] {strides = array<i32>} : memref<3x14x224xf32, #tpu.memory_space<vmem>>, vector<16xf32>,
      tpu.vector_store %arg5[%swap3A_46, %swap3A_47, %swap3A_48], %broadcast_in_dim3A_5 {strides = array<i32>} : memref<3x14x224xf32, #tpu.memory_space<vmem>>, vector<16xf32>,
      %swap3A_50 = arith.constant 0 : i32
      %swap3A_51 = arith.index_cast %swap3A_50 : i32 to index
      %swap3A_52 = arith.index_cast %scan3A_29 : i32 to index
      %swap3A_53 = arith.constant 64 : index
      %swap3A_54 = tpu.vector_load %arg5[%swap3A_51, %swap3A_52, %swap3A_53] {strides = array<i32>} : memref<3x14x224xf32, #tpu.memory_space<vmem>>, vector<16xf32>,
      tpu.vector_store %arg5[%swap3A_51, %swap3A_52, %swap3A_53], %broadcast_in_dim3A_5 {strides = array<i32>} : memref<3x14x224xf32, #tpu.memory_space<vmem>>, vector<16xf32>,
      %swap3A_55 = arith.constant 0 : i32
      %swap3A_56 = arith.index_cast %swap3A_55 : i32 to index
      %swap3A_57 = arith.index_cast %scan3A_29 : i32 to index
      %swap3A_58 = arith.constant 80 : index
      %swap3A_59 = tpu.vector_load %arg5[%swap3A_56, %swap3A_57, %swap3A_58] {strides = array<i32>} : memref<3x14x224xf32, #tpu.memory_space<vmem>>, vector<16xf32>,
      tpu.vector_store %arg5[%swap3A_56, %swap3A_57, %swap3A_58], %broadcast_in_dim3A_5 {strides = array<i32>} : memref<3x14x224xf32, #tpu.memory_space<vmem>>, vector<16xf32>,
      %swap3A_60 = arith.constant 0 : i32
      %swap3A_61 = arith.index_cast %swap3A_60 : i32 to index
      %swap3A_62 = arith.index_cast %scan3A_29 : i32 to index
      %swap3A_63 = arith.constant 96 : index
      %swap3A_64 = tpu.vector_load %arg5[%swap3A_61, %swap3A_62, %swap3A_63] {strides = array<i32>} : memref<3x14x224xf32, #tpu.memory_space<vmem>>, vector<16xf32>,
      tpu.vector_store %arg5[%swap3A_61, %swap3A_62, %swap3A_63], %broadcast_in_dim3A_5 {strides = array<i32>} : memref<3x14x224xf32, #tpu.memory_space<vmem>>, vector<16xf32>,
      %swap3A_65 = arith.constant 0 : i32
      %swap3A_66 = arith.index_cast %swap3A_65 : i32 to index
      %swap3A_67 = arith.index_cast %scan3A_29 : i32 to index
      %swap3A_68 = arith.constant 112 : index
      %swap3A_69 = tpu.vector_load %arg5[%swap3A_66, %swap3A_67, %swap3A_68] {strides = array<i32>} : memref<3x14x224xf32, #tpu.memory_space<vmem>>, vector<16xf32>,
      tpu.vector_store %arg5[%swap3A_66, %swap3A_67, %swap3A_68], %broadcast_in_dim3A_5 {strides = array<i32>} : memref<3x14x224xf32, #tpu.memory_space<vmem>>, vector<16xf32>,
      %swap3A_70 = arith.constant 0 : i32
      %swap3A_71 = arith.index_cast %swap3A_70 : i32 to index
      %swap3A_72 = arith.index_cast %scan3A_29 : i32 to index
      %swap3A_73 = arith.constant 128 : index
      %swap3A_74 = tpu.vector_load %arg5[%swap3A_71, %swap3A_72, %swap3A_73] {strides = array<i32>} : memref<3x14x224xf32, #tpu.memory_space<vmem>>, vector<16xf32>,
      tpu.vector_store %arg5[%swap3A_71, %swap3A_72, %swap3A_73], %broadcast_in_dim3A_5 {strides = array<i32>} : memref<3x14x224xf32, #tpu.memory_space<vmem>>, vector<16xf32>,
      %swap3A_75 = arith.constant 0 : i32
      %swap3A_76 = arith.index_cast %swap3A_75 : i32 to index
      %swap3A_77 = arith.index_cast %scan3A_29 : i32 to index
      %swap3A_78 = arith.constant 144 : index
      %swap3A_79 = tpu.vector_load %arg5[%swap3A_76, %swap3A_77, %swap3A_78] {strides = array<i32>} : memref<3x14x224xf32, #tpu.memory_space<vmem>>, vector<16xf32>,
      tpu.vector_store %arg5[%swap3A_76, %swap3A_77, %swap3A_78], %broadcast_in_dim3A_5 {strides = array<i32>} : memref<3x14x224xf32, #tpu.memory_space<vmem>>, vector<16xf32>,
      %swap3A_80 = arith.constant 0 : i32
      %swap3A_81 = arith.index_cast %swap3A_80 : i32 to index
      %swap3A_82 = arith.index_cast %scan3A_29 : i32 to index
      %swap3A_83 = arith.constant 160 : index
      %swap3A_84 = tpu.vector_load %arg5[%swap3A_81, %swap3A_82, %swap3A_83] {strides = array<i32>} : memref<3x14x224xf32, #tpu.memory_space<vmem>>, vector<16xf32>,
      tpu.vector_store %arg5[%swap3A_81, %swap3A_82, %swap3A_83], %broadcast_in_dim3A_5 {strides = array<i32>} : memref<3x14x224xf32, #tpu.memory_space<vmem>>, vector<16xf32>,
      %swap3A_85 = arith.constant 0 : i32
      %swap3A_86 = arith.index_cast %swap3A_85 : i32 to index
      %swap3A_87 = arith.index_cast %scan3A_29 : i32 to index
      %swap3A_88 = arith.constant 176 : index
      %swap3A_89 = tpu.vector_load %arg5[%swap3A_86, %swap3A_87, %swap3A_88] {strides = array<i32>} : memref<3x14x224xf32, #tpu.memory_space<vmem>>, vector<16xf32>,
      tpu.vector_store %arg5[%swap3A_86, %swap3A_87, %swap3A_88], %broadcast_in_dim3A_5 {strides = array<i32>} : memref<3x14x224xf32, #tpu.memory_space<vmem>>, vector<16xf32>,
      %swap3A_90 = arith.constant 0 : i32
      %swap3A_91 = arith.index_cast %swap3A_90 : i32 to index
      %swap3A_92 = arith.index_cast %scan3A_29 : i32 to index
      %swap3A_93 = arith.constant 192 : index
      %swap3A_94 = tpu.vector_load %arg5[%swap3A_91, %swap3A_92, %swap3A_93] {strides = array<i32>} : memref<3x14x224xf32, #tpu.memory_space<vmem>>, vector<16xf32>,
      tpu.vector_store %arg5[%swap3A_91, %swap3A_92, %swap3A_93], %broadcast_in_dim3A_5 {strides = array<i32>} : memref<3x14x224xf32, #tpu.memory_space<vmem>>, vector<16xf32>,
      %swap3A_95 = arith.constant 0 : i32
      %swap3A_96 = arith.index_cast %swap3A_95 : i32 to index
      %swap3A_97 = arith.index_cast %scan3A_29 : i32 to index
      %swap3A_98 = arith.constant 208 : index
      %swap3A_99 = tpu.vector_load %arg5[%swap3A_96, %swap3A_97, %swap3A_98] {strides = array<i32>} : memref<3x14x224xf32, #tpu.memory_space<vmem>>, vector<16xf32>,
      tpu.vector_store %arg5[%swap3A_96, %swap3A_97, %swap3A_98], %broadcast_in_dim3A_5 {strides = array<i32>} : memref<3x14x224xf32, #tpu.memory_space<vmem>>, vector<16xf32>,
      %swap3A_100 = arith.constant 1 : i32
      %swap3A_101 = arith.index_cast %swap3A_100 : i32 to index
      %swap3A_102 = arith.index_cast %scan3A_29 : i32 to index
      %swap3A_103 = arith.constant 0 : index
      %swap3A_104 = tpu.vector_load %arg5[%swap3A_101, %swap3A_102, %swap3A_103] {strides = array<i32>} : memref<3x14x224xf32, #tpu.memory_space<vmem>>, vector<16xf32>,
      tpu.vector_store %arg5[%swap3A_101, %swap3A_102, %swap3A_103], %broadcast_in_dim3A_5 {strides = array<i32>} : memref<3x14x224xf32, #tpu.memory_space<vmem>>, vector<16xf32>,
      %swap3A_105 = arith.constant 1 : i32
      %swap3A_106 = arith.index_cast %swap3A_105 : i32 to index
      %swap3A_107 = arith.index_cast %scan3A_29 : i32 to index
      %swap3A_108 = arith.constant 16 : index
      %swap3A_109 = tpu.vector_load %arg5[%swap3A_106, %swap3A_107, %swap3A_108] {strides = array<i32>} : memref<3x14x224xf32, #tpu.memory_space<vmem>>, vector<16xf32>,
      tpu.vector_store %arg5[%swap3A_106, %swap3A_107, %swap3A_108], %broadcast_in_dim3A_5 {strides = array<i32>} : memref<3x14x224xf32, #tpu.memory_space<vmem>>, vector<16xf32>,
      %swap3A_110 = arith.constant 1 : i32
      %swap3A_111 = arith.index_cast %swap3A_110 : i32 to index
      %swap3A_112 = arith.index_cast %scan3A_29 : i32 to index
      %swap3A_113 = arith.constant 32 : index
      %swap3A_114 = tpu.vector_load %arg5[%swap3A_111, %swap3A_112, %swap3A_113] {strides = array<i32>} : memref<3x14x224xf32, #tpu.memory_space<vmem>>, vector<16xf32>,
      tpu.vector_store %arg5[%swap3A_111, %swap3A_112, %swap3A_113], %broadcast_in_dim3A_5 {strides = array<i32>} : memref<3x14x224xf32, #tpu.memory_space<vmem>>, vector<16xf32>,
      %swap3A_115 = arith.constant 1 : i32
      %swap3A_116 = arith.index_cast %swap3A_115 : i32 to index
      %swap3A_117 = arith.index_cast %scan3A_29 : i32 to index
      %swap3A_118 = arith.constant 48 : index
      %swap3A_119 = tpu.vector_load %arg5[%swap3A_116, %swap3A_117, %swap3A_118] {strides = array<i32>} : memref<3x14x224xf32, #tpu.memory_space<vmem>>, vector<16xf32>,
      tpu.vector_store %arg5[%swap3A_116, %swap3A_117, %swap3A_118], %broadcast_in_dim3A_5 {strides = array<i32>} : memref<3x14x224xf32, #tpu.memory_space<vmem>>, vector<16xf32>,
      %swap3A_120 = arith.constant 1 : i32
      %swap3A_121 = arith.index_cast %swap3A_120 : i32 to index
      %swap3A_122 = arith.index_cast %scan3A_29 : i32 to index
      %swap3A_123 = arith.constant 64 : index
      %swap3A_124 = tpu.vector_load %arg5[%swap3A_121, %swap3A_122, %swap3A_123] {strides = array<i32>} : memref<3x14x224xf32, #tpu.memory_space<vmem>>, vector<16xf32>,
      tpu.vector_store %arg5[%swap3A_121, %swap3A_122, %swap3A_123], %broadcast_in_dim3A_5 {strides = array<i32>} : memref<3x14x224xf32, #tpu.memory_space<vmem>>, vector<16xf32>,
      %swap3A_125 = arith.constant 1 : i32
      %swap3A_126 = arith.index_cast %swap3A_125 : i32 to index
      %swap3A_127 = arith.index_cast %scan3A_29 : i32 to index
      %swap3A_128 = arith.constant 80 : index
      %swap3A_129 = tpu.vector_load %arg5[%swap3A_126, %swap3A_127, %swap3A_128] {strides = array<i32>} : memref<3x14x224xf32, #tpu.memory_space<vmem>>, vector<16xf32>,
      tpu.vector_store %arg5[%swap3A_126, %swap3A_127, %swap3A_128], %broadcast_in_dim3A_5 {strides = array<i32>} : memref<3x14x224xf32, #tpu.memory_space<vmem>>, vector<16xf32>,
      %swap3A_130 = arith.constant 1 : i32
      %swap3A_131 = arith.index_cast %swap3A_130 : i32 to index
      %swap3A_132 = arith.index_cast %scan3A_29 : i32 to index
      %swap3A_133 = arith.constant 96 : index
      %swap3A_134 = tpu.vector_load %arg5[%swap3A_131, %swap3A_132, %swap3A_133] {strides = array<i32>} : memref<3x14x224xf32, #tpu.memory_space<vmem>>, vector<16xf32>,
      tpu.vector_store %arg5[%swap3A_131, %swap3A_132, %swap3A_133], %broadcast_in_dim3A_5 {strides = array<i32>} : memref<3x14x224xf32, #tpu.memory_space<vmem>>, vector<16xf32>,
      %swap3A_135 = arith.constant 1 : i32
      %swap3A_136 = arith.index_cast %swap3A_135 : i32 to index
      %swap3A_137 = arith.index_cast %scan3A_29 : i32 to index
      %swap3A_138 = arith.constant 112 : index
      %swap3A_139 = tpu.vector_load %arg5[%swap3A_136, %swap3A_137, %swap3A_138] {strides = array<i32>} : memref<3x14x224xf32, #tpu.memory_space<vmem>>, vector<16xf32>,
      tpu.vector_store %arg5[%swap3A_136, %swap3A_137, %swap3A_138], %broadcast_in_dim3A_5 {strides = array<i32>} : memref<3x14x224xf32, #tpu.memory_space<vmem>>, vector<16xf32>,
      %swap3A_140 = arith.constant 1 : i32
      %swap3A_141 = arith.index_cast %swap3A_140 : i32 to index
      %swap3A_142 = arith.index_cast %scan3A_29 : i32 to index
      %swap3A_143 = arith.constant 128 : index
      %swap3A_144 = tpu.vector_load %arg5[%swap3A_141, %swap3A_142, %swap3A_143] {strides = array<i32>} : memref<3x14x224xf32, #tpu.memory_space<vmem>>, vector<16xf32>,
      tpu.vector_store %arg5[%swap3A_141, %swap3A_142, %swap3A_143], %broadcast_in_dim3A_5 {strides = array<i32>} : memref<3x14x224xf32, #tpu.memory_space<vmem>>, vector<16xf32>,
      %swap3A_145 = arith.constant 1 : i32
      %swap3A_146 = arith.index_cast %swap3A_145 : i32 to index
      %swap3A_147 = arith.index_cast %scan3A_29 : i32 to index
      %swap3A_148 = arith.constant 144 : index
      %swap3A_149 = tpu.vector_load %arg5[%swap3A_146, %swap3A_147, %swap3A_148] {strides = array<i32>} : memref<3x14x224xf32, #tpu.memory_space<vmem>>, vector<16xf32>,
      tpu.vector_store %arg5[%swap3A_146, %swap3A_147, %swap3A_148], %broadcast_in_dim3A_5 {strides = array<i32>} : memref<3x14x224xf32, #tpu.memory_space<vmem>>, vector<16xf32>,
      %swap3A_150 = arith.constant 1 : i32
      %swap3A_151 = arith.index_cast %swap3A_150 : i32 to index
      %swap3A_152 = arith.index_cast %scan3A_29 : i32 to index
      %swap3A_153 = arith.constant 160 : index
      %swap3A_154 = tpu.vector_load %arg5[%swap3A_151, %swap3A_152, %swap3A_153] {strides = array<i32>} : memref<3x14x224xf32, #tpu.memory_space<vmem>>, vector<16xf32>,
      tpu.vector_store %arg5[%swap3A_151, %swap3A_152, %swap3A_153], %broadcast_in_dim3A_5 {strides = array<i32>} : memref<3x14x224xf32, #tpu.memory_space<vmem>>, vector<16xf32>,
      %swap3A_155 = arith.constant 1 : i32
      %swap3A_156 = arith.index_cast %swap3A_155 : i32 to index
      %swap3A_157 = arith.index_cast %scan3A_29 : i32 to index
      %swap3A_158 = arith.constant 176 : index
      %swap3A_159 = tpu.vector_load %arg5[%swap3A_156, %swap3A_157, %swap3A_158] {strides = array<i32>} : memref<3x14x224xf32, #tpu.memory_space<vmem>>, vector<16xf32>,
      tpu.vector_store %arg5[%swap3A_156, %swap3A_157, %swap3A_158], %broadcast_in_dim3A_5 {strides = array<i32>} : memref<3x14x224xf32, #tpu.memory_space<vmem>>, vector<16xf32>,
      %swap3A_160 = arith.constant 1 : i32
      %swap3A_161 = arith.index_cast %swap3A_160 : i32 to index
      %swap3A_162 = arith.index_cast %scan3A_29 : i32 to index
      %swap3A_163 = arith.constant 192 : index
      %swap3A_164 = tpu.vector_load %arg5[%swap3A_161, %swap3A_162, %swap3A_163] {strides = array<i32>} : memref<3x14x224xf32, #tpu.memory_space<vmem>>, vector<16xf32>,
      tpu.vector_store %arg5[%swap3A_161, %swap3A_162, %swap3A_163], %broadcast_in_dim3A_5 {strides = array<i32>} : memref<3x14x224xf32, #tpu.memory_space<vmem>>, vector<16xf32>,
      %swap3A_165 = arith.constant 1 : i32
      %swap3A_166 = arith.index_cast %swap3A_165 : i32 to index
      %swap3A_167 = arith.index_cast %scan3A_29 : i32 to index
      %swap3A_168 = arith.constant 208 : index
      %swap3A_169 = tpu.vector_load %arg5[%swap3A_166, %swap3A_167, %swap3A_168] {strides = array<i32>} : memref<3x14x224xf32, #tpu.memory_space<vmem>>, vector<16xf32>,
      tpu.vector_store %arg5[%swap3A_166, %swap3A_167, %swap3A_168], %broadcast_in_dim3A_5 {strides = array<i32>} : memref<3x14x224xf32, #tpu.memory_space<vmem>>, vector<16xf32>,
      %swap3A_170 = arith.constant 2 : i32
      %swap3A_171 = arith.index_cast %swap3A_170 : i32 to index
      %swap3A_172 = arith.index_cast %scan3A_29 : i32 to index
      %swap3A_173 = arith.constant 0 : index
      %swap3A_174 = tpu.vector_load %arg5[%swap3A_171, %swap3A_172, %swap3A_173] {strides = array<i32>} : memref<3x14x224xf32, #tpu.memory_space<vmem>>, vector<16xf32>,
      tpu.vector_store %arg5[%swap3A_171, %swap3A_172, %swap3A_173], %broadcast_in_dim3A_5 {strides = array<i32>} : memref<3x14x224xf32, #tpu.memory_space<vmem>>, vector<16xf32>,
      %swap3A_175 = arith.constant 2 : i32
      %swap3A_176 = arith.index_cast %swap3A_175 : i32 to index
      %swap3A_177 = arith.index_cast %scan3A_29 : i32 to index
      %swap3A_178 = arith.constant 16 : index
      %swap3A_179 = tpu.vector_load %arg5[%swap3A_176, %swap3A_177, %swap3A_178] {strides = array<i32>} : memref<3x14x224xf32, #tpu.memory_space<vmem>>, vector<16xf32>,
      tpu.vector_store %arg5[%swap3A_176, %swap3A_177, %swap3A_178], %broadcast_in_dim3A_5 {strides = array<i32>} : memref<3x14x224xf32, #tpu.memory_space<vmem>>, vector<16xf32>,
      %swap3A_180 = arith.constant 2 : i32
      %swap3A_181 = arith.index_cast %swap3A_180 : i32 to index
      %swap3A_182 = arith.index_cast %scan3A_29 : i32 to index
      %swap3A_183 = arith.constant 32 : index
      %swap3A_184 = tpu.vector_load %arg5[%swap3A_181, %swap3A_182, %swap3A_183] {strides = array<i32>} : memref<3x14x224xf32, #tpu.memory_space<vmem>>, vector<16xf32>,
      tpu.vector_store %arg5[%swap3A_181, %swap3A_182, %swap3A_183], %broadcast_in_dim3A_5 {strides = array<i32>} : memref<3x14x224xf32, #tpu.memory_space<vmem>>, vector<16xf32>,
      %swap3A_185 = arith.constant 2 : i32
      %swap3A_186 = arith.index_cast %swap3A_185 : i32 to index
      %swap3A_187 = arith.index_cast %scan3A_29 : i32 to index
      %swap3A_188 = arith.constant 48 : index
      %swap3A_189 = tpu.vector_load %arg5[%swap3A_186, %swap3A_187, %swap3A_188] {strides = array<i32>} : memref<3x14x224xf32, #tpu.memory_space<vmem>>, vector<16xf32>,
      tpu.vector_store %arg5[%swap3A_186, %swap3A_187, %swap3A_188], %broadcast_in_dim3A_5 {strides = array<i32>} : memref<3x14x224xf32, #tpu.memory_space<vmem>>, vector<16xf32>,
      %swap3A_190 = arith.constant 2 : i32
      %swap3A_191 = arith.index_cast %swap3A_190 : i32 to index
      %swap3A_192 = arith.index_cast %scan3A_29 : i32 to index
      %swap3A_193 = arith.constant 64 : index
      %swap3A_194 = tpu.vector_load %arg5[%swap3A_191, %swap3A_192, %swap3A_193] {strides = array<i32>} : memref<3x14x224xf32, #tpu.memory_space<vmem>>, vector<16xf32>,
      tpu.vector_store %arg5[%swap3A_191, %swap3A_192, %swap3A_193], %broadcast_in_dim3A_5 {strides = array<i32>} : memref<3x14x224xf32, #tpu.memory_space<vmem>>, vector<16xf32>,
      %swap3A_195 = arith.constant 2 : i32
      %swap3A_196 = arith.index_cast %swap3A_195 : i32 to index
      %swap3A_197 = arith.index_cast %scan3A_29 : i32 to index
      %swap3A_198 = arith.constant 80 : index
      %swap3A_199 = tpu.vector_load %arg5[%swap3A_196, %swap3A_197, %swap3A_198] {strides = array<i32>} : memref<3x14x224xf32, #tpu.memory_space<vmem>>, vector<16xf32>,
      tpu.vector_store %arg5[%swap3A_196, %swap3A_197, %swap3A_198], %broadcast_in_dim3A_5 {strides = array<i32>} : memref<3x14x224xf32, #tpu.memory_space<vmem>>, vector<16xf32>,
      %swap3A_200 = arith.constant 2 : i32
      %swap3A_201 = arith.index_cast %swap3A_200 : i32 to index
      %swap3A_202 = arith.index_cast %scan3A_29 : i32 to index
      %swap3A_203 = arith.constant 96 : index
      %swap3A_204 = tpu.vector_load %arg5[%swap3A_201, %swap3A_202, %swap3A_203] {strides = array<i32>} : memref<3x14x224xf32, #tpu.memory_space<vmem>>, vector<16xf32>,
      tpu.vector_store %arg5[%swap3A_201, %swap3A_202, %swap3A_203], %broadcast_in_dim3A_5 {strides = array<i32>} : memref<3x14x224xf32, #tpu.memory_space<vmem>>, vector<16xf32>,
      %swap3A_205 = arith.constant 2 : i32
      %swap3A_206 = arith.index_cast %swap3A_205 : i32 to index
      %swap3A_207 = arith.index_cast %scan3A_29 : i32 to index
      %swap3A_208 = arith.constant 112 : index
      %swap3A_209 = tpu.vector_load %arg5[%swap3A_206, %swap3A_207, %swap3A_208] {strides = array<i32>} : memref<3x14x224xf32, #tpu.memory_space<vmem>>, vector<16xf32>,
      tpu.vector_store %arg5[%swap3A_206, %swap3A_207, %swap3A_208], %broadcast_in_dim3A_5 {strides = array<i32>} : memref<3x14x224xf32, #tpu.memory_space<vmem>>, vector<16xf32>,
      %swap3A_210 = arith.constant 2 : i32
      %swap3A_211 = arith.index_cast %swap3A_210 : i32 to index
      %swap3A_212 = arith.index_cast %scan3A_29 : i32 to index
      %swap3A_213 = arith.constant 128 : index
      %swap3A_214 = tpu.vector_load %arg5[%swap3A_211, %swap3A_212, %swap3A_213] {strides = array<i32>} : memref<3x14x224xf32, #tpu.memory_space<vmem>>, vector<16xf32>,
      tpu.vector_store %arg5[%swap3A_211, %swap3A_212, %swap3A_213], %broadcast_in_dim3A_5 {strides = array<i32>} : memref<3x14x224xf32, #tpu.memory_space<vmem>>, vector<16xf32>,
      %swap3A_215 = arith.constant 2 : i32
      %swap3A_216 = arith.index_cast %swap3A_215 : i32 to index
      %swap3A_217 = arith.index_cast %scan3A_29 : i32 to index
      %swap3A_218 = arith.constant 144 : index
      %swap3A_219 = tpu.vector_load %arg5[%swap3A_216, %swap3A_217, %swap3A_218] {strides = array<i32>} : memref<3x14x224xf32, #tpu.memory_space<vmem>>, vector<16xf32>,
      tpu.vector_store %arg5[%swap3A_216, %swap3A_217, %swap3A_218], %broadcast_in_dim3A_5 {strides = array<i32>} : memref<3x14x224xf32, #tpu.memory_space<vmem>>, vector<16xf32>,
      %swap3A_220 = arith.constant 2 : i32
      %swap3A_221 = arith.index_cast %swap3A_220 : i32 to index
      %swap3A_222 = arith.index_cast %scan3A_29 : i32 to index
      %swap3A_223 = arith.constant 160 : index
      %swap3A_224 = tpu.vector_load %arg5[%swap3A_221, %swap3A_222, %swap3A_223] {strides = array<i32>} : memref<3x14x224xf32, #tpu.memory_space<vmem>>, vector<16xf32>,
      tpu.vector_store %arg5[%swap3A_221, %swap3A_222, %swap3A_223], %broadcast_in_dim3A_5 {strides = array<i32>} : memref<3x14x224xf32, #tpu.memory_space<vmem>>, vector<16xf32>,
      %swap3A_225 = arith.constant 2 : i32
      %swap3A_226 = arith.index_cast %swap3A_225 : i32 to index
      %swap3A_227 = arith.index_cast %scan3A_29 : i32 to index
      %swap3A_228 = arith.constant 176 : index
      %swap3A_229 = tpu.vector_load %arg5[%swap3A_226, %swap3A_227, %swap3A_228] {strides = array<i32>} : memref<3x14x224xf32, #tpu.memory_space<vmem>>, vector<16xf32>,
      tpu.vector_store %arg5[%swap3A_226, %swap3A_227, %swap3A_228], %broadcast_in_dim3A_5 {strides = array<i32>} : memref<3x14x224xf32, #tpu.memory_space<vmem>>, vector<16xf32>,
      %swap3A_230 = arith.constant 2 : i32
      %swap3A_231 = arith.index_cast %swap3A_230 : i32 to index
      %swap3A_232 = arith.index_cast %scan3A_29 : i32 to index
      %swap3A_233 = arith.constant 192 : index
      %swap3A_234 = tpu.vector_load %arg5[%swap3A_231, %swap3A_232, %swap3A_233] {strides = array<i32>} : memref<3x14x224xf32, #tpu.memory_space<vmem>>, vector<16xf32>,
      tpu.vector_store %arg5[%swap3A_231, %swap3A_232, %swap3A_233], %broadcast_in_dim3A_5 {strides = array<i32>} : memref<3x14x224xf32, #tpu.memory_space<vmem>>, vector<16xf32>,
      %swap3A_235 = arith.constant 2 : i32
      %swap3A_236 = arith.index_cast %swap3A_235 : i32 to index
      %swap3A_237 = arith.index_cast %scan3A_29 : i32 to index
      %swap3A_238 = arith.constant 208 : index
      %swap3A_239 = tpu.vector_load %arg5[%swap3A_236, %swap3A_237, %swap3A_238] {strides = array<i32>} : memref<3x14x224xf32, #tpu.memory_space<vmem>>, vector<16xf32>,
      tpu.vector_store %arg5[%swap3A_236, %swap3A_237, %swap3A_238], %broadcast_in_dim3A_5 {strides = array<i32>} : memref<3x14x224xf32, #tpu.memory_space<vmem>>, vector<16xf32>,
      %scan3A_240 = arith.constant 0 : i32
      scf.yield %scan3A_240 : i32
    }
    %scan3A_11 = arith.constant 14 : i32
    %iota3A = tpu.iota {dimensions = array<i32: 0>} : vector<16xi32>
    %mul3A_12 = arith.constant 15 : i32
    %mul3A_13 = vector.broadcast %mul3A_12 : i32 to vector<16xi32>
    %mul3A_14 = arith.muli %iota3A, %mul3A_13 : vector<16xi32>
    %scan3A_15 = arith.constant 0 : i32
    %scan3A_16 = arith.constant 0 : i32
    %scan3A_17 = arith.constant 24 : i32
    %scan3A_18 = arith.addi %scan3A_16, %scan3A_17 : i32
    %scan3A_19 = arith.constant 1 : i32
    %scan3A_20 = scf.for %scan3A_29 = %scan3A_16 to %scan3A_18 step %scan3A_19 iter_args(%scan3A_30 = %scan3A_15) -> (i32)  : i32 {
      %scan3A_31 = arith.constant 0 : i32
      %scan3A_32 = arith.constant 0 : i32
      %scan3A_33 = arith.constant 15 : i32
      %scan3A_34 = arith.addi %scan3A_32, %scan3A_33 : i32
      %scan3A_35 = arith.constant 1 : i32
      %scan3A_36 = scf.for %scan3A_39 = %scan3A_32 to %scan3A_34 step %scan3A_35 iter_args(%scan3A_40 = %scan3A_31) -> (i32)  : i32 {
        %add3A = vector.broadcast %scan3A_39 : i32 to vector<16xi32>
        %add3A_41 = arith.addi %mul3A_14, %add3A : vector<16xi32>
        %lt3A = arith.constant 224 : i32
        %lt3A_42 = vector.broadcast %lt3A : i32 to vector<16xi32>
        %lt3A_43 = arith.cmpi slt, %add3A_41, %lt3A_42 : vector<16xi32>
        %min3A_44 = arith.constant 223 : i32
        %min3A_45 = vector.broadcast %min3A_44 : i32 to vector<16xi32>
        %min3A_46 = arith.minsi %add3A_41, %min3A_45 : vector<16xi32>
        %gather3A = arith.constant 0 : i32
        %gather3A_47 = arith.constant 0 : i32
        %gather3A_48 = tpu.memref_slice %arg4[%gather3A, %scan3A_29, %gather3A_47] : memref<10x24x224xf32, #tpu.memory_space<vmem>> -> memref<1x1x224xf32, #tpu.memory_space<vmem>>
        %gather3A_49 = tpu.memref_squeeze %gather3A_48 : memref<1x1x224xf32, #tpu.memory_space<vmem>> -> memref<224xf32, #tpu.memory_space<vmem>>
        %gather3A_50 = tpu.vector_load_idx %gather3A_49[%min3A_46] : memref<224xf32, #tpu.memory_space<vmem>>[vector<16xi32>], vector<16xf32>,
        %gather3A_51 = arith.constant 1 : i32
        %gather3A_52 = arith.constant 0 : i32
        %gather3A_53 = tpu.memref_slice %arg4[%gather3A_51, %scan3A_29, %gather3A_52] : memref<10x24x224xf32, #tpu.memory_space<vmem>> -> memref<1x1x224xf32, #tpu.memory_space<vmem>>
        %gather3A_54 = tpu.memref_squeeze %gather3A_53 : memref<1x1x224xf32, #tpu.memory_space<vmem>> -> memref<224xf32, #tpu.memory_space<vmem>>
        %gather3A_55 = tpu.vector_load_idx %gather3A_54[%min3A_46] : memref<224xf32, #tpu.memory_space<vmem>>[vector<16xi32>], vector<16xf32>,
        %gather3A_56 = arith.constant 2 : i32
        %gather3A_57 = arith.constant 0 : i32
        %gather3A_58 = tpu.memref_slice %arg4[%gather3A_56, %scan3A_29, %gather3A_57] : memref<10x24x224xf32, #tpu.memory_space<vmem>> -> memref<1x1x224xf32, #tpu.memory_space<vmem>>
        %gather3A_59 = tpu.memref_squeeze %gather3A_58 : memref<1x1x224xf32, #tpu.memory_space<vmem>> -> memref<224xf32, #tpu.memory_space<vmem>>
        %gather3A_60 = tpu.vector_load_idx %gather3A_59[%min3A_46] : memref<224xf32, #tpu.memory_space<vmem>>[vector<16xi32>], vector<16xf32>,
        %convert_element_type3A = arith.fptosi %gather3A_60 : vector<16xf32> to vector<16xi32>
        %gather3A_61 = arith.constant 3 : i32
        %gather3A_62 = arith.constant 0 : i32
        %gather3A_63 = tpu.memref_slice %arg4[%gather3A_61, %scan3A_29, %gather3A_62] : memref<10x24x224xf32, #tpu.memory_space<vmem>> -> memref<1x1x224xf32, #tpu.memory_space<vmem>>
        %gather3A_64 = tpu.memref_squeeze %gather3A_63 : memref<1x1x224xf32, #tpu.memory_space<vmem>> -> memref<224xf32, #tpu.memory_space<vmem>>
        %gather3A_65 = tpu.vector_load_idx %gather3A_64[%min3A_46] : memref<224xf32, #tpu.memory_space<vmem>>[vector<16xi32>], vector<16xf32>,
        %convert_element_type3A_66 = arith.fptosi %gather3A_65 : vector<16xf32> to vector<16xi32>
        %gather3A_67 = arith.constant 4 : i32
        %gather3A_68 = arith.constant 0 : i32
        %gather3A_69 = tpu.memref_slice %arg4[%gather3A_67, %scan3A_29, %gather3A_68] : memref<10x24x224xf32, #tpu.memory_space<vmem>> -> memref<1x1x224xf32, #tpu.memory_space<vmem>>
        %gather3A_70 = tpu.memref_squeeze %gather3A_69 : memref<1x1x224xf32, #tpu.memory_space<vmem>> -> memref<224xf32, #tpu.memory_space<vmem>>
        %gather3A_71 = tpu.vector_load_idx %gather3A_70[%min3A_46] : memref<224xf32, #tpu.memory_space<vmem>>[vector<16xi32>], vector<16xf32>,
        %gather3A_72 = arith.constant 5 : i32
        %gather3A_73 = arith.constant 0 : i32
        %gather3A_74 = tpu.memref_slice %arg4[%gather3A_72, %scan3A_29, %gather3A_73] : memref<10x24x224xf32, #tpu.memory_space<vmem>> -> memref<1x1x224xf32, #tpu.memory_space<vmem>>
        %gather3A_75 = tpu.memref_squeeze %gather3A_74 : memref<1x1x224xf32, #tpu.memory_space<vmem>> -> memref<224xf32, #tpu.memory_space<vmem>>
        %gather3A_76 = tpu.vector_load_idx %gather3A_75[%min3A_46] : memref<224xf32, #tpu.memory_space<vmem>>[vector<16xi32>], vector<16xf32>,
        %gather3A_77 = arith.constant 6 : i32
        %gather3A_78 = arith.constant 0 : i32
        %gather3A_79 = tpu.memref_slice %arg4[%gather3A_77, %scan3A_29, %gather3A_78] : memref<10x24x224xf32, #tpu.memory_space<vmem>> -> memref<1x1x224xf32, #tpu.memory_space<vmem>>
        %gather3A_80 = tpu.memref_squeeze %gather3A_79 : memref<1x1x224xf32, #tpu.memory_space<vmem>> -> memref<224xf32, #tpu.memory_space<vmem>>
        %gather3A_81 = tpu.vector_load_idx %gather3A_80[%min3A_46] : memref<224xf32, #tpu.memory_space<vmem>>[vector<16xi32>], vector<16xf32>,
        %gather3A_82 = arith.constant 7 : i32
        %gather3A_83 = arith.constant 0 : i32
        %gather3A_84 = tpu.memref_slice %arg4[%gather3A_82, %scan3A_29, %gather3A_83] : memref<10x24x224xf32, #tpu.memory_space<vmem>> -> memref<1x1x224xf32, #tpu.memory_space<vmem>>
        %gather3A_85 = tpu.memref_squeeze %gather3A_84 : memref<1x1x224xf32, #tpu.memory_space<vmem>> -> memref<224xf32, #tpu.memory_space<vmem>>
        %gather3A_86 = tpu.vector_load_idx %gather3A_85[%min3A_46] : memref<224xf32, #tpu.memory_space<vmem>>[vector<16xi32>], vector<16xf32>,
        %gather3A_87 = arith.constant 8 : i32
        %gather3A_88 = arith.constant 0 : i32
        %gather3A_89 = tpu.memref_slice %arg4[%gather3A_87, %scan3A_29, %gather3A_88] : memref<10x24x224xf32, #tpu.memory_space<vmem>> -> memref<1x1x224xf32, #tpu.memory_space<vmem>>
        %gather3A_90 = tpu.memref_squeeze %gather3A_89 : memref<1x1x224xf32, #tpu.memory_space<vmem>> -> memref<224xf32, #tpu.memory_space<vmem>>
        %gather3A_91 = tpu.vector_load_idx %gather3A_90[%min3A_46] : memref<224xf32, #tpu.memory_space<vmem>>[vector<16xi32>], vector<16xf32>,
        %gather3A_92 = arith.constant 9 : i32
        %gather3A_93 = arith.constant 0 : i32
        %gather3A_94 = tpu.memref_slice %arg4[%gather3A_92, %scan3A_29, %gather3A_93] : memref<10x24x224xf32, #tpu.memory_space<vmem>> -> memref<1x1x224xf32, #tpu.memory_space<vmem>>
        %gather3A_95 = tpu.memref_squeeze %gather3A_94 : memref<1x1x224xf32, #tpu.memory_space<vmem>> -> memref<224xf32, #tpu.memory_space<vmem>>
        %gather3A_96 = tpu.vector_load_idx %gather3A_95[%min3A_46] : memref<224xf32, #tpu.memory_space<vmem>>[vector<16xi32>], vector<16xf32>,
        %sub3A_97 = arith.subi %add3A_41, %convert_element_type3A : vector<16xi32>
        %add3A_98 = arith.addi %scan3A_29, %sub3A_4 : i32
        %sub3A_99 = vector.broadcast %add3A_98 : i32 to vector<16xi32>
        %sub3A_100 = arith.subi %sub3A_99, %convert_element_type3A_66 : vector<16xi32>
        %add3A_101 = arith.constant -4 : i32
        %add3A_102 = vector.broadcast %add3A_101 : i32 to vector<16xi32>
        %add3A_103 = arith.addi %sub3A_97, %add3A_102 : vector<16xi32>
        %add3A_104 = arith.constant -3 : i32
        %add3A_105 = vector.broadcast %add3A_104 : i32 to vector<16xi32>
        %add3A_106 = arith.addi %sub3A_97, %add3A_105 : vector<16xi32>
        %add3A_107 = arith.constant -2 : i32
        %add3A_108 = vector.broadcast %add3A_107 : i32 to vector<16xi32>
        %add3A_109 = arith.addi %sub3A_97, %add3A_108 : vector<16xi32>
        %add3A_110 = arith.constant -1 : i32
        %add3A_111 = vector.broadcast %add3A_110 : i32 to vector<16xi32>
        %add3A_112 = arith.addi %sub3A_97, %add3A_111 : vector<16xi32>
        %add3A_113 = arith.constant 0 : i32
        %add3A_114 = vector.broadcast %add3A_113 : i32 to vector<16xi32>
        %add3A_115 = arith.addi %sub3A_97, %add3A_114 : vector<16xi32>
        %add3A_116 = arith.constant 1 : i32
        %add3A_117 = vector.broadcast %add3A_116 : i32 to vector<16xi32>
        %add3A_118 = arith.addi %sub3A_97, %add3A_117 : vector<16xi32>
        %add3A_119 = arith.constant 2 : i32
        %add3A_120 = vector.broadcast %add3A_119 : i32 to vector<16xi32>
        %add3A_121 = arith.addi %sub3A_97, %add3A_120 : vector<16xi32>
        %add3A_122 = arith.constant 3 : i32
        %add3A_123 = vector.broadcast %add3A_122 : i32 to vector<16xi32>
        %add3A_124 = arith.addi %sub3A_97, %add3A_123 : vector<16xi32>
        %add3A_125 = arith.constant 4 : i32
        %add3A_126 = vector.broadcast %add3A_125 : i32 to vector<16xi32>
        %add3A_127 = arith.addi %sub3A_97, %add3A_126 : vector<16xi32>
        %ge3A = arith.constant 0 : i32
        %ge3A_128 = vector.broadcast %ge3A : i32 to vector<16xi32>
        %ge3A_129 = arith.cmpi sge, %add3A_103, %ge3A_128 : vector<16xi32>
        %lt3A_130 = arith.constant 224 : i32
        %lt3A_131 = vector.broadcast %lt3A_130 : i32 to vector<16xi32>
        %lt3A_132 = arith.cmpi slt, %add3A_103, %lt3A_131 : vector<16xi32>
        %and3A = arith.andi %ge3A_129, %lt3A_132 : vector<16xi1>
        %and3A_133 = arith.andi %and3A, %lt3A_43 : vector<16xi1>
        %ge3A_134 = arith.constant 0 : i32
        %ge3A_135 = vector.broadcast %ge3A_134 : i32 to vector<16xi32>
        %ge3A_136 = arith.cmpi sge, %add3A_106, %ge3A_135 : vector<16xi32>
        %lt3A_137 = arith.constant 224 : i32
        %lt3A_138 = vector.broadcast %lt3A_137 : i32 to vector<16xi32>
        %lt3A_139 = arith.cmpi slt, %add3A_106, %lt3A_138 : vector<16xi32>
        %and3A_140 = arith.andi %ge3A_136, %lt3A_139 : vector<16xi1>
        %and3A_141 = arith.andi %and3A_140, %lt3A_43 : vector<16xi1>
        %ge3A_142 = arith.constant 0 : i32
        %ge3A_143 = vector.broadcast %ge3A_142 : i32 to vector<16xi32>
        %ge3A_144 = arith.cmpi sge, %add3A_109, %ge3A_143 : vector<16xi32>
        %lt3A_145 = arith.constant 224 : i32
        %lt3A_146 = vector.broadcast %lt3A_145 : i32 to vector<16xi32>
        %lt3A_147 = arith.cmpi slt, %add3A_109, %lt3A_146 : vector<16xi32>
        %and3A_148 = arith.andi %ge3A_144, %lt3A_147 : vector<16xi1>
        %and3A_149 = arith.andi %and3A_148, %lt3A_43 : vector<16xi1>
        %ge3A_150 = arith.constant 0 : i32
        %ge3A_151 = vector.broadcast %ge3A_150 : i32 to vector<16xi32>
        %ge3A_152 = arith.cmpi sge, %add3A_112, %ge3A_151 : vector<16xi32>
        %lt3A_153 = arith.constant 224 : i32
        %lt3A_154 = vector.broadcast %lt3A_153 : i32 to vector<16xi32>
        %lt3A_155 = arith.cmpi slt, %add3A_112, %lt3A_154 : vector<16xi32>
        %and3A_156 = arith.andi %ge3A_152, %lt3A_155 : vector<16xi1>
        %and3A_157 = arith.andi %and3A_156, %lt3A_43 : vector<16xi1>
        %ge3A_158 = arith.constant 0 : i32
        %ge3A_159 = vector.broadcast %ge3A_158 : i32 to vector<16xi32>
        %ge3A_160 = arith.cmpi sge, %add3A_115, %ge3A_159 : vector<16xi32>
        %lt3A_161 = arith.constant 224 : i32
        %lt3A_162 = vector.broadcast %lt3A_161 : i32 to vector<16xi32>
        %lt3A_163 = arith.cmpi slt, %add3A_115, %lt3A_162 : vector<16xi32>
        %and3A_164 = arith.andi %ge3A_160, %lt3A_163 : vector<16xi1>
        %and3A_165 = arith.andi %and3A_164, %lt3A_43 : vector<16xi1>
        %ge3A_166 = arith.constant 0 : i32
        %ge3A_167 = vector.broadcast %ge3A_166 : i32 to vector<16xi32>
        %ge3A_168 = arith.cmpi sge, %add3A_118, %ge3A_167 : vector<16xi32>
        %lt3A_169 = arith.constant 224 : i32
        %lt3A_170 = vector.broadcast %lt3A_169 : i32 to vector<16xi32>
        %lt3A_171 = arith.cmpi slt, %add3A_118, %lt3A_170 : vector<16xi32>
        %and3A_172 = arith.andi %ge3A_168, %lt3A_171 : vector<16xi1>
        %and3A_173 = arith.andi %and3A_172, %lt3A_43 : vector<16xi1>
        %ge3A_174 = arith.constant 0 : i32
        %ge3A_175 = vector.broadcast %ge3A_174 : i32 to vector<16xi32>
        %ge3A_176 = arith.cmpi sge, %add3A_121, %ge3A_175 : vector<16xi32>
        %lt3A_177 = arith.constant 224 : i32
        %lt3A_178 = vector.broadcast %lt3A_177 : i32 to vector<16xi32>
        %lt3A_179 = arith.cmpi slt, %add3A_121, %lt3A_178 : vector<16xi32>
        %and3A_180 = arith.andi %ge3A_176, %lt3A_179 : vector<16xi1>
        %and3A_181 = arith.andi %and3A_180, %lt3A_43 : vector<16xi1>
        %ge3A_182 = arith.constant 0 : i32
        %ge3A_183 = vector.broadcast %ge3A_182 : i32 to vector<16xi32>
        %ge3A_184 = arith.cmpi sge, %add3A_124, %ge3A_183 : vector<16xi32>
        %lt3A_185 = arith.constant 224 : i32
        %lt3A_186 = vector.broadcast %lt3A_185 : i32 to vector<16xi32>
        %lt3A_187 = arith.cmpi slt, %add3A_124, %lt3A_186 : vector<16xi32>
        %and3A_188 = arith.andi %ge3A_184, %lt3A_187 : vector<16xi1>
        %and3A_189 = arith.andi %and3A_188, %lt3A_43 : vector<16xi1>
        %ge3A_190 = arith.constant 0 : i32
        %ge3A_191 = vector.broadcast %ge3A_190 : i32 to vector<16xi32>
        %ge3A_192 = arith.cmpi sge, %add3A_127, %ge3A_191 : vector<16xi32>
        %lt3A_193 = arith.constant 224 : i32
        %lt3A_194 = vector.broadcast %lt3A_193 : i32 to vector<16xi32>
        %lt3A_195 = arith.cmpi slt, %add3A_127, %lt3A_194 : vector<16xi32>
        %and3A_196 = arith.andi %ge3A_192, %lt3A_195 : vector<16xi1>
        %and3A_197 = arith.andi %and3A_196, %lt3A_43 : vector<16xi1>
        %add3A_198 = arith.constant -4.000000e+00 : f32
        %add3A_199 = vector.broadcast %add3A_198 : f32 to vector<16xf32>
        %add3A_200 = arith.addf %gather3A_50, %add3A_199 : vector<16xf32>
        %add3A_201 = arith.constant -3.000000e+00 : f32
        %add3A_202 = vector.broadcast %add3A_201 : f32 to vector<16xf32>
        %add3A_203 = arith.addf %gather3A_50, %add3A_202 : vector<16xf32>
        %add3A_204 = arith.constant -2.000000e+00 : f32
        %add3A_205 = vector.broadcast %add3A_204 : f32 to vector<16xf32>
        %add3A_206 = arith.addf %gather3A_50, %add3A_205 : vector<16xf32>
        %add3A_207 = arith.constant -1.000000e+00 : f32
        %add3A_208 = vector.broadcast %add3A_207 : f32 to vector<16xf32>
        %add3A_209 = arith.addf %gather3A_50, %add3A_208 : vector<16xf32>
        %add3A_210 = arith.constant 0.000000e+00 : f32
        %add3A_211 = vector.broadcast %add3A_210 : f32 to vector<16xf32>
        %add3A_212 = arith.addf %gather3A_50, %add3A_211 : vector<16xf32>
        %add3A_213 = arith.constant 1.000000e+00 : f32
        %add3A_214 = vector.broadcast %add3A_213 : f32 to vector<16xf32>
        %add3A_215 = arith.addf %gather3A_50, %add3A_214 : vector<16xf32>
        %add3A_216 = arith.constant 2.000000e+00 : f32
        %add3A_217 = vector.broadcast %add3A_216 : f32 to vector<16xf32>
        %add3A_218 = arith.addf %gather3A_50, %add3A_217 : vector<16xf32>
        %add3A_219 = arith.constant 3.000000e+00 : f32
        %add3A_220 = vector.broadcast %add3A_219 : f32 to vector<16xf32>
        %add3A_221 = arith.addf %gather3A_50, %add3A_220 : vector<16xf32>
        %add3A_222 = arith.constant 4.000000e+00 : f32
        %add3A_223 = vector.broadcast %add3A_222 : f32 to vector<16xf32>
        %add3A_224 = arith.addf %gather3A_50, %add3A_223 : vector<16xf32>
        %mul3A_225 = arith.mulf %gather3A_71, %add3A_200 : vector<16xf32>
        %mul3A_226 = arith.mulf %gather3A_71, %add3A_203 : vector<16xf32>
        %mul3A_227 = arith.mulf %gather3A_71, %add3A_206 : vector<16xf32>
        %mul3A_228 = arith.mulf %gather3A_71, %add3A_209 : vector<16xf32>
        %mul3A_229 = arith.mulf %gather3A_71, %add3A_212 : vector<16xf32>
        %mul3A_230 = arith.mulf %gather3A_71, %add3A_215 : vector<16xf32>
        %mul3A_231 = arith.mulf %gather3A_71, %add3A_218 : vector<16xf32>
        %mul3A_232 = arith.mulf %gather3A_71, %add3A_221 : vector<16xf32>
        %mul3A_233 = arith.mulf %gather3A_71, %add3A_224 : vector<16xf32>
        %add3A_234 = arith.constant -4 : i32
        %add3A_235 = vector.broadcast %add3A_234 : i32 to vector<16xi32>
        %add3A_236 = arith.addi %sub3A_100, %add3A_235 : vector<16xi32>
        %ge3A_237 = arith.constant 0 : i32
        %ge3A_238 = vector.broadcast %ge3A_237 : i32 to vector<16xi32>
        %ge3A_239 = arith.cmpi sge, %add3A_236, %ge3A_238 : vector<16xi32>
        %lt3A_240 = arith.constant 14 : i32
        %lt3A_241 = vector.broadcast %lt3A_240 : i32 to vector<16xi32>
        %lt3A_242 = arith.cmpi slt, %add3A_236, %lt3A_241 : vector<16xi32>
        %and3A_243 = arith.andi %ge3A_239, %lt3A_242 : vector<16xi1>
        %add3A_244 = arith.constant -4.000000e+00 : f32
        %add3A_245 = vector.broadcast %add3A_244 : f32 to vector<16xf32>
        %add3A_246 = arith.addf %gather3A_55, %add3A_245 : vector<16xf32>
        %mul3A_247 = arith.mulf %gather3A_76, %add3A_246 : vector<16xf32>
        %mul3A_248 = arith.mulf %gather3A_81, %add3A_246 : vector<16xf32>
        %mul3A_249 = arith.mulf %mul3A_248, %add3A_246 : vector<16xf32>
        %add3A_250 = arith.addf %mul3A_225, %mul3A_247 : vector<16xf32>
        %mul3A_251 = arith.mulf %add3A_250, %add3A_200 : vector<16xf32>
        %add3A_252 = arith.addf %mul3A_251, %mul3A_249 : vector<16xf32>
        %exp3A = math.exp %add3A_252 : vector<16xf32>
        %min3A_253 = arith.constant 1.000000e+00 : f32
        %min3A_254 = vector.broadcast %min3A_253 : f32 to vector<16xf32>
        %min3A_255 = arith.minimumf %exp3A, %min3A_254 : vector<16xf32>
        %and3A_256 = arith.andi %and3A_243, %and3A_133 : vector<16xi1>
        %mul3A_257 = arith.mulf %min3A_255, %gather3A_86 : vector<16xf32>
        %scatter3A = arith.constant 0 : i32
        %scatter3A_258 = arith.constant 0 : i32
        %scatter3A_259 = arith.constant 0 : i32
        %scatter3A_260 = tpu.memref_slice %arg5[%scatter3A, %scatter3A_258, %scatter3A_259] : memref<3x14x224xf32, #tpu.memory_space<vmem>> -> memref<1x14x224xf32, #tpu.memory_space<vmem>>
        %scatter3A_261 = tpu.memref_squeeze %scatter3A_260 : memref<1x14x224xf32, #tpu.memory_space<vmem>> -> memref<14x224xf32, #tpu.memory_space<vmem>>
        tpu.vector_store_idx %scatter3A_261[%add3A_236, %add3A_103], %mul3A_257 masked %and3A_256 {add = true} : memref<14x224xf32, #tpu.memory_space<vmem>>[vector<16xi32>, vector<16xi32>], vector<16xf32>, vector<16xi1>
        %mul3A_262 = arith.mulf %min3A_255, %gather3A_91 : vector<16xf32>
        %scatter3A_263 = arith.constant 1 : i32
        %scatter3A_264 = arith.constant 0 : i32
        %scatter3A_265 = arith.constant 0 : i32
        %scatter3A_266 = tpu.memref_slice %arg5[%scatter3A_263, %scatter3A_264, %scatter3A_265] : memref<3x14x224xf32, #tpu.memory_space<vmem>> -> memref<1x14x224xf32, #tpu.memory_space<vmem>>
        %scatter3A_267 = tpu.memref_squeeze %scatter3A_266 : memref<1x14x224xf32, #tpu.memory_space<vmem>> -> memref<14x224xf32, #tpu.memory_space<vmem>>
        tpu.vector_store_idx %scatter3A_267[%add3A_236, %add3A_103], %mul3A_262 masked %and3A_256 {add = true} : memref<14x224xf32, #tpu.memory_space<vmem>>[vector<16xi32>, vector<16xi32>], vector<16xf32>, vector<16xi1>
        %mul3A_268 = arith.mulf %min3A_255, %gather3A_96 : vector<16xf32>
        %scatter3A_269 = arith.constant 2 : i32
        %scatter3A_270 = arith.constant 0 : i32
        %scatter3A_271 = arith.constant 0 : i32
        %scatter3A_272 = tpu.memref_slice %arg5[%scatter3A_269, %scatter3A_270, %scatter3A_271] : memref<3x14x224xf32, #tpu.memory_space<vmem>> -> memref<1x14x224xf32, #tpu.memory_space<vmem>>
        %scatter3A_273 = tpu.memref_squeeze %scatter3A_272 : memref<1x14x224xf32, #tpu.memory_space<vmem>> -> memref<14x224xf32, #tpu.memory_space<vmem>>
        tpu.vector_store_idx %scatter3A_273[%add3A_236, %add3A_103], %mul3A_268 masked %and3A_256 {add = true} : memref<14x224xf32, #tpu.memory_space<vmem>>[vector<16xi32>, vector<16xi32>], vector<16xf32>, vector<16xi1>
        %add3A_274 = arith.addf %mul3A_226, %mul3A_247 : vector<16xf32>
        %mul3A_275 = arith.mulf %add3A_274, %add3A_203 : vector<16xf32>
        %add3A_276 = arith.addf %mul3A_275, %mul3A_249 : vector<16xf32>
        %exp3A_277 = math.exp %add3A_276 : vector<16xf32>
        %min3A_278 = arith.constant 1.000000e+00 : f32
        %min3A_279 = vector.broadcast %min3A_278 : f32 to vector<16xf32>
        %min3A_280 = arith.minimumf %exp3A_277, %min3A_279 : vector<16xf32>
        %and3A_281 = arith.andi %and3A_243, %and3A_141 : vector<16xi1>
        %mul3A_282 = arith.mulf %min3A_280, %gather3A_86 : vector<16xf32>
        %scatter3A_283 = arith.constant 0 : i32
        %scatter3A_284 = arith.constant 0 : i32
        %scatter3A_285 = arith.constant 0 : i32
        %scatter3A_286 = tpu.memref_slice %arg5[%scatter3A_283, %scatter3A_284, %scatter3A_285] : memref<3x14x224xf32, #tpu.memory_space<vmem>> -> memref<1x14x224xf32, #tpu.memory_space<vmem>>
        %scatter3A_287 = tpu.memref_squeeze %scatter3A_286 : memref<1x14x224xf32, #tpu.memory_space<vmem>> -> memref<14x224xf32, #tpu.memory_space<vmem>>
        tpu.vector_store_idx %scatter3A_287[%add3A_236, %add3A_106], %mul3A_282 masked %and3A_281 {add = true} : memref<14x224xf32, #tpu.memory_space<vmem>>[vector<16xi32>, vector<16xi32>], vector<16xf32>, vector<16xi1>
        %mul3A_288 = arith.mulf %min3A_280, %gather3A_91 : vector<16xf32>
        %scatter3A_289 = arith.constant 1 : i32
        %scatter3A_290 = arith.constant 0 : i32
        %scatter3A_291 = arith.constant 0 : i32
        %scatter3A_292 = tpu.memref_slice %arg5[%scatter3A_289, %scatter3A_290, %scatter3A_291] : memref<3x14x224xf32, #tpu.memory_space<vmem>> -> memref<1x14x224xf32, #tpu.memory_space<vmem>>
        %scatter3A_293 = tpu.memref_squeeze %scatter3A_292 : memref<1x14x224xf32, #tpu.memory_space<vmem>> -> memref<14x224xf32, #tpu.memory_space<vmem>>
        tpu.vector_store_idx %scatter3A_293[%add3A_236, %add3A_106], %mul3A_288 masked %and3A_281 {add = true} : memref<14x224xf32, #tpu.memory_space<vmem>>[vector<16xi32>, vector<16xi32>], vector<16xf32>, vector<16xi1>
        %mul3A_294 = arith.mulf %min3A_280, %gather3A_96 : vector<16xf32>
        %scatter3A_295 = arith.constant 2 : i32
        %scatter3A_296 = arith.constant 0 : i32
        %scatter3A_297 = arith.constant 0 : i32
        %scatter3A_298 = tpu.memref_slice %arg5[%scatter3A_295, %scatter3A_296, %scatter3A_297] : memref<3x14x224xf32, #tpu.memory_space<vmem>> -> memref<1x14x224xf32, #tpu.memory_space<vmem>>
        %scatter3A_299 = tpu.memref_squeeze %scatter3A_298 : memref<1x14x224xf32, #tpu.memory_space<vmem>> -> memref<14x224xf32, #tpu.memory_space<vmem>>
        tpu.vector_store_idx %scatter3A_299[%add3A_236, %add3A_106], %mul3A_294 masked %and3A_281 {add = true} : memref<14x224xf32, #tpu.memory_space<vmem>>[vector<16xi32>, vector<16xi32>], vector<16xf32>, vector<16xi1>
        %add3A_300 = arith.addf %mul3A_227, %mul3A_247 : vector<16xf32>
        %mul3A_301 = arith.mulf %add3A_300, %add3A_206 : vector<16xf32>
        %add3A_302 = arith.addf %mul3A_301, %mul3A_249 : vector<16xf32>
        %exp3A_303 = math.exp %add3A_302 : vector<16xf32>
        %min3A_304 = arith.constant 1.000000e+00 : f32
        %min3A_305 = vector.broadcast %min3A_304 : f32 to vector<16xf32>
        %min3A_306 = arith.minimumf %exp3A_303, %min3A_305 : vector<16xf32>
        %and3A_307 = arith.andi %and3A_243, %and3A_149 : vector<16xi1>
        %mul3A_308 = arith.mulf %min3A_306, %gather3A_86 : vector<16xf32>
        %scatter3A_309 = arith.constant 0 : i32
        %scatter3A_310 = arith.constant 0 : i32
        %scatter3A_311 = arith.constant 0 : i32
        %scatter3A_312 = tpu.memref_slice %arg5[%scatter3A_309, %scatter3A_310, %scatter3A_311] : memref<3x14x224xf32, #tpu.memory_space<vmem>> -> memref<1x14x224xf32, #tpu.memory_space<vmem>>
        %scatter3A_313 = tpu.memref_squeeze %scatter3A_312 : memref<1x14x224xf32, #tpu.memory_space<vmem>> -> memref<14x224xf32, #tpu.memory_space<vmem>>
        tpu.vector_store_idx %scatter3A_313[%add3A_236, %add3A_109], %mul3A_308 masked %and3A_307 {add = true} : memref<14x224xf32, #tpu.memory_space<vmem>>[vector<16xi32>, vector<16xi32>], vector<16xf32>, vector<16xi1>
        %mul3A_314 = arith.mulf %min3A_306, %gather3A_91 : vector<16xf32>
        %scatter3A_315 = arith.constant 1 : i32
        %scatter3A_316 = arith.constant 0 : i32
        %scatter3A_317 = arith.constant 0 : i32
        %scatter3A_318 = tpu.memref_slice %arg5[%scatter3A_315, %scatter3A_316, %scatter3A_317] : memref<3x14x224xf32, #tpu.memory_space<vmem>> -> memref<1x14x224xf32, #tpu.memory_space<vmem>>
        %scatter3A_319 = tpu.memref_squeeze %scatter3A_318 : memref<1x14x224xf32, #tpu.memory_space<vmem>> -> memref<14x224xf32, #tpu.memory_space<vmem>>
        tpu.vector_store_idx %scatter3A_319[%add3A_236, %add3A_109], %mul3A_314 masked %and3A_307 {add = true} : memref<14x224xf32, #tpu.memory_space<vmem>>[vector<16xi32>, vector<16xi32>], vector<16xf32>, vector<16xi1>
        %mul3A_320 = arith.mulf %min3A_306, %gather3A_96 : vector<16xf32>
        %scatter3A_321 = arith.constant 2 : i32
        %scatter3A_322 = arith.constant 0 : i32
        %scatter3A_323 = arith.constant 0 : i32
        %scatter3A_324 = tpu.memref_slice %arg5[%scatter3A_321, %scatter3A_322, %scatter3A_323] : memref<3x14x224xf32, #tpu.memory_space<vmem>> -> memref<1x14x224xf32, #tpu.memory_space<vmem>>
        %scatter3A_325 = tpu.memref_squeeze %scatter3A_324 : memref<1x14x224xf32, #tpu.memory_space<vmem>> -> memref<14x224xf32, #tpu.memory_space<vmem>>
        tpu.vector_store_idx %scatter3A_325[%add3A_236, %add3A_109], %mul3A_320 masked %and3A_307 {add = true} : memref<14x224xf32, #tpu.memory_space<vmem>>[vector<16xi32>, vector<16xi32>], vector<16xf32>, vector<16xi1>
        %add3A_326 = arith.addf %mul3A_228, %mul3A_247 : vector<16xf32>
        %mul3A_327 = arith.mulf %add3A_326, %add3A_209 : vector<16xf32>
        %add3A_328 = arith.addf %mul3A_327, %mul3A_249 : vector<16xf32>
        %exp3A_329 = math.exp %add3A_328 : vector<16xf32>
        %min3A_330 = arith.constant 1.000000e+00 : f32
        %min3A_331 = vector.broadcast %min3A_330 : f32 to vector<16xf32>
        %min3A_332 = arith.minimumf %exp3A_329, %min3A_331 : vector<16xf32>
        %and3A_333 = arith.andi %and3A_243, %and3A_157 : vector<16xi1>
        %mul3A_334 = arith.mulf %min3A_332, %gather3A_86 : vector<16xf32>
        %scatter3A_335 = arith.constant 0 : i32
        %scatter3A_336 = arith.constant 0 : i32
        %scatter3A_337 = arith.constant 0 : i32
        %scatter3A_338 = tpu.memref_slice %arg5[%scatter3A_335, %scatter3A_336, %scatter3A_337] : memref<3x14x224xf32, #tpu.memory_space<vmem>> -> memref<1x14x224xf32, #tpu.memory_space<vmem>>
        %scatter3A_339 = tpu.memref_squeeze %scatter3A_338 : memref<1x14x224xf32, #tpu.memory_space<vmem>> -> memref<14x224xf32, #tpu.memory_space<vmem>>
        tpu.vector_store_idx %scatter3A_339[%add3A_236, %add3A_112], %mul3A_334 masked %and3A_333 {add = true} : memref<14x224xf32, #tpu.memory_space<vmem>>[vector<16xi32>, vector<16xi32>], vector<16xf32>, vector<16xi1>
        %mul3A_340 = arith.mulf %min3A_332, %gather3A_91 : vector<16xf32>
        %scatter3A_341 = arith.constant 1 : i32
        %scatter3A_342 = arith.constant 0 : i32
        %scatter3A_343 = arith.constant 0 : i32
        %scatter3A_344 = tpu.memref_slice %arg5[%scatter3A_341, %scatter3A_342, %scatter3A_343] : memref<3x14x224xf32, #tpu.memory_space<vmem>> -> memref<1x14x224xf32, #tpu.memory_space<vmem>>
        %scatter3A_345 = tpu.memref_squeeze %scatter3A_344 : memref<1x14x224xf32, #tpu.memory_space<vmem>> -> memref<14x224xf32, #tpu.memory_space<vmem>>
        tpu.vector_store_idx %scatter3A_345[%add3A_236, %add3A_112], %mul3A_340 masked %and3A_333 {add = true} : memref<14x224xf32, #tpu.memory_space<vmem>>[vector<16xi32>, vector<16xi32>], vector<16xf32>, vector<16xi1>
        %mul3A_346 = arith.mulf %min3A_332, %gather3A_96 : vector<16xf32>
        %scatter3A_347 = arith.constant 2 : i32
        %scatter3A_348 = arith.constant 0 : i32
        %scatter3A_349 = arith.constant 0 : i32
        %scatter3A_350 = tpu.memref_slice %arg5[%scatter3A_347, %scatter3A_348, %scatter3A_349] : memref<3x14x224xf32, #tpu.memory_space<vmem>> -> memref<1x14x224xf32, #tpu.memory_space<vmem>>
        %scatter3A_351 = tpu.memref_squeeze %scatter3A_350 : memref<1x14x224xf32, #tpu.memory_space<vmem>> -> memref<14x224xf32, #tpu.memory_space<vmem>>
        tpu.vector_store_idx %scatter3A_351[%add3A_236, %add3A_112], %mul3A_346 masked %and3A_333 {add = true} : memref<14x224xf32, #tpu.memory_space<vmem>>[vector<16xi32>, vector<16xi32>], vector<16xf32>, vector<16xi1>
        %add3A_352 = arith.addf %mul3A_229, %mul3A_247 : vector<16xf32>
        %mul3A_353 = arith.mulf %add3A_352, %add3A_212 : vector<16xf32>
        %add3A_354 = arith.addf %mul3A_353, %mul3A_249 : vector<16xf32>
        %exp3A_355 = math.exp %add3A_354 : vector<16xf32>
        %min3A_356 = arith.constant 1.000000e+00 : f32
        %min3A_357 = vector.broadcast %min3A_356 : f32 to vector<16xf32>
        %min3A_358 = arith.minimumf %exp3A_355, %min3A_357 : vector<16xf32>
        %and3A_359 = arith.andi %and3A_243, %and3A_165 : vector<16xi1>
        %mul3A_360 = arith.mulf %min3A_358, %gather3A_86 : vector<16xf32>
        %scatter3A_361 = arith.constant 0 : i32
        %scatter3A_362 = arith.constant 0 : i32
        %scatter3A_363 = arith.constant 0 : i32
        %scatter3A_364 = tpu.memref_slice %arg5[%scatter3A_361, %scatter3A_362, %scatter3A_363] : memref<3x14x224xf32, #tpu.memory_space<vmem>> -> memref<1x14x224xf32, #tpu.memory_space<vmem>>
        %scatter3A_365 = tpu.memref_squeeze %scatter3A_364 : memref<1x14x224xf32, #tpu.memory_space<vmem>> -> memref<14x224xf32, #tpu.memory_space<vmem>>
        tpu.vector_store_idx %scatter3A_365[%add3A_236, %add3A_115], %mul3A_360 masked %and3A_359 {add = true} : memref<14x224xf32, #tpu.memory_space<vmem>>[vector<16xi32>, vector<16xi32>], vector<16xf32>, vector<16xi1>
        %mul3A_366 = arith.mulf %min3A_358, %gather3A_91 : vector<16xf32>
        %scatter3A_367 = arith.constant 1 : i32
        %scatter3A_368 = arith.constant 0 : i32
        %scatter3A_369 = arith.constant 0 : i32
        %scatter3A_370 = tpu.memref_slice %arg5[%scatter3A_367, %scatter3A_368, %scatter3A_369] : memref<3x14x224xf32, #tpu.memory_space<vmem>> -> memref<1x14x224xf32, #tpu.memory_space<vmem>>
        %scatter3A_371 = tpu.memref_squeeze %scatter3A_370 : memref<1x14x224xf32, #tpu.memory_space<vmem>> -> memref<14x224xf32, #tpu.memory_space<vmem>>
        tpu.vector_store_idx %scatter3A_371[%add3A_236, %add3A_115], %mul3A_366 masked %and3A_359 {add = true} : memref<14x224xf32, #tpu.memory_space<vmem>>[vector<16xi32>, vector<16xi32>], vector<16xf32>, vector<16xi1>
        %mul3A_372 = arith.mulf %min3A_358, %gather3A_96 : vector<16xf32>
        %scatter3A_373 = arith.constant 2 : i32
        %scatter3A_374 = arith.constant 0 : i32
        %scatter3A_375 = arith.constant 0 : i32
        %scatter3A_376 = tpu.memref_slice %arg5[%scatter3A_373, %scatter3A_374, %scatter3A_375] : memref<3x14x224xf32, #tpu.memory_space<vmem>> -> memref<1x14x224xf32, #tpu.memory_space<vmem>>
        %scatter3A_377 = tpu.memref_squeeze %scatter3A_376 : memref<1x14x224xf32, #tpu.memory_space<vmem>> -> memref<14x224xf32, #tpu.memory_space<vmem>>
        tpu.vector_store_idx %scatter3A_377[%add3A_236, %add3A_115], %mul3A_372 masked %and3A_359 {add = true} : memref<14x224xf32, #tpu.memory_space<vmem>>[vector<16xi32>, vector<16xi32>], vector<16xf32>, vector<16xi1>
        %add3A_378 = arith.addf %mul3A_230, %mul3A_247 : vector<16xf32>
        %mul3A_379 = arith.mulf %add3A_378, %add3A_215 : vector<16xf32>
        %add3A_380 = arith.addf %mul3A_379, %mul3A_249 : vector<16xf32>
        %exp3A_381 = math.exp %add3A_380 : vector<16xf32>
        %min3A_382 = arith.constant 1.000000e+00 : f32
        %min3A_383 = vector.broadcast %min3A_382 : f32 to vector<16xf32>
        %min3A_384 = arith.minimumf %exp3A_381, %min3A_383 : vector<16xf32>
        %and3A_385 = arith.andi %and3A_243, %and3A_173 : vector<16xi1>
        %mul3A_386 = arith.mulf %min3A_384, %gather3A_86 : vector<16xf32>
        %scatter3A_387 = arith.constant 0 : i32
        %scatter3A_388 = arith.constant 0 : i32
        %scatter3A_389 = arith.constant 0 : i32
        %scatter3A_390 = tpu.memref_slice %arg5[%scatter3A_387, %scatter3A_388, %scatter3A_389] : memref<3x14x224xf32, #tpu.memory_space<vmem>> -> memref<1x14x224xf32, #tpu.memory_space<vmem>>
        %scatter3A_391 = tpu.memref_squeeze %scatter3A_390 : memref<1x14x224xf32, #tpu.memory_space<vmem>> -> memref<14x224xf32, #tpu.memory_space<vmem>>
        tpu.vector_store_idx %scatter3A_391[%add3A_236, %add3A_118], %mul3A_386 masked %and3A_385 {add = true} : memref<14x224xf32, #tpu.memory_space<vmem>>[vector<16xi32>, vector<16xi32>], vector<16xf32>, vector<16xi1>
        %mul3A_392 = arith.mulf %min3A_384, %gather3A_91 : vector<16xf32>
        %scatter3A_393 = arith.constant 1 : i32
        %scatter3A_394 = arith.constant 0 : i32
        %scatter3A_395 = arith.constant 0 : i32
        %scatter3A_396 = tpu.memref_slice %arg5[%scatter3A_393, %scatter3A_394, %scatter3A_395] : memref<3x14x224xf32, #tpu.memory_space<vmem>> -> memref<1x14x224xf32, #tpu.memory_space<vmem>>
        %scatter3A_397 = tpu.memref_squeeze %scatter3A_396 : memref<1x14x224xf32, #tpu.memory_space<vmem>> -> memref<14x224xf32, #tpu.memory_space<vmem>>
        tpu.vector_store_idx %scatter3A_397[%add3A_236, %add3A_118], %mul3A_392 masked %and3A_385 {add = true} : memref<14x224xf32, #tpu.memory_space<vmem>>[vector<16xi32>, vector<16xi32>], vector<16xf32>, vector<16xi1>
        %mul3A_398 = arith.mulf %min3A_384, %gather3A_96 : vector<16xf32>
        %scatter3A_399 = arith.constant 2 : i32
        %scatter3A_400 = arith.constant 0 : i32
        %scatter3A_401 = arith.constant 0 : i32
        %scatter3A_402 = tpu.memref_slice %arg5[%scatter3A_399, %scatter3A_400, %scatter3A_401] : memref<3x14x224xf32, #tpu.memory_space<vmem>> -> memref<1x14x224xf32, #tpu.memory_space<vmem>>
        %scatter3A_403 = tpu.memref_squeeze %scatter3A_402 : memref<1x14x224xf32, #tpu.memory_space<vmem>> -> memref<14x224xf32, #tpu.memory_space<vmem>>
        tpu.vector_store_idx %scatter3A_403[%add3A_236, %add3A_118], %mul3A_398 masked %and3A_385 {add = true} : memref<14x224xf32, #tpu.memory_space<vmem>>[vector<16xi32>, vector<16xi32>], vector<16xf32>, vector<16xi1>
        %add3A_404 = arith.addf %mul3A_231, %mul3A_247 : vector<16xf32>
        %mul3A_405 = arith.mulf %add3A_404, %add3A_218 : vector<16xf32>
        %add3A_406 = arith.addf %mul3A_405, %mul3A_249 : vector<16xf32>
        %exp3A_407 = math.exp %add3A_406 : vector<16xf32>
        %min3A_408 = arith.constant 1.000000e+00 : f32
        %min3A_409 = vector.broadcast %min3A_408 : f32 to vector<16xf32>
        %min3A_410 = arith.minimumf %exp3A_407, %min3A_409 : vector<16xf32>
        %and3A_411 = arith.andi %and3A_243, %and3A_181 : vector<16xi1>
        %mul3A_412 = arith.mulf %min3A_410, %gather3A_86 : vector<16xf32>
        %scatter3A_413 = arith.constant 0 : i32
        %scatter3A_414 = arith.constant 0 : i32
        %scatter3A_415 = arith.constant 0 : i32
        %scatter3A_416 = tpu.memref_slice %arg5[%scatter3A_413, %scatter3A_414, %scatter3A_415] : memref<3x14x224xf32, #tpu.memory_space<vmem>> -> memref<1x14x224xf32, #tpu.memory_space<vmem>>
        %scatter3A_417 = tpu.memref_squeeze %scatter3A_416 : memref<1x14x224xf32, #tpu.memory_space<vmem>> -> memref<14x224xf32, #tpu.memory_space<vmem>>
        tpu.vector_store_idx %scatter3A_417[%add3A_236, %add3A_121], %mul3A_412 masked %and3A_411 {add = true} : memref<14x224xf32, #tpu.memory_space<vmem>>[vector<16xi32>, vector<16xi32>], vector<16xf32>, vector<16xi1>
        %mul3A_418 = arith.mulf %min3A_410, %gather3A_91 : vector<16xf32>
        %scatter3A_419 = arith.constant 1 : i32
        %scatter3A_420 = arith.constant 0 : i32
        %scatter3A_421 = arith.constant 0 : i32
        %scatter3A_422 = tpu.memref_slice %arg5[%scatter3A_419, %scatter3A_420, %scatter3A_421] : memref<3x14x224xf32, #tpu.memory_space<vmem>> -> memref<1x14x224xf32, #tpu.memory_space<vmem>>
        %scatter3A_423 = tpu.memref_squeeze %scatter3A_422 : memref<1x14x224xf32, #tpu.memory_space<vmem>> -> memref<14x224xf32, #tpu.memory_space<vmem>>
        tpu.vector_store_idx %scatter3A_423[%add3A_236, %add3A_121], %mul3A_418 masked %and3A_411 {add = true} : memref<14x224xf32, #tpu.memory_space<vmem>>[vector<16xi32>, vector<16xi32>], vector<16xf32>, vector<16xi1>
        %mul3A_424 = arith.mulf %min3A_410, %gather3A_96 : vector<16xf32>
        %scatter3A_425 = arith.constant 2 : i32
        %scatter3A_426 = arith.constant 0 : i32
        %scatter3A_427 = arith.constant 0 : i32
        %scatter3A_428 = tpu.memref_slice %arg5[%scatter3A_425, %scatter3A_426, %scatter3A_427] : memref<3x14x224xf32, #tpu.memory_space<vmem>> -> memref<1x14x224xf32, #tpu.memory_space<vmem>>
        %scatter3A_429 = tpu.memref_squeeze %scatter3A_428 : memref<1x14x224xf32, #tpu.memory_space<vmem>> -> memref<14x224xf32, #tpu.memory_space<vmem>>
        tpu.vector_store_idx %scatter3A_429[%add3A_236, %add3A_121], %mul3A_424 masked %and3A_411 {add = true} : memref<14x224xf32, #tpu.memory_space<vmem>>[vector<16xi32>, vector<16xi32>], vector<16xf32>, vector<16xi1>
        %add3A_430 = arith.addf %mul3A_232, %mul3A_247 : vector<16xf32>
        %mul3A_431 = arith.mulf %add3A_430, %add3A_221 : vector<16xf32>
        %add3A_432 = arith.addf %mul3A_431, %mul3A_249 : vector<16xf32>
        %exp3A_433 = math.exp %add3A_432 : vector<16xf32>
        %min3A_434 = arith.constant 1.000000e+00 : f32
        %min3A_435 = vector.broadcast %min3A_434 : f32 to vector<16xf32>
        %min3A_436 = arith.minimumf %exp3A_433, %min3A_435 : vector<16xf32>
        %and3A_437 = arith.andi %and3A_243, %and3A_189 : vector<16xi1>
        %mul3A_438 = arith.mulf %min3A_436, %gather3A_86 : vector<16xf32>
        %scatter3A_439 = arith.constant 0 : i32
        %scatter3A_440 = arith.constant 0 : i32
        %scatter3A_441 = arith.constant 0 : i32
        %scatter3A_442 = tpu.memref_slice %arg5[%scatter3A_439, %scatter3A_440, %scatter3A_441] : memref<3x14x224xf32, #tpu.memory_space<vmem>> -> memref<1x14x224xf32, #tpu.memory_space<vmem>>
        %scatter3A_443 = tpu.memref_squeeze %scatter3A_442 : memref<1x14x224xf32, #tpu.memory_space<vmem>> -> memref<14x224xf32, #tpu.memory_space<vmem>>
        tpu.vector_store_idx %scatter3A_443[%add3A_236, %add3A_124], %mul3A_438 masked %and3A_437 {add = true} : memref<14x224xf32, #tpu.memory_space<vmem>>[vector<16xi32>, vector<16xi32>], vector<16xf32>, vector<16xi1>
        %mul3A_444 = arith.mulf %min3A_436, %gather3A_91 : vector<16xf32>
        %scatter3A_445 = arith.constant 1 : i32
        %scatter3A_446 = arith.constant 0 : i32
        %scatter3A_447 = arith.constant 0 : i32
        %scatter3A_448 = tpu.memref_slice %arg5[%scatter3A_445, %scatter3A_446, %scatter3A_447] : memref<3x14x224xf32, #tpu.memory_space<vmem>> -> memref<1x14x224xf32, #tpu.memory_space<vmem>>
        %scatter3A_449 = tpu.memref_squeeze %scatter3A_448 : memref<1x14x224xf32, #tpu.memory_space<vmem>> -> memref<14x224xf32, #tpu.memory_space<vmem>>
        tpu.vector_store_idx %scatter3A_449[%add3A_236, %add3A_124], %mul3A_444 masked %and3A_437 {add = true} : memref<14x224xf32, #tpu.memory_space<vmem>>[vector<16xi32>, vector<16xi32>], vector<16xf32>, vector<16xi1>
        %mul3A_450 = arith.mulf %min3A_436, %gather3A_96 : vector<16xf32>
        %scatter3A_451 = arith.constant 2 : i32
        %scatter3A_452 = arith.constant 0 : i32
        %scatter3A_453 = arith.constant 0 : i32
        %scatter3A_454 = tpu.memref_slice %arg5[%scatter3A_451, %scatter3A_452, %scatter3A_453] : memref<3x14x224xf32, #tpu.memory_space<vmem>> -> memref<1x14x224xf32, #tpu.memory_space<vmem>>
        %scatter3A_455 = tpu.memref_squeeze %scatter3A_454 : memref<1x14x224xf32, #tpu.memory_space<vmem>> -> memref<14x224xf32, #tpu.memory_space<vmem>>
        tpu.vector_store_idx %scatter3A_455[%add3A_236, %add3A_124], %mul3A_450 masked %and3A_437 {add = true} : memref<14x224xf32, #tpu.memory_space<vmem>>[vector<16xi32>, vector<16xi32>], vector<16xf32>, vector<16xi1>
        %add3A_456 = arith.addf %mul3A_233, %mul3A_247 : vector<16xf32>
        %mul3A_457 = arith.mulf %add3A_456, %add3A_224 : vector<16xf32>
        %add3A_458 = arith.addf %mul3A_457, %mul3A_249 : vector<16xf32>
        %exp3A_459 = math.exp %add3A_458 : vector<16xf32>
        %min3A_460 = arith.constant 1.000000e+00 : f32
        %min3A_461 = vector.broadcast %min3A_460 : f32 to vector<16xf32>
        %min3A_462 = arith.minimumf %exp3A_459, %min3A_461 : vector<16xf32>
        %and3A_463 = arith.andi %and3A_243, %and3A_197 : vector<16xi1>
        %mul3A_464 = arith.mulf %min3A_462, %gather3A_86 : vector<16xf32>
        %scatter3A_465 = arith.constant 0 : i32
        %scatter3A_466 = arith.constant 0 : i32
        %scatter3A_467 = arith.constant 0 : i32
        %scatter3A_468 = tpu.memref_slice %arg5[%scatter3A_465, %scatter3A_466, %scatter3A_467] : memref<3x14x224xf32, #tpu.memory_space<vmem>> -> memref<1x14x224xf32, #tpu.memory_space<vmem>>
        %scatter3A_469 = tpu.memref_squeeze %scatter3A_468 : memref<1x14x224xf32, #tpu.memory_space<vmem>> -> memref<14x224xf32, #tpu.memory_space<vmem>>
        tpu.vector_store_idx %scatter3A_469[%add3A_236, %add3A_127], %mul3A_464 masked %and3A_463 {add = true} : memref<14x224xf32, #tpu.memory_space<vmem>>[vector<16xi32>, vector<16xi32>], vector<16xf32>, vector<16xi1>
        %mul3A_470 = arith.mulf %min3A_462, %gather3A_91 : vector<16xf32>
        %scatter3A_471 = arith.constant 1 : i32
        %scatter3A_472 = arith.constant 0 : i32
        %scatter3A_473 = arith.constant 0 : i32
        %scatter3A_474 = tpu.memref_slice %arg5[%scatter3A_471, %scatter3A_472, %scatter3A_473] : memref<3x14x224xf32, #tpu.memory_space<vmem>> -> memref<1x14x224xf32, #tpu.memory_space<vmem>>
        %scatter3A_475 = tpu.memref_squeeze %scatter3A_474 : memref<1x14x224xf32, #tpu.memory_space<vmem>> -> memref<14x224xf32, #tpu.memory_space<vmem>>
        tpu.vector_store_idx %scatter3A_475[%add3A_236, %add3A_127], %mul3A_470 masked %and3A_463 {add = true} : memref<14x224xf32, #tpu.memory_space<vmem>>[vector<16xi32>, vector<16xi32>], vector<16xf32>, vector<16xi1>
        %mul3A_476 = arith.mulf %min3A_462, %gather3A_96 : vector<16xf32>
        %scatter3A_477 = arith.constant 2 : i32
        %scatter3A_478 = arith.constant 0 : i32
        %scatter3A_479 = arith.constant 0 : i32
        %scatter3A_480 = tpu.memref_slice %arg5[%scatter3A_477, %scatter3A_478, %scatter3A_479] : memref<3x14x224xf32, #tpu.memory_space<vmem>> -> memref<1x14x224xf32, #tpu.memory_space<vmem>>
        %scatter3A_481 = tpu.memref_squeeze %scatter3A_480 : memref<1x14x224xf32, #tpu.memory_space<vmem>> -> memref<14x224xf32, #tpu.memory_space<vmem>>
        tpu.vector_store_idx %scatter3A_481[%add3A_236, %add3A_127], %mul3A_476 masked %and3A_463 {add = true} : memref<14x224xf32, #tpu.memory_space<vmem>>[vector<16xi32>, vector<16xi32>], vector<16xf32>, vector<16xi1>
        %add3A_482 = arith.constant -3 : i32
        %add3A_483 = vector.broadcast %add3A_482 : i32 to vector<16xi32>
        %add3A_484 = arith.addi %sub3A_100, %add3A_483 : vector<16xi32>
        %ge3A_485 = arith.constant 0 : i32
        %ge3A_486 = vector.broadcast %ge3A_485 : i32 to vector<16xi32>
        %ge3A_487 = arith.cmpi sge, %add3A_484, %ge3A_486 : vector<16xi32>
        %lt3A_488 = arith.constant 14 : i32
        %lt3A_489 = vector.broadcast %lt3A_488 : i32 to vector<16xi32>
        %lt3A_490 = arith.cmpi slt, %add3A_484, %lt3A_489 : vector<16xi32>
        %and3A_491 = arith.andi %ge3A_487, %lt3A_490 : vector<16xi1>
        %add3A_492 = arith.constant -3.000000e+00 : f32
        %add3A_493 = vector.broadcast %add3A_492 : f32 to vector<16xf32>
        %add3A_494 = arith.addf %gather3A_55, %add3A_493 : vector<16xf32>
        %mul3A_495 = arith.mulf %gather3A_76, %add3A_494 : vector<16xf32>
        %mul3A_496 = arith.mulf %gather3A_81, %add3A_494 : vector<16xf32>
        %mul3A_497 = arith.mulf %mul3A_496, %add3A_494 : vector<16xf32>
        %add3A_498 = arith.addf %mul3A_225, %mul3A_495 : vector<16xf32>
        %mul3A_499 = arith.mulf %add3A_498, %add3A_200 : vector<16xf32>
        %add3A_500 = arith.addf %mul3A_499, %mul3A_497 : vector<16xf32>
        %exp3A_501 = math.exp %add3A_500 : vector<16xf32>
        %min3A_502 = arith.constant 1.000000e+00 : f32
        %min3A_503 = vector.broadcast %min3A_502 : f32 to vector<16xf32>
        %min3A_504 = arith.minimumf %exp3A_501, %min3A_503 : vector<16xf32>
        %and3A_505 = arith.andi %and3A_491, %and3A_133 : vector<16xi1>
        %mul3A_506 = arith.mulf %min3A_504, %gather3A_86 : vector<16xf32>
        %scatter3A_507 = arith.constant 0 : i32
        %scatter3A_508 = arith.constant 0 : i32
        %scatter3A_509 = arith.constant 0 : i32
        %scatter3A_510 = tpu.memref_slice %arg5[%scatter3A_507, %scatter3A_508, %scatter3A_509] : memref<3x14x224xf32, #tpu.memory_space<vmem>> -> memref<1x14x224xf32, #tpu.memory_space<vmem>>
        %scatter3A_511 = tpu.memref_squeeze %scatter3A_510 : memref<1x14x224xf32, #tpu.memory_space<vmem>> -> memref<14x224xf32, #tpu.memory_space<vmem>>
        tpu.vector_store_idx %scatter3A_511[%add3A_484, %add3A_103], %mul3A_506 masked %and3A_505 {add = true} : memref<14x224xf32, #tpu.memory_space<vmem>>[vector<16xi32>, vector<16xi32>], vector<16xf32>, vector<16xi1>
        %mul3A_512 = arith.mulf %min3A_504, %gather3A_91 : vector<16xf32>
        %scatter3A_513 = arith.constant 1 : i32
        %scatter3A_514 = arith.constant 0 : i32
        %scatter3A_515 = arith.constant 0 : i32
        %scatter3A_516 = tpu.memref_slice %arg5[%scatter3A_513, %scatter3A_514, %scatter3A_515] : memref<3x14x224xf32, #tpu.memory_space<vmem>> -> memref<1x14x224xf32, #tpu.memory_space<vmem>>
        %scatter3A_517 = tpu.memref_squeeze %scatter3A_516 : memref<1x14x224xf32, #tpu.memory_space<vmem>> -> memref<14x224xf32, #tpu.memory_space<vmem>>
        tpu.vector_store_idx %scatter3A_517[%add3A_484, %add3A_103], %mul3A_512 masked %and3A_505 {add = true} : memref<14x224xf32, #tpu.memory_space<vmem>>[vector<16xi32>, vector<16xi32>], vector<16xf32>, vector<16xi1>
        %mul3A_518 = arith.mulf %min3A_504, %gather3A_96 : vector<16xf32>
        %scatter3A_519 = arith.constant 2 : i32
        %scatter3A_520 = arith.constant 0 : i32
        %scatter3A_521 = arith.constant 0 : i32
        %scatter3A_522 = tpu.memref_slice %arg5[%scatter3A_519, %scatter3A_520, %scatter3A_521] : memref<3x14x224xf32, #tpu.memory_space<vmem>> -> memref<1x14x224xf32, #tpu.memory_space<vmem>>
        %scatter3A_523 = tpu.memref_squeeze %scatter3A_522 : memref<1x14x224xf32, #tpu.memory_space<vmem>> -> memref<14x224xf32, #tpu.memory_space<vmem>>
        tpu.vector_store_idx %scatter3A_523[%add3A_484, %add3A_103], %mul3A_518 masked %and3A_505 {add = true} : memref<14x224xf32, #tpu.memory_space<vmem>>[vector<16xi32>, vector<16xi32>], vector<16xf32>, vector<16xi1>
        %add3A_524 = arith.addf %mul3A_226, %mul3A_495 : vector<16xf32>
        %mul3A_525 = arith.mulf %add3A_524, %add3A_203 : vector<16xf32>
        %add3A_526 = arith.addf %mul3A_525, %mul3A_497 : vector<16xf32>
        %exp3A_527 = math.exp %add3A_526 : vector<16xf32>
        %min3A_528 = arith.constant 1.000000e+00 : f32
        %min3A_529 = vector.broadcast %min3A_528 : f32 to vector<16xf32>
        %min3A_530 = arith.minimumf %exp3A_527, %min3A_529 : vector<16xf32>
        %and3A_531 = arith.andi %and3A_491, %and3A_141 : vector<16xi1>
        %mul3A_532 = arith.mulf %min3A_530, %gather3A_86 : vector<16xf32>
        %scatter3A_533 = arith.constant 0 : i32
        %scatter3A_534 = arith.constant 0 : i32
        %scatter3A_535 = arith.constant 0 : i32
        %scatter3A_536 = tpu.memref_slice %arg5[%scatter3A_533, %scatter3A_534, %scatter3A_535] : memref<3x14x224xf32, #tpu.memory_space<vmem>> -> memref<1x14x224xf32, #tpu.memory_space<vmem>>
        %scatter3A_537 = tpu.memref_squeeze %scatter3A_536 : memref<1x14x224xf32, #tpu.memory_space<vmem>> -> memref<14x224xf32, #tpu.memory_space<vmem>>
        tpu.vector_store_idx %scatter3A_537[%add3A_484, %add3A_106], %mul3A_532 masked %and3A_531 {add = true} : memref<14x224xf32, #tpu.memory_space<vmem>>[vector<16xi32>, vector<16xi32>], vector<16xf32>, vector<16xi1>
        %mul3A_538 = arith.mulf %min3A_530, %gather3A_91 : vector<16xf32>
        %scatter3A_539 = arith.constant 1 : i32
        %scatter3A_540 = arith.constant 0 : i32
        %scatter3A_541 = arith.constant 0 : i32
        %scatter3A_542 = tpu.memref_slice %arg5[%scatter3A_539, %scatter3A_540, %scatter3A_541] : memref<3x14x224xf32, #tpu.memory_space<vmem>> -> memref<1x14x224xf32, #tpu.memory_space<vmem>>
        %scatter3A_543 = tpu.memref_squeeze %scatter3A_542 : memref<1x14x224xf32, #tpu.memory_space<vmem>> -> memref<14x224xf32, #tpu.memory_space<vmem>>
        tpu.vector_store_idx %scatter3A_543[%add3A_484, %add3A_106], %mul3A_538 masked %and3A_531 {add = true} : memref<14x224xf32, #tpu.memory_space<vmem>>[vector<16xi32>, vector<16xi32>], vector<16xf32>, vector<16xi1>
        %mul3A_544 = arith.mulf %min3A_530, %gather3A_96 : vector<16xf32>
        %scatter3A_545 = arith.constant 2 : i32
        %scatter3A_546 = arith.constant 0 : i32
        %scatter3A_547 = arith.constant 0 : i32
        %scatter3A_548 = tpu.memref_slice %arg5[%scatter3A_545, %scatter3A_546, %scatter3A_547] : memref<3x14x224xf32, #tpu.memory_space<vmem>> -> memref<1x14x224xf32, #tpu.memory_space<vmem>>
        %scatter3A_549 = tpu.memref_squeeze %scatter3A_548 : memref<1x14x224xf32, #tpu.memory_space<vmem>> -> memref<14x224xf32, #tpu.memory_space<vmem>>
        tpu.vector_store_idx %scatter3A_549[%add3A_484, %add3A_106], %mul3A_544 masked %and3A_531 {add = true} : memref<14x224xf32, #tpu.memory_space<vmem>>[vector<16xi32>, vector<16xi32>], vector<16xf32>, vector<16xi1>
        %add3A_550 = arith.addf %mul3A_227, %mul3A_495 : vector<16xf32>
        %mul3A_551 = arith.mulf %add3A_550, %add3A_206 : vector<16xf32>
        %add3A_552 = arith.addf %mul3A_551, %mul3A_497 : vector<16xf32>
        %exp3A_553 = math.exp %add3A_552 : vector<16xf32>
        %min3A_554 = arith.constant 1.000000e+00 : f32
        %min3A_555 = vector.broadcast %min3A_554 : f32 to vector<16xf32>
        %min3A_556 = arith.minimumf %exp3A_553, %min3A_555 : vector<16xf32>
        %and3A_557 = arith.andi %and3A_491, %and3A_149 : vector<16xi1>
        %mul3A_558 = arith.mulf %min3A_556, %gather3A_86 : vector<16xf32>
        %scatter3A_559 = arith.constant 0 : i32
        %scatter3A_560 = arith.constant 0 : i32
        %scatter3A_561 = arith.constant 0 : i32
        %scatter3A_562 = tpu.memref_slice %arg5[%scatter3A_559, %scatter3A_560, %scatter3A_561] : memref<3x14x224xf32, #tpu.memory_space<vmem>> -> memref<1x14x224xf32, #tpu.memory_space<vmem>>
        %scatter3A_563 = tpu.memref_squeeze %scatter3A_562 : memref<1x14x224xf32, #tpu.memory_space<vmem>> -> memref<14x224xf32, #tpu.memory_space<vmem>>
        tpu.vector_store_idx %scatter3A_563[%add3A_484, %add3A_109], %mul3A_558 masked %and3A_557 {add = true} : memref<14x224xf32, #tpu.memory_space<vmem>>[vector<16xi32>, vector<16xi32>], vector<16xf32>, vector<16xi1>
        %mul3A_564 = arith.mulf %min3A_556, %gather3A_91 : vector<16xf32>
        %scatter3A_565 = arith.constant 1 : i32
        %scatter3A_566 = arith.constant 0 : i32
        %scatter3A_567 = arith.constant 0 : i32
        %scatter3A_568 = tpu.memref_slice %arg5[%scatter3A_565, %scatter3A_566, %scatter3A_567] : memref<3x14x224xf32, #tpu.memory_space<vmem>> -> memref<1x14x224xf32, #tpu.memory_space<vmem>>
        %scatter3A_569 = tpu.memref_squeeze %scatter3A_568 : memref<1x14x224xf32, #tpu.memory_space<vmem>> -> memref<14x224xf32, #tpu.memory_space<vmem>>
        tpu.vector_store_idx %scatter3A_569[%add3A_484, %add3A_109], %mul3A_564 masked %and3A_557 {add = true} : memref<14x224xf32, #tpu.memory_space<vmem>>[vector<16xi32>, vector<16xi32>], vector<16xf32>, vector<16xi1>
        %mul3A_570 = arith.mulf %min3A_556, %gather3A_96 : vector<16xf32>
        %scatter3A_571 = arith.constant 2 : i32
        %scatter3A_572 = arith.constant 0 : i32
        %scatter3A_573 = arith.constant 0 : i32
        %scatter3A_574 = tpu.memref_slice %arg5[%scatter3A_571, %scatter3A_572, %scatter3A_573] : memref<3x14x224xf32, #tpu.memory_space<vmem>> -> memref<1x14x224xf32, #tpu.memory_space<vmem>>
        %scatter3A_575 = tpu.memref_squeeze %scatter3A_574 : memref<1x14x224xf32, #tpu.memory_space<vmem>> -> memref<14x224xf32, #tpu.memory_space<vmem>>
        tpu.vector_store_idx %scatter3A_575[%add3A_484, %add3A_109], %mul3A_570 masked %and3A_557 {add = true} : memref<14x224xf32, #tpu.memory_space<vmem>>[vector<16xi32>, vector<16xi32>], vector<16xf32>, vector<16xi1>
        %add3A_576 = arith.addf %mul3A_228, %mul3A_495 : vector<16xf32>
        %mul3A_577 = arith.mulf %add3A_576, %add3A_209 : vector<16xf32>
        %add3A_578 = arith.addf %mul3A_577, %mul3A_497 : vector<16xf32>
        %exp3A_579 = math.exp %add3A_578 : vector<16xf32>
        %min3A_580 = arith.constant 1.000000e+00 : f32
        %min3A_581 = vector.broadcast %min3A_580 : f32 to vector<16xf32>
        %min3A_582 = arith.minimumf %exp3A_579, %min3A_581 : vector<16xf32>
        %and3A_583 = arith.andi %and3A_491, %and3A_157 : vector<16xi1>
        %mul3A_584 = arith.mulf %min3A_582, %gather3A_86 : vector<16xf32>
        %scatter3A_585 = arith.constant 0 : i32
        %scatter3A_586 = arith.constant 0 : i32
        %scatter3A_587 = arith.constant 0 : i32
        %scatter3A_588 = tpu.memref_slice %arg5[%scatter3A_585, %scatter3A_586, %scatter3A_587] : memref<3x14x224xf32, #tpu.memory_space<vmem>> -> memref<1x14x224xf32, #tpu.memory_space<vmem>>
        %scatter3A_589 = tpu.memref_squeeze %scatter3A_588 : memref<1x14x224xf32, #tpu.memory_space<vmem>> -> memref<14x224xf32, #tpu.memory_space<vmem>>
        tpu.vector_store_idx %scatter3A_589[%add3A_484, %add3A_112], %mul3A_584 masked %and3A_583 {add = true} : memref<14x224xf32, #tpu.memory_space<vmem>>[vector<16xi32>, vector<16xi32>], vector<16xf32>, vector<16xi1>
        %mul3A_590 = arith.mulf %min3A_582, %gather3A_91 : vector<16xf32>
        %scatter3A_591 = arith.constant 1 : i32
        %scatter3A_592 = arith.constant 0 : i32
        %scatter3A_593 = arith.constant 0 : i32
        %scatter3A_594 = tpu.memref_slice %arg5[%scatter3A_591, %scatter3A_592, %scatter3A_593] : memref<3x14x224xf32, #tpu.memory_space<vmem>> -> memref<1x14x224xf32, #tpu.memory_space<vmem>>
        %scatter3A_595 = tpu.memref_squeeze %scatter3A_594 : memref<1x14x224xf32, #tpu.memory_space<vmem>> -> memref<14x224xf32, #tpu.memory_space<vmem>>
        tpu.vector_store_idx %scatter3A_595[%add3A_484, %add3A_112], %mul3A_590 masked %and3A_583 {add = true} : memref<14x224xf32, #tpu.memory_space<vmem>>[vector<16xi32>, vector<16xi32>], vector<16xf32>, vector<16xi1>
        %mul3A_596 = arith.mulf %min3A_582, %gather3A_96 : vector<16xf32>
        %scatter3A_597 = arith.constant 2 : i32
        %scatter3A_598 = arith.constant 0 : i32
        %scatter3A_599 = arith.constant 0 : i32
        %scatter3A_600 = tpu.memref_slice %arg5[%scatter3A_597, %scatter3A_598, %scatter3A_599] : memref<3x14x224xf32, #tpu.memory_space<vmem>> -> memref<1x14x224xf32, #tpu.memory_space<vmem>>
        %scatter3A_601 = tpu.memref_squeeze %scatter3A_600 : memref<1x14x224xf32, #tpu.memory_space<vmem>> -> memref<14x224xf32, #tpu.memory_space<vmem>>
        tpu.vector_store_idx %scatter3A_601[%add3A_484, %add3A_112], %mul3A_596 masked %and3A_583 {add = true} : memref<14x224xf32, #tpu.memory_space<vmem>>[vector<16xi32>, vector<16xi32>], vector<16xf32>, vector<16xi1>
        %add3A_602 = arith.addf %mul3A_229, %mul3A_495 : vector<16xf32>
        %mul3A_603 = arith.mulf %add3A_602, %add3A_212 : vector<16xf32>
        %add3A_604 = arith.addf %mul3A_603, %mul3A_497 : vector<16xf32>
        %exp3A_605 = math.exp %add3A_604 : vector<16xf32>
        %min3A_606 = arith.constant 1.000000e+00 : f32
        %min3A_607 = vector.broadcast %min3A_606 : f32 to vector<16xf32>
        %min3A_608 = arith.minimumf %exp3A_605, %min3A_607 : vector<16xf32>
        %and3A_609 = arith.andi %and3A_491, %and3A_165 : vector<16xi1>
        %mul3A_610 = arith.mulf %min3A_608, %gather3A_86 : vector<16xf32>
        %scatter3A_611 = arith.constant 0 : i32
        %scatter3A_612 = arith.constant 0 : i32
        %scatter3A_613 = arith.constant 0 : i32
        %scatter3A_614 = tpu.memref_slice %arg5[%scatter3A_611, %scatter3A_612, %scatter3A_613] : memref<3x14x224xf32, #tpu.memory_space<vmem>> -> memref<1x14x224xf32, #tpu.memory_space<vmem>>
        %scatter3A_615 = tpu.memref_squeeze %scatter3A_614 : memref<1x14x224xf32, #tpu.memory_space<vmem>> -> memref<14x224xf32, #tpu.memory_space<vmem>>
        tpu.vector_store_idx %scatter3A_615[%add3A_484, %add3A_115], %mul3A_610 masked %and3A_609 {add = true} : memref<14x224xf32, #tpu.memory_space<vmem>>[vector<16xi32>, vector<16xi32>], vector<16xf32>, vector<16xi1>
        %mul3A_616 = arith.mulf %min3A_608, %gather3A_91 : vector<16xf32>
        %scatter3A_617 = arith.constant 1 : i32
        %scatter3A_618 = arith.constant 0 : i32
        %scatter3A_619 = arith.constant 0 : i32
        %scatter3A_620 = tpu.memref_slice %arg5[%scatter3A_617, %scatter3A_618, %scatter3A_619] : memref<3x14x224xf32, #tpu.memory_space<vmem>> -> memref<1x14x224xf32, #tpu.memory_space<vmem>>
        %scatter3A_621 = tpu.memref_squeeze %scatter3A_620 : memref<1x14x224xf32, #tpu.memory_space<vmem>> -> memref<14x224xf32, #tpu.memory_space<vmem>>
        tpu.vector_store_idx %scatter3A_621[%add3A_484, %add3A_115], %mul3A_616 masked %and3A_609 {add = true} : memref<14x224xf32, #tpu.memory_space<vmem>>[vector<16xi32>, vector<16xi32>], vector<16xf32>, vector<16xi1>
        %mul3A_622 = arith.mulf %min3A_608, %gather3A_96 : vector<16xf32>
        %scatter3A_623 = arith.constant 2 : i32
        %scatter3A_624 = arith.constant 0 : i32
        %scatter3A_625 = arith.constant 0 : i32
        %scatter3A_626 = tpu.memref_slice %arg5[%scatter3A_623, %scatter3A_624, %scatter3A_625] : memref<3x14x224xf32, #tpu.memory_space<vmem>> -> memref<1x14x224xf32, #tpu.memory_space<vmem>>
        %scatter3A_627 = tpu.memref_squeeze %scatter3A_626 : memref<1x14x224xf32, #tpu.memory_space<vmem>> -> memref<14x224xf32, #tpu.memory_space<vmem>>
        tpu.vector_store_idx %scatter3A_627[%add3A_484, %add3A_115], %mul3A_622 masked %and3A_609 {add = true} : memref<14x224xf32, #tpu.memory_space<vmem>>[vector<16xi32>, vector<16xi32>], vector<16xf32>, vector<16xi1>
        %add3A_628 = arith.addf %mul3A_230, %mul3A_495 : vector<16xf32>
        %mul3A_629 = arith.mulf %add3A_628, %add3A_215 : vector<16xf32>
        %add3A_630 = arith.addf %mul3A_629, %mul3A_497 : vector<16xf32>
        %exp3A_631 = math.exp %add3A_630 : vector<16xf32>
        %min3A_632 = arith.constant 1.000000e+00 : f32
        %min3A_633 = vector.broadcast %min3A_632 : f32 to vector<16xf32>
        %min3A_634 = arith.minimumf %exp3A_631, %min3A_633 : vector<16xf32>
        %and3A_635 = arith.andi %and3A_491, %and3A_173 : vector<16xi1>
        %mul3A_636 = arith.mulf %min3A_634, %gather3A_86 : vector<16xf32>
        %scatter3A_637 = arith.constant 0 : i32
        %scatter3A_638 = arith.constant 0 : i32
        %scatter3A_639 = arith.constant 0 : i32
        %scatter3A_640 = tpu.memref_slice %arg5[%scatter3A_637, %scatter3A_638, %scatter3A_639] : memref<3x14x224xf32, #tpu.memory_space<vmem>> -> memref<1x14x224xf32, #tpu.memory_space<vmem>>
        %scatter3A_641 = tpu.memref_squeeze %scatter3A_640 : memref<1x14x224xf32, #tpu.memory_space<vmem>> -> memref<14x224xf32, #tpu.memory_space<vmem>>
        tpu.vector_store_idx %scatter3A_641[%add3A_484, %add3A_118], %mul3A_636 masked %and3A_635 {add = true} : memref<14x224xf32, #tpu.memory_space<vmem>>[vector<16xi32>, vector<16xi32>], vector<16xf32>, vector<16xi1>
        %mul3A_642 = arith.mulf %min3A_634, %gather3A_91 : vector<16xf32>
        %scatter3A_643 = arith.constant 1 : i32
        %scatter3A_644 = arith.constant 0 : i32
        %scatter3A_645 = arith.constant 0 : i32
        %scatter3A_646 = tpu.memref_slice %arg5[%scatter3A_643, %scatter3A_644, %scatter3A_645] : memref<3x14x224xf32, #tpu.memory_space<vmem>> -> memref<1x14x224xf32, #tpu.memory_space<vmem>>
        %scatter3A_647 = tpu.memref_squeeze %scatter3A_646 : memref<1x14x224xf32, #tpu.memory_space<vmem>> -> memref<14x224xf32, #tpu.memory_space<vmem>>
        tpu.vector_store_idx %scatter3A_647[%add3A_484, %add3A_118], %mul3A_642 masked %and3A_635 {add = true} : memref<14x224xf32, #tpu.memory_space<vmem>>[vector<16xi32>, vector<16xi32>], vector<16xf32>, vector<16xi1>
        %mul3A_648 = arith.mulf %min3A_634, %gather3A_96 : vector<16xf32>
        %scatter3A_649 = arith.constant 2 : i32
        %scatter3A_650 = arith.constant 0 : i32
        %scatter3A_651 = arith.constant 0 : i32
        %scatter3A_652 = tpu.memref_slice %arg5[%scatter3A_649, %scatter3A_650, %scatter3A_651] : memref<3x14x224xf32, #tpu.memory_space<vmem>> -> memref<1x14x224xf32, #tpu.memory_space<vmem>>
        %scatter3A_653 = tpu.memref_squeeze %scatter3A_652 : memref<1x14x224xf32, #tpu.memory_space<vmem>> -> memref<14x224xf32, #tpu.memory_space<vmem>>
        tpu.vector_store_idx %scatter3A_653[%add3A_484, %add3A_118], %mul3A_648 masked %and3A_635 {add = true} : memref<14x224xf32, #tpu.memory_space<vmem>>[vector<16xi32>, vector<16xi32>], vector<16xf32>, vector<16xi1>
        %add3A_654 = arith.addf %mul3A_231, %mul3A_495 : vector<16xf32>
        %mul3A_655 = arith.mulf %add3A_654, %add3A_218 : vector<16xf32>
        %add3A_656 = arith.addf %mul3A_655, %mul3A_497 : vector<16xf32>
        %exp3A_657 = math.exp %add3A_656 : vector<16xf32>
        %min3A_658 = arith.constant 1.000000e+00 : f32
        %min3A_659 = vector.broadcast %min3A_658 : f32 to vector<16xf32>
        %min3A_660 = arith.minimumf %exp3A_657, %min3A_659 : vector<16xf32>
        %and3A_661 = arith.andi %and3A_491, %and3A_181 : vector<16xi1>
        %mul3A_662 = arith.mulf %min3A_660, %gather3A_86 : vector<16xf32>
        %scatter3A_663 = arith.constant 0 : i32
        %scatter3A_664 = arith.constant 0 : i32
        %scatter3A_665 = arith.constant 0 : i32
        %scatter3A_666 = tpu.memref_slice %arg5[%scatter3A_663, %scatter3A_664, %scatter3A_665] : memref<3x14x224xf32, #tpu.memory_space<vmem>> -> memref<1x14x224xf32, #tpu.memory_space<vmem>>
        %scatter3A_667 = tpu.memref_squeeze %scatter3A_666 : memref<1x14x224xf32, #tpu.memory_space<vmem>> -> memref<14x224xf32, #tpu.memory_space<vmem>>
        tpu.vector_store_idx %scatter3A_667[%add3A_484, %add3A_121], %mul3A_662 masked %and3A_661 {add = true} : memref<14x224xf32, #tpu.memory_space<vmem>>[vector<16xi32>, vector<16xi32>], vector<16xf32>, vector<16xi1>
        %mul3A_668 = arith.mulf %min3A_660, %gather3A_91 : vector<16xf32>
        %scatter3A_669 = arith.constant 1 : i32
        %scatter3A_670 = arith.constant 0 : i32
        %scatter3A_671 = arith.constant 0 : i32
        %scatter3A_672 = tpu.memref_slice %arg5[%scatter3A_669, %scatter3A_670, %scatter3A_671] : memref<3x14x224xf32, #tpu.memory_space<vmem>> -> memref<1x14x224xf32, #tpu.memory_space<vmem>>
        %scatter3A_673 = tpu.memref_squeeze %scatter3A_672 : memref<1x14x224xf32, #tpu.memory_space<vmem>> -> memref<14x224xf32, #tpu.memory_space<vmem>>
        tpu.vector_store_idx %scatter3A_673[%add3A_484, %add3A_121], %mul3A_668 masked %and3A_661 {add = true} : memref<14x224xf32, #tpu.memory_space<vmem>>[vector<16xi32>, vector<16xi32>], vector<16xf32>, vector<16xi1>
        %mul3A_674 = arith.mulf %min3A_660, %gather3A_96 : vector<16xf32>
        %scatter3A_675 = arith.constant 2 : i32
        %scatter3A_676 = arith.constant 0 : i32
        %scatter3A_677 = arith.constant 0 : i32
        %scatter3A_678 = tpu.memref_slice %arg5[%scatter3A_675, %scatter3A_676, %scatter3A_677] : memref<3x14x224xf32, #tpu.memory_space<vmem>> -> memref<1x14x224xf32, #tpu.memory_space<vmem>>
        %scatter3A_679 = tpu.memref_squeeze %scatter3A_678 : memref<1x14x224xf32, #tpu.memory_space<vmem>> -> memref<14x224xf32, #tpu.memory_space<vmem>>
        tpu.vector_store_idx %scatter3A_679[%add3A_484, %add3A_121], %mul3A_674 masked %and3A_661 {add = true} : memref<14x224xf32, #tpu.memory_space<vmem>>[vector<16xi32>, vector<16xi32>], vector<16xf32>, vector<16xi1>
        %add3A_680 = arith.addf %mul3A_232, %mul3A_495 : vector<16xf32>
        %mul3A_681 = arith.mulf %add3A_680, %add3A_221 : vector<16xf32>
        %add3A_682 = arith.addf %mul3A_681, %mul3A_497 : vector<16xf32>
        %exp3A_683 = math.exp %add3A_682 : vector<16xf32>
        %min3A_684 = arith.constant 1.000000e+00 : f32
        %min3A_685 = vector.broadcast %min3A_684 : f32 to vector<16xf32>
        %min3A_686 = arith.minimumf %exp3A_683, %min3A_685 : vector<16xf32>
        %and3A_687 = arith.andi %and3A_491, %and3A_189 : vector<16xi1>
        %mul3A_688 = arith.mulf %min3A_686, %gather3A_86 : vector<16xf32>
        %scatter3A_689 = arith.constant 0 : i32
        %scatter3A_690 = arith.constant 0 : i32
        %scatter3A_691 = arith.constant 0 : i32
        %scatter3A_692 = tpu.memref_slice %arg5[%scatter3A_689, %scatter3A_690, %scatter3A_691] : memref<3x14x224xf32, #tpu.memory_space<vmem>> -> memref<1x14x224xf32, #tpu.memory_space<vmem>>
        %scatter3A_693 = tpu.memref_squeeze %scatter3A_692 : memref<1x14x224xf32, #tpu.memory_space<vmem>> -> memref<14x224xf32, #tpu.memory_space<vmem>>
        tpu.vector_store_idx %scatter3A_693[%add3A_484, %add3A_124], %mul3A_688 masked %and3A_687 {add = true} : memref<14x224xf32, #tpu.memory_space<vmem>>[vector<16xi32>, vector<16xi32>], vector<16xf32>, vector<16xi1>
        %mul3A_694 = arith.mulf %min3A_686, %gather3A_91 : vector<16xf32>
        %scatter3A_695 = arith.constant 1 : i32
        %scatter3A_696 = arith.constant 0 : i32
        %scatter3A_697 = arith.constant 0 : i32
        %scatter3A_698 = tpu.memref_slice %arg5[%scatter3A_695, %scatter3A_696, %scatter3A_697] : memref<3x14x224xf32, #tpu.memory_space<vmem>> -> memref<1x14x224xf32, #tpu.memory_space<vmem>>
        %scatter3A_699 = tpu.memref_squeeze %scatter3A_698 : memref<1x14x224xf32, #tpu.memory_space<vmem>> -> memref<14x224xf32, #tpu.memory_space<vmem>>
        tpu.vector_store_idx %scatter3A_699[%add3A_484, %add3A_124], %mul3A_694 masked %and3A_687 {add = true} : memref<14x224xf32, #tpu.memory_space<vmem>>[vector<16xi32>, vector<16xi32>], vector<16xf32>, vector<16xi1>
        %mul3A_700 = arith.mulf %min3A_686, %gather3A_96 : vector<16xf32>
        %scatter3A_701 = arith.constant 2 : i32
        %scatter3A_702 = arith.constant 0 : i32
        %scatter3A_703 = arith.constant 0 : i32
        %scatter3A_704 = tpu.memref_slice %arg5[%scatter3A_701, %scatter3A_702, %scatter3A_703] : memref<3x14x224xf32, #tpu.memory_space<vmem>> -> memref<1x14x224xf32, #tpu.memory_space<vmem>>
        %scatter3A_705 = tpu.memref_squeeze %scatter3A_704 : memref<1x14x224xf32, #tpu.memory_space<vmem>> -> memref<14x224xf32, #tpu.memory_space<vmem>>
        tpu.vector_store_idx %scatter3A_705[%add3A_484, %add3A_124], %mul3A_700 masked %and3A_687 {add = true} : memref<14x224xf32, #tpu.memory_space<vmem>>[vector<16xi32>, vector<16xi32>], vector<16xf32>, vector<16xi1>
        %add3A_706 = arith.addf %mul3A_233, %mul3A_495 : vector<16xf32>
        %mul3A_707 = arith.mulf %add3A_706, %add3A_224 : vector<16xf32>
        %add3A_708 = arith.addf %mul3A_707, %mul3A_497 : vector<16xf32>
        %exp3A_709 = math.exp %add3A_708 : vector<16xf32>
        %min3A_710 = arith.constant 1.000000e+00 : f32
        %min3A_711 = vector.broadcast %min3A_710 : f32 to vector<16xf32>
        %min3A_712 = arith.minimumf %exp3A_709, %min3A_711 : vector<16xf32>
        %and3A_713 = arith.andi %and3A_491, %and3A_197 : vector<16xi1>
        %mul3A_714 = arith.mulf %min3A_712, %gather3A_86 : vector<16xf32>
        %scatter3A_715 = arith.constant 0 : i32
        %scatter3A_716 = arith.constant 0 : i32
        %scatter3A_717 = arith.constant 0 : i32
        %scatter3A_718 = tpu.memref_slice %arg5[%scatter3A_715, %scatter3A_716, %scatter3A_717] : memref<3x14x224xf32, #tpu.memory_space<vmem>> -> memref<1x14x224xf32, #tpu.memory_space<vmem>>
        %scatter3A_719 = tpu.memref_squeeze %scatter3A_718 : memref<1x14x224xf32, #tpu.memory_space<vmem>> -> memref<14x224xf32, #tpu.memory_space<vmem>>
        tpu.vector_store_idx %scatter3A_719[%add3A_484, %add3A_127], %mul3A_714 masked %and3A_713 {add = true} : memref<14x224xf32, #tpu.memory_space<vmem>>[vector<16xi32>, vector<16xi32>], vector<16xf32>, vector<16xi1>
        %mul3A_720 = arith.mulf %min3A_712, %gather3A_91 : vector<16xf32>
        %scatter3A_721 = arith.constant 1 : i32
        %scatter3A_722 = arith.constant 0 : i32
        %scatter3A_723 = arith.constant 0 : i32
        %scatter3A_724 = tpu.memref_slice %arg5[%scatter3A_721, %scatter3A_722, %scatter3A_723] : memref<3x14x224xf32, #tpu.memory_space<vmem>> -> memref<1x14x224xf32, #tpu.memory_space<vmem>>
        %scatter3A_725 = tpu.memref_squeeze %scatter3A_724 : memref<1x14x224xf32, #tpu.memory_space<vmem>> -> memref<14x224xf32, #tpu.memory_space<vmem>>
        tpu.vector_store_idx %scatter3A_725[%add3A_484, %add3A_127], %mul3A_720 masked %and3A_713 {add = true} : memref<14x224xf32, #tpu.memory_space<vmem>>[vector<16xi32>, vector<16xi32>], vector<16xf32>, vector<16xi1>
        %mul3A_726 = arith.mulf %min3A_712, %gather3A_96 : vector<16xf32>
        %scatter3A_727 = arith.constant 2 : i32
        %scatter3A_728 = arith.constant 0 : i32
        %scatter3A_729 = arith.constant 0 : i32
        %scatter3A_730 = tpu.memref_slice %arg5[%scatter3A_727, %scatter3A_728, %scatter3A_729] : memref<3x14x224xf32, #tpu.memory_space<vmem>> -> memref<1x14x224xf32, #tpu.memory_space<vmem>>
        %scatter3A_731 = tpu.memref_squeeze %scatter3A_730 : memref<1x14x224xf32, #tpu.memory_space<vmem>> -> memref<14x224xf32, #tpu.memory_space<vmem>>
        tpu.vector_store_idx %scatter3A_731[%add3A_484, %add3A_127], %mul3A_726 masked %and3A_713 {add = true} : memref<14x224xf32, #tpu.memory_space<vmem>>[vector<16xi32>, vector<16xi32>], vector<16xf32>, vector<16xi1>
        %add3A_732 = arith.constant -2 : i32
        %add3A_733 = vector.broadcast %add3A_732 : i32 to vector<16xi32>
        %add3A_734 = arith.addi %sub3A_100, %add3A_733 : vector<16xi32>
        %ge3A_735 = arith.constant 0 : i32
        %ge3A_736 = vector.broadcast %ge3A_735 : i32 to vector<16xi32>
        %ge3A_737 = arith.cmpi sge, %add3A_734, %ge3A_736 : vector<16xi32>
        %lt3A_738 = arith.constant 14 : i32
        %lt3A_739 = vector.broadcast %lt3A_738 : i32 to vector<16xi32>
        %lt3A_740 = arith.cmpi slt, %add3A_734, %lt3A_739 : vector<16xi32>
        %and3A_741 = arith.andi %ge3A_737, %lt3A_740 : vector<16xi1>
        %add3A_742 = arith.constant -2.000000e+00 : f32
        %add3A_743 = vector.broadcast %add3A_742 : f32 to vector<16xf32>
        %add3A_744 = arith.addf %gather3A_55, %add3A_743 : vector<16xf32>
        %mul3A_745 = arith.mulf %gather3A_76, %add3A_744 : vector<16xf32>
        %mul3A_746 = arith.mulf %gather3A_81, %add3A_744 : vector<16xf32>
        %mul3A_747 = arith.mulf %mul3A_746, %add3A_744 : vector<16xf32>
        %add3A_748 = arith.addf %mul3A_225, %mul3A_745 : vector<16xf32>
        %mul3A_749 = arith.mulf %add3A_748, %add3A_200 : vector<16xf32>
        %add3A_750 = arith.addf %mul3A_749, %mul3A_747 : vector<16xf32>
        %exp3A_751 = math.exp %add3A_750 : vector<16xf32>
        %min3A_752 = arith.constant 1.000000e+00 : f32
        %min3A_753 = vector.broadcast %min3A_752 : f32 to vector<16xf32>
        %min3A_754 = arith.minimumf %exp3A_751, %min3A_753 : vector<16xf32>
        %and3A_755 = arith.andi %and3A_741, %and3A_133 : vector<16xi1>
        %mul3A_756 = arith.mulf %min3A_754, %gather3A_86 : vector<16xf32>
        %scatter3A_757 = arith.constant 0 : i32
        %scatter3A_758 = arith.constant 0 : i32
        %scatter3A_759 = arith.constant 0 : i32
        %scatter3A_760 = tpu.memref_slice %arg5[%scatter3A_757, %scatter3A_758, %scatter3A_759] : memref<3x14x224xf32, #tpu.memory_space<vmem>> -> memref<1x14x224xf32, #tpu.memory_space<vmem>>
        %scatter3A_761 = tpu.memref_squeeze %scatter3A_760 : memref<1x14x224xf32, #tpu.memory_space<vmem>> -> memref<14x224xf32, #tpu.memory_space<vmem>>
        tpu.vector_store_idx %scatter3A_761[%add3A_734, %add3A_103], %mul3A_756 masked %and3A_755 {add = true} : memref<14x224xf32, #tpu.memory_space<vmem>>[vector<16xi32>, vector<16xi32>], vector<16xf32>, vector<16xi1>
        %mul3A_762 = arith.mulf %min3A_754, %gather3A_91 : vector<16xf32>
        %scatter3A_763 = arith.constant 1 : i32
        %scatter3A_764 = arith.constant 0 : i32
        %scatter3A_765 = arith.constant 0 : i32
        %scatter3A_766 = tpu.memref_slice %arg5[%scatter3A_763, %scatter3A_764, %scatter3A_765] : memref<3x14x224xf32, #tpu.memory_space<vmem>> -> memref<1x14x224xf32, #tpu.memory_space<vmem>>
        %scatter3A_767 = tpu.memref_squeeze %scatter3A_766 : memref<1x14x224xf32, #tpu.memory_space<vmem>> -> memref<14x224xf32, #tpu.memory_space<vmem>>
        tpu.vector_store_idx %scatter3A_767[%add3A_734, %add3A_103], %mul3A_762 masked %and3A_755 {add = true} : memref<14x224xf32, #tpu.memory_space<vmem>>[vector<16xi32>, vector<16xi32>], vector<16xf32>, vector<16xi1>
        %mul3A_768 = arith.mulf %min3A_754, %gather3A_96 : vector<16xf32>
        %scatter3A_769 = arith.constant 2 : i32
        %scatter3A_770 = arith.constant 0 : i32
        %scatter3A_771 = arith.constant 0 : i32
        %scatter3A_772 = tpu.memref_slice %arg5[%scatter3A_769, %scatter3A_770, %scatter3A_771] : memref<3x14x224xf32, #tpu.memory_space<vmem>> -> memref<1x14x224xf32, #tpu.memory_space<vmem>>
        %scatter3A_773 = tpu.memref_squeeze %scatter3A_772 : memref<1x14x224xf32, #tpu.memory_space<vmem>> -> memref<14x224xf32, #tpu.memory_space<vmem>>
        tpu.vector_store_idx %scatter3A_773[%add3A_734, %add3A_103], %mul3A_768 masked %and3A_755 {add = true} : memref<14x224xf32, #tpu.memory_space<vmem>>[vector<16xi32>, vector<16xi32>], vector<16xf32>, vector<16xi1>
        %add3A_774 = arith.addf %mul3A_226, %mul3A_745 : vector<16xf32>
        %mul3A_775 = arith.mulf %add3A_774, %add3A_203 : vector<16xf32>
        %add3A_776 = arith.addf %mul3A_775, %mul3A_747 : vector<16xf32>
        %exp3A_777 = math.exp %add3A_776 : vector<16xf32>
        %min3A_778 = arith.constant 1.000000e+00 : f32
        %min3A_779 = vector.broadcast %min3A_778 : f32 to vector<16xf32>
        %min3A_780 = arith.minimumf %exp3A_777, %min3A_779 : vector<16xf32>
        %and3A_781 = arith.andi %and3A_741, %and3A_141 : vector<16xi1>
        %mul3A_782 = arith.mulf %min3A_780, %gather3A_86 : vector<16xf32>
        %scatter3A_783 = arith.constant 0 : i32
        %scatter3A_784 = arith.constant 0 : i32
        %scatter3A_785 = arith.constant 0 : i32
        %scatter3A_786 = tpu.memref_slice %arg5[%scatter3A_783, %scatter3A_784, %scatter3A_785] : memref<3x14x224xf32, #tpu.memory_space<vmem>> -> memref<1x14x224xf32, #tpu.memory_space<vmem>>
        %scatter3A_787 = tpu.memref_squeeze %scatter3A_786 : memref<1x14x224xf32, #tpu.memory_space<vmem>> -> memref<14x224xf32, #tpu.memory_space<vmem>>
        tpu.vector_store_idx %scatter3A_787[%add3A_734, %add3A_106], %mul3A_782 masked %and3A_781 {add = true} : memref<14x224xf32, #tpu.memory_space<vmem>>[vector<16xi32>, vector<16xi32>], vector<16xf32>, vector<16xi1>
        %mul3A_788 = arith.mulf %min3A_780, %gather3A_91 : vector<16xf32>
        %scatter3A_789 = arith.constant 1 : i32
        %scatter3A_790 = arith.constant 0 : i32
        %scatter3A_791 = arith.constant 0 : i32
        %scatter3A_792 = tpu.memref_slice %arg5[%scatter3A_789, %scatter3A_790, %scatter3A_791] : memref<3x14x224xf32, #tpu.memory_space<vmem>> -> memref<1x14x224xf32, #tpu.memory_space<vmem>>
        %scatter3A_793 = tpu.memref_squeeze %scatter3A_792 : memref<1x14x224xf32, #tpu.memory_space<vmem>> -> memref<14x224xf32, #tpu.memory_space<vmem>>
        tpu.vector_store_idx %scatter3A_793[%add3A_734, %add3A_106], %mul3A_788 masked %and3A_781 {add = true} : memref<14x224xf32, #tpu.memory_space<vmem>>[vector<16xi32>, vector<16xi32>], vector<16xf32>, vector<16xi1>
        %mul3A_794 = arith.mulf %min3A_780, %gather3A_96 : vector<16xf32>
        %scatter3A_795 = arith.constant 2 : i32
        %scatter3A_796 = arith.constant 0 : i32
        %scatter3A_797 = arith.constant 0 : i32
        %scatter3A_798 = tpu.memref_slice %arg5[%scatter3A_795, %scatter3A_796, %scatter3A_797] : memref<3x14x224xf32, #tpu.memory_space<vmem>> -> memref<1x14x224xf32, #tpu.memory_space<vmem>>
        %scatter3A_799 = tpu.memref_squeeze %scatter3A_798 : memref<1x14x224xf32, #tpu.memory_space<vmem>> -> memref<14x224xf32, #tpu.memory_space<vmem>>
        tpu.vector_store_idx %scatter3A_799[%add3A_734, %add3A_106], %mul3A_794 masked %and3A_781 {add = true} : memref<14x224xf32, #tpu.memory_space<vmem>>[vector<16xi32>, vector<16xi32>], vector<16xf32>, vector<16xi1>
        %add3A_800 = arith.addf %mul3A_227, %mul3A_745 : vector<16xf32>
        %mul3A_801 = arith.mulf %add3A_800, %add3A_206 : vector<16xf32>
        %add3A_802 = arith.addf %mul3A_801, %mul3A_747 : vector<16xf32>
        %exp3A_803 = math.exp %add3A_802 : vector<16xf32>
        %min3A_804 = arith.constant 1.000000e+00 : f32
        %min3A_805 = vector.broadcast %min3A_804 : f32 to vector<16xf32>
        %min3A_806 = arith.minimumf %exp3A_803, %min3A_805 : vector<16xf32>
        %and3A_807 = arith.andi %and3A_741, %and3A_149 : vector<16xi1>
        %mul3A_808 = arith.mulf %min3A_806, %gather3A_86 : vector<16xf32>
        %scatter3A_809 = arith.constant 0 : i32
        %scatter3A_810 = arith.constant 0 : i32
        %scatter3A_811 = arith.constant 0 : i32
        %scatter3A_812 = tpu.memref_slice %arg5[%scatter3A_809, %scatter3A_810, %scatter3A_811] : memref<3x14x224xf32, #tpu.memory_space<vmem>> -> memref<1x14x224xf32, #tpu.memory_space<vmem>>
        %scatter3A_813 = tpu.memref_squeeze %scatter3A_812 : memref<1x14x224xf32, #tpu.memory_space<vmem>> -> memref<14x224xf32, #tpu.memory_space<vmem>>
        tpu.vector_store_idx %scatter3A_813[%add3A_734, %add3A_109], %mul3A_808 masked %and3A_807 {add = true} : memref<14x224xf32, #tpu.memory_space<vmem>>[vector<16xi32>, vector<16xi32>], vector<16xf32>, vector<16xi1>
        %mul3A_814 = arith.mulf %min3A_806, %gather3A_91 : vector<16xf32>
        %scatter3A_815 = arith.constant 1 : i32
        %scatter3A_816 = arith.constant 0 : i32
        %scatter3A_817 = arith.constant 0 : i32
        %scatter3A_818 = tpu.memref_slice %arg5[%scatter3A_815, %scatter3A_816, %scatter3A_817] : memref<3x14x224xf32, #tpu.memory_space<vmem>> -> memref<1x14x224xf32, #tpu.memory_space<vmem>>
        %scatter3A_819 = tpu.memref_squeeze %scatter3A_818 : memref<1x14x224xf32, #tpu.memory_space<vmem>> -> memref<14x224xf32, #tpu.memory_space<vmem>>
        tpu.vector_store_idx %scatter3A_819[%add3A_734, %add3A_109], %mul3A_814 masked %and3A_807 {add = true} : memref<14x224xf32, #tpu.memory_space<vmem>>[vector<16xi32>, vector<16xi32>], vector<16xf32>, vector<16xi1>
        %mul3A_820 = arith.mulf %min3A_806, %gather3A_96 : vector<16xf32>
        %scatter3A_821 = arith.constant 2 : i32
        %scatter3A_822 = arith.constant 0 : i32
        %scatter3A_823 = arith.constant 0 : i32
        %scatter3A_824 = tpu.memref_slice %arg5[%scatter3A_821, %scatter3A_822, %scatter3A_823] : memref<3x14x224xf32, #tpu.memory_space<vmem>> -> memref<1x14x224xf32, #tpu.memory_space<vmem>>
        %scatter3A_825 = tpu.memref_squeeze %scatter3A_824 : memref<1x14x224xf32, #tpu.memory_space<vmem>> -> memref<14x224xf32, #tpu.memory_space<vmem>>
        tpu.vector_store_idx %scatter3A_825[%add3A_734, %add3A_109], %mul3A_820 masked %and3A_807 {add = true} : memref<14x224xf32, #tpu.memory_space<vmem>>[vector<16xi32>, vector<16xi32>], vector<16xf32>, vector<16xi1>
        %add3A_826 = arith.addf %mul3A_228, %mul3A_745 : vector<16xf32>
        %mul3A_827 = arith.mulf %add3A_826, %add3A_209 : vector<16xf32>
        %add3A_828 = arith.addf %mul3A_827, %mul3A_747 : vector<16xf32>
        %exp3A_829 = math.exp %add3A_828 : vector<16xf32>
        %min3A_830 = arith.constant 1.000000e+00 : f32
        %min3A_831 = vector.broadcast %min3A_830 : f32 to vector<16xf32>
        %min3A_832 = arith.minimumf %exp3A_829, %min3A_831 : vector<16xf32>
        %and3A_833 = arith.andi %and3A_741, %and3A_157 : vector<16xi1>
        %mul3A_834 = arith.mulf %min3A_832, %gather3A_86 : vector<16xf32>
        %scatter3A_835 = arith.constant 0 : i32
        %scatter3A_836 = arith.constant 0 : i32
        %scatter3A_837 = arith.constant 0 : i32
        %scatter3A_838 = tpu.memref_slice %arg5[%scatter3A_835, %scatter3A_836, %scatter3A_837] : memref<3x14x224xf32, #tpu.memory_space<vmem>> -> memref<1x14x224xf32, #tpu.memory_space<vmem>>
        %scatter3A_839 = tpu.memref_squeeze %scatter3A_838 : memref<1x14x224xf32, #tpu.memory_space<vmem>> -> memref<14x224xf32, #tpu.memory_space<vmem>>
        tpu.vector_store_idx %scatter3A_839[%add3A_734, %add3A_112], %mul3A_834 masked %and3A_833 {add = true} : memref<14x224xf32, #tpu.memory_space<vmem>>[vector<16xi32>, vector<16xi32>], vector<16xf32>, vector<16xi1>
        %mul3A_840 = arith.mulf %min3A_832, %gather3A_91 : vector<16xf32>
        %scatter3A_841 = arith.constant 1 : i32
        %scatter3A_842 = arith.constant 0 : i32
        %scatter3A_843 = arith.constant 0 : i32
        %scatter3A_844 = tpu.memref_slice %arg5[%scatter3A_841, %scatter3A_842, %scatter3A_843] : memref<3x14x224xf32, #tpu.memory_space<vmem>> -> memref<1x14x224xf32, #tpu.memory_space<vmem>>
        %scatter3A_845 = tpu.memref_squeeze %scatter3A_844 : memref<1x14x224xf32, #tpu.memory_space<vmem>> -> memref<14x224xf32, #tpu.memory_space<vmem>>
        tpu.vector_store_idx %scatter3A_845[%add3A_734, %add3A_112], %mul3A_840 masked %and3A_833 {add = true} : memref<14x224xf32, #tpu.memory_space<vmem>>[vector<16xi32>, vector<16xi32>], vector<16xf32>, vector<16xi1>
        %mul3A_846 = arith.mulf %min3A_832, %gather3A_96 : vector<16xf32>
        %scatter3A_847 = arith.constant 2 : i32
        %scatter3A_848 = arith.constant 0 : i32
        %scatter3A_849 = arith.constant 0 : i32
        %scatter3A_850 = tpu.memref_slice %arg5[%scatter3A_847, %scatter3A_848, %scatter3A_849] : memref<3x14x224xf32, #tpu.memory_space<vmem>> -> memref<1x14x224xf32, #tpu.memory_space<vmem>>
        %scatter3A_851 = tpu.memref_squeeze %scatter3A_850 : memref<1x14x224xf32, #tpu.memory_space<vmem>> -> memref<14x224xf32, #tpu.memory_space<vmem>>
        tpu.vector_store_idx %scatter3A_851[%add3A_734, %add3A_112], %mul3A_846 masked %and3A_833 {add = true} : memref<14x224xf32, #tpu.memory_space<vmem>>[vector<16xi32>, vector<16xi32>], vector<16xf32>, vector<16xi1>
        %add3A_852 = arith.addf %mul3A_229, %mul3A_745 : vector<16xf32>
        %mul3A_853 = arith.mulf %add3A_852, %add3A_212 : vector<16xf32>
        %add3A_854 = arith.addf %mul3A_853, %mul3A_747 : vector<16xf32>
        %exp3A_855 = math.exp %add3A_854 : vector<16xf32>
        %min3A_856 = arith.constant 1.000000e+00 : f32
        %min3A_857 = vector.broadcast %min3A_856 : f32 to vector<16xf32>
        %min3A_858 = arith.minimumf %exp3A_855, %min3A_857 : vector<16xf32>
        %and3A_859 = arith.andi %and3A_741, %and3A_165 : vector<16xi1>
        %mul3A_860 = arith.mulf %min3A_858, %gather3A_86 : vector<16xf32>
        %scatter3A_861 = arith.constant 0 : i32
        %scatter3A_862 = arith.constant 0 : i32
        %scatter3A_863 = arith.constant 0 : i32
        %scatter3A_864 = tpu.memref_slice %arg5[%scatter3A_861, %scatter3A_862, %scatter3A_863] : memref<3x14x224xf32, #tpu.memory_space<vmem>> -> memref<1x14x224xf32, #tpu.memory_space<vmem>>
        %scatter3A_865 = tpu.memref_squeeze %scatter3A_864 : memref<1x14x224xf32, #tpu.memory_space<vmem>> -> memref<14x224xf32, #tpu.memory_space<vmem>>
        tpu.vector_store_idx %scatter3A_865[%add3A_734, %add3A_115], %mul3A_860 masked %and3A_859 {add = true} : memref<14x224xf32, #tpu.memory_space<vmem>>[vector<16xi32>, vector<16xi32>], vector<16xf32>, vector<16xi1>
        %mul3A_866 = arith.mulf %min3A_858, %gather3A_91 : vector<16xf32>
        %scatter3A_867 = arith.constant 1 : i32
        %scatter3A_868 = arith.constant 0 : i32
        %scatter3A_869 = arith.constant 0 : i32
        %scatter3A_870 = tpu.memref_slice %arg5[%scatter3A_867, %scatter3A_868, %scatter3A_869] : memref<3x14x224xf32, #tpu.memory_space<vmem>> -> memref<1x14x224xf32, #tpu.memory_space<vmem>>
        %scatter3A_871 = tpu.memref_squeeze %scatter3A_870 : memref<1x14x224xf32, #tpu.memory_space<vmem>> -> memref<14x224xf32, #tpu.memory_space<vmem>>
        tpu.vector_store_idx %scatter3A_871[%add3A_734, %add3A_115], %mul3A_866 masked %and3A_859 {add = true} : memref<14x224xf32, #tpu.memory_space<vmem>>[vector<16xi32>, vector<16xi32>], vector<16xf32>, vector<16xi1>
        %mul3A_872 = arith.mulf %min3A_858, %gather3A_96 : vector<16xf32>
        %scatter3A_873 = arith.constant 2 : i32
        %scatter3A_874 = arith.constant 0 : i32
        %scatter3A_875 = arith.constant 0 : i32
        %scatter3A_876 = tpu.memref_slice %arg5[%scatter3A_873, %scatter3A_874, %scatter3A_875] : memref<3x14x224xf32, #tpu.memory_space<vmem>> -> memref<1x14x224xf32, #tpu.memory_space<vmem>>
        %scatter3A_877 = tpu.memref_squeeze %scatter3A_876 : memref<1x14x224xf32, #tpu.memory_space<vmem>> -> memref<14x224xf32, #tpu.memory_space<vmem>>
        tpu.vector_store_idx %scatter3A_877[%add3A_734, %add3A_115], %mul3A_872 masked %and3A_859 {add = true} : memref<14x224xf32, #tpu.memory_space<vmem>>[vector<16xi32>, vector<16xi32>], vector<16xf32>, vector<16xi1>
        %add3A_878 = arith.addf %mul3A_230, %mul3A_745 : vector<16xf32>
        %mul3A_879 = arith.mulf %add3A_878, %add3A_215 : vector<16xf32>
        %add3A_880 = arith.addf %mul3A_879, %mul3A_747 : vector<16xf32>
        %exp3A_881 = math.exp %add3A_880 : vector<16xf32>
        %min3A_882 = arith.constant 1.000000e+00 : f32
        %min3A_883 = vector.broadcast %min3A_882 : f32 to vector<16xf32>
        %min3A_884 = arith.minimumf %exp3A_881, %min3A_883 : vector<16xf32>
        %and3A_885 = arith.andi %and3A_741, %and3A_173 : vector<16xi1>
        %mul3A_886 = arith.mulf %min3A_884, %gather3A_86 : vector<16xf32>
        %scatter3A_887 = arith.constant 0 : i32
        %scatter3A_888 = arith.constant 0 : i32
        %scatter3A_889 = arith.constant 0 : i32
        %scatter3A_890 = tpu.memref_slice %arg5[%scatter3A_887, %scatter3A_888, %scatter3A_889] : memref<3x14x224xf32, #tpu.memory_space<vmem>> -> memref<1x14x224xf32, #tpu.memory_space<vmem>>
        %scatter3A_891 = tpu.memref_squeeze %scatter3A_890 : memref<1x14x224xf32, #tpu.memory_space<vmem>> -> memref<14x224xf32, #tpu.memory_space<vmem>>
        tpu.vector_store_idx %scatter3A_891[%add3A_734, %add3A_118], %mul3A_886 masked %and3A_885 {add = true} : memref<14x224xf32, #tpu.memory_space<vmem>>[vector<16xi32>, vector<16xi32>], vector<16xf32>, vector<16xi1>
        %mul3A_892 = arith.mulf %min3A_884, %gather3A_91 : vector<16xf32>
        %scatter3A_893 = arith.constant 1 : i32
        %scatter3A_894 = arith.constant 0 : i32
        %scatter3A_895 = arith.constant 0 : i32
        %scatter3A_896 = tpu.memref_slice %arg5[%scatter3A_893, %scatter3A_894, %scatter3A_895] : memref<3x14x224xf32, #tpu.memory_space<vmem>> -> memref<1x14x224xf32, #tpu.memory_space<vmem>>
        %scatter3A_897 = tpu.memref_squeeze %scatter3A_896 : memref<1x14x224xf32, #tpu.memory_space<vmem>> -> memref<14x224xf32, #tpu.memory_space<vmem>>
        tpu.vector_store_idx %scatter3A_897[%add3A_734, %add3A_118], %mul3A_892 masked %and3A_885 {add = true} : memref<14x224xf32, #tpu.memory_space<vmem>>[vector<16xi32>, vector<16xi32>], vector<16xf32>, vector<16xi1>
        %mul3A_898 = arith.mulf %min3A_884, %gather3A_96 : vector<16xf32>
        %scatter3A_899 = arith.constant 2 : i32
        %scatter3A_900 = arith.constant 0 : i32
        %scatter3A_901 = arith.constant 0 : i32
        %scatter3A_902 = tpu.memref_slice %arg5[%scatter3A_899, %scatter3A_900, %scatter3A_901] : memref<3x14x224xf32, #tpu.memory_space<vmem>> -> memref<1x14x224xf32, #tpu.memory_space<vmem>>
        %scatter3A_903 = tpu.memref_squeeze %scatter3A_902 : memref<1x14x224xf32, #tpu.memory_space<vmem>> -> memref<14x224xf32, #tpu.memory_space<vmem>>
        tpu.vector_store_idx %scatter3A_903[%add3A_734, %add3A_118], %mul3A_898 masked %and3A_885 {add = true} : memref<14x224xf32, #tpu.memory_space<vmem>>[vector<16xi32>, vector<16xi32>], vector<16xf32>, vector<16xi1>
        %add3A_904 = arith.addf %mul3A_231, %mul3A_745 : vector<16xf32>
        %mul3A_905 = arith.mulf %add3A_904, %add3A_218 : vector<16xf32>
        %add3A_906 = arith.addf %mul3A_905, %mul3A_747 : vector<16xf32>
        %exp3A_907 = math.exp %add3A_906 : vector<16xf32>
        %min3A_908 = arith.constant 1.000000e+00 : f32
        %min3A_909 = vector.broadcast %min3A_908 : f32 to vector<16xf32>
        %min3A_910 = arith.minimumf %exp3A_907, %min3A_909 : vector<16xf32>
        %and3A_911 = arith.andi %and3A_741, %and3A_181 : vector<16xi1>
        %mul3A_912 = arith.mulf %min3A_910, %gather3A_86 : vector<16xf32>
        %scatter3A_913 = arith.constant 0 : i32
        %scatter3A_914 = arith.constant 0 : i32
        %scatter3A_915 = arith.constant 0 : i32
        %scatter3A_916 = tpu.memref_slice %arg5[%scatter3A_913, %scatter3A_914, %scatter3A_915] : memref<3x14x224xf32, #tpu.memory_space<vmem>> -> memref<1x14x224xf32, #tpu.memory_space<vmem>>
        %scatter3A_917 = tpu.memref_squeeze %scatter3A_916 : memref<1x14x224xf32, #tpu.memory_space<vmem>> -> memref<14x224xf32, #tpu.memory_space<vmem>>
        tpu.vector_store_idx %scatter3A_917[%add3A_734, %add3A_121], %mul3A_912 masked %and3A_911 {add = true} : memref<14x224xf32, #tpu.memory_space<vmem>>[vector<16xi32>, vector<16xi32>], vector<16xf32>, vector<16xi1>
        %mul3A_918 = arith.mulf %min3A_910, %gather3A_91 : vector<16xf32>
        %scatter3A_919 = arith.constant 1 : i32
        %scatter3A_920 = arith.constant 0 : i32
        %scatter3A_921 = arith.constant 0 : i32
        %scatter3A_922 = tpu.memref_slice %arg5[%scatter3A_919, %scatter3A_920, %scatter3A_921] : memref<3x14x224xf32, #tpu.memory_space<vmem>> -> memref<1x14x224xf32, #tpu.memory_space<vmem>>
        %scatter3A_923 = tpu.memref_squeeze %scatter3A_922 : memref<1x14x224xf32, #tpu.memory_space<vmem>> -> memref<14x224xf32, #tpu.memory_space<vmem>>
        tpu.vector_store_idx %scatter3A_923[%add3A_734, %add3A_121], %mul3A_918 masked %and3A_911 {add = true} : memref<14x224xf32, #tpu.memory_space<vmem>>[vector<16xi32>, vector<16xi32>], vector<16xf32>, vector<16xi1>
        %mul3A_924 = arith.mulf %min3A_910, %gather3A_96 : vector<16xf32>
        %scatter3A_925 = arith.constant 2 : i32
        %scatter3A_926 = arith.constant 0 : i32
        %scatter3A_927 = arith.constant 0 : i32
        %scatter3A_928 = tpu.memref_slice %arg5[%scatter3A_925, %scatter3A_926, %scatter3A_927] : memref<3x14x224xf32, #tpu.memory_space<vmem>> -> memref<1x14x224xf32, #tpu.memory_space<vmem>>
        %scatter3A_929 = tpu.memref_squeeze %scatter3A_928 : memref<1x14x224xf32, #tpu.memory_space<vmem>> -> memref<14x224xf32, #tpu.memory_space<vmem>>
        tpu.vector_store_idx %scatter3A_929[%add3A_734, %add3A_121], %mul3A_924 masked %and3A_911 {add = true} : memref<14x224xf32, #tpu.memory_space<vmem>>[vector<16xi32>, vector<16xi32>], vector<16xf32>, vector<16xi1>
        %add3A_930 = arith.addf %mul3A_232, %mul3A_745 : vector<16xf32>
        %mul3A_931 = arith.mulf %add3A_930, %add3A_221 : vector<16xf32>
        %add3A_932 = arith.addf %mul3A_931, %mul3A_747 : vector<16xf32>
        %exp3A_933 = math.exp %add3A_932 : vector<16xf32>
        %min3A_934 = arith.constant 1.000000e+00 : f32
        %min3A_935 = vector.broadcast %min3A_934 : f32 to vector<16xf32>
        %min3A_936 = arith.minimumf %exp3A_933, %min3A_935 : vector<16xf32>
        %and3A_937 = arith.andi %and3A_741, %and3A_189 : vector<16xi1>
        %mul3A_938 = arith.mulf %min3A_936, %gather3A_86 : vector<16xf32>
        %scatter3A_939 = arith.constant 0 : i32
        %scatter3A_940 = arith.constant 0 : i32
        %scatter3A_941 = arith.constant 0 : i32
        %scatter3A_942 = tpu.memref_slice %arg5[%scatter3A_939, %scatter3A_940, %scatter3A_941] : memref<3x14x224xf32, #tpu.memory_space<vmem>> -> memref<1x14x224xf32, #tpu.memory_space<vmem>>
        %scatter3A_943 = tpu.memref_squeeze %scatter3A_942 : memref<1x14x224xf32, #tpu.memory_space<vmem>> -> memref<14x224xf32, #tpu.memory_space<vmem>>
        tpu.vector_store_idx %scatter3A_943[%add3A_734, %add3A_124], %mul3A_938 masked %and3A_937 {add = true} : memref<14x224xf32, #tpu.memory_space<vmem>>[vector<16xi32>, vector<16xi32>], vector<16xf32>, vector<16xi1>
        %mul3A_944 = arith.mulf %min3A_936, %gather3A_91 : vector<16xf32>
        %scatter3A_945 = arith.constant 1 : i32
        %scatter3A_946 = arith.constant 0 : i32
        %scatter3A_947 = arith.constant 0 : i32
        %scatter3A_948 = tpu.memref_slice %arg5[%scatter3A_945, %scatter3A_946, %scatter3A_947] : memref<3x14x224xf32, #tpu.memory_space<vmem>> -> memref<1x14x224xf32, #tpu.memory_space<vmem>>
        %scatter3A_949 = tpu.memref_squeeze %scatter3A_948 : memref<1x14x224xf32, #tpu.memory_space<vmem>> -> memref<14x224xf32, #tpu.memory_space<vmem>>
        tpu.vector_store_idx %scatter3A_949[%add3A_734, %add3A_124], %mul3A_944 masked %and3A_937 {add = true} : memref<14x224xf32, #tpu.memory_space<vmem>>[vector<16xi32>, vector<16xi32>], vector<16xf32>, vector<16xi1>
        %mul3A_950 = arith.mulf %min3A_936, %gather3A_96 : vector<16xf32>
        %scatter3A_951 = arith.constant 2 : i32
        %scatter3A_952 = arith.constant 0 : i32
        %scatter3A_953 = arith.constant 0 : i32
        %scatter3A_954 = tpu.memref_slice %arg5[%scatter3A_951, %scatter3A_952, %scatter3A_953] : memref<3x14x224xf32, #tpu.memory_space<vmem>> -> memref<1x14x224xf32, #tpu.memory_space<vmem>>
        %scatter3A_955 = tpu.memref_squeeze %scatter3A_954 : memref<1x14x224xf32, #tpu.memory_space<vmem>> -> memref<14x224xf32, #tpu.memory_space<vmem>>
        tpu.vector_store_idx %scatter3A_955[%add3A_734, %add3A_124], %mul3A_950 masked %and3A_937 {add = true} : memref<14x224xf32, #tpu.memory_space<vmem>>[vector<16xi32>, vector<16xi32>], vector<16xf32>, vector<16xi1>
        %add3A_956 = arith.addf %mul3A_233, %mul3A_745 : vector<16xf32>
        %mul3A_957 = arith.mulf %add3A_956, %add3A_224 : vector<16xf32>
        %add3A_958 = arith.addf %mul3A_957, %mul3A_747 : vector<16xf32>
        %exp3A_959 = math.exp %add3A_958 : vector<16xf32>
        %min3A_960 = arith.constant 1.000000e+00 : f32
        %min3A_961 = vector.broadcast %min3A_960 : f32 to vector<16xf32>
        %min3A_962 = arith.minimumf %exp3A_959, %min3A_961 : vector<16xf32>
        %and3A_963 = arith.andi %and3A_741, %and3A_197 : vector<16xi1>
        %mul3A_964 = arith.mulf %min3A_962, %gather3A_86 : vector<16xf32>
        %scatter3A_965 = arith.constant 0 : i32
        %scatter3A_966 = arith.constant 0 : i32
        %scatter3A_967 = arith.constant 0 : i32
        %scatter3A_968 = tpu.memref_slice %arg5[%scatter3A_965, %scatter3A_966, %scatter3A_967] : memref<3x14x224xf32, #tpu.memory_space<vmem>> -> memref<1x14x224xf32, #tpu.memory_space<vmem>>
        %scatter3A_969 = tpu.memref_squeeze %scatter3A_968 : memref<1x14x224xf32, #tpu.memory_space<vmem>> -> memref<14x224xf32, #tpu.memory_space<vmem>>
        tpu.vector_store_idx %scatter3A_969[%add3A_734, %add3A_127], %mul3A_964 masked %and3A_963 {add = true} : memref<14x224xf32, #tpu.memory_space<vmem>>[vector<16xi32>, vector<16xi32>], vector<16xf32>, vector<16xi1>
        %mul3A_970 = arith.mulf %min3A_962, %gather3A_91 : vector<16xf32>
        %scatter3A_971 = arith.constant 1 : i32
        %scatter3A_972 = arith.constant 0 : i32
        %scatter3A_973 = arith.constant 0 : i32
        %scatter3A_974 = tpu.memref_slice %arg5[%scatter3A_971, %scatter3A_972, %scatter3A_973] : memref<3x14x224xf32, #tpu.memory_space<vmem>> -> memref<1x14x224xf32, #tpu.memory_space<vmem>>
        %scatter3A_975 = tpu.memref_squeeze %scatter3A_974 : memref<1x14x224xf32, #tpu.memory_space<vmem>> -> memref<14x224xf32, #tpu.memory_space<vmem>>
        tpu.vector_store_idx %scatter3A_975[%add3A_734, %add3A_127], %mul3A_970 masked %and3A_963 {add = true} : memref<14x224xf32, #tpu.memory_space<vmem>>[vector<16xi32>, vector<16xi32>], vector<16xf32>, vector<16xi1>
        %mul3A_976 = arith.mulf %min3A_962, %gather3A_96 : vector<16xf32>
        %scatter3A_977 = arith.constant 2 : i32
        %scatter3A_978 = arith.constant 0 : i32
        %scatter3A_979 = arith.constant 0 : i32
        %scatter3A_980 = tpu.memref_slice %arg5[%scatter3A_977, %scatter3A_978, %scatter3A_979] : memref<3x14x224xf32, #tpu.memory_space<vmem>> -> memref<1x14x224xf32, #tpu.memory_space<vmem>>
        %scatter3A_981 = tpu.memref_squeeze %scatter3A_980 : memref<1x14x224xf32, #tpu.memory_space<vmem>> -> memref<14x224xf32, #tpu.memory_space<vmem>>
        tpu.vector_store_idx %scatter3A_981[%add3A_734, %add3A_127], %mul3A_976 masked %and3A_963 {add = true} : memref<14x224xf32, #tpu.memory_space<vmem>>[vector<16xi32>, vector<16xi32>], vector<16xf32>, vector<16xi1>
        %add3A_982 = arith.constant -1 : i32
        %add3A_983 = vector.broadcast %add3A_982 : i32 to vector<16xi32>
        %add3A_984 = arith.addi %sub3A_100, %add3A_983 : vector<16xi32>
        %ge3A_985 = arith.constant 0 : i32
        %ge3A_986 = vector.broadcast %ge3A_985 : i32 to vector<16xi32>
        %ge3A_987 = arith.cmpi sge, %add3A_984, %ge3A_986 : vector<16xi32>
        %lt3A_988 = arith.constant 14 : i32
        %lt3A_989 = vector.broadcast %lt3A_988 : i32 to vector<16xi32>
        %lt3A_990 = arith.cmpi slt, %add3A_984, %lt3A_989 : vector<16xi32>
        %and3A_991 = arith.andi %ge3A_987, %lt3A_990 : vector<16xi1>
        %add3A_992 = arith.constant -1.000000e+00 : f32
        %add3A_993 = vector.broadcast %add3A_992 : f32 to vector<16xf32>
        %add3A_994 = arith.addf %gather3A_55, %add3A_993 : vector<16xf32>
        %mul3A_995 = arith.mulf %gather3A_76, %add3A_994 : vector<16xf32>
        %mul3A_996 = arith.mulf %gather3A_81, %add3A_994 : vector<16xf32>
        %mul3A_997 = arith.mulf %mul3A_996, %add3A_994 : vector<16xf32>
        %add3A_998 = arith.addf %mul3A_225, %mul3A_995 : vector<16xf32>
        %mul3A_999 = arith.mulf %add3A_998, %add3A_200 : vector<16xf32>
        %add3A_1000 = arith.addf %mul3A_999, %mul3A_997 : vector<16xf32>
        %exp3A_1001 = math.exp %add3A_1000 : vector<16xf32>
        %min3A_1002 = arith.constant 1.000000e+00 : f32
        %min3A_1003 = vector.broadcast %min3A_1002 : f32 to vector<16xf32>
        %min3A_1004 = arith.minimumf %exp3A_1001, %min3A_1003 : vector<16xf32>
        %and3A_1005 = arith.andi %and3A_991, %and3A_133 : vector<16xi1>
        %mul3A_1006 = arith.mulf %min3A_1004, %gather3A_86 : vector<16xf32>
        %scatter3A_1007 = arith.constant 0 : i32
        %scatter3A_1008 = arith.constant 0 : i32
        %scatter3A_1009 = arith.constant 0 : i32
        %scatter3A_1010 = tpu.memref_slice %arg5[%scatter3A_1007, %scatter3A_1008, %scatter3A_1009] : memref<3x14x224xf32, #tpu.memory_space<vmem>> -> memref<1x14x224xf32, #tpu.memory_space<vmem>>
        %scatter3A_1011 = tpu.memref_squeeze %scatter3A_1010 : memref<1x14x224xf32, #tpu.memory_space<vmem>> -> memref<14x224xf32, #tpu.memory_space<vmem>>
        tpu.vector_store_idx %scatter3A_1011[%add3A_984, %add3A_103], %mul3A_1006 masked %and3A_1005 {add = true} : memref<14x224xf32, #tpu.memory_space<vmem>>[vector<16xi32>, vector<16xi32>], vector<16xf32>, vector<16xi1>
        %mul3A_1012 = arith.mulf %min3A_1004, %gather3A_91 : vector<16xf32>
        %scatter3A_1013 = arith.constant 1 : i32
        %scatter3A_1014 = arith.constant 0 : i32
        %scatter3A_1015 = arith.constant 0 : i32
        %scatter3A_1016 = tpu.memref_slice %arg5[%scatter3A_1013, %scatter3A_1014, %scatter3A_1015] : memref<3x14x224xf32, #tpu.memory_space<vmem>> -> memref<1x14x224xf32, #tpu.memory_space<vmem>>
        %scatter3A_1017 = tpu.memref_squeeze %scatter3A_1016 : memref<1x14x224xf32, #tpu.memory_space<vmem>> -> memref<14x224xf32, #tpu.memory_space<vmem>>
        tpu.vector_store_idx %scatter3A_1017[%add3A_984, %add3A_103], %mul3A_1012 masked %and3A_1005 {add = true} : memref<14x224xf32, #tpu.memory_space<vmem>>[vector<16xi32>, vector<16xi32>], vector<16xf32>, vector<16xi1>
        %mul3A_1018 = arith.mulf %min3A_1004, %gather3A_96 : vector<16xf32>
        %scatter3A_1019 = arith.constant 2 : i32
        %scatter3A_1020 = arith.constant 0 : i32
        %scatter3A_1021 = arith.constant 0 : i32
        %scatter3A_1022 = tpu.memref_slice %arg5[%scatter3A_1019, %scatter3A_1020, %scatter3A_1021] : memref<3x14x224xf32, #tpu.memory_space<vmem>> -> memref<1x14x224xf32, #tpu.memory_space<vmem>>
        %scatter3A_1023 = tpu.memref_squeeze %scatter3A_1022 : memref<1x14x224xf32, #tpu.memory_space<vmem>> -> memref<14x224xf32, #tpu.memory_space<vmem>>
        tpu.vector_store_idx %scatter3A_1023[%add3A_984, %add3A_103], %mul3A_1018 masked %and3A_1005 {add = true} : memref<14x224xf32, #tpu.memory_space<vmem>>[vector<16xi32>, vector<16xi32>], vector<16xf32>, vector<16xi1>
        %add3A_1024 = arith.addf %mul3A_226, %mul3A_995 : vector<16xf32>
        %mul3A_1025 = arith.mulf %add3A_1024, %add3A_203 : vector<16xf32>
        %add3A_1026 = arith.addf %mul3A_1025, %mul3A_997 : vector<16xf32>
        %exp3A_1027 = math.exp %add3A_1026 : vector<16xf32>
        %min3A_1028 = arith.constant 1.000000e+00 : f32
        %min3A_1029 = vector.broadcast %min3A_1028 : f32 to vector<16xf32>
        %min3A_1030 = arith.minimumf %exp3A_1027, %min3A_1029 : vector<16xf32>
        %and3A_1031 = arith.andi %and3A_991, %and3A_141 : vector<16xi1>
        %mul3A_1032 = arith.mulf %min3A_1030, %gather3A_86 : vector<16xf32>
        %scatter3A_1033 = arith.constant 0 : i32
        %scatter3A_1034 = arith.constant 0 : i32
        %scatter3A_1035 = arith.constant 0 : i32
        %scatter3A_1036 = tpu.memref_slice %arg5[%scatter3A_1033, %scatter3A_1034, %scatter3A_1035] : memref<3x14x224xf32, #tpu.memory_space<vmem>> -> memref<1x14x224xf32, #tpu.memory_space<vmem>>
        %scatter3A_1037 = tpu.memref_squeeze %scatter3A_1036 : memref<1x14x224xf32, #tpu.memory_space<vmem>> -> memref<14x224xf32, #tpu.memory_space<vmem>>
        tpu.vector_store_idx %scatter3A_1037[%add3A_984, %add3A_106], %mul3A_1032 masked %and3A_1031 {add = true} : memref<14x224xf32, #tpu.memory_space<vmem>>[vector<16xi32>, vector<16xi32>], vector<16xf32>, vector<16xi1>
        %mul3A_1038 = arith.mulf %min3A_1030, %gather3A_91 : vector<16xf32>
        %scatter3A_1039 = arith.constant 1 : i32
        %scatter3A_1040 = arith.constant 0 : i32
        %scatter3A_1041 = arith.constant 0 : i32
        %scatter3A_1042 = tpu.memref_slice %arg5[%scatter3A_1039, %scatter3A_1040, %scatter3A_1041] : memref<3x14x224xf32, #tpu.memory_space<vmem>> -> memref<1x14x224xf32, #tpu.memory_space<vmem>>
        %scatter3A_1043 = tpu.memref_squeeze %scatter3A_1042 : memref<1x14x224xf32, #tpu.memory_space<vmem>> -> memref<14x224xf32, #tpu.memory_space<vmem>>
        tpu.vector_store_idx %scatter3A_1043[%add3A_984, %add3A_106], %mul3A_1038 masked %and3A_1031 {add = true} : memref<14x224xf32, #tpu.memory_space<vmem>>[vector<16xi32>, vector<16xi32>], vector<16xf32>, vector<16xi1>
        %mul3A_1044 = arith.mulf %min3A_1030, %gather3A_96 : vector<16xf32>
        %scatter3A_1045 = arith.constant 2 : i32
        %scatter3A_1046 = arith.constant 0 : i32
        %scatter3A_1047 = arith.constant 0 : i32
        %scatter3A_1048 = tpu.memref_slice %arg5[%scatter3A_1045, %scatter3A_1046, %scatter3A_1047] : memref<3x14x224xf32, #tpu.memory_space<vmem>> -> memref<1x14x224xf32, #tpu.memory_space<vmem>>
        %scatter3A_1049 = tpu.memref_squeeze %scatter3A_1048 : memref<1x14x224xf32, #tpu.memory_space<vmem>> -> memref<14x224xf32, #tpu.memory_space<vmem>>
        tpu.vector_store_idx %scatter3A_1049[%add3A_984, %add3A_106], %mul3A_1044 masked %and3A_1031 {add = true} : memref<14x224xf32, #tpu.memory_space<vmem>>[vector<16xi32>, vector<16xi32>], vector<16xf32>, vector<16xi1>
        %add3A_1050 = arith.addf %mul3A_227, %mul3A_995 : vector<16xf32>
        %mul3A_1051 = arith.mulf %add3A_1050, %add3A_206 : vector<16xf32>
        %add3A_1052 = arith.addf %mul3A_1051, %mul3A_997 : vector<16xf32>
        %exp3A_1053 = math.exp %add3A_1052 : vector<16xf32>
        %min3A_1054 = arith.constant 1.000000e+00 : f32
        %min3A_1055 = vector.broadcast %min3A_1054 : f32 to vector<16xf32>
        %min3A_1056 = arith.minimumf %exp3A_1053, %min3A_1055 : vector<16xf32>
        %and3A_1057 = arith.andi %and3A_991, %and3A_149 : vector<16xi1>
        %mul3A_1058 = arith.mulf %min3A_1056, %gather3A_86 : vector<16xf32>
        %scatter3A_1059 = arith.constant 0 : i32
        %scatter3A_1060 = arith.constant 0 : i32
        %scatter3A_1061 = arith.constant 0 : i32
        %scatter3A_1062 = tpu.memref_slice %arg5[%scatter3A_1059, %scatter3A_1060, %scatter3A_1061] : memref<3x14x224xf32, #tpu.memory_space<vmem>> -> memref<1x14x224xf32, #tpu.memory_space<vmem>>
        %scatter3A_1063 = tpu.memref_squeeze %scatter3A_1062 : memref<1x14x224xf32, #tpu.memory_space<vmem>> -> memref<14x224xf32, #tpu.memory_space<vmem>>
        tpu.vector_store_idx %scatter3A_1063[%add3A_984, %add3A_109], %mul3A_1058 masked %and3A_1057 {add = true} : memref<14x224xf32, #tpu.memory_space<vmem>>[vector<16xi32>, vector<16xi32>], vector<16xf32>, vector<16xi1>
        %mul3A_1064 = arith.mulf %min3A_1056, %gather3A_91 : vector<16xf32>
        %scatter3A_1065 = arith.constant 1 : i32
        %scatter3A_1066 = arith.constant 0 : i32
        %scatter3A_1067 = arith.constant 0 : i32
        %scatter3A_1068 = tpu.memref_slice %arg5[%scatter3A_1065, %scatter3A_1066, %scatter3A_1067] : memref<3x14x224xf32, #tpu.memory_space<vmem>> -> memref<1x14x224xf32, #tpu.memory_space<vmem>>
        %scatter3A_1069 = tpu.memref_squeeze %scatter3A_1068 : memref<1x14x224xf32, #tpu.memory_space<vmem>> -> memref<14x224xf32, #tpu.memory_space<vmem>>
        tpu.vector_store_idx %scatter3A_1069[%add3A_984, %add3A_109], %mul3A_1064 masked %and3A_1057 {add = true} : memref<14x224xf32, #tpu.memory_space<vmem>>[vector<16xi32>, vector<16xi32>], vector<16xf32>, vector<16xi1>
        %mul3A_1070 = arith.mulf %min3A_1056, %gather3A_96 : vector<16xf32>
        %scatter3A_1071 = arith.constant 2 : i32
        %scatter3A_1072 = arith.constant 0 : i32
        %scatter3A_1073 = arith.constant 0 : i32
        %scatter3A_1074 = tpu.memref_slice %arg5[%scatter3A_1071, %scatter3A_1072, %scatter3A_1073] : memref<3x14x224xf32, #tpu.memory_space<vmem>> -> memref<1x14x224xf32, #tpu.memory_space<vmem>>
        %scatter3A_1075 = tpu.memref_squeeze %scatter3A_1074 : memref<1x14x224xf32, #tpu.memory_space<vmem>> -> memref<14x224xf32, #tpu.memory_space<vmem>>
        tpu.vector_store_idx %scatter3A_1075[%add3A_984, %add3A_109], %mul3A_1070 masked %and3A_1057 {add = true} : memref<14x224xf32, #tpu.memory_space<vmem>>[vector<16xi32>, vector<16xi32>], vector<16xf32>, vector<16xi1>
        %add3A_1076 = arith.addf %mul3A_228, %mul3A_995 : vector<16xf32>
        %mul3A_1077 = arith.mulf %add3A_1076, %add3A_209 : vector<16xf32>
        %add3A_1078 = arith.addf %mul3A_1077, %mul3A_997 : vector<16xf32>
        %exp3A_1079 = math.exp %add3A_1078 : vector<16xf32>
        %min3A_1080 = arith.constant 1.000000e+00 : f32
        %min3A_1081 = vector.broadcast %min3A_1080 : f32 to vector<16xf32>
        %min3A_1082 = arith.minimumf %exp3A_1079, %min3A_1081 : vector<16xf32>
        %and3A_1083 = arith.andi %and3A_991, %and3A_157 : vector<16xi1>
        %mul3A_1084 = arith.mulf %min3A_1082, %gather3A_86 : vector<16xf32>
        %scatter3A_1085 = arith.constant 0 : i32
        %scatter3A_1086 = arith.constant 0 : i32
        %scatter3A_1087 = arith.constant 0 : i32
        %scatter3A_1088 = tpu.memref_slice %arg5[%scatter3A_1085, %scatter3A_1086, %scatter3A_1087] : memref<3x14x224xf32, #tpu.memory_space<vmem>> -> memref<1x14x224xf32, #tpu.memory_space<vmem>>
        %scatter3A_1089 = tpu.memref_squeeze %scatter3A_1088 : memref<1x14x224xf32, #tpu.memory_space<vmem>> -> memref<14x224xf32, #tpu.memory_space<vmem>>
        tpu.vector_store_idx %scatter3A_1089[%add3A_984, %add3A_112], %mul3A_1084 masked %and3A_1083 {add = true} : memref<14x224xf32, #tpu.memory_space<vmem>>[vector<16xi32>, vector<16xi32>], vector<16xf32>, vector<16xi1>
        %mul3A_1090 = arith.mulf %min3A_1082, %gather3A_91 : vector<16xf32>
        %scatter3A_1091 = arith.constant 1 : i32
        %scatter3A_1092 = arith.constant 0 : i32
        %scatter3A_1093 = arith.constant 0 : i32
        %scatter3A_1094 = tpu.memref_slice %arg5[%scatter3A_1091, %scatter3A_1092, %scatter3A_1093] : memref<3x14x224xf32, #tpu.memory_space<vmem>> -> memref<1x14x224xf32, #tpu.memory_space<vmem>>
        %scatter3A_1095 = tpu.memref_squeeze %scatter3A_1094 : memref<1x14x224xf32, #tpu.memory_space<vmem>> -> memref<14x224xf32, #tpu.memory_space<vmem>>
        tpu.vector_store_idx %scatter3A_1095[%add3A_984, %add3A_112], %mul3A_1090 masked %and3A_1083 {add = true} : memref<14x224xf32, #tpu.memory_space<vmem>>[vector<16xi32>, vector<16xi32>], vector<16xf32>, vector<16xi1>
        %mul3A_1096 = arith.mulf %min3A_1082, %gather3A_96 : vector<16xf32>
        %scatter3A_1097 = arith.constant 2 : i32
        %scatter3A_1098 = arith.constant 0 : i32
        %scatter3A_1099 = arith.constant 0 : i32
        %scatter3A_1100 = tpu.memref_slice %arg5[%scatter3A_1097, %scatter3A_1098, %scatter3A_1099] : memref<3x14x224xf32, #tpu.memory_space<vmem>> -> memref<1x14x224xf32, #tpu.memory_space<vmem>>
        %scatter3A_1101 = tpu.memref_squeeze %scatter3A_1100 : memref<1x14x224xf32, #tpu.memory_space<vmem>> -> memref<14x224xf32, #tpu.memory_space<vmem>>
        tpu.vector_store_idx %scatter3A_1101[%add3A_984, %add3A_112], %mul3A_1096 masked %and3A_1083 {add = true} : memref<14x224xf32, #tpu.memory_space<vmem>>[vector<16xi32>, vector<16xi32>], vector<16xf32>, vector<16xi1>
        %add3A_1102 = arith.addf %mul3A_229, %mul3A_995 : vector<16xf32>
        %mul3A_1103 = arith.mulf %add3A_1102, %add3A_212 : vector<16xf32>
        %add3A_1104 = arith.addf %mul3A_1103, %mul3A_997 : vector<16xf32>
        %exp3A_1105 = math.exp %add3A_1104 : vector<16xf32>
        %min3A_1106 = arith.constant 1.000000e+00 : f32
        %min3A_1107 = vector.broadcast %min3A_1106 : f32 to vector<16xf32>
        %min3A_1108 = arith.minimumf %exp3A_1105, %min3A_1107 : vector<16xf32>
        %and3A_1109 = arith.andi %and3A_991, %and3A_165 : vector<16xi1>
        %mul3A_1110 = arith.mulf %min3A_1108, %gather3A_86 : vector<16xf32>
        %scatter3A_1111 = arith.constant 0 : i32
        %scatter3A_1112 = arith.constant 0 : i32
        %scatter3A_1113 = arith.constant 0 : i32
        %scatter3A_1114 = tpu.memref_slice %arg5[%scatter3A_1111, %scatter3A_1112, %scatter3A_1113] : memref<3x14x224xf32, #tpu.memory_space<vmem>> -> memref<1x14x224xf32, #tpu.memory_space<vmem>>
        %scatter3A_1115 = tpu.memref_squeeze %scatter3A_1114 : memref<1x14x224xf32, #tpu.memory_space<vmem>> -> memref<14x224xf32, #tpu.memory_space<vmem>>
        tpu.vector_store_idx %scatter3A_1115[%add3A_984, %add3A_115], %mul3A_1110 masked %and3A_1109 {add = true} : memref<14x224xf32, #tpu.memory_space<vmem>>[vector<16xi32>, vector<16xi32>], vector<16xf32>, vector<16xi1>
        %mul3A_1116 = arith.mulf %min3A_1108, %gather3A_91 : vector<16xf32>
        %scatter3A_1117 = arith.constant 1 : i32
        %scatter3A_1118 = arith.constant 0 : i32
        %scatter3A_1119 = arith.constant 0 : i32
        %scatter3A_1120 = tpu.memref_slice %arg5[%scatter3A_1117, %scatter3A_1118, %scatter3A_1119] : memref<3x14x224xf32, #tpu.memory_space<vmem>> -> memref<1x14x224xf32, #tpu.memory_space<vmem>>
        %scatter3A_1121 = tpu.memref_squeeze %scatter3A_1120 : memref<1x14x224xf32, #tpu.memory_space<vmem>> -> memref<14x224xf32, #tpu.memory_space<vmem>>
        tpu.vector_store_idx %scatter3A_1121[%add3A_984, %add3A_115], %mul3A_1116 masked %and3A_1109 {add = true} : memref<14x224xf32, #tpu.memory_space<vmem>>[vector<16xi32>, vector<16xi32>], vector<16xf32>, vector<16xi1>
        %mul3A_1122 = arith.mulf %min3A_1108, %gather3A_96 : vector<16xf32>
        %scatter3A_1123 = arith.constant 2 : i32
        %scatter3A_1124 = arith.constant 0 : i32
        %scatter3A_1125 = arith.constant 0 : i32
        %scatter3A_1126 = tpu.memref_slice %arg5[%scatter3A_1123, %scatter3A_1124, %scatter3A_1125] : memref<3x14x224xf32, #tpu.memory_space<vmem>> -> memref<1x14x224xf32, #tpu.memory_space<vmem>>
        %scatter3A_1127 = tpu.memref_squeeze %scatter3A_1126 : memref<1x14x224xf32, #tpu.memory_space<vmem>> -> memref<14x224xf32, #tpu.memory_space<vmem>>
        tpu.vector_store_idx %scatter3A_1127[%add3A_984, %add3A_115], %mul3A_1122 masked %and3A_1109 {add = true} : memref<14x224xf32, #tpu.memory_space<vmem>>[vector<16xi32>, vector<16xi32>], vector<16xf32>, vector<16xi1>
        %add3A_1128 = arith.addf %mul3A_230, %mul3A_995 : vector<16xf32>
        %mul3A_1129 = arith.mulf %add3A_1128, %add3A_215 : vector<16xf32>
        %add3A_1130 = arith.addf %mul3A_1129, %mul3A_997 : vector<16xf32>
        %exp3A_1131 = math.exp %add3A_1130 : vector<16xf32>
        %min3A_1132 = arith.constant 1.000000e+00 : f32
        %min3A_1133 = vector.broadcast %min3A_1132 : f32 to vector<16xf32>
        %min3A_1134 = arith.minimumf %exp3A_1131, %min3A_1133 : vector<16xf32>
        %and3A_1135 = arith.andi %and3A_991, %and3A_173 : vector<16xi1>
        %mul3A_1136 = arith.mulf %min3A_1134, %gather3A_86 : vector<16xf32>
        %scatter3A_1137 = arith.constant 0 : i32
        %scatter3A_1138 = arith.constant 0 : i32
        %scatter3A_1139 = arith.constant 0 : i32
        %scatter3A_1140 = tpu.memref_slice %arg5[%scatter3A_1137, %scatter3A_1138, %scatter3A_1139] : memref<3x14x224xf32, #tpu.memory_space<vmem>> -> memref<1x14x224xf32, #tpu.memory_space<vmem>>
        %scatter3A_1141 = tpu.memref_squeeze %scatter3A_1140 : memref<1x14x224xf32, #tpu.memory_space<vmem>> -> memref<14x224xf32, #tpu.memory_space<vmem>>
        tpu.vector_store_idx %scatter3A_1141[%add3A_984, %add3A_118], %mul3A_1136 masked %and3A_1135 {add = true} : memref<14x224xf32, #tpu.memory_space<vmem>>[vector<16xi32>, vector<16xi32>], vector<16xf32>, vector<16xi1>
        %mul3A_1142 = arith.mulf %min3A_1134, %gather3A_91 : vector<16xf32>
        %scatter3A_1143 = arith.constant 1 : i32
        %scatter3A_1144 = arith.constant 0 : i32
        %scatter3A_1145 = arith.constant 0 : i32
        %scatter3A_1146 = tpu.memref_slice %arg5[%scatter3A_1143, %scatter3A_1144, %scatter3A_1145] : memref<3x14x224xf32, #tpu.memory_space<vmem>> -> memref<1x14x224xf32, #tpu.memory_space<vmem>>
        %scatter3A_1147 = tpu.memref_squeeze %scatter3A_1146 : memref<1x14x224xf32, #tpu.memory_space<vmem>> -> memref<14x224xf32, #tpu.memory_space<vmem>>
        tpu.vector_store_idx %scatter3A_1147[%add3A_984, %add3A_118], %mul3A_1142 masked %and3A_1135 {add = true} : memref<14x224xf32, #tpu.memory_space<vmem>>[vector<16xi32>, vector<16xi32>], vector<16xf32>, vector<16xi1>
        %mul3A_1148 = arith.mulf %min3A_1134, %gather3A_96 : vector<16xf32>
        %scatter3A_1149 = arith.constant 2 : i32
        %scatter3A_1150 = arith.constant 0 : i32
        %scatter3A_1151 = arith.constant 0 : i32
        %scatter3A_1152 = tpu.memref_slice %arg5[%scatter3A_1149, %scatter3A_1150, %scatter3A_1151] : memref<3x14x224xf32, #tpu.memory_space<vmem>> -> memref<1x14x224xf32, #tpu.memory_space<vmem>>
        %scatter3A_1153 = tpu.memref_squeeze %scatter3A_1152 : memref<1x14x224xf32, #tpu.memory_space<vmem>> -> memref<14x224xf32, #tpu.memory_space<vmem>>
        tpu.vector_store_idx %scatter3A_1153[%add3A_984, %add3A_118], %mul3A_1148 masked %and3A_1135 {add = true} : memref<14x224xf32, #tpu.memory_space<vmem>>[vector<16xi32>, vector<16xi32>], vector<16xf32>, vector<16xi1>
        %add3A_1154 = arith.addf %mul3A_231, %mul3A_995 : vector<16xf32>
        %mul3A_1155 = arith.mulf %add3A_1154, %add3A_218 : vector<16xf32>
        %add3A_1156 = arith.addf %mul3A_1155, %mul3A_997 : vector<16xf32>
        %exp3A_1157 = math.exp %add3A_1156 : vector<16xf32>
        %min3A_1158 = arith.constant 1.000000e+00 : f32
        %min3A_1159 = vector.broadcast %min3A_1158 : f32 to vector<16xf32>
        %min3A_1160 = arith.minimumf %exp3A_1157, %min3A_1159 : vector<16xf32>
        %and3A_1161 = arith.andi %and3A_991, %and3A_181 : vector<16xi1>
        %mul3A_1162 = arith.mulf %min3A_1160, %gather3A_86 : vector<16xf32>
        %scatter3A_1163 = arith.constant 0 : i32
        %scatter3A_1164 = arith.constant 0 : i32
        %scatter3A_1165 = arith.constant 0 : i32
        %scatter3A_1166 = tpu.memref_slice %arg5[%scatter3A_1163, %scatter3A_1164, %scatter3A_1165] : memref<3x14x224xf32, #tpu.memory_space<vmem>> -> memref<1x14x224xf32, #tpu.memory_space<vmem>>
        %scatter3A_1167 = tpu.memref_squeeze %scatter3A_1166 : memref<1x14x224xf32, #tpu.memory_space<vmem>> -> memref<14x224xf32, #tpu.memory_space<vmem>>
        tpu.vector_store_idx %scatter3A_1167[%add3A_984, %add3A_121], %mul3A_1162 masked %and3A_1161 {add = true} : memref<14x224xf32, #tpu.memory_space<vmem>>[vector<16xi32>, vector<16xi32>], vector<16xf32>, vector<16xi1>
        %mul3A_1168 = arith.mulf %min3A_1160, %gather3A_91 : vector<16xf32>
        %scatter3A_1169 = arith.constant 1 : i32
        %scatter3A_1170 = arith.constant 0 : i32
        %scatter3A_1171 = arith.constant 0 : i32
        %scatter3A_1172 = tpu.memref_slice %arg5[%scatter3A_1169, %scatter3A_1170, %scatter3A_1171] : memref<3x14x224xf32, #tpu.memory_space<vmem>> -> memref<1x14x224xf32, #tpu.memory_space<vmem>>
        %scatter3A_1173 = tpu.memref_squeeze %scatter3A_1172 : memref<1x14x224xf32, #tpu.memory_space<vmem>> -> memref<14x224xf32, #tpu.memory_space<vmem>>
        tpu.vector_store_idx %scatter3A_1173[%add3A_984, %add3A_121], %mul3A_1168 masked %and3A_1161 {add = true} : memref<14x224xf32, #tpu.memory_space<vmem>>[vector<16xi32>, vector<16xi32>], vector<16xf32>, vector<16xi1>
        %mul3A_1174 = arith.mulf %min3A_1160, %gather3A_96 : vector<16xf32>
        %scatter3A_1175 = arith.constant 2 : i32
        %scatter3A_1176 = arith.constant 0 : i32
        %scatter3A_1177 = arith.constant 0 : i32
        %scatter3A_1178 = tpu.memref_slice %arg5[%scatter3A_1175, %scatter3A_1176, %scatter3A_1177] : memref<3x14x224xf32, #tpu.memory_space<vmem>> -> memref<1x14x224xf32, #tpu.memory_space<vmem>>
        %scatter3A_1179 = tpu.memref_squeeze %scatter3A_1178 : memref<1x14x224xf32, #tpu.memory_space<vmem>> -> memref<14x224xf32, #tpu.memory_space<vmem>>
        tpu.vector_store_idx %scatter3A_1179[%add3A_984, %add3A_121], %mul3A_1174 masked %and3A_1161 {add = true} : memref<14x224xf32, #tpu.memory_space<vmem>>[vector<16xi32>, vector<16xi32>], vector<16xf32>, vector<16xi1>
        %add3A_1180 = arith.addf %mul3A_232, %mul3A_995 : vector<16xf32>
        %mul3A_1181 = arith.mulf %add3A_1180, %add3A_221 : vector<16xf32>
        %add3A_1182 = arith.addf %mul3A_1181, %mul3A_997 : vector<16xf32>
        %exp3A_1183 = math.exp %add3A_1182 : vector<16xf32>
        %min3A_1184 = arith.constant 1.000000e+00 : f32
        %min3A_1185 = vector.broadcast %min3A_1184 : f32 to vector<16xf32>
        %min3A_1186 = arith.minimumf %exp3A_1183, %min3A_1185 : vector<16xf32>
        %and3A_1187 = arith.andi %and3A_991, %and3A_189 : vector<16xi1>
        %mul3A_1188 = arith.mulf %min3A_1186, %gather3A_86 : vector<16xf32>
        %scatter3A_1189 = arith.constant 0 : i32
        %scatter3A_1190 = arith.constant 0 : i32
        %scatter3A_1191 = arith.constant 0 : i32
        %scatter3A_1192 = tpu.memref_slice %arg5[%scatter3A_1189, %scatter3A_1190, %scatter3A_1191] : memref<3x14x224xf32, #tpu.memory_space<vmem>> -> memref<1x14x224xf32, #tpu.memory_space<vmem>>
        %scatter3A_1193 = tpu.memref_squeeze %scatter3A_1192 : memref<1x14x224xf32, #tpu.memory_space<vmem>> -> memref<14x224xf32, #tpu.memory_space<vmem>>
        tpu.vector_store_idx %scatter3A_1193[%add3A_984, %add3A_124], %mul3A_1188 masked %and3A_1187 {add = true} : memref<14x224xf32, #tpu.memory_space<vmem>>[vector<16xi32>, vector<16xi32>], vector<16xf32>, vector<16xi1>
        %mul3A_1194 = arith.mulf %min3A_1186, %gather3A_91 : vector<16xf32>
        %scatter3A_1195 = arith.constant 1 : i32
        %scatter3A_1196 = arith.constant 0 : i32
        %scatter3A_1197 = arith.constant 0 : i32
        %scatter3A_1198 = tpu.memref_slice %arg5[%scatter3A_1195, %scatter3A_1196, %scatter3A_1197] : memref<3x14x224xf32, #tpu.memory_space<vmem>> -> memref<1x14x224xf32, #tpu.memory_space<vmem>>
        %scatter3A_1199 = tpu.memref_squeeze %scatter3A_1198 : memref<1x14x224xf32, #tpu.memory_space<vmem>> -> memref<14x224xf32, #tpu.memory_space<vmem>>
        tpu.vector_store_idx %scatter3A_1199[%add3A_984, %add3A_124], %mul3A_1194 masked %and3A_1187 {add = true} : memref<14x224xf32, #tpu.memory_space<vmem>>[vector<16xi32>, vector<16xi32>], vector<16xf32>, vector<16xi1>
        %mul3A_1200 = arith.mulf %min3A_1186, %gather3A_96 : vector<16xf32>
        %scatter3A_1201 = arith.constant 2 : i32
        %scatter3A_1202 = arith.constant 0 : i32
        %scatter3A_1203 = arith.constant 0 : i32
        %scatter3A_1204 = tpu.memref_slice %arg5[%scatter3A_1201, %scatter3A_1202, %scatter3A_1203] : memref<3x14x224xf32, #tpu.memory_space<vmem>> -> memref<1x14x224xf32, #tpu.memory_space<vmem>>
        %scatter3A_1205 = tpu.memref_squeeze %scatter3A_1204 : memref<1x14x224xf32, #tpu.memory_space<vmem>> -> memref<14x224xf32, #tpu.memory_space<vmem>>
        tpu.vector_store_idx %scatter3A_1205[%add3A_984, %add3A_124], %mul3A_1200 masked %and3A_1187 {add = true} : memref<14x224xf32, #tpu.memory_space<vmem>>[vector<16xi32>, vector<16xi32>], vector<16xf32>, vector<16xi1>
        %add3A_1206 = arith.addf %mul3A_233, %mul3A_995 : vector<16xf32>
        %mul3A_1207 = arith.mulf %add3A_1206, %add3A_224 : vector<16xf32>
        %add3A_1208 = arith.addf %mul3A_1207, %mul3A_997 : vector<16xf32>
        %exp3A_1209 = math.exp %add3A_1208 : vector<16xf32>
        %min3A_1210 = arith.constant 1.000000e+00 : f32
        %min3A_1211 = vector.broadcast %min3A_1210 : f32 to vector<16xf32>
        %min3A_1212 = arith.minimumf %exp3A_1209, %min3A_1211 : vector<16xf32>
        %and3A_1213 = arith.andi %and3A_991, %and3A_197 : vector<16xi1>
        %mul3A_1214 = arith.mulf %min3A_1212, %gather3A_86 : vector<16xf32>
        %scatter3A_1215 = arith.constant 0 : i32
        %scatter3A_1216 = arith.constant 0 : i32
        %scatter3A_1217 = arith.constant 0 : i32
        %scatter3A_1218 = tpu.memref_slice %arg5[%scatter3A_1215, %scatter3A_1216, %scatter3A_1217] : memref<3x14x224xf32, #tpu.memory_space<vmem>> -> memref<1x14x224xf32, #tpu.memory_space<vmem>>
        %scatter3A_1219 = tpu.memref_squeeze %scatter3A_1218 : memref<1x14x224xf32, #tpu.memory_space<vmem>> -> memref<14x224xf32, #tpu.memory_space<vmem>>
        tpu.vector_store_idx %scatter3A_1219[%add3A_984, %add3A_127], %mul3A_1214 masked %and3A_1213 {add = true} : memref<14x224xf32, #tpu.memory_space<vmem>>[vector<16xi32>, vector<16xi32>], vector<16xf32>, vector<16xi1>
        %mul3A_1220 = arith.mulf %min3A_1212, %gather3A_91 : vector<16xf32>
        %scatter3A_1221 = arith.constant 1 : i32
        %scatter3A_1222 = arith.constant 0 : i32
        %scatter3A_1223 = arith.constant 0 : i32
        %scatter3A_1224 = tpu.memref_slice %arg5[%scatter3A_1221, %scatter3A_1222, %scatter3A_1223] : memref<3x14x224xf32, #tpu.memory_space<vmem>> -> memref<1x14x224xf32, #tpu.memory_space<vmem>>
        %scatter3A_1225 = tpu.memref_squeeze %scatter3A_1224 : memref<1x14x224xf32, #tpu.memory_space<vmem>> -> memref<14x224xf32, #tpu.memory_space<vmem>>
        tpu.vector_store_idx %scatter3A_1225[%add3A_984, %add3A_127], %mul3A_1220 masked %and3A_1213 {add = true} : memref<14x224xf32, #tpu.memory_space<vmem>>[vector<16xi32>, vector<16xi32>], vector<16xf32>, vector<16xi1>
        %mul3A_1226 = arith.mulf %min3A_1212, %gather3A_96 : vector<16xf32>
        %scatter3A_1227 = arith.constant 2 : i32
        %scatter3A_1228 = arith.constant 0 : i32
        %scatter3A_1229 = arith.constant 0 : i32
        %scatter3A_1230 = tpu.memref_slice %arg5[%scatter3A_1227, %scatter3A_1228, %scatter3A_1229] : memref<3x14x224xf32, #tpu.memory_space<vmem>> -> memref<1x14x224xf32, #tpu.memory_space<vmem>>
        %scatter3A_1231 = tpu.memref_squeeze %scatter3A_1230 : memref<1x14x224xf32, #tpu.memory_space<vmem>> -> memref<14x224xf32, #tpu.memory_space<vmem>>
        tpu.vector_store_idx %scatter3A_1231[%add3A_984, %add3A_127], %mul3A_1226 masked %and3A_1213 {add = true} : memref<14x224xf32, #tpu.memory_space<vmem>>[vector<16xi32>, vector<16xi32>], vector<16xf32>, vector<16xi1>
        %add3A_1232 = arith.constant 0 : i32
        %add3A_1233 = vector.broadcast %add3A_1232 : i32 to vector<16xi32>
        %add3A_1234 = arith.addi %sub3A_100, %add3A_1233 : vector<16xi32>
        %ge3A_1235 = arith.constant 0 : i32
        %ge3A_1236 = vector.broadcast %ge3A_1235 : i32 to vector<16xi32>
        %ge3A_1237 = arith.cmpi sge, %add3A_1234, %ge3A_1236 : vector<16xi32>
        %lt3A_1238 = arith.constant 14 : i32
        %lt3A_1239 = vector.broadcast %lt3A_1238 : i32 to vector<16xi32>
        %lt3A_1240 = arith.cmpi slt, %add3A_1234, %lt3A_1239 : vector<16xi32>
        %and3A_1241 = arith.andi %ge3A_1237, %lt3A_1240 : vector<16xi1>
        %add3A_1242 = arith.constant 0.000000e+00 : f32
        %add3A_1243 = vector.broadcast %add3A_1242 : f32 to vector<16xf32>
        %add3A_1244 = arith.addf %gather3A_55, %add3A_1243 : vector<16xf32>
        %mul3A_1245 = arith.mulf %gather3A_76, %add3A_1244 : vector<16xf32>
        %mul3A_1246 = arith.mulf %gather3A_81, %add3A_1244 : vector<16xf32>
        %mul3A_1247 = arith.mulf %mul3A_1246, %add3A_1244 : vector<16xf32>
        %add3A_1248 = arith.addf %mul3A_225, %mul3A_1245 : vector<16xf32>
        %mul3A_1249 = arith.mulf %add3A_1248, %add3A_200 : vector<16xf32>
        %add3A_1250 = arith.addf %mul3A_1249, %mul3A_1247 : vector<16xf32>
        %exp3A_1251 = math.exp %add3A_1250 : vector<16xf32>
        %min3A_1252 = arith.constant 1.000000e+00 : f32
        %min3A_1253 = vector.broadcast %min3A_1252 : f32 to vector<16xf32>
        %min3A_1254 = arith.minimumf %exp3A_1251, %min3A_1253 : vector<16xf32>
        %and3A_1255 = arith.andi %and3A_1241, %and3A_133 : vector<16xi1>
        %mul3A_1256 = arith.mulf %min3A_1254, %gather3A_86 : vector<16xf32>
        %scatter3A_1257 = arith.constant 0 : i32
        %scatter3A_1258 = arith.constant 0 : i32
        %scatter3A_1259 = arith.constant 0 : i32
        %scatter3A_1260 = tpu.memref_slice %arg5[%scatter3A_1257, %scatter3A_1258, %scatter3A_1259] : memref<3x14x224xf32, #tpu.memory_space<vmem>> -> memref<1x14x224xf32, #tpu.memory_space<vmem>>
        %scatter3A_1261 = tpu.memref_squeeze %scatter3A_1260 : memref<1x14x224xf32, #tpu.memory_space<vmem>> -> memref<14x224xf32, #tpu.memory_space<vmem>>
        tpu.vector_store_idx %scatter3A_1261[%add3A_1234, %add3A_103], %mul3A_1256 masked %and3A_1255 {add = true} : memref<14x224xf32, #tpu.memory_space<vmem>>[vector<16xi32>, vector<16xi32>], vector<16xf32>, vector<16xi1>
        %mul3A_1262 = arith.mulf %min3A_1254, %gather3A_91 : vector<16xf32>
        %scatter3A_1263 = arith.constant 1 : i32
        %scatter3A_1264 = arith.constant 0 : i32
        %scatter3A_1265 = arith.constant 0 : i32
        %scatter3A_1266 = tpu.memref_slice %arg5[%scatter3A_1263, %scatter3A_1264, %scatter3A_1265] : memref<3x14x224xf32, #tpu.memory_space<vmem>> -> memref<1x14x224xf32, #tpu.memory_space<vmem>>
        %scatter3A_1267 = tpu.memref_squeeze %scatter3A_1266 : memref<1x14x224xf32, #tpu.memory_space<vmem>> -> memref<14x224xf32, #tpu.memory_space<vmem>>
        tpu.vector_store_idx %scatter3A_1267[%add3A_1234, %add3A_103], %mul3A_1262 masked %and3A_1255 {add = true} : memref<14x224xf32, #tpu.memory_space<vmem>>[vector<16xi32>, vector<16xi32>], vector<16xf32>, vector<16xi1>
        %mul3A_1268 = arith.mulf %min3A_1254, %gather3A_96 : vector<16xf32>
        %scatter3A_1269 = arith.constant 2 : i32
        %scatter3A_1270 = arith.constant 0 : i32
        %scatter3A_1271 = arith.constant 0 : i32
        %scatter3A_1272 = tpu.memref_slice %arg5[%scatter3A_1269, %scatter3A_1270, %scatter3A_1271] : memref<3x14x224xf32, #tpu.memory_space<vmem>> -> memref<1x14x224xf32, #tpu.memory_space<vmem>>
        %scatter3A_1273 = tpu.memref_squeeze %scatter3A_1272 : memref<1x14x224xf32, #tpu.memory_space<vmem>> -> memref<14x224xf32, #tpu.memory_space<vmem>>
        tpu.vector_store_idx %scatter3A_1273[%add3A_1234, %add3A_103], %mul3A_1268 masked %and3A_1255 {add = true} : memref<14x224xf32, #tpu.memory_space<vmem>>[vector<16xi32>, vector<16xi32>], vector<16xf32>, vector<16xi1>
        %add3A_1274 = arith.addf %mul3A_226, %mul3A_1245 : vector<16xf32>
        %mul3A_1275 = arith.mulf %add3A_1274, %add3A_203 : vector<16xf32>
        %add3A_1276 = arith.addf %mul3A_1275, %mul3A_1247 : vector<16xf32>
        %exp3A_1277 = math.exp %add3A_1276 : vector<16xf32>
        %min3A_1278 = arith.constant 1.000000e+00 : f32
        %min3A_1279 = vector.broadcast %min3A_1278 : f32 to vector<16xf32>
        %min3A_1280 = arith.minimumf %exp3A_1277, %min3A_1279 : vector<16xf32>
        %and3A_1281 = arith.andi %and3A_1241, %and3A_141 : vector<16xi1>
        %mul3A_1282 = arith.mulf %min3A_1280, %gather3A_86 : vector<16xf32>
        %scatter3A_1283 = arith.constant 0 : i32
        %scatter3A_1284 = arith.constant 0 : i32
        %scatter3A_1285 = arith.constant 0 : i32
        %scatter3A_1286 = tpu.memref_slice %arg5[%scatter3A_1283, %scatter3A_1284, %scatter3A_1285] : memref<3x14x224xf32, #tpu.memory_space<vmem>> -> memref<1x14x224xf32, #tpu.memory_space<vmem>>
        %scatter3A_1287 = tpu.memref_squeeze %scatter3A_1286 : memref<1x14x224xf32, #tpu.memory_space<vmem>> -> memref<14x224xf32, #tpu.memory_space<vmem>>
        tpu.vector_store_idx %scatter3A_1287[%add3A_1234, %add3A_106], %mul3A_1282 masked %and3A_1281 {add = true} : memref<14x224xf32, #tpu.memory_space<vmem>>[vector<16xi32>, vector<16xi32>], vector<16xf32>, vector<16xi1>
        %mul3A_1288 = arith.mulf %min3A_1280, %gather3A_91 : vector<16xf32>
        %scatter3A_1289 = arith.constant 1 : i32
        %scatter3A_1290 = arith.constant 0 : i32
        %scatter3A_1291 = arith.constant 0 : i32
        %scatter3A_1292 = tpu.memref_slice %arg5[%scatter3A_1289, %scatter3A_1290, %scatter3A_1291] : memref<3x14x224xf32, #tpu.memory_space<vmem>> -> memref<1x14x224xf32, #tpu.memory_space<vmem>>
        %scatter3A_1293 = tpu.memref_squeeze %scatter3A_1292 : memref<1x14x224xf32, #tpu.memory_space<vmem>> -> memref<14x224xf32, #tpu.memory_space<vmem>>
        tpu.vector_store_idx %scatter3A_1293[%add3A_1234, %add3A_106], %mul3A_1288 masked %and3A_1281 {add = true} : memref<14x224xf32, #tpu.memory_space<vmem>>[vector<16xi32>, vector<16xi32>], vector<16xf32>, vector<16xi1>
        %mul3A_1294 = arith.mulf %min3A_1280, %gather3A_96 : vector<16xf32>
        %scatter3A_1295 = arith.constant 2 : i32
        %scatter3A_1296 = arith.constant 0 : i32
        %scatter3A_1297 = arith.constant 0 : i32
        %scatter3A_1298 = tpu.memref_slice %arg5[%scatter3A_1295, %scatter3A_1296, %scatter3A_1297] : memref<3x14x224xf32, #tpu.memory_space<vmem>> -> memref<1x14x224xf32, #tpu.memory_space<vmem>>
        %scatter3A_1299 = tpu.memref_squeeze %scatter3A_1298 : memref<1x14x224xf32, #tpu.memory_space<vmem>> -> memref<14x224xf32, #tpu.memory_space<vmem>>
        tpu.vector_store_idx %scatter3A_1299[%add3A_1234, %add3A_106], %mul3A_1294 masked %and3A_1281 {add = true} : memref<14x224xf32, #tpu.memory_space<vmem>>[vector<16xi32>, vector<16xi32>], vector<16xf32>, vector<16xi1>
        %add3A_1300 = arith.addf %mul3A_227, %mul3A_1245 : vector<16xf32>
        %mul3A_1301 = arith.mulf %add3A_1300, %add3A_206 : vector<16xf32>
        %add3A_1302 = arith.addf %mul3A_1301, %mul3A_1247 : vector<16xf32>
        %exp3A_1303 = math.exp %add3A_1302 : vector<16xf32>
        %min3A_1304 = arith.constant 1.000000e+00 : f32
        %min3A_1305 = vector.broadcast %min3A_1304 : f32 to vector<16xf32>
        %min3A_1306 = arith.minimumf %exp3A_1303, %min3A_1305 : vector<16xf32>
        %and3A_1307 = arith.andi %and3A_1241, %and3A_149 : vector<16xi1>
        %mul3A_1308 = arith.mulf %min3A_1306, %gather3A_86 : vector<16xf32>
        %scatter3A_1309 = arith.constant 0 : i32
        %scatter3A_1310 = arith.constant 0 : i32
        %scatter3A_1311 = arith.constant 0 : i32
        %scatter3A_1312 = tpu.memref_slice %arg5[%scatter3A_1309, %scatter3A_1310, %scatter3A_1311] : memref<3x14x224xf32, #tpu.memory_space<vmem>> -> memref<1x14x224xf32, #tpu.memory_space<vmem>>
        %scatter3A_1313 = tpu.memref_squeeze %scatter3A_1312 : memref<1x14x224xf32, #tpu.memory_space<vmem>> -> memref<14x224xf32, #tpu.memory_space<vmem>>
        tpu.vector_store_idx %scatter3A_1313[%add3A_1234, %add3A_109], %mul3A_1308 masked %and3A_1307 {add = true} : memref<14x224xf32, #tpu.memory_space<vmem>>[vector<16xi32>, vector<16xi32>], vector<16xf32>, vector<16xi1>
        %mul3A_1314 = arith.mulf %min3A_1306, %gather3A_91 : vector<16xf32>
        %scatter3A_1315 = arith.constant 1 : i32
        %scatter3A_1316 = arith.constant 0 : i32
        %scatter3A_1317 = arith.constant 0 : i32
        %scatter3A_1318 = tpu.memref_slice %arg5[%scatter3A_1315, %scatter3A_1316, %scatter3A_1317] : memref<3x14x224xf32, #tpu.memory_space<vmem>> -> memref<1x14x224xf32, #tpu.memory_space<vmem>>
        %scatter3A_1319 = tpu.memref_squeeze %scatter3A_1318 : memref<1x14x224xf32, #tpu.memory_space<vmem>> -> memref<14x224xf32, #tpu.memory_space<vmem>>
        tpu.vector_store_idx %scatter3A_1319[%add3A_1234, %add3A_109], %mul3A_1314 masked %and3A_1307 {add = true} : memref<14x224xf32, #tpu.memory_space<vmem>>[vector<16xi32>, vector<16xi32>], vector<16xf32>, vector<16xi1>
        %mul3A_1320 = arith.mulf %min3A_1306, %gather3A_96 : vector<16xf32>
        %scatter3A_1321 = arith.constant 2 : i32
        %scatter3A_1322 = arith.constant 0 : i32
        %scatter3A_1323 = arith.constant 0 : i32
        %scatter3A_1324 = tpu.memref_slice %arg5[%scatter3A_1321, %scatter3A_1322, %scatter3A_1323] : memref<3x14x224xf32, #tpu.memory_space<vmem>> -> memref<1x14x224xf32, #tpu.memory_space<vmem>>
        %scatter3A_1325 = tpu.memref_squeeze %scatter3A_1324 : memref<1x14x224xf32, #tpu.memory_space<vmem>> -> memref<14x224xf32, #tpu.memory_space<vmem>>
        tpu.vector_store_idx %scatter3A_1325[%add3A_1234, %add3A_109], %mul3A_1320 masked %and3A_1307 {add = true} : memref<14x224xf32, #tpu.memory_space<vmem>>[vector<16xi32>, vector<16xi32>], vector<16xf32>, vector<16xi1>
        %add3A_1326 = arith.addf %mul3A_228, %mul3A_1245 : vector<16xf32>
        %mul3A_1327 = arith.mulf %add3A_1326, %add3A_209 : vector<16xf32>
        %add3A_1328 = arith.addf %mul3A_1327, %mul3A_1247 : vector<16xf32>
        %exp3A_1329 = math.exp %add3A_1328 : vector<16xf32>
        %min3A_1330 = arith.constant 1.000000e+00 : f32
        %min3A_1331 = vector.broadcast %min3A_1330 : f32 to vector<16xf32>
        %min3A_1332 = arith.minimumf %exp3A_1329, %min3A_1331 : vector<16xf32>
        %and3A_1333 = arith.andi %and3A_1241, %and3A_157 : vector<16xi1>
        %mul3A_1334 = arith.mulf %min3A_1332, %gather3A_86 : vector<16xf32>
        %scatter3A_1335 = arith.constant 0 : i32
        %scatter3A_1336 = arith.constant 0 : i32
        %scatter3A_1337 = arith.constant 0 : i32
        %scatter3A_1338 = tpu.memref_slice %arg5[%scatter3A_1335, %scatter3A_1336, %scatter3A_1337] : memref<3x14x224xf32, #tpu.memory_space<vmem>> -> memref<1x14x224xf32, #tpu.memory_space<vmem>>
        %scatter3A_1339 = tpu.memref_squeeze %scatter3A_1338 : memref<1x14x224xf32, #tpu.memory_space<vmem>> -> memref<14x224xf32, #tpu.memory_space<vmem>>
        tpu.vector_store_idx %scatter3A_1339[%add3A_1234, %add3A_112], %mul3A_1334 masked %and3A_1333 {add = true} : memref<14x224xf32, #tpu.memory_space<vmem>>[vector<16xi32>, vector<16xi32>], vector<16xf32>, vector<16xi1>
        %mul3A_1340 = arith.mulf %min3A_1332, %gather3A_91 : vector<16xf32>
        %scatter3A_1341 = arith.constant 1 : i32
        %scatter3A_1342 = arith.constant 0 : i32
        %scatter3A_1343 = arith.constant 0 : i32
        %scatter3A_1344 = tpu.memref_slice %arg5[%scatter3A_1341, %scatter3A_1342, %scatter3A_1343] : memref<3x14x224xf32, #tpu.memory_space<vmem>> -> memref<1x14x224xf32, #tpu.memory_space<vmem>>
        %scatter3A_1345 = tpu.memref_squeeze %scatter3A_1344 : memref<1x14x224xf32, #tpu.memory_space<vmem>> -> memref<14x224xf32, #tpu.memory_space<vmem>>
        tpu.vector_store_idx %scatter3A_1345[%add3A_1234, %add3A_112], %mul3A_1340 masked %and3A_1333 {add = true} : memref<14x224xf32, #tpu.memory_space<vmem>>[vector<16xi32>, vector<16xi32>], vector<16xf32>, vector<16xi1>
        %mul3A_1346 = arith.mulf %min3A_1332, %gather3A_96 : vector<16xf32>
        %scatter3A_1347 = arith.constant 2 : i32
        %scatter3A_1348 = arith.constant 0 : i32
        %scatter3A_1349 = arith.constant 0 : i32
        %scatter3A_1350 = tpu.memref_slice %arg5[%scatter3A_1347, %scatter3A_1348, %scatter3A_1349] : memref<3x14x224xf32, #tpu.memory_space<vmem>> -> memref<1x14x224xf32, #tpu.memory_space<vmem>>
        %scatter3A_1351 = tpu.memref_squeeze %scatter3A_1350 : memref<1x14x224xf32, #tpu.memory_space<vmem>> -> memref<14x224xf32, #tpu.memory_space<vmem>>
        tpu.vector_store_idx %scatter3A_1351[%add3A_1234, %add3A_112], %mul3A_1346 masked %and3A_1333 {add = true} : memref<14x224xf32, #tpu.memory_space<vmem>>[vector<16xi32>, vector<16xi32>], vector<16xf32>, vector<16xi1>
        %add3A_1352 = arith.addf %mul3A_229, %mul3A_1245 : vector<16xf32>
        %mul3A_1353 = arith.mulf %add3A_1352, %add3A_212 : vector<16xf32>
        %add3A_1354 = arith.addf %mul3A_1353, %mul3A_1247 : vector<16xf32>
        %exp3A_1355 = math.exp %add3A_1354 : vector<16xf32>
        %min3A_1356 = arith.constant 1.000000e+00 : f32
        %min3A_1357 = vector.broadcast %min3A_1356 : f32 to vector<16xf32>
        %min3A_1358 = arith.minimumf %exp3A_1355, %min3A_1357 : vector<16xf32>
        %and3A_1359 = arith.andi %and3A_1241, %and3A_165 : vector<16xi1>
        %mul3A_1360 = arith.mulf %min3A_1358, %gather3A_86 : vector<16xf32>
        %scatter3A_1361 = arith.constant 0 : i32
        %scatter3A_1362 = arith.constant 0 : i32
        %scatter3A_1363 = arith.constant 0 : i32
        %scatter3A_1364 = tpu.memref_slice %arg5[%scatter3A_1361, %scatter3A_1362, %scatter3A_1363] : memref<3x14x224xf32, #tpu.memory_space<vmem>> -> memref<1x14x224xf32, #tpu.memory_space<vmem>>
        %scatter3A_1365 = tpu.memref_squeeze %scatter3A_1364 : memref<1x14x224xf32, #tpu.memory_space<vmem>> -> memref<14x224xf32, #tpu.memory_space<vmem>>
        tpu.vector_store_idx %scatter3A_1365[%add3A_1234, %add3A_115], %mul3A_1360 masked %and3A_1359 {add = true} : memref<14x224xf32, #tpu.memory_space<vmem>>[vector<16xi32>, vector<16xi32>], vector<16xf32>, vector<16xi1>
        %mul3A_1366 = arith.mulf %min3A_1358, %gather3A_91 : vector<16xf32>
        %scatter3A_1367 = arith.constant 1 : i32
        %scatter3A_1368 = arith.constant 0 : i32
        %scatter3A_1369 = arith.constant 0 : i32
        %scatter3A_1370 = tpu.memref_slice %arg5[%scatter3A_1367, %scatter3A_1368, %scatter3A_1369] : memref<3x14x224xf32, #tpu.memory_space<vmem>> -> memref<1x14x224xf32, #tpu.memory_space<vmem>>
        %scatter3A_1371 = tpu.memref_squeeze %scatter3A_1370 : memref<1x14x224xf32, #tpu.memory_space<vmem>> -> memref<14x224xf32, #tpu.memory_space<vmem>>
        tpu.vector_store_idx %scatter3A_1371[%add3A_1234, %add3A_115], %mul3A_1366 masked %and3A_1359 {add = true} : memref<14x224xf32, #tpu.memory_space<vmem>>[vector<16xi32>, vector<16xi32>], vector<16xf32>, vector<16xi1>
        %mul3A_1372 = arith.mulf %min3A_1358, %gather3A_96 : vector<16xf32>
        %scatter3A_1373 = arith.constant 2 : i32
        %scatter3A_1374 = arith.constant 0 : i32
        %scatter3A_1375 = arith.constant 0 : i32
        %scatter3A_1376 = tpu.memref_slice %arg5[%scatter3A_1373, %scatter3A_1374, %scatter3A_1375] : memref<3x14x224xf32, #tpu.memory_space<vmem>> -> memref<1x14x224xf32, #tpu.memory_space<vmem>>
        %scatter3A_1377 = tpu.memref_squeeze %scatter3A_1376 : memref<1x14x224xf32, #tpu.memory_space<vmem>> -> memref<14x224xf32, #tpu.memory_space<vmem>>
        tpu.vector_store_idx %scatter3A_1377[%add3A_1234, %add3A_115], %mul3A_1372 masked %and3A_1359 {add = true} : memref<14x224xf32, #tpu.memory_space<vmem>>[vector<16xi32>, vector<16xi32>], vector<16xf32>, vector<16xi1>
        %add3A_1378 = arith.addf %mul3A_230, %mul3A_1245 : vector<16xf32>
        %mul3A_1379 = arith.mulf %add3A_1378, %add3A_215 : vector<16xf32>
        %add3A_1380 = arith.addf %mul3A_1379, %mul3A_1247 : vector<16xf32>
        %exp3A_1381 = math.exp %add3A_1380 : vector<16xf32>
        %min3A_1382 = arith.constant 1.000000e+00 : f32
        %min3A_1383 = vector.broadcast %min3A_1382 : f32 to vector<16xf32>
        %min3A_1384 = arith.minimumf %exp3A_1381, %min3A_1383 : vector<16xf32>
        %and3A_1385 = arith.andi %and3A_1241, %and3A_173 : vector<16xi1>
        %mul3A_1386 = arith.mulf %min3A_1384, %gather3A_86 : vector<16xf32>
        %scatter3A_1387 = arith.constant 0 : i32
        %scatter3A_1388 = arith.constant 0 : i32
        %scatter3A_1389 = arith.constant 0 : i32
        %scatter3A_1390 = tpu.memref_slice %arg5[%scatter3A_1387, %scatter3A_1388, %scatter3A_1389] : memref<3x14x224xf32, #tpu.memory_space<vmem>> -> memref<1x14x224xf32, #tpu.memory_space<vmem>>
        %scatter3A_1391 = tpu.memref_squeeze %scatter3A_1390 : memref<1x14x224xf32, #tpu.memory_space<vmem>> -> memref<14x224xf32, #tpu.memory_space<vmem>>
        tpu.vector_store_idx %scatter3A_1391[%add3A_1234, %add3A_118], %mul3A_1386 masked %and3A_1385 {add = true} : memref<14x224xf32, #tpu.memory_space<vmem>>[vector<16xi32>, vector<16xi32>], vector<16xf32>, vector<16xi1>
        %mul3A_1392 = arith.mulf %min3A_1384, %gather3A_91 : vector<16xf32>
        %scatter3A_1393 = arith.constant 1 : i32
        %scatter3A_1394 = arith.constant 0 : i32
        %scatter3A_1395 = arith.constant 0 : i32
        %scatter3A_1396 = tpu.memref_slice %arg5[%scatter3A_1393, %scatter3A_1394, %scatter3A_1395] : memref<3x14x224xf32, #tpu.memory_space<vmem>> -> memref<1x14x224xf32, #tpu.memory_space<vmem>>
        %scatter3A_1397 = tpu.memref_squeeze %scatter3A_1396 : memref<1x14x224xf32, #tpu.memory_space<vmem>> -> memref<14x224xf32, #tpu.memory_space<vmem>>
        tpu.vector_store_idx %scatter3A_1397[%add3A_1234, %add3A_118], %mul3A_1392 masked %and3A_1385 {add = true} : memref<14x224xf32, #tpu.memory_space<vmem>>[vector<16xi32>, vector<16xi32>], vector<16xf32>, vector<16xi1>
        %mul3A_1398 = arith.mulf %min3A_1384, %gather3A_96 : vector<16xf32>
        %scatter3A_1399 = arith.constant 2 : i32
        %scatter3A_1400 = arith.constant 0 : i32
        %scatter3A_1401 = arith.constant 0 : i32
        %scatter3A_1402 = tpu.memref_slice %arg5[%scatter3A_1399, %scatter3A_1400, %scatter3A_1401] : memref<3x14x224xf32, #tpu.memory_space<vmem>> -> memref<1x14x224xf32, #tpu.memory_space<vmem>>
        %scatter3A_1403 = tpu.memref_squeeze %scatter3A_1402 : memref<1x14x224xf32, #tpu.memory_space<vmem>> -> memref<14x224xf32, #tpu.memory_space<vmem>>
        tpu.vector_store_idx %scatter3A_1403[%add3A_1234, %add3A_118], %mul3A_1398 masked %and3A_1385 {add = true} : memref<14x224xf32, #tpu.memory_space<vmem>>[vector<16xi32>, vector<16xi32>], vector<16xf32>, vector<16xi1>
        %add3A_1404 = arith.addf %mul3A_231, %mul3A_1245 : vector<16xf32>
        %mul3A_1405 = arith.mulf %add3A_1404, %add3A_218 : vector<16xf32>
        %add3A_1406 = arith.addf %mul3A_1405, %mul3A_1247 : vector<16xf32>
        %exp3A_1407 = math.exp %add3A_1406 : vector<16xf32>
        %min3A_1408 = arith.constant 1.000000e+00 : f32
        %min3A_1409 = vector.broadcast %min3A_1408 : f32 to vector<16xf32>
        %min3A_1410 = arith.minimumf %exp3A_1407, %min3A_1409 : vector<16xf32>
        %and3A_1411 = arith.andi %and3A_1241, %and3A_181 : vector<16xi1>
        %mul3A_1412 = arith.mulf %min3A_1410, %gather3A_86 : vector<16xf32>
        %scatter3A_1413 = arith.constant 0 : i32
        %scatter3A_1414 = arith.constant 0 : i32
        %scatter3A_1415 = arith.constant 0 : i32
        %scatter3A_1416 = tpu.memref_slice %arg5[%scatter3A_1413, %scatter3A_1414, %scatter3A_1415] : memref<3x14x224xf32, #tpu.memory_space<vmem>> -> memref<1x14x224xf32, #tpu.memory_space<vmem>>
        %scatter3A_1417 = tpu.memref_squeeze %scatter3A_1416 : memref<1x14x224xf32, #tpu.memory_space<vmem>> -> memref<14x224xf32, #tpu.memory_space<vmem>>
        tpu.vector_store_idx %scatter3A_1417[%add3A_1234, %add3A_121], %mul3A_1412 masked %and3A_1411 {add = true} : memref<14x224xf32, #tpu.memory_space<vmem>>[vector<16xi32>, vector<16xi32>], vector<16xf32>, vector<16xi1>
        %mul3A_1418 = arith.mulf %min3A_1410, %gather3A_91 : vector<16xf32>
        %scatter3A_1419 = arith.constant 1 : i32
        %scatter3A_1420 = arith.constant 0 : i32
        %scatter3A_1421 = arith.constant 0 : i32
        %scatter3A_1422 = tpu.memref_slice %arg5[%scatter3A_1419, %scatter3A_1420, %scatter3A_1421] : memref<3x14x224xf32, #tpu.memory_space<vmem>> -> memref<1x14x224xf32, #tpu.memory_space<vmem>>
        %scatter3A_1423 = tpu.memref_squeeze %scatter3A_1422 : memref<1x14x224xf32, #tpu.memory_space<vmem>> -> memref<14x224xf32, #tpu.memory_space<vmem>>
        tpu.vector_store_idx %scatter3A_1423[%add3A_1234, %add3A_121], %mul3A_1418 masked %and3A_1411 {add = true} : memref<14x224xf32, #tpu.memory_space<vmem>>[vector<16xi32>, vector<16xi32>], vector<16xf32>, vector<16xi1>
        %mul3A_1424 = arith.mulf %min3A_1410, %gather3A_96 : vector<16xf32>
        %scatter3A_1425 = arith.constant 2 : i32
        %scatter3A_1426 = arith.constant 0 : i32
        %scatter3A_1427 = arith.constant 0 : i32
        %scatter3A_1428 = tpu.memref_slice %arg5[%scatter3A_1425, %scatter3A_1426, %scatter3A_1427] : memref<3x14x224xf32, #tpu.memory_space<vmem>> -> memref<1x14x224xf32, #tpu.memory_space<vmem>>
        %scatter3A_1429 = tpu.memref_squeeze %scatter3A_1428 : memref<1x14x224xf32, #tpu.memory_space<vmem>> -> memref<14x224xf32, #tpu.memory_space<vmem>>
        tpu.vector_store_idx %scatter3A_1429[%add3A_1234, %add3A_121], %mul3A_1424 masked %and3A_1411 {add = true} : memref<14x224xf32, #tpu.memory_space<vmem>>[vector<16xi32>, vector<16xi32>], vector<16xf32>, vector<16xi1>
        %add3A_1430 = arith.addf %mul3A_232, %mul3A_1245 : vector<16xf32>
        %mul3A_1431 = arith.mulf %add3A_1430, %add3A_221 : vector<16xf32>
        %add3A_1432 = arith.addf %mul3A_1431, %mul3A_1247 : vector<16xf32>
        %exp3A_1433 = math.exp %add3A_1432 : vector<16xf32>
        %min3A_1434 = arith.constant 1.000000e+00 : f32
        %min3A_1435 = vector.broadcast %min3A_1434 : f32 to vector<16xf32>
        %min3A_1436 = arith.minimumf %exp3A_1433, %min3A_1435 : vector<16xf32>
        %and3A_1437 = arith.andi %and3A_1241, %and3A_189 : vector<16xi1>
        %mul3A_1438 = arith.mulf %min3A_1436, %gather3A_86 : vector<16xf32>
        %scatter3A_1439 = arith.constant 0 : i32
        %scatter3A_1440 = arith.constant 0 : i32
        %scatter3A_1441 = arith.constant 0 : i32
        %scatter3A_1442 = tpu.memref_slice %arg5[%scatter3A_1439, %scatter3A_1440, %scatter3A_1441] : memref<3x14x224xf32, #tpu.memory_space<vmem>> -> memref<1x14x224xf32, #tpu.memory_space<vmem>>
        %scatter3A_1443 = tpu.memref_squeeze %scatter3A_1442 : memref<1x14x224xf32, #tpu.memory_space<vmem>> -> memref<14x224xf32, #tpu.memory_space<vmem>>
        tpu.vector_store_idx %scatter3A_1443[%add3A_1234, %add3A_124], %mul3A_1438 masked %and3A_1437 {add = true} : memref<14x224xf32, #tpu.memory_space<vmem>>[vector<16xi32>, vector<16xi32>], vector<16xf32>, vector<16xi1>
        %mul3A_1444 = arith.mulf %min3A_1436, %gather3A_91 : vector<16xf32>
        %scatter3A_1445 = arith.constant 1 : i32
        %scatter3A_1446 = arith.constant 0 : i32
        %scatter3A_1447 = arith.constant 0 : i32
        %scatter3A_1448 = tpu.memref_slice %arg5[%scatter3A_1445, %scatter3A_1446, %scatter3A_1447] : memref<3x14x224xf32, #tpu.memory_space<vmem>> -> memref<1x14x224xf32, #tpu.memory_space<vmem>>
        %scatter3A_1449 = tpu.memref_squeeze %scatter3A_1448 : memref<1x14x224xf32, #tpu.memory_space<vmem>> -> memref<14x224xf32, #tpu.memory_space<vmem>>
        tpu.vector_store_idx %scatter3A_1449[%add3A_1234, %add3A_124], %mul3A_1444 masked %and3A_1437 {add = true} : memref<14x224xf32, #tpu.memory_space<vmem>>[vector<16xi32>, vector<16xi32>], vector<16xf32>, vector<16xi1>
        %mul3A_1450 = arith.mulf %min3A_1436, %gather3A_96 : vector<16xf32>
        %scatter3A_1451 = arith.constant 2 : i32
        %scatter3A_1452 = arith.constant 0 : i32
        %scatter3A_1453 = arith.constant 0 : i32
        %scatter3A_1454 = tpu.memref_slice %arg5[%scatter3A_1451, %scatter3A_1452, %scatter3A_1453] : memref<3x14x224xf32, #tpu.memory_space<vmem>> -> memref<1x14x224xf32, #tpu.memory_space<vmem>>
        %scatter3A_1455 = tpu.memref_squeeze %scatter3A_1454 : memref<1x14x224xf32, #tpu.memory_space<vmem>> -> memref<14x224xf32, #tpu.memory_space<vmem>>
        tpu.vector_store_idx %scatter3A_1455[%add3A_1234, %add3A_124], %mul3A_1450 masked %and3A_1437 {add = true} : memref<14x224xf32, #tpu.memory_space<vmem>>[vector<16xi32>, vector<16xi32>], vector<16xf32>, vector<16xi1>
        %add3A_1456 = arith.addf %mul3A_233, %mul3A_1245 : vector<16xf32>
        %mul3A_1457 = arith.mulf %add3A_1456, %add3A_224 : vector<16xf32>
        %add3A_1458 = arith.addf %mul3A_1457, %mul3A_1247 : vector<16xf32>
        %exp3A_1459 = math.exp %add3A_1458 : vector<16xf32>
        %min3A_1460 = arith.constant 1.000000e+00 : f32
        %min3A_1461 = vector.broadcast %min3A_1460 : f32 to vector<16xf32>
        %min3A_1462 = arith.minimumf %exp3A_1459, %min3A_1461 : vector<16xf32>
        %and3A_1463 = arith.andi %and3A_1241, %and3A_197 : vector<16xi1>
        %mul3A_1464 = arith.mulf %min3A_1462, %gather3A_86 : vector<16xf32>
        %scatter3A_1465 = arith.constant 0 : i32
        %scatter3A_1466 = arith.constant 0 : i32
        %scatter3A_1467 = arith.constant 0 : i32
        %scatter3A_1468 = tpu.memref_slice %arg5[%scatter3A_1465, %scatter3A_1466, %scatter3A_1467] : memref<3x14x224xf32, #tpu.memory_space<vmem>> -> memref<1x14x224xf32, #tpu.memory_space<vmem>>
        %scatter3A_1469 = tpu.memref_squeeze %scatter3A_1468 : memref<1x14x224xf32, #tpu.memory_space<vmem>> -> memref<14x224xf32, #tpu.memory_space<vmem>>
        tpu.vector_store_idx %scatter3A_1469[%add3A_1234, %add3A_127], %mul3A_1464 masked %and3A_1463 {add = true} : memref<14x224xf32, #tpu.memory_space<vmem>>[vector<16xi32>, vector<16xi32>], vector<16xf32>, vector<16xi1>
        %mul3A_1470 = arith.mulf %min3A_1462, %gather3A_91 : vector<16xf32>
        %scatter3A_1471 = arith.constant 1 : i32
        %scatter3A_1472 = arith.constant 0 : i32
        %scatter3A_1473 = arith.constant 0 : i32
        %scatter3A_1474 = tpu.memref_slice %arg5[%scatter3A_1471, %scatter3A_1472, %scatter3A_1473] : memref<3x14x224xf32, #tpu.memory_space<vmem>> -> memref<1x14x224xf32, #tpu.memory_space<vmem>>
        %scatter3A_1475 = tpu.memref_squeeze %scatter3A_1474 : memref<1x14x224xf32, #tpu.memory_space<vmem>> -> memref<14x224xf32, #tpu.memory_space<vmem>>
        tpu.vector_store_idx %scatter3A_1475[%add3A_1234, %add3A_127], %mul3A_1470 masked %and3A_1463 {add = true} : memref<14x224xf32, #tpu.memory_space<vmem>>[vector<16xi32>, vector<16xi32>], vector<16xf32>, vector<16xi1>
        %mul3A_1476 = arith.mulf %min3A_1462, %gather3A_96 : vector<16xf32>
        %scatter3A_1477 = arith.constant 2 : i32
        %scatter3A_1478 = arith.constant 0 : i32
        %scatter3A_1479 = arith.constant 0 : i32
        %scatter3A_1480 = tpu.memref_slice %arg5[%scatter3A_1477, %scatter3A_1478, %scatter3A_1479] : memref<3x14x224xf32, #tpu.memory_space<vmem>> -> memref<1x14x224xf32, #tpu.memory_space<vmem>>
        %scatter3A_1481 = tpu.memref_squeeze %scatter3A_1480 : memref<1x14x224xf32, #tpu.memory_space<vmem>> -> memref<14x224xf32, #tpu.memory_space<vmem>>
        tpu.vector_store_idx %scatter3A_1481[%add3A_1234, %add3A_127], %mul3A_1476 masked %and3A_1463 {add = true} : memref<14x224xf32, #tpu.memory_space<vmem>>[vector<16xi32>, vector<16xi32>], vector<16xf32>, vector<16xi1>
        %add3A_1482 = arith.constant 1 : i32
        %add3A_1483 = vector.broadcast %add3A_1482 : i32 to vector<16xi32>
        %add3A_1484 = arith.addi %sub3A_100, %add3A_1483 : vector<16xi32>
        %ge3A_1485 = arith.constant 0 : i32
        %ge3A_1486 = vector.broadcast %ge3A_1485 : i32 to vector<16xi32>
        %ge3A_1487 = arith.cmpi sge, %add3A_1484, %ge3A_1486 : vector<16xi32>
        %lt3A_1488 = arith.constant 14 : i32
        %lt3A_1489 = vector.broadcast %lt3A_1488 : i32 to vector<16xi32>
        %lt3A_1490 = arith.cmpi slt, %add3A_1484, %lt3A_1489 : vector<16xi32>
        %and3A_1491 = arith.andi %ge3A_1487, %lt3A_1490 : vector<16xi1>
        %add3A_1492 = arith.constant 1.000000e+00 : f32
        %add3A_1493 = vector.broadcast %add3A_1492 : f32 to vector<16xf32>
        %add3A_1494 = arith.addf %gather3A_55, %add3A_1493 : vector<16xf32>
        %mul3A_1495 = arith.mulf %gather3A_76, %add3A_1494 : vector<16xf32>
        %mul3A_1496 = arith.mulf %gather3A_81, %add3A_1494 : vector<16xf32>
        %mul3A_1497 = arith.mulf %mul3A_1496, %add3A_1494 : vector<16xf32>
        %add3A_1498 = arith.addf %mul3A_225, %mul3A_1495 : vector<16xf32>
        %mul3A_1499 = arith.mulf %add3A_1498, %add3A_200 : vector<16xf32>
        %add3A_1500 = arith.addf %mul3A_1499, %mul3A_1497 : vector<16xf32>
        %exp3A_1501 = math.exp %add3A_1500 : vector<16xf32>
        %min3A_1502 = arith.constant 1.000000e+00 : f32
        %min3A_1503 = vector.broadcast %min3A_1502 : f32 to vector<16xf32>
        %min3A_1504 = arith.minimumf %exp3A_1501, %min3A_1503 : vector<16xf32>
        %and3A_1505 = arith.andi %and3A_1491, %and3A_133 : vector<16xi1>
        %mul3A_1506 = arith.mulf %min3A_1504, %gather3A_86 : vector<16xf32>
        %scatter3A_1507 = arith.constant 0 : i32
        %scatter3A_1508 = arith.constant 0 : i32
        %scatter3A_1509 = arith.constant 0 : i32
        %scatter3A_1510 = tpu.memref_slice %arg5[%scatter3A_1507, %scatter3A_1508, %scatter3A_1509] : memref<3x14x224xf32, #tpu.memory_space<vmem>> -> memref<1x14x224xf32, #tpu.memory_space<vmem>>
        %scatter3A_1511 = tpu.memref_squeeze %scatter3A_1510 : memref<1x14x224xf32, #tpu.memory_space<vmem>> -> memref<14x224xf32, #tpu.memory_space<vmem>>
        tpu.vector_store_idx %scatter3A_1511[%add3A_1484, %add3A_103], %mul3A_1506 masked %and3A_1505 {add = true} : memref<14x224xf32, #tpu.memory_space<vmem>>[vector<16xi32>, vector<16xi32>], vector<16xf32>, vector<16xi1>
        %mul3A_1512 = arith.mulf %min3A_1504, %gather3A_91 : vector<16xf32>
        %scatter3A_1513 = arith.constant 1 : i32
        %scatter3A_1514 = arith.constant 0 : i32
        %scatter3A_1515 = arith.constant 0 : i32
        %scatter3A_1516 = tpu.memref_slice %arg5[%scatter3A_1513, %scatter3A_1514, %scatter3A_1515] : memref<3x14x224xf32, #tpu.memory_space<vmem>> -> memref<1x14x224xf32, #tpu.memory_space<vmem>>
        %scatter3A_1517 = tpu.memref_squeeze %scatter3A_1516 : memref<1x14x224xf32, #tpu.memory_space<vmem>> -> memref<14x224xf32, #tpu.memory_space<vmem>>
        tpu.vector_store_idx %scatter3A_1517[%add3A_1484, %add3A_103], %mul3A_1512 masked %and3A_1505 {add = true} : memref<14x224xf32, #tpu.memory_space<vmem>>[vector<16xi32>, vector<16xi32>], vector<16xf32>, vector<16xi1>
        %mul3A_1518 = arith.mulf %min3A_1504, %gather3A_96 : vector<16xf32>
        %scatter3A_1519 = arith.constant 2 : i32
        %scatter3A_1520 = arith.constant 0 : i32
        %scatter3A_1521 = arith.constant 0 : i32
        %scatter3A_1522 = tpu.memref_slice %arg5[%scatter3A_1519, %scatter3A_1520, %scatter3A_1521] : memref<3x14x224xf32, #tpu.memory_space<vmem>> -> memref<1x14x224xf32, #tpu.memory_space<vmem>>
        %scatter3A_1523 = tpu.memref_squeeze %scatter3A_1522 : memref<1x14x224xf32, #tpu.memory_space<vmem>> -> memref<14x224xf32, #tpu.memory_space<vmem>>
        tpu.vector_store_idx %scatter3A_1523[%add3A_1484, %add3A_103], %mul3A_1518 masked %and3A_1505 {add = true} : memref<14x224xf32, #tpu.memory_space<vmem>>[vector<16xi32>, vector<16xi32>], vector<16xf32>, vector<16xi1>
        %add3A_1524 = arith.addf %mul3A_226, %mul3A_1495 : vector<16xf32>
        %mul3A_1525 = arith.mulf %add3A_1524, %add3A_203 : vector<16xf32>
        %add3A_1526 = arith.addf %mul3A_1525, %mul3A_1497 : vector<16xf32>
        %exp3A_1527 = math.exp %add3A_1526 : vector<16xf32>
        %min3A_1528 = arith.constant 1.000000e+00 : f32
        %min3A_1529 = vector.broadcast %min3A_1528 : f32 to vector<16xf32>
        %min3A_1530 = arith.minimumf %exp3A_1527, %min3A_1529 : vector<16xf32>
        %and3A_1531 = arith.andi %and3A_1491, %and3A_141 : vector<16xi1>
        %mul3A_1532 = arith.mulf %min3A_1530, %gather3A_86 : vector<16xf32>
        %scatter3A_1533 = arith.constant 0 : i32
        %scatter3A_1534 = arith.constant 0 : i32
        %scatter3A_1535 = arith.constant 0 : i32
        %scatter3A_1536 = tpu.memref_slice %arg5[%scatter3A_1533, %scatter3A_1534, %scatter3A_1535] : memref<3x14x224xf32, #tpu.memory_space<vmem>> -> memref<1x14x224xf32, #tpu.memory_space<vmem>>
        %scatter3A_1537 = tpu.memref_squeeze %scatter3A_1536 : memref<1x14x224xf32, #tpu.memory_space<vmem>> -> memref<14x224xf32, #tpu.memory_space<vmem>>
        tpu.vector_store_idx %scatter3A_1537[%add3A_1484, %add3A_106], %mul3A_1532 masked %and3A_1531 {add = true} : memref<14x224xf32, #tpu.memory_space<vmem>>[vector<16xi32>, vector<16xi32>], vector<16xf32>, vector<16xi1>
        %mul3A_1538 = arith.mulf %min3A_1530, %gather3A_91 : vector<16xf32>
        %scatter3A_1539 = arith.constant 1 : i32
        %scatter3A_1540 = arith.constant 0 : i32
        %scatter3A_1541 = arith.constant 0 : i32
        %scatter3A_1542 = tpu.memref_slice %arg5[%scatter3A_1539, %scatter3A_1540, %scatter3A_1541] : memref<3x14x224xf32, #tpu.memory_space<vmem>> -> memref<1x14x224xf32, #tpu.memory_space<vmem>>
        %scatter3A_1543 = tpu.memref_squeeze %scatter3A_1542 : memref<1x14x224xf32, #tpu.memory_space<vmem>> -> memref<14x224xf32, #tpu.memory_space<vmem>>
        tpu.vector_store_idx %scatter3A_1543[%add3A_1484, %add3A_106], %mul3A_1538 masked %and3A_1531 {add = true} : memref<14x224xf32, #tpu.memory_space<vmem>>[vector<16xi32>, vector<16xi32>], vector<16xf32>, vector<16xi1>
        %mul3A_1544 = arith.mulf %min3A_1530, %gather3A_96 : vector<16xf32>
        %scatter3A_1545 = arith.constant 2 : i32
        %scatter3A_1546 = arith.constant 0 : i32
        %scatter3A_1547 = arith.constant 0 : i32
        %scatter3A_1548 = tpu.memref_slice %arg5[%scatter3A_1545, %scatter3A_1546, %scatter3A_1547] : memref<3x14x224xf32, #tpu.memory_space<vmem>> -> memref<1x14x224xf32, #tpu.memory_space<vmem>>
        %scatter3A_1549 = tpu.memref_squeeze %scatter3A_1548 : memref<1x14x224xf32, #tpu.memory_space<vmem>> -> memref<14x224xf32, #tpu.memory_space<vmem>>
        tpu.vector_store_idx %scatter3A_1549[%add3A_1484, %add3A_106], %mul3A_1544 masked %and3A_1531 {add = true} : memref<14x224xf32, #tpu.memory_space<vmem>>[vector<16xi32>, vector<16xi32>], vector<16xf32>, vector<16xi1>
        %add3A_1550 = arith.addf %mul3A_227, %mul3A_1495 : vector<16xf32>
        %mul3A_1551 = arith.mulf %add3A_1550, %add3A_206 : vector<16xf32>
        %add3A_1552 = arith.addf %mul3A_1551, %mul3A_1497 : vector<16xf32>
        %exp3A_1553 = math.exp %add3A_1552 : vector<16xf32>
        %min3A_1554 = arith.constant 1.000000e+00 : f32
        %min3A_1555 = vector.broadcast %min3A_1554 : f32 to vector<16xf32>
        %min3A_1556 = arith.minimumf %exp3A_1553, %min3A_1555 : vector<16xf32>
        %and3A_1557 = arith.andi %and3A_1491, %and3A_149 : vector<16xi1>
        %mul3A_1558 = arith.mulf %min3A_1556, %gather3A_86 : vector<16xf32>
        %scatter3A_1559 = arith.constant 0 : i32
        %scatter3A_1560 = arith.constant 0 : i32
        %scatter3A_1561 = arith.constant 0 : i32
        %scatter3A_1562 = tpu.memref_slice %arg5[%scatter3A_1559, %scatter3A_1560, %scatter3A_1561] : memref<3x14x224xf32, #tpu.memory_space<vmem>> -> memref<1x14x224xf32, #tpu.memory_space<vmem>>
        %scatter3A_1563 = tpu.memref_squeeze %scatter3A_1562 : memref<1x14x224xf32, #tpu.memory_space<vmem>> -> memref<14x224xf32, #tpu.memory_space<vmem>>
        tpu.vector_store_idx %scatter3A_1563[%add3A_1484, %add3A_109], %mul3A_1558 masked %and3A_1557 {add = true} : memref<14x224xf32, #tpu.memory_space<vmem>>[vector<16xi32>, vector<16xi32>], vector<16xf32>, vector<16xi1>
        %mul3A_1564 = arith.mulf %min3A_1556, %gather3A_91 : vector<16xf32>
        %scatter3A_1565 = arith.constant 1 : i32
        %scatter3A_1566 = arith.constant 0 : i32
        %scatter3A_1567 = arith.constant 0 : i32
        %scatter3A_1568 = tpu.memref_slice %arg5[%scatter3A_1565, %scatter3A_1566, %scatter3A_1567] : memref<3x14x224xf32, #tpu.memory_space<vmem>> -> memref<1x14x224xf32, #tpu.memory_space<vmem>>
        %scatter3A_1569 = tpu.memref_squeeze %scatter3A_1568 : memref<1x14x224xf32, #tpu.memory_space<vmem>> -> memref<14x224xf32, #tpu.memory_space<vmem>>
        tpu.vector_store_idx %scatter3A_1569[%add3A_1484, %add3A_109], %mul3A_1564 masked %and3A_1557 {add = true} : memref<14x224xf32, #tpu.memory_space<vmem>>[vector<16xi32>, vector<16xi32>], vector<16xf32>, vector<16xi1>
        %mul3A_1570 = arith.mulf %min3A_1556, %gather3A_96 : vector<16xf32>
        %scatter3A_1571 = arith.constant 2 : i32
        %scatter3A_1572 = arith.constant 0 : i32
        %scatter3A_1573 = arith.constant 0 : i32
        %scatter3A_1574 = tpu.memref_slice %arg5[%scatter3A_1571, %scatter3A_1572, %scatter3A_1573] : memref<3x14x224xf32, #tpu.memory_space<vmem>> -> memref<1x14x224xf32, #tpu.memory_space<vmem>>
        %scatter3A_1575 = tpu.memref_squeeze %scatter3A_1574 : memref<1x14x224xf32, #tpu.memory_space<vmem>> -> memref<14x224xf32, #tpu.memory_space<vmem>>
        tpu.vector_store_idx %scatter3A_1575[%add3A_1484, %add3A_109], %mul3A_1570 masked %and3A_1557 {add = true} : memref<14x224xf32, #tpu.memory_space<vmem>>[vector<16xi32>, vector<16xi32>], vector<16xf32>, vector<16xi1>
        %add3A_1576 = arith.addf %mul3A_228, %mul3A_1495 : vector<16xf32>
        %mul3A_1577 = arith.mulf %add3A_1576, %add3A_209 : vector<16xf32>
        %add3A_1578 = arith.addf %mul3A_1577, %mul3A_1497 : vector<16xf32>
        %exp3A_1579 = math.exp %add3A_1578 : vector<16xf32>
        %min3A_1580 = arith.constant 1.000000e+00 : f32
        %min3A_1581 = vector.broadcast %min3A_1580 : f32 to vector<16xf32>
        %min3A_1582 = arith.minimumf %exp3A_1579, %min3A_1581 : vector<16xf32>
        %and3A_1583 = arith.andi %and3A_1491, %and3A_157 : vector<16xi1>
        %mul3A_1584 = arith.mulf %min3A_1582, %gather3A_86 : vector<16xf32>
        %scatter3A_1585 = arith.constant 0 : i32
        %scatter3A_1586 = arith.constant 0 : i32
        %scatter3A_1587 = arith.constant 0 : i32
        %scatter3A_1588 = tpu.memref_slice %arg5[%scatter3A_1585, %scatter3A_1586, %scatter3A_1587] : memref<3x14x224xf32, #tpu.memory_space<vmem>> -> memref<1x14x224xf32, #tpu.memory_space<vmem>>
        %scatter3A_1589 = tpu.memref_squeeze %scatter3A_1588 : memref<1x14x224xf32, #tpu.memory_space<vmem>> -> memref<14x224xf32, #tpu.memory_space<vmem>>
        tpu.vector_store_idx %scatter3A_1589[%add3A_1484, %add3A_112], %mul3A_1584 masked %and3A_1583 {add = true} : memref<14x224xf32, #tpu.memory_space<vmem>>[vector<16xi32>, vector<16xi32>], vector<16xf32>, vector<16xi1>
        %mul3A_1590 = arith.mulf %min3A_1582, %gather3A_91 : vector<16xf32>
        %scatter3A_1591 = arith.constant 1 : i32
        %scatter3A_1592 = arith.constant 0 : i32
        %scatter3A_1593 = arith.constant 0 : i32
        %scatter3A_1594 = tpu.memref_slice %arg5[%scatter3A_1591, %scatter3A_1592, %scatter3A_1593] : memref<3x14x224xf32, #tpu.memory_space<vmem>> -> memref<1x14x224xf32, #tpu.memory_space<vmem>>
        %scatter3A_1595 = tpu.memref_squeeze %scatter3A_1594 : memref<1x14x224xf32, #tpu.memory_space<vmem>> -> memref<14x224xf32, #tpu.memory_space<vmem>>
        tpu.vector_store_idx %scatter3A_1595[%add3A_1484, %add3A_112], %mul3A_1590 masked %and3A_1583 {add = true} : memref<14x224xf32, #tpu.memory_space<vmem>>[vector<16xi32>, vector<16xi32>], vector<16xf32>, vector<16xi1>
        %mul3A_1596 = arith.mulf %min3A_1582, %gather3A_96 : vector<16xf32>
        %scatter3A_1597 = arith.constant 2 : i32
        %scatter3A_1598 = arith.constant 0 : i32
        %scatter3A_1599 = arith.constant 0 : i32
        %scatter3A_1600 = tpu.memref_slice %arg5[%scatter3A_1597, %scatter3A_1598, %scatter3A_1599] : memref<3x14x224xf32, #tpu.memory_space<vmem>> -> memref<1x14x224xf32, #tpu.memory_space<vmem>>
        %scatter3A_1601 = tpu.memref_squeeze %scatter3A_1600 : memref<1x14x224xf32, #tpu.memory_space<vmem>> -> memref<14x224xf32, #tpu.memory_space<vmem>>
        tpu.vector_store_idx %scatter3A_1601[%add3A_1484, %add3A_112], %mul3A_1596 masked %and3A_1583 {add = true} : memref<14x224xf32, #tpu.memory_space<vmem>>[vector<16xi32>, vector<16xi32>], vector<16xf32>, vector<16xi1>
        %add3A_1602 = arith.addf %mul3A_229, %mul3A_1495 : vector<16xf32>
        %mul3A_1603 = arith.mulf %add3A_1602, %add3A_212 : vector<16xf32>
        %add3A_1604 = arith.addf %mul3A_1603, %mul3A_1497 : vector<16xf32>
        %exp3A_1605 = math.exp %add3A_1604 : vector<16xf32>
        %min3A_1606 = arith.constant 1.000000e+00 : f32
        %min3A_1607 = vector.broadcast %min3A_1606 : f32 to vector<16xf32>
        %min3A_1608 = arith.minimumf %exp3A_1605, %min3A_1607 : vector<16xf32>
        %and3A_1609 = arith.andi %and3A_1491, %and3A_165 : vector<16xi1>
        %mul3A_1610 = arith.mulf %min3A_1608, %gather3A_86 : vector<16xf32>
        %scatter3A_1611 = arith.constant 0 : i32
        %scatter3A_1612 = arith.constant 0 : i32
        %scatter3A_1613 = arith.constant 0 : i32
        %scatter3A_1614 = tpu.memref_slice %arg5[%scatter3A_1611, %scatter3A_1612, %scatter3A_1613] : memref<3x14x224xf32, #tpu.memory_space<vmem>> -> memref<1x14x224xf32, #tpu.memory_space<vmem>>
        %scatter3A_1615 = tpu.memref_squeeze %scatter3A_1614 : memref<1x14x224xf32, #tpu.memory_space<vmem>> -> memref<14x224xf32, #tpu.memory_space<vmem>>
        tpu.vector_store_idx %scatter3A_1615[%add3A_1484, %add3A_115], %mul3A_1610 masked %and3A_1609 {add = true} : memref<14x224xf32, #tpu.memory_space<vmem>>[vector<16xi32>, vector<16xi32>], vector<16xf32>, vector<16xi1>
        %mul3A_1616 = arith.mulf %min3A_1608, %gather3A_91 : vector<16xf32>
        %scatter3A_1617 = arith.constant 1 : i32
        %scatter3A_1618 = arith.constant 0 : i32
        %scatter3A_1619 = arith.constant 0 : i32
        %scatter3A_1620 = tpu.memref_slice %arg5[%scatter3A_1617, %scatter3A_1618, %scatter3A_1619] : memref<3x14x224xf32, #tpu.memory_space<vmem>> -> memref<1x14x224xf32, #tpu.memory_space<vmem>>
        %scatter3A_1621 = tpu.memref_squeeze %scatter3A_1620 : memref<1x14x224xf32, #tpu.memory_space<vmem>> -> memref<14x224xf32, #tpu.memory_space<vmem>>
        tpu.vector_store_idx %scatter3A_1621[%add3A_1484, %add3A_115], %mul3A_1616 masked %and3A_1609 {add = true} : memref<14x224xf32, #tpu.memory_space<vmem>>[vector<16xi32>, vector<16xi32>], vector<16xf32>, vector<16xi1>
        %mul3A_1622 = arith.mulf %min3A_1608, %gather3A_96 : vector<16xf32>
        %scatter3A_1623 = arith.constant 2 : i32
        %scatter3A_1624 = arith.constant 0 : i32
        %scatter3A_1625 = arith.constant 0 : i32
        %scatter3A_1626 = tpu.memref_slice %arg5[%scatter3A_1623, %scatter3A_1624, %scatter3A_1625] : memref<3x14x224xf32, #tpu.memory_space<vmem>> -> memref<1x14x224xf32, #tpu.memory_space<vmem>>
        %scatter3A_1627 = tpu.memref_squeeze %scatter3A_1626 : memref<1x14x224xf32, #tpu.memory_space<vmem>> -> memref<14x224xf32, #tpu.memory_space<vmem>>
        tpu.vector_store_idx %scatter3A_1627[%add3A_1484, %add3A_115], %mul3A_1622 masked %and3A_1609 {add = true} : memref<14x224xf32, #tpu.memory_space<vmem>>[vector<16xi32>, vector<16xi32>], vector<16xf32>, vector<16xi1>
        %add3A_1628 = arith.addf %mul3A_230, %mul3A_1495 : vector<16xf32>
        %mul3A_1629 = arith.mulf %add3A_1628, %add3A_215 : vector<16xf32>
        %add3A_1630 = arith.addf %mul3A_1629, %mul3A_1497 : vector<16xf32>
        %exp3A_1631 = math.exp %add3A_1630 : vector<16xf32>
        %min3A_1632 = arith.constant 1.000000e+00 : f32
        %min3A_1633 = vector.broadcast %min3A_1632 : f32 to vector<16xf32>
        %min3A_1634 = arith.minimumf %exp3A_1631, %min3A_1633 : vector<16xf32>
        %and3A_1635 = arith.andi %and3A_1491, %and3A_173 : vector<16xi1>
        %mul3A_1636 = arith.mulf %min3A_1634, %gather3A_86 : vector<16xf32>
        %scatter3A_1637 = arith.constant 0 : i32
        %scatter3A_1638 = arith.constant 0 : i32
        %scatter3A_1639 = arith.constant 0 : i32
        %scatter3A_1640 = tpu.memref_slice %arg5[%scatter3A_1637, %scatter3A_1638, %scatter3A_1639] : memref<3x14x224xf32, #tpu.memory_space<vmem>> -> memref<1x14x224xf32, #tpu.memory_space<vmem>>
        %scatter3A_1641 = tpu.memref_squeeze %scatter3A_1640 : memref<1x14x224xf32, #tpu.memory_space<vmem>> -> memref<14x224xf32, #tpu.memory_space<vmem>>
        tpu.vector_store_idx %scatter3A_1641[%add3A_1484, %add3A_118], %mul3A_1636 masked %and3A_1635 {add = true} : memref<14x224xf32, #tpu.memory_space<vmem>>[vector<16xi32>, vector<16xi32>], vector<16xf32>, vector<16xi1>
        %mul3A_1642 = arith.mulf %min3A_1634, %gather3A_91 : vector<16xf32>
        %scatter3A_1643 = arith.constant 1 : i32
        %scatter3A_1644 = arith.constant 0 : i32
        %scatter3A_1645 = arith.constant 0 : i32
        %scatter3A_1646 = tpu.memref_slice %arg5[%scatter3A_1643, %scatter3A_1644, %scatter3A_1645] : memref<3x14x224xf32, #tpu.memory_space<vmem>> -> memref<1x14x224xf32, #tpu.memory_space<vmem>>
        %scatter3A_1647 = tpu.memref_squeeze %scatter3A_1646 : memref<1x14x224xf32, #tpu.memory_space<vmem>> -> memref<14x224xf32, #tpu.memory_space<vmem>>
        tpu.vector_store_idx %scatter3A_1647[%add3A_1484, %add3A_118], %mul3A_1642 masked %and3A_1635 {add = true} : memref<14x224xf32, #tpu.memory_space<vmem>>[vector<16xi32>, vector<16xi32>], vector<16xf32>, vector<16xi1>
        %mul3A_1648 = arith.mulf %min3A_1634, %gather3A_96 : vector<16xf32>
        %scatter3A_1649 = arith.constant 2 : i32
        %scatter3A_1650 = arith.constant 0 : i32
        %scatter3A_1651 = arith.constant 0 : i32
        %scatter3A_1652 = tpu.memref_slice %arg5[%scatter3A_1649, %scatter3A_1650, %scatter3A_1651] : memref<3x14x224xf32, #tpu.memory_space<vmem>> -> memref<1x14x224xf32, #tpu.memory_space<vmem>>
        %scatter3A_1653 = tpu.memref_squeeze %scatter3A_1652 : memref<1x14x224xf32, #tpu.memory_space<vmem>> -> memref<14x224xf32, #tpu.memory_space<vmem>>
        tpu.vector_store_idx %scatter3A_1653[%add3A_1484, %add3A_118], %mul3A_1648 masked %and3A_1635 {add = true} : memref<14x224xf32, #tpu.memory_space<vmem>>[vector<16xi32>, vector<16xi32>], vector<16xf32>, vector<16xi1>
        %add3A_1654 = arith.addf %mul3A_231, %mul3A_1495 : vector<16xf32>
        %mul3A_1655 = arith.mulf %add3A_1654, %add3A_218 : vector<16xf32>
        %add3A_1656 = arith.addf %mul3A_1655, %mul3A_1497 : vector<16xf32>
        %exp3A_1657 = math.exp %add3A_1656 : vector<16xf32>
        %min3A_1658 = arith.constant 1.000000e+00 : f32
        %min3A_1659 = vector.broadcast %min3A_1658 : f32 to vector<16xf32>
        %min3A_1660 = arith.minimumf %exp3A_1657, %min3A_1659 : vector<16xf32>
        %and3A_1661 = arith.andi %and3A_1491, %and3A_181 : vector<16xi1>
        %mul3A_1662 = arith.mulf %min3A_1660, %gather3A_86 : vector<16xf32>
        %scatter3A_1663 = arith.constant 0 : i32
        %scatter3A_1664 = arith.constant 0 : i32
        %scatter3A_1665 = arith.constant 0 : i32
        %scatter3A_1666 = tpu.memref_slice %arg5[%scatter3A_1663, %scatter3A_1664, %scatter3A_1665] : memref<3x14x224xf32, #tpu.memory_space<vmem>> -> memref<1x14x224xf32, #tpu.memory_space<vmem>>
        %scatter3A_1667 = tpu.memref_squeeze %scatter3A_1666 : memref<1x14x224xf32, #tpu.memory_space<vmem>> -> memref<14x224xf32, #tpu.memory_space<vmem>>
        tpu.vector_store_idx %scatter3A_1667[%add3A_1484, %add3A_121], %mul3A_1662 masked %and3A_1661 {add = true} : memref<14x224xf32, #tpu.memory_space<vmem>>[vector<16xi32>, vector<16xi32>], vector<16xf32>, vector<16xi1>
        %mul3A_1668 = arith.mulf %min3A_1660, %gather3A_91 : vector<16xf32>
        %scatter3A_1669 = arith.constant 1 : i32
        %scatter3A_1670 = arith.constant 0 : i32
        %scatter3A_1671 = arith.constant 0 : i32
        %scatter3A_1672 = tpu.memref_slice %arg5[%scatter3A_1669, %scatter3A_1670, %scatter3A_1671] : memref<3x14x224xf32, #tpu.memory_space<vmem>> -> memref<1x14x224xf32, #tpu.memory_space<vmem>>
        %scatter3A_1673 = tpu.memref_squeeze %scatter3A_1672 : memref<1x14x224xf32, #tpu.memory_space<vmem>> -> memref<14x224xf32, #tpu.memory_space<vmem>>
        tpu.vector_store_idx %scatter3A_1673[%add3A_1484, %add3A_121], %mul3A_1668 masked %and3A_1661 {add = true} : memref<14x224xf32, #tpu.memory_space<vmem>>[vector<16xi32>, vector<16xi32>], vector<16xf32>, vector<16xi1>
        %mul3A_1674 = arith.mulf %min3A_1660, %gather3A_96 : vector<16xf32>
        %scatter3A_1675 = arith.constant 2 : i32
        %scatter3A_1676 = arith.constant 0 : i32
        %scatter3A_1677 = arith.constant 0 : i32
        %scatter3A_1678 = tpu.memref_slice %arg5[%scatter3A_1675, %scatter3A_1676, %scatter3A_1677] : memref<3x14x224xf32, #tpu.memory_space<vmem>> -> memref<1x14x224xf32, #tpu.memory_space<vmem>>
        %scatter3A_1679 = tpu.memref_squeeze %scatter3A_1678 : memref<1x14x224xf32, #tpu.memory_space<vmem>> -> memref<14x224xf32, #tpu.memory_space<vmem>>
        tpu.vector_store_idx %scatter3A_1679[%add3A_1484, %add3A_121], %mul3A_1674 masked %and3A_1661 {add = true} : memref<14x224xf32, #tpu.memory_space<vmem>>[vector<16xi32>, vector<16xi32>], vector<16xf32>, vector<16xi1>
        %add3A_1680 = arith.addf %mul3A_232, %mul3A_1495 : vector<16xf32>
        %mul3A_1681 = arith.mulf %add3A_1680, %add3A_221 : vector<16xf32>
        %add3A_1682 = arith.addf %mul3A_1681, %mul3A_1497 : vector<16xf32>
        %exp3A_1683 = math.exp %add3A_1682 : vector<16xf32>
        %min3A_1684 = arith.constant 1.000000e+00 : f32
        %min3A_1685 = vector.broadcast %min3A_1684 : f32 to vector<16xf32>
        %min3A_1686 = arith.minimumf %exp3A_1683, %min3A_1685 : vector<16xf32>
        %and3A_1687 = arith.andi %and3A_1491, %and3A_189 : vector<16xi1>
        %mul3A_1688 = arith.mulf %min3A_1686, %gather3A_86 : vector<16xf32>
        %scatter3A_1689 = arith.constant 0 : i32
        %scatter3A_1690 = arith.constant 0 : i32
        %scatter3A_1691 = arith.constant 0 : i32
        %scatter3A_1692 = tpu.memref_slice %arg5[%scatter3A_1689, %scatter3A_1690, %scatter3A_1691] : memref<3x14x224xf32, #tpu.memory_space<vmem>> -> memref<1x14x224xf32, #tpu.memory_space<vmem>>
        %scatter3A_1693 = tpu.memref_squeeze %scatter3A_1692 : memref<1x14x224xf32, #tpu.memory_space<vmem>> -> memref<14x224xf32, #tpu.memory_space<vmem>>
        tpu.vector_store_idx %scatter3A_1693[%add3A_1484, %add3A_124], %mul3A_1688 masked %and3A_1687 {add = true} : memref<14x224xf32, #tpu.memory_space<vmem>>[vector<16xi32>, vector<16xi32>], vector<16xf32>, vector<16xi1>
        %mul3A_1694 = arith.mulf %min3A_1686, %gather3A_91 : vector<16xf32>
        %scatter3A_1695 = arith.constant 1 : i32
        %scatter3A_1696 = arith.constant 0 : i32
        %scatter3A_1697 = arith.constant 0 : i32
        %scatter3A_1698 = tpu.memref_slice %arg5[%scatter3A_1695, %scatter3A_1696, %scatter3A_1697] : memref<3x14x224xf32, #tpu.memory_space<vmem>> -> memref<1x14x224xf32, #tpu.memory_space<vmem>>
        %scatter3A_1699 = tpu.memref_squeeze %scatter3A_1698 : memref<1x14x224xf32, #tpu.memory_space<vmem>> -> memref<14x224xf32, #tpu.memory_space<vmem>>
        tpu.vector_store_idx %scatter3A_1699[%add3A_1484, %add3A_124], %mul3A_1694 masked %and3A_1687 {add = true} : memref<14x224xf32, #tpu.memory_space<vmem>>[vector<16xi32>, vector<16xi32>], vector<16xf32>, vector<16xi1>
        %mul3A_1700 = arith.mulf %min3A_1686, %gather3A_96 : vector<16xf32>
        %scatter3A_1701 = arith.constant 2 : i32
        %scatter3A_1702 = arith.constant 0 : i32
        %scatter3A_1703 = arith.constant 0 : i32
        %scatter3A_1704 = tpu.memref_slice %arg5[%scatter3A_1701, %scatter3A_1702, %scatter3A_1703] : memref<3x14x224xf32, #tpu.memory_space<vmem>> -> memref<1x14x224xf32, #tpu.memory_space<vmem>>
        %scatter3A_1705 = tpu.memref_squeeze %scatter3A_1704 : memref<1x14x224xf32, #tpu.memory_space<vmem>> -> memref<14x224xf32, #tpu.memory_space<vmem>>
        tpu.vector_store_idx %scatter3A_1705[%add3A_1484, %add3A_124], %mul3A_1700 masked %and3A_1687 {add = true} : memref<14x224xf32, #tpu.memory_space<vmem>>[vector<16xi32>, vector<16xi32>], vector<16xf32>, vector<16xi1>
        %add3A_1706 = arith.addf %mul3A_233, %mul3A_1495 : vector<16xf32>
        %mul3A_1707 = arith.mulf %add3A_1706, %add3A_224 : vector<16xf32>
        %add3A_1708 = arith.addf %mul3A_1707, %mul3A_1497 : vector<16xf32>
        %exp3A_1709 = math.exp %add3A_1708 : vector<16xf32>
        %min3A_1710 = arith.constant 1.000000e+00 : f32
        %min3A_1711 = vector.broadcast %min3A_1710 : f32 to vector<16xf32>
        %min3A_1712 = arith.minimumf %exp3A_1709, %min3A_1711 : vector<16xf32>
        %and3A_1713 = arith.andi %and3A_1491, %and3A_197 : vector<16xi1>
        %mul3A_1714 = arith.mulf %min3A_1712, %gather3A_86 : vector<16xf32>
        %scatter3A_1715 = arith.constant 0 : i32
        %scatter3A_1716 = arith.constant 0 : i32
        %scatter3A_1717 = arith.constant 0 : i32
        %scatter3A_1718 = tpu.memref_slice %arg5[%scatter3A_1715, %scatter3A_1716, %scatter3A_1717] : memref<3x14x224xf32, #tpu.memory_space<vmem>> -> memref<1x14x224xf32, #tpu.memory_space<vmem>>
        %scatter3A_1719 = tpu.memref_squeeze %scatter3A_1718 : memref<1x14x224xf32, #tpu.memory_space<vmem>> -> memref<14x224xf32, #tpu.memory_space<vmem>>
        tpu.vector_store_idx %scatter3A_1719[%add3A_1484, %add3A_127], %mul3A_1714 masked %and3A_1713 {add = true} : memref<14x224xf32, #tpu.memory_space<vmem>>[vector<16xi32>, vector<16xi32>], vector<16xf32>, vector<16xi1>
        %mul3A_1720 = arith.mulf %min3A_1712, %gather3A_91 : vector<16xf32>
        %scatter3A_1721 = arith.constant 1 : i32
        %scatter3A_1722 = arith.constant 0 : i32
        %scatter3A_1723 = arith.constant 0 : i32
        %scatter3A_1724 = tpu.memref_slice %arg5[%scatter3A_1721, %scatter3A_1722, %scatter3A_1723] : memref<3x14x224xf32, #tpu.memory_space<vmem>> -> memref<1x14x224xf32, #tpu.memory_space<vmem>>
        %scatter3A_1725 = tpu.memref_squeeze %scatter3A_1724 : memref<1x14x224xf32, #tpu.memory_space<vmem>> -> memref<14x224xf32, #tpu.memory_space<vmem>>
        tpu.vector_store_idx %scatter3A_1725[%add3A_1484, %add3A_127], %mul3A_1720 masked %and3A_1713 {add = true} : memref<14x224xf32, #tpu.memory_space<vmem>>[vector<16xi32>, vector<16xi32>], vector<16xf32>, vector<16xi1>
        %mul3A_1726 = arith.mulf %min3A_1712, %gather3A_96 : vector<16xf32>
        %scatter3A_1727 = arith.constant 2 : i32
        %scatter3A_1728 = arith.constant 0 : i32
        %scatter3A_1729 = arith.constant 0 : i32
        %scatter3A_1730 = tpu.memref_slice %arg5[%scatter3A_1727, %scatter3A_1728, %scatter3A_1729] : memref<3x14x224xf32, #tpu.memory_space<vmem>> -> memref<1x14x224xf32, #tpu.memory_space<vmem>>
        %scatter3A_1731 = tpu.memref_squeeze %scatter3A_1730 : memref<1x14x224xf32, #tpu.memory_space<vmem>> -> memref<14x224xf32, #tpu.memory_space<vmem>>
        tpu.vector_store_idx %scatter3A_1731[%add3A_1484, %add3A_127], %mul3A_1726 masked %and3A_1713 {add = true} : memref<14x224xf32, #tpu.memory_space<vmem>>[vector<16xi32>, vector<16xi32>], vector<16xf32>, vector<16xi1>
        %add3A_1732 = arith.constant 2 : i32
        %add3A_1733 = vector.broadcast %add3A_1732 : i32 to vector<16xi32>
        %add3A_1734 = arith.addi %sub3A_100, %add3A_1733 : vector<16xi32>
        %ge3A_1735 = arith.constant 0 : i32
        %ge3A_1736 = vector.broadcast %ge3A_1735 : i32 to vector<16xi32>
        %ge3A_1737 = arith.cmpi sge, %add3A_1734, %ge3A_1736 : vector<16xi32>
        %lt3A_1738 = arith.constant 14 : i32
        %lt3A_1739 = vector.broadcast %lt3A_1738 : i32 to vector<16xi32>
        %lt3A_1740 = arith.cmpi slt, %add3A_1734, %lt3A_1739 : vector<16xi32>
        %and3A_1741 = arith.andi %ge3A_1737, %lt3A_1740 : vector<16xi1>
        %add3A_1742 = arith.constant 2.000000e+00 : f32
        %add3A_1743 = vector.broadcast %add3A_1742 : f32 to vector<16xf32>
        %add3A_1744 = arith.addf %gather3A_55, %add3A_1743 : vector<16xf32>
        %mul3A_1745 = arith.mulf %gather3A_76, %add3A_1744 : vector<16xf32>
        %mul3A_1746 = arith.mulf %gather3A_81, %add3A_1744 : vector<16xf32>
        %mul3A_1747 = arith.mulf %mul3A_1746, %add3A_1744 : vector<16xf32>
        %add3A_1748 = arith.addf %mul3A_225, %mul3A_1745 : vector<16xf32>
        %mul3A_1749 = arith.mulf %add3A_1748, %add3A_200 : vector<16xf32>
        %add3A_1750 = arith.addf %mul3A_1749, %mul3A_1747 : vector<16xf32>
        %exp3A_1751 = math.exp %add3A_1750 : vector<16xf32>
        %min3A_1752 = arith.constant 1.000000e+00 : f32
        %min3A_1753 = vector.broadcast %min3A_1752 : f32 to vector<16xf32>
        %min3A_1754 = arith.minimumf %exp3A_1751, %min3A_1753 : vector<16xf32>
        %and3A_1755 = arith.andi %and3A_1741, %and3A_133 : vector<16xi1>
        %mul3A_1756 = arith.mulf %min3A_1754, %gather3A_86 : vector<16xf32>
        %scatter3A_1757 = arith.constant 0 : i32
        %scatter3A_1758 = arith.constant 0 : i32
        %scatter3A_1759 = arith.constant 0 : i32
        %scatter3A_1760 = tpu.memref_slice %arg5[%scatter3A_1757, %scatter3A_1758, %scatter3A_1759] : memref<3x14x224xf32, #tpu.memory_space<vmem>> -> memref<1x14x224xf32, #tpu.memory_space<vmem>>
        %scatter3A_1761 = tpu.memref_squeeze %scatter3A_1760 : memref<1x14x224xf32, #tpu.memory_space<vmem>> -> memref<14x224xf32, #tpu.memory_space<vmem>>
        tpu.vector_store_idx %scatter3A_1761[%add3A_1734, %add3A_103], %mul3A_1756 masked %and3A_1755 {add = true} : memref<14x224xf32, #tpu.memory_space<vmem>>[vector<16xi32>, vector<16xi32>], vector<16xf32>, vector<16xi1>
        %mul3A_1762 = arith.mulf %min3A_1754, %gather3A_91 : vector<16xf32>
        %scatter3A_1763 = arith.constant 1 : i32
        %scatter3A_1764 = arith.constant 0 : i32
        %scatter3A_1765 = arith.constant 0 : i32
        %scatter3A_1766 = tpu.memref_slice %arg5[%scatter3A_1763, %scatter3A_1764, %scatter3A_1765] : memref<3x14x224xf32, #tpu.memory_space<vmem>> -> memref<1x14x224xf32, #tpu.memory_space<vmem>>
        %scatter3A_1767 = tpu.memref_squeeze %scatter3A_1766 : memref<1x14x224xf32, #tpu.memory_space<vmem>> -> memref<14x224xf32, #tpu.memory_space<vmem>>
        tpu.vector_store_idx %scatter3A_1767[%add3A_1734, %add3A_103], %mul3A_1762 masked %and3A_1755 {add = true} : memref<14x224xf32, #tpu.memory_space<vmem>>[vector<16xi32>, vector<16xi32>], vector<16xf32>, vector<16xi1>
        %mul3A_1768 = arith.mulf %min3A_1754, %gather3A_96 : vector<16xf32>
        %scatter3A_1769 = arith.constant 2 : i32
        %scatter3A_1770 = arith.constant 0 : i32
        %scatter3A_1771 = arith.constant 0 : i32
        %scatter3A_1772 = tpu.memref_slice %arg5[%scatter3A_1769, %scatter3A_1770, %scatter3A_1771] : memref<3x14x224xf32, #tpu.memory_space<vmem>> -> memref<1x14x224xf32, #tpu.memory_space<vmem>>
        %scatter3A_1773 = tpu.memref_squeeze %scatter3A_1772 : memref<1x14x224xf32, #tpu.memory_space<vmem>> -> memref<14x224xf32, #tpu.memory_space<vmem>>
        tpu.vector_store_idx %scatter3A_1773[%add3A_1734, %add3A_103], %mul3A_1768 masked %and3A_1755 {add = true} : memref<14x224xf32, #tpu.memory_space<vmem>>[vector<16xi32>, vector<16xi32>], vector<16xf32>, vector<16xi1>
        %add3A_1774 = arith.addf %mul3A_226, %mul3A_1745 : vector<16xf32>
        %mul3A_1775 = arith.mulf %add3A_1774, %add3A_203 : vector<16xf32>
        %add3A_1776 = arith.addf %mul3A_1775, %mul3A_1747 : vector<16xf32>
        %exp3A_1777 = math.exp %add3A_1776 : vector<16xf32>
        %min3A_1778 = arith.constant 1.000000e+00 : f32
        %min3A_1779 = vector.broadcast %min3A_1778 : f32 to vector<16xf32>
        %min3A_1780 = arith.minimumf %exp3A_1777, %min3A_1779 : vector<16xf32>
        %and3A_1781 = arith.andi %and3A_1741, %and3A_141 : vector<16xi1>
        %mul3A_1782 = arith.mulf %min3A_1780, %gather3A_86 : vector<16xf32>
        %scatter3A_1783 = arith.constant 0 : i32
        %scatter3A_1784 = arith.constant 0 : i32
        %scatter3A_1785 = arith.constant 0 : i32
        %scatter3A_1786 = tpu.memref_slice %arg5[%scatter3A_1783, %scatter3A_1784, %scatter3A_1785] : memref<3x14x224xf32, #tpu.memory_space<vmem>> -> memref<1x14x224xf32, #tpu.memory_space<vmem>>
        %scatter3A_1787 = tpu.memref_squeeze %scatter3A_1786 : memref<1x14x224xf32, #tpu.memory_space<vmem>> -> memref<14x224xf32, #tpu.memory_space<vmem>>
        tpu.vector_store_idx %scatter3A_1787[%add3A_1734, %add3A_106], %mul3A_1782 masked %and3A_1781 {add = true} : memref<14x224xf32, #tpu.memory_space<vmem>>[vector<16xi32>, vector<16xi32>], vector<16xf32>, vector<16xi1>
        %mul3A_1788 = arith.mulf %min3A_1780, %gather3A_91 : vector<16xf32>
        %scatter3A_1789 = arith.constant 1 : i32
        %scatter3A_1790 = arith.constant 0 : i32
        %scatter3A_1791 = arith.constant 0 : i32
        %scatter3A_1792 = tpu.memref_slice %arg5[%scatter3A_1789, %scatter3A_1790, %scatter3A_1791] : memref<3x14x224xf32, #tpu.memory_space<vmem>> -> memref<1x14x224xf32, #tpu.memory_space<vmem>>
        %scatter3A_1793 = tpu.memref_squeeze %scatter3A_1792 : memref<1x14x224xf32, #tpu.memory_space<vmem>> -> memref<14x224xf32, #tpu.memory_space<vmem>>
        tpu.vector_store_idx %scatter3A_1793[%add3A_1734, %add3A_106], %mul3A_1788 masked %and3A_1781 {add = true} : memref<14x224xf32, #tpu.memory_space<vmem>>[vector<16xi32>, vector<16xi32>], vector<16xf32>, vector<16xi1>
        %mul3A_1794 = arith.mulf %min3A_1780, %gather3A_96 : vector<16xf32>
        %scatter3A_1795 = arith.constant 2 : i32
        %scatter3A_1796 = arith.constant 0 : i32
        %scatter3A_1797 = arith.constant 0 : i32
        %scatter3A_1798 = tpu.memref_slice %arg5[%scatter3A_1795, %scatter3A_1796, %scatter3A_1797] : memref<3x14x224xf32, #tpu.memory_space<vmem>> -> memref<1x14x224xf32, #tpu.memory_space<vmem>>
        %scatter3A_1799 = tpu.memref_squeeze %scatter3A_1798 : memref<1x14x224xf32, #tpu.memory_space<vmem>> -> memref<14x224xf32, #tpu.memory_space<vmem>>
        tpu.vector_store_idx %scatter3A_1799[%add3A_1734, %add3A_106], %mul3A_1794 masked %and3A_1781 {add = true} : memref<14x224xf32, #tpu.memory_space<vmem>>[vector<16xi32>, vector<16xi32>], vector<16xf32>, vector<16xi1>
        %add3A_1800 = arith.addf %mul3A_227, %mul3A_1745 : vector<16xf32>
        %mul3A_1801 = arith.mulf %add3A_1800, %add3A_206 : vector<16xf32>
        %add3A_1802 = arith.addf %mul3A_1801, %mul3A_1747 : vector<16xf32>
        %exp3A_1803 = math.exp %add3A_1802 : vector<16xf32>
        %min3A_1804 = arith.constant 1.000000e+00 : f32
        %min3A_1805 = vector.broadcast %min3A_1804 : f32 to vector<16xf32>
        %min3A_1806 = arith.minimumf %exp3A_1803, %min3A_1805 : vector<16xf32>
        %and3A_1807 = arith.andi %and3A_1741, %and3A_149 : vector<16xi1>
        %mul3A_1808 = arith.mulf %min3A_1806, %gather3A_86 : vector<16xf32>
        %scatter3A_1809 = arith.constant 0 : i32
        %scatter3A_1810 = arith.constant 0 : i32
        %scatter3A_1811 = arith.constant 0 : i32
        %scatter3A_1812 = tpu.memref_slice %arg5[%scatter3A_1809, %scatter3A_1810, %scatter3A_1811] : memref<3x14x224xf32, #tpu.memory_space<vmem>> -> memref<1x14x224xf32, #tpu.memory_space<vmem>>
        %scatter3A_1813 = tpu.memref_squeeze %scatter3A_1812 : memref<1x14x224xf32, #tpu.memory_space<vmem>> -> memref<14x224xf32, #tpu.memory_space<vmem>>
        tpu.vector_store_idx %scatter3A_1813[%add3A_1734, %add3A_109], %mul3A_1808 masked %and3A_1807 {add = true} : memref<14x224xf32, #tpu.memory_space<vmem>>[vector<16xi32>, vector<16xi32>], vector<16xf32>, vector<16xi1>
        %mul3A_1814 = arith.mulf %min3A_1806, %gather3A_91 : vector<16xf32>
        %scatter3A_1815 = arith.constant 1 : i32
        %scatter3A_1816 = arith.constant 0 : i32
        %scatter3A_1817 = arith.constant 0 : i32
        %scatter3A_1818 = tpu.memref_slice %arg5[%scatter3A_1815, %scatter3A_1816, %scatter3A_1817] : memref<3x14x224xf32, #tpu.memory_space<vmem>> -> memref<1x14x224xf32, #tpu.memory_space<vmem>>
        %scatter3A_1819 = tpu.memref_squeeze %scatter3A_1818 : memref<1x14x224xf32, #tpu.memory_space<vmem>> -> memref<14x224xf32, #tpu.memory_space<vmem>>
        tpu.vector_store_idx %scatter3A_1819[%add3A_1734, %add3A_109], %mul3A_1814 masked %and3A_1807 {add = true} : memref<14x224xf32, #tpu.memory_space<vmem>>[vector<16xi32>, vector<16xi32>], vector<16xf32>, vector<16xi1>
        %mul3A_1820 = arith.mulf %min3A_1806, %gather3A_96 : vector<16xf32>
        %scatter3A_1821 = arith.constant 2 : i32
        %scatter3A_1822 = arith.constant 0 : i32
        %scatter3A_1823 = arith.constant 0 : i32
        %scatter3A_1824 = tpu.memref_slice %arg5[%scatter3A_1821, %scatter3A_1822, %scatter3A_1823] : memref<3x14x224xf32, #tpu.memory_space<vmem>> -> memref<1x14x224xf32, #tpu.memory_space<vmem>>
        %scatter3A_1825 = tpu.memref_squeeze %scatter3A_1824 : memref<1x14x224xf32, #tpu.memory_space<vmem>> -> memref<14x224xf32, #tpu.memory_space<vmem>>
        tpu.vector_store_idx %scatter3A_1825[%add3A_1734, %add3A_109], %mul3A_1820 masked %and3A_1807 {add = true} : memref<14x224xf32, #tpu.memory_space<vmem>>[vector<16xi32>, vector<16xi32>], vector<16xf32>, vector<16xi1>
        %add3A_1826 = arith.addf %mul3A_228, %mul3A_1745 : vector<16xf32>
        %mul3A_1827 = arith.mulf %add3A_1826, %add3A_209 : vector<16xf32>
        %add3A_1828 = arith.addf %mul3A_1827, %mul3A_1747 : vector<16xf32>
        %exp3A_1829 = math.exp %add3A_1828 : vector<16xf32>
        %min3A_1830 = arith.constant 1.000000e+00 : f32
        %min3A_1831 = vector.broadcast %min3A_1830 : f32 to vector<16xf32>
        %min3A_1832 = arith.minimumf %exp3A_1829, %min3A_1831 : vector<16xf32>
        %and3A_1833 = arith.andi %and3A_1741, %and3A_157 : vector<16xi1>
        %mul3A_1834 = arith.mulf %min3A_1832, %gather3A_86 : vector<16xf32>
        %scatter3A_1835 = arith.constant 0 : i32
        %scatter3A_1836 = arith.constant 0 : i32
        %scatter3A_1837 = arith.constant 0 : i32
        %scatter3A_1838 = tpu.memref_slice %arg5[%scatter3A_1835, %scatter3A_1836, %scatter3A_1837] : memref<3x14x224xf32, #tpu.memory_space<vmem>> -> memref<1x14x224xf32, #tpu.memory_space<vmem>>
        %scatter3A_1839 = tpu.memref_squeeze %scatter3A_1838 : memref<1x14x224xf32, #tpu.memory_space<vmem>> -> memref<14x224xf32, #tpu.memory_space<vmem>>
        tpu.vector_store_idx %scatter3A_1839[%add3A_1734, %add3A_112], %mul3A_1834 masked %and3A_1833 {add = true} : memref<14x224xf32, #tpu.memory_space<vmem>>[vector<16xi32>, vector<16xi32>], vector<16xf32>, vector<16xi1>
        %mul3A_1840 = arith.mulf %min3A_1832, %gather3A_91 : vector<16xf32>
        %scatter3A_1841 = arith.constant 1 : i32
        %scatter3A_1842 = arith.constant 0 : i32
        %scatter3A_1843 = arith.constant 0 : i32
        %scatter3A_1844 = tpu.memref_slice %arg5[%scatter3A_1841, %scatter3A_1842, %scatter3A_1843] : memref<3x14x224xf32, #tpu.memory_space<vmem>> -> memref<1x14x224xf32, #tpu.memory_space<vmem>>
        %scatter3A_1845 = tpu.memref_squeeze %scatter3A_1844 : memref<1x14x224xf32, #tpu.memory_space<vmem>> -> memref<14x224xf32, #tpu.memory_space<vmem>>
        tpu.vector_store_idx %scatter3A_1845[%add3A_1734, %add3A_112], %mul3A_1840 masked %and3A_1833 {add = true} : memref<14x224xf32, #tpu.memory_space<vmem>>[vector<16xi32>, vector<16xi32>], vector<16xf32>, vector<16xi1>
        %mul3A_1846 = arith.mulf %min3A_1832, %gather3A_96 : vector<16xf32>
        %scatter3A_1847 = arith.constant 2 : i32
        %scatter3A_1848 = arith.constant 0 : i32
        %scatter3A_1849 = arith.constant 0 : i32
        %scatter3A_1850 = tpu.memref_slice %arg5[%scatter3A_1847, %scatter3A_1848, %scatter3A_1849] : memref<3x14x224xf32, #tpu.memory_space<vmem>> -> memref<1x14x224xf32, #tpu.memory_space<vmem>>
        %scatter3A_1851 = tpu.memref_squeeze %scatter3A_1850 : memref<1x14x224xf32, #tpu.memory_space<vmem>> -> memref<14x224xf32, #tpu.memory_space<vmem>>
        tpu.vector_store_idx %scatter3A_1851[%add3A_1734, %add3A_112], %mul3A_1846 masked %and3A_1833 {add = true} : memref<14x224xf32, #tpu.memory_space<vmem>>[vector<16xi32>, vector<16xi32>], vector<16xf32>, vector<16xi1>
        %add3A_1852 = arith.addf %mul3A_229, %mul3A_1745 : vector<16xf32>
        %mul3A_1853 = arith.mulf %add3A_1852, %add3A_212 : vector<16xf32>
        %add3A_1854 = arith.addf %mul3A_1853, %mul3A_1747 : vector<16xf32>
        %exp3A_1855 = math.exp %add3A_1854 : vector<16xf32>
        %min3A_1856 = arith.constant 1.000000e+00 : f32
        %min3A_1857 = vector.broadcast %min3A_1856 : f32 to vector<16xf32>
        %min3A_1858 = arith.minimumf %exp3A_1855, %min3A_1857 : vector<16xf32>
        %and3A_1859 = arith.andi %and3A_1741, %and3A_165 : vector<16xi1>
        %mul3A_1860 = arith.mulf %min3A_1858, %gather3A_86 : vector<16xf32>
        %scatter3A_1861 = arith.constant 0 : i32
        %scatter3A_1862 = arith.constant 0 : i32
        %scatter3A_1863 = arith.constant 0 : i32
        %scatter3A_1864 = tpu.memref_slice %arg5[%scatter3A_1861, %scatter3A_1862, %scatter3A_1863] : memref<3x14x224xf32, #tpu.memory_space<vmem>> -> memref<1x14x224xf32, #tpu.memory_space<vmem>>
        %scatter3A_1865 = tpu.memref_squeeze %scatter3A_1864 : memref<1x14x224xf32, #tpu.memory_space<vmem>> -> memref<14x224xf32, #tpu.memory_space<vmem>>
        tpu.vector_store_idx %scatter3A_1865[%add3A_1734, %add3A_115], %mul3A_1860 masked %and3A_1859 {add = true} : memref<14x224xf32, #tpu.memory_space<vmem>>[vector<16xi32>, vector<16xi32>], vector<16xf32>, vector<16xi1>
        %mul3A_1866 = arith.mulf %min3A_1858, %gather3A_91 : vector<16xf32>
        %scatter3A_1867 = arith.constant 1 : i32
        %scatter3A_1868 = arith.constant 0 : i32
        %scatter3A_1869 = arith.constant 0 : i32
        %scatter3A_1870 = tpu.memref_slice %arg5[%scatter3A_1867, %scatter3A_1868, %scatter3A_1869] : memref<3x14x224xf32, #tpu.memory_space<vmem>> -> memref<1x14x224xf32, #tpu.memory_space<vmem>>
        %scatter3A_1871 = tpu.memref_squeeze %scatter3A_1870 : memref<1x14x224xf32, #tpu.memory_space<vmem>> -> memref<14x224xf32, #tpu.memory_space<vmem>>
        tpu.vector_store_idx %scatter3A_1871[%add3A_1734, %add3A_115], %mul3A_1866 masked %and3A_1859 {add = true} : memref<14x224xf32, #tpu.memory_space<vmem>>[vector<16xi32>, vector<16xi32>], vector<16xf32>, vector<16xi1>
        %mul3A_1872 = arith.mulf %min3A_1858, %gather3A_96 : vector<16xf32>
        %scatter3A_1873 = arith.constant 2 : i32
        %scatter3A_1874 = arith.constant 0 : i32
        %scatter3A_1875 = arith.constant 0 : i32
        %scatter3A_1876 = tpu.memref_slice %arg5[%scatter3A_1873, %scatter3A_1874, %scatter3A_1875] : memref<3x14x224xf32, #tpu.memory_space<vmem>> -> memref<1x14x224xf32, #tpu.memory_space<vmem>>
        %scatter3A_1877 = tpu.memref_squeeze %scatter3A_1876 : memref<1x14x224xf32, #tpu.memory_space<vmem>> -> memref<14x224xf32, #tpu.memory_space<vmem>>
        tpu.vector_store_idx %scatter3A_1877[%add3A_1734, %add3A_115], %mul3A_1872 masked %and3A_1859 {add = true} : memref<14x224xf32, #tpu.memory_space<vmem>>[vector<16xi32>, vector<16xi32>], vector<16xf32>, vector<16xi1>
        %add3A_1878 = arith.addf %mul3A_230, %mul3A_1745 : vector<16xf32>
        %mul3A_1879 = arith.mulf %add3A_1878, %add3A_215 : vector<16xf32>
        %add3A_1880 = arith.addf %mul3A_1879, %mul3A_1747 : vector<16xf32>
        %exp3A_1881 = math.exp %add3A_1880 : vector<16xf32>
        %min3A_1882 = arith.constant 1.000000e+00 : f32
        %min3A_1883 = vector.broadcast %min3A_1882 : f32 to vector<16xf32>
        %min3A_1884 = arith.minimumf %exp3A_1881, %min3A_1883 : vector<16xf32>
        %and3A_1885 = arith.andi %and3A_1741, %and3A_173 : vector<16xi1>
        %mul3A_1886 = arith.mulf %min3A_1884, %gather3A_86 : vector<16xf32>
        %scatter3A_1887 = arith.constant 0 : i32
        %scatter3A_1888 = arith.constant 0 : i32
        %scatter3A_1889 = arith.constant 0 : i32
        %scatter3A_1890 = tpu.memref_slice %arg5[%scatter3A_1887, %scatter3A_1888, %scatter3A_1889] : memref<3x14x224xf32, #tpu.memory_space<vmem>> -> memref<1x14x224xf32, #tpu.memory_space<vmem>>
        %scatter3A_1891 = tpu.memref_squeeze %scatter3A_1890 : memref<1x14x224xf32, #tpu.memory_space<vmem>> -> memref<14x224xf32, #tpu.memory_space<vmem>>
        tpu.vector_store_idx %scatter3A_1891[%add3A_1734, %add3A_118], %mul3A_1886 masked %and3A_1885 {add = true} : memref<14x224xf32, #tpu.memory_space<vmem>>[vector<16xi32>, vector<16xi32>], vector<16xf32>, vector<16xi1>
        %mul3A_1892 = arith.mulf %min3A_1884, %gather3A_91 : vector<16xf32>
        %scatter3A_1893 = arith.constant 1 : i32
        %scatter3A_1894 = arith.constant 0 : i32
        %scatter3A_1895 = arith.constant 0 : i32
        %scatter3A_1896 = tpu.memref_slice %arg5[%scatter3A_1893, %scatter3A_1894, %scatter3A_1895] : memref<3x14x224xf32, #tpu.memory_space<vmem>> -> memref<1x14x224xf32, #tpu.memory_space<vmem>>
        %scatter3A_1897 = tpu.memref_squeeze %scatter3A_1896 : memref<1x14x224xf32, #tpu.memory_space<vmem>> -> memref<14x224xf32, #tpu.memory_space<vmem>>
        tpu.vector_store_idx %scatter3A_1897[%add3A_1734, %add3A_118], %mul3A_1892 masked %and3A_1885 {add = true} : memref<14x224xf32, #tpu.memory_space<vmem>>[vector<16xi32>, vector<16xi32>], vector<16xf32>, vector<16xi1>
        %mul3A_1898 = arith.mulf %min3A_1884, %gather3A_96 : vector<16xf32>
        %scatter3A_1899 = arith.constant 2 : i32
        %scatter3A_1900 = arith.constant 0 : i32
        %scatter3A_1901 = arith.constant 0 : i32
        %scatter3A_1902 = tpu.memref_slice %arg5[%scatter3A_1899, %scatter3A_1900, %scatter3A_1901] : memref<3x14x224xf32, #tpu.memory_space<vmem>> -> memref<1x14x224xf32, #tpu.memory_space<vmem>>
        %scatter3A_1903 = tpu.memref_squeeze %scatter3A_1902 : memref<1x14x224xf32, #tpu.memory_space<vmem>> -> memref<14x224xf32, #tpu.memory_space<vmem>>
        tpu.vector_store_idx %scatter3A_1903[%add3A_1734, %add3A_118], %mul3A_1898 masked %and3A_1885 {add = true} : memref<14x224xf32, #tpu.memory_space<vmem>>[vector<16xi32>, vector<16xi32>], vector<16xf32>, vector<16xi1>
        %add3A_1904 = arith.addf %mul3A_231, %mul3A_1745 : vector<16xf32>
        %mul3A_1905 = arith.mulf %add3A_1904, %add3A_218 : vector<16xf32>
        %add3A_1906 = arith.addf %mul3A_1905, %mul3A_1747 : vector<16xf32>
        %exp3A_1907 = math.exp %add3A_1906 : vector<16xf32>
        %min3A_1908 = arith.constant 1.000000e+00 : f32
        %min3A_1909 = vector.broadcast %min3A_1908 : f32 to vector<16xf32>
        %min3A_1910 = arith.minimumf %exp3A_1907, %min3A_1909 : vector<16xf32>
        %and3A_1911 = arith.andi %and3A_1741, %and3A_181 : vector<16xi1>
        %mul3A_1912 = arith.mulf %min3A_1910, %gather3A_86 : vector<16xf32>
        %scatter3A_1913 = arith.constant 0 : i32
        %scatter3A_1914 = arith.constant 0 : i32
        %scatter3A_1915 = arith.constant 0 : i32
        %scatter3A_1916 = tpu.memref_slice %arg5[%scatter3A_1913, %scatter3A_1914, %scatter3A_1915] : memref<3x14x224xf32, #tpu.memory_space<vmem>> -> memref<1x14x224xf32, #tpu.memory_space<vmem>>
        %scatter3A_1917 = tpu.memref_squeeze %scatter3A_1916 : memref<1x14x224xf32, #tpu.memory_space<vmem>> -> memref<14x224xf32, #tpu.memory_space<vmem>>
        tpu.vector_store_idx %scatter3A_1917[%add3A_1734, %add3A_121], %mul3A_1912 masked %and3A_1911 {add = true} : memref<14x224xf32, #tpu.memory_space<vmem>>[vector<16xi32>, vector<16xi32>], vector<16xf32>, vector<16xi1>
        %mul3A_1918 = arith.mulf %min3A_1910, %gather3A_91 : vector<16xf32>
        %scatter3A_1919 = arith.constant 1 : i32
        %scatter3A_1920 = arith.constant 0 : i32
        %scatter3A_1921 = arith.constant 0 : i32
        %scatter3A_1922 = tpu.memref_slice %arg5[%scatter3A_1919, %scatter3A_1920, %scatter3A_1921] : memref<3x14x224xf32, #tpu.memory_space<vmem>> -> memref<1x14x224xf32, #tpu.memory_space<vmem>>
        %scatter3A_1923 = tpu.memref_squeeze %scatter3A_1922 : memref<1x14x224xf32, #tpu.memory_space<vmem>> -> memref<14x224xf32, #tpu.memory_space<vmem>>
        tpu.vector_store_idx %scatter3A_1923[%add3A_1734, %add3A_121], %mul3A_1918 masked %and3A_1911 {add = true} : memref<14x224xf32, #tpu.memory_space<vmem>>[vector<16xi32>, vector<16xi32>], vector<16xf32>, vector<16xi1>
        %mul3A_1924 = arith.mulf %min3A_1910, %gather3A_96 : vector<16xf32>
        %scatter3A_1925 = arith.constant 2 : i32
        %scatter3A_1926 = arith.constant 0 : i32
        %scatter3A_1927 = arith.constant 0 : i32
        %scatter3A_1928 = tpu.memref_slice %arg5[%scatter3A_1925, %scatter3A_1926, %scatter3A_1927] : memref<3x14x224xf32, #tpu.memory_space<vmem>> -> memref<1x14x224xf32, #tpu.memory_space<vmem>>
        %scatter3A_1929 = tpu.memref_squeeze %scatter3A_1928 : memref<1x14x224xf32, #tpu.memory_space<vmem>> -> memref<14x224xf32, #tpu.memory_space<vmem>>
        tpu.vector_store_idx %scatter3A_1929[%add3A_1734, %add3A_121], %mul3A_1924 masked %and3A_1911 {add = true} : memref<14x224xf32, #tpu.memory_space<vmem>>[vector<16xi32>, vector<16xi32>], vector<16xf32>, vector<16xi1>
        %add3A_1930 = arith.addf %mul3A_232, %mul3A_1745 : vector<16xf32>
        %mul3A_1931 = arith.mulf %add3A_1930, %add3A_221 : vector<16xf32>
        %add3A_1932 = arith.addf %mul3A_1931, %mul3A_1747 : vector<16xf32>
        %exp3A_1933 = math.exp %add3A_1932 : vector<16xf32>
        %min3A_1934 = arith.constant 1.000000e+00 : f32
        %min3A_1935 = vector.broadcast %min3A_1934 : f32 to vector<16xf32>
        %min3A_1936 = arith.minimumf %exp3A_1933, %min3A_1935 : vector<16xf32>
        %and3A_1937 = arith.andi %and3A_1741, %and3A_189 : vector<16xi1>
        %mul3A_1938 = arith.mulf %min3A_1936, %gather3A_86 : vector<16xf32>
        %scatter3A_1939 = arith.constant 0 : i32
        %scatter3A_1940 = arith.constant 0 : i32
        %scatter3A_1941 = arith.constant 0 : i32
        %scatter3A_1942 = tpu.memref_slice %arg5[%scatter3A_1939, %scatter3A_1940, %scatter3A_1941] : memref<3x14x224xf32, #tpu.memory_space<vmem>> -> memref<1x14x224xf32, #tpu.memory_space<vmem>>
        %scatter3A_1943 = tpu.memref_squeeze %scatter3A_1942 : memref<1x14x224xf32, #tpu.memory_space<vmem>> -> memref<14x224xf32, #tpu.memory_space<vmem>>
        tpu.vector_store_idx %scatter3A_1943[%add3A_1734, %add3A_124], %mul3A_1938 masked %and3A_1937 {add = true} : memref<14x224xf32, #tpu.memory_space<vmem>>[vector<16xi32>, vector<16xi32>], vector<16xf32>, vector<16xi1>
        %mul3A_1944 = arith.mulf %min3A_1936, %gather3A_91 : vector<16xf32>
        %scatter3A_1945 = arith.constant 1 : i32
        %scatter3A_1946 = arith.constant 0 : i32
        %scatter3A_1947 = arith.constant 0 : i32
        %scatter3A_1948 = tpu.memref_slice %arg5[%scatter3A_1945, %scatter3A_1946, %scatter3A_1947] : memref<3x14x224xf32, #tpu.memory_space<vmem>> -> memref<1x14x224xf32, #tpu.memory_space<vmem>>
        %scatter3A_1949 = tpu.memref_squeeze %scatter3A_1948 : memref<1x14x224xf32, #tpu.memory_space<vmem>> -> memref<14x224xf32, #tpu.memory_space<vmem>>
        tpu.vector_store_idx %scatter3A_1949[%add3A_1734, %add3A_124], %mul3A_1944 masked %and3A_1937 {add = true} : memref<14x224xf32, #tpu.memory_space<vmem>>[vector<16xi32>, vector<16xi32>], vector<16xf32>, vector<16xi1>
        %mul3A_1950 = arith.mulf %min3A_1936, %gather3A_96 : vector<16xf32>
        %scatter3A_1951 = arith.constant 2 : i32
        %scatter3A_1952 = arith.constant 0 : i32
        %scatter3A_1953 = arith.constant 0 : i32
        %scatter3A_1954 = tpu.memref_slice %arg5[%scatter3A_1951, %scatter3A_1952, %scatter3A_1953] : memref<3x14x224xf32, #tpu.memory_space<vmem>> -> memref<1x14x224xf32, #tpu.memory_space<vmem>>
        %scatter3A_1955 = tpu.memref_squeeze %scatter3A_1954 : memref<1x14x224xf32, #tpu.memory_space<vmem>> -> memref<14x224xf32, #tpu.memory_space<vmem>>
        tpu.vector_store_idx %scatter3A_1955[%add3A_1734, %add3A_124], %mul3A_1950 masked %and3A_1937 {add = true} : memref<14x224xf32, #tpu.memory_space<vmem>>[vector<16xi32>, vector<16xi32>], vector<16xf32>, vector<16xi1>
        %add3A_1956 = arith.addf %mul3A_233, %mul3A_1745 : vector<16xf32>
        %mul3A_1957 = arith.mulf %add3A_1956, %add3A_224 : vector<16xf32>
        %add3A_1958 = arith.addf %mul3A_1957, %mul3A_1747 : vector<16xf32>
        %exp3A_1959 = math.exp %add3A_1958 : vector<16xf32>
        %min3A_1960 = arith.constant 1.000000e+00 : f32
        %min3A_1961 = vector.broadcast %min3A_1960 : f32 to vector<16xf32>
        %min3A_1962 = arith.minimumf %exp3A_1959, %min3A_1961 : vector<16xf32>
        %and3A_1963 = arith.andi %and3A_1741, %and3A_197 : vector<16xi1>
        %mul3A_1964 = arith.mulf %min3A_1962, %gather3A_86 : vector<16xf32>
        %scatter3A_1965 = arith.constant 0 : i32
        %scatter3A_1966 = arith.constant 0 : i32
        %scatter3A_1967 = arith.constant 0 : i32
        %scatter3A_1968 = tpu.memref_slice %arg5[%scatter3A_1965, %scatter3A_1966, %scatter3A_1967] : memref<3x14x224xf32, #tpu.memory_space<vmem>> -> memref<1x14x224xf32, #tpu.memory_space<vmem>>
        %scatter3A_1969 = tpu.memref_squeeze %scatter3A_1968 : memref<1x14x224xf32, #tpu.memory_space<vmem>> -> memref<14x224xf32, #tpu.memory_space<vmem>>
        tpu.vector_store_idx %scatter3A_1969[%add3A_1734, %add3A_127], %mul3A_1964 masked %and3A_1963 {add = true} : memref<14x224xf32, #tpu.memory_space<vmem>>[vector<16xi32>, vector<16xi32>], vector<16xf32>, vector<16xi1>
        %mul3A_1970 = arith.mulf %min3A_1962, %gather3A_91 : vector<16xf32>
        %scatter3A_1971 = arith.constant 1 : i32
        %scatter3A_1972 = arith.constant 0 : i32
        %scatter3A_1973 = arith.constant 0 : i32
        %scatter3A_1974 = tpu.memref_slice %arg5[%scatter3A_1971, %scatter3A_1972, %scatter3A_1973] : memref<3x14x224xf32, #tpu.memory_space<vmem>> -> memref<1x14x224xf32, #tpu.memory_space<vmem>>
        %scatter3A_1975 = tpu.memref_squeeze %scatter3A_1974 : memref<1x14x224xf32, #tpu.memory_space<vmem>> -> memref<14x224xf32, #tpu.memory_space<vmem>>
        tpu.vector_store_idx %scatter3A_1975[%add3A_1734, %add3A_127], %mul3A_1970 masked %and3A_1963 {add = true} : memref<14x224xf32, #tpu.memory_space<vmem>>[vector<16xi32>, vector<16xi32>], vector<16xf32>, vector<16xi1>
        %mul3A_1976 = arith.mulf %min3A_1962, %gather3A_96 : vector<16xf32>
        %scatter3A_1977 = arith.constant 2 : i32
        %scatter3A_1978 = arith.constant 0 : i32
        %scatter3A_1979 = arith.constant 0 : i32
        %scatter3A_1980 = tpu.memref_slice %arg5[%scatter3A_1977, %scatter3A_1978, %scatter3A_1979] : memref<3x14x224xf32, #tpu.memory_space<vmem>> -> memref<1x14x224xf32, #tpu.memory_space<vmem>>
        %scatter3A_1981 = tpu.memref_squeeze %scatter3A_1980 : memref<1x14x224xf32, #tpu.memory_space<vmem>> -> memref<14x224xf32, #tpu.memory_space<vmem>>
        tpu.vector_store_idx %scatter3A_1981[%add3A_1734, %add3A_127], %mul3A_1976 masked %and3A_1963 {add = true} : memref<14x224xf32, #tpu.memory_space<vmem>>[vector<16xi32>, vector<16xi32>], vector<16xf32>, vector<16xi1>
        %add3A_1982 = arith.constant 3 : i32
        %add3A_1983 = vector.broadcast %add3A_1982 : i32 to vector<16xi32>
        %add3A_1984 = arith.addi %sub3A_100, %add3A_1983 : vector<16xi32>
        %ge3A_1985 = arith.constant 0 : i32
        %ge3A_1986 = vector.broadcast %ge3A_1985 : i32 to vector<16xi32>
        %ge3A_1987 = arith.cmpi sge, %add3A_1984, %ge3A_1986 : vector<16xi32>
        %lt3A_1988 = arith.constant 14 : i32
        %lt3A_1989 = vector.broadcast %lt3A_1988 : i32 to vector<16xi32>
        %lt3A_1990 = arith.cmpi slt, %add3A_1984, %lt3A_1989 : vector<16xi32>
        %and3A_1991 = arith.andi %ge3A_1987, %lt3A_1990 : vector<16xi1>
        %add3A_1992 = arith.constant 3.000000e+00 : f32
        %add3A_1993 = vector.broadcast %add3A_1992 : f32 to vector<16xf32>
        %add3A_1994 = arith.addf %gather3A_55, %add3A_1993 : vector<16xf32>
        %mul3A_1995 = arith.mulf %gather3A_76, %add3A_1994 : vector<16xf32>
        %mul3A_1996 = arith.mulf %gather3A_81, %add3A_1994 : vector<16xf32>
        %mul3A_1997 = arith.mulf %mul3A_1996, %add3A_1994 : vector<16xf32>
        %add3A_1998 = arith.addf %mul3A_225, %mul3A_1995 : vector<16xf32>
        %mul3A_1999 = arith.mulf %add3A_1998, %add3A_200 : vector<16xf32>
        %add3A_2000 = arith.addf %mul3A_1999, %mul3A_1997 : vector<16xf32>
        %exp3A_2001 = math.exp %add3A_2000 : vector<16xf32>
        %min3A_2002 = arith.constant 1.000000e+00 : f32
        %min3A_2003 = vector.broadcast %min3A_2002 : f32 to vector<16xf32>
        %min3A_2004 = arith.minimumf %exp3A_2001, %min3A_2003 : vector<16xf32>
        %and3A_2005 = arith.andi %and3A_1991, %and3A_133 : vector<16xi1>
        %mul3A_2006 = arith.mulf %min3A_2004, %gather3A_86 : vector<16xf32>
        %scatter3A_2007 = arith.constant 0 : i32
        %scatter3A_2008 = arith.constant 0 : i32
        %scatter3A_2009 = arith.constant 0 : i32
        %scatter3A_2010 = tpu.memref_slice %arg5[%scatter3A_2007, %scatter3A_2008, %scatter3A_2009] : memref<3x14x224xf32, #tpu.memory_space<vmem>> -> memref<1x14x224xf32, #tpu.memory_space<vmem>>
        %scatter3A_2011 = tpu.memref_squeeze %scatter3A_2010 : memref<1x14x224xf32, #tpu.memory_space<vmem>> -> memref<14x224xf32, #tpu.memory_space<vmem>>
        tpu.vector_store_idx %scatter3A_2011[%add3A_1984, %add3A_103], %mul3A_2006 masked %and3A_2005 {add = true} : memref<14x224xf32, #tpu.memory_space<vmem>>[vector<16xi32>, vector<16xi32>], vector<16xf32>, vector<16xi1>
        %mul3A_2012 = arith.mulf %min3A_2004, %gather3A_91 : vector<16xf32>
        %scatter3A_2013 = arith.constant 1 : i32
        %scatter3A_2014 = arith.constant 0 : i32
        %scatter3A_2015 = arith.constant 0 : i32
        %scatter3A_2016 = tpu.memref_slice %arg5[%scatter3A_2013, %scatter3A_2014, %scatter3A_2015] : memref<3x14x224xf32, #tpu.memory_space<vmem>> -> memref<1x14x224xf32, #tpu.memory_space<vmem>>
        %scatter3A_2017 = tpu.memref_squeeze %scatter3A_2016 : memref<1x14x224xf32, #tpu.memory_space<vmem>> -> memref<14x224xf32, #tpu.memory_space<vmem>>
        tpu.vector_store_idx %scatter3A_2017[%add3A_1984, %add3A_103], %mul3A_2012 masked %and3A_2005 {add = true} : memref<14x224xf32, #tpu.memory_space<vmem>>[vector<16xi32>, vector<16xi32>], vector<16xf32>, vector<16xi1>
        %mul3A_2018 = arith.mulf %min3A_2004, %gather3A_96 : vector<16xf32>
        %scatter3A_2019 = arith.constant 2 : i32
        %scatter3A_2020 = arith.constant 0 : i32
        %scatter3A_2021 = arith.constant 0 : i32
        %scatter3A_2022 = tpu.memref_slice %arg5[%scatter3A_2019, %scatter3A_2020, %scatter3A_2021] : memref<3x14x224xf32, #tpu.memory_space<vmem>> -> memref<1x14x224xf32, #tpu.memory_space<vmem>>
        %scatter3A_2023 = tpu.memref_squeeze %scatter3A_2022 : memref<1x14x224xf32, #tpu.memory_space<vmem>> -> memref<14x224xf32, #tpu.memory_space<vmem>>
        tpu.vector_store_idx %scatter3A_2023[%add3A_1984, %add3A_103], %mul3A_2018 masked %and3A_2005 {add = true} : memref<14x224xf32, #tpu.memory_space<vmem>>[vector<16xi32>, vector<16xi32>], vector<16xf32>, vector<16xi1>
        %add3A_2024 = arith.addf %mul3A_226, %mul3A_1995 : vector<16xf32>
        %mul3A_2025 = arith.mulf %add3A_2024, %add3A_203 : vector<16xf32>
        %add3A_2026 = arith.addf %mul3A_2025, %mul3A_1997 : vector<16xf32>
        %exp3A_2027 = math.exp %add3A_2026 : vector<16xf32>
        %min3A_2028 = arith.constant 1.000000e+00 : f32
        %min3A_2029 = vector.broadcast %min3A_2028 : f32 to vector<16xf32>
        %min3A_2030 = arith.minimumf %exp3A_2027, %min3A_2029 : vector<16xf32>
        %and3A_2031 = arith.andi %and3A_1991, %and3A_141 : vector<16xi1>
        %mul3A_2032 = arith.mulf %min3A_2030, %gather3A_86 : vector<16xf32>
        %scatter3A_2033 = arith.constant 0 : i32
        %scatter3A_2034 = arith.constant 0 : i32
        %scatter3A_2035 = arith.constant 0 : i32
        %scatter3A_2036 = tpu.memref_slice %arg5[%scatter3A_2033, %scatter3A_2034, %scatter3A_2035] : memref<3x14x224xf32, #tpu.memory_space<vmem>> -> memref<1x14x224xf32, #tpu.memory_space<vmem>>
        %scatter3A_2037 = tpu.memref_squeeze %scatter3A_2036 : memref<1x14x224xf32, #tpu.memory_space<vmem>> -> memref<14x224xf32, #tpu.memory_space<vmem>>
        tpu.vector_store_idx %scatter3A_2037[%add3A_1984, %add3A_106], %mul3A_2032 masked %and3A_2031 {add = true} : memref<14x224xf32, #tpu.memory_space<vmem>>[vector<16xi32>, vector<16xi32>], vector<16xf32>, vector<16xi1>
        %mul3A_2038 = arith.mulf %min3A_2030, %gather3A_91 : vector<16xf32>
        %scatter3A_2039 = arith.constant 1 : i32
        %scatter3A_2040 = arith.constant 0 : i32
        %scatter3A_2041 = arith.constant 0 : i32
        %scatter3A_2042 = tpu.memref_slice %arg5[%scatter3A_2039, %scatter3A_2040, %scatter3A_2041] : memref<3x14x224xf32, #tpu.memory_space<vmem>> -> memref<1x14x224xf32, #tpu.memory_space<vmem>>
        %scatter3A_2043 = tpu.memref_squeeze %scatter3A_2042 : memref<1x14x224xf32, #tpu.memory_space<vmem>> -> memref<14x224xf32, #tpu.memory_space<vmem>>
        tpu.vector_store_idx %scatter3A_2043[%add3A_1984, %add3A_106], %mul3A_2038 masked %and3A_2031 {add = true} : memref<14x224xf32, #tpu.memory_space<vmem>>[vector<16xi32>, vector<16xi32>], vector<16xf32>, vector<16xi1>
        %mul3A_2044 = arith.mulf %min3A_2030, %gather3A_96 : vector<16xf32>
        %scatter3A_2045 = arith.constant 2 : i32
        %scatter3A_2046 = arith.constant 0 : i32
        %scatter3A_2047 = arith.constant 0 : i32
        %scatter3A_2048 = tpu.memref_slice %arg5[%scatter3A_2045, %scatter3A_2046, %scatter3A_2047] : memref<3x14x224xf32, #tpu.memory_space<vmem>> -> memref<1x14x224xf32, #tpu.memory_space<vmem>>
        %scatter3A_2049 = tpu.memref_squeeze %scatter3A_2048 : memref<1x14x224xf32, #tpu.memory_space<vmem>> -> memref<14x224xf32, #tpu.memory_space<vmem>>
        tpu.vector_store_idx %scatter3A_2049[%add3A_1984, %add3A_106], %mul3A_2044 masked %and3A_2031 {add = true} : memref<14x224xf32, #tpu.memory_space<vmem>>[vector<16xi32>, vector<16xi32>], vector<16xf32>, vector<16xi1>
        %add3A_2050 = arith.addf %mul3A_227, %mul3A_1995 : vector<16xf32>
        %mul3A_2051 = arith.mulf %add3A_2050, %add3A_206 : vector<16xf32>
        %add3A_2052 = arith.addf %mul3A_2051, %mul3A_1997 : vector<16xf32>
        %exp3A_2053 = math.exp %add3A_2052 : vector<16xf32>
        %min3A_2054 = arith.constant 1.000000e+00 : f32
        %min3A_2055 = vector.broadcast %min3A_2054 : f32 to vector<16xf32>
        %min3A_2056 = arith.minimumf %exp3A_2053, %min3A_2055 : vector<16xf32>
        %and3A_2057 = arith.andi %and3A_1991, %and3A_149 : vector<16xi1>
        %mul3A_2058 = arith.mulf %min3A_2056, %gather3A_86 : vector<16xf32>
        %scatter3A_2059 = arith.constant 0 : i32
        %scatter3A_2060 = arith.constant 0 : i32
        %scatter3A_2061 = arith.constant 0 : i32
        %scatter3A_2062 = tpu.memref_slice %arg5[%scatter3A_2059, %scatter3A_2060, %scatter3A_2061] : memref<3x14x224xf32, #tpu.memory_space<vmem>> -> memref<1x14x224xf32, #tpu.memory_space<vmem>>
        %scatter3A_2063 = tpu.memref_squeeze %scatter3A_2062 : memref<1x14x224xf32, #tpu.memory_space<vmem>> -> memref<14x224xf32, #tpu.memory_space<vmem>>
        tpu.vector_store_idx %scatter3A_2063[%add3A_1984, %add3A_109], %mul3A_2058 masked %and3A_2057 {add = true} : memref<14x224xf32, #tpu.memory_space<vmem>>[vector<16xi32>, vector<16xi32>], vector<16xf32>, vector<16xi1>
        %mul3A_2064 = arith.mulf %min3A_2056, %gather3A_91 : vector<16xf32>
        %scatter3A_2065 = arith.constant 1 : i32
        %scatter3A_2066 = arith.constant 0 : i32
        %scatter3A_2067 = arith.constant 0 : i32
        %scatter3A_2068 = tpu.memref_slice %arg5[%scatter3A_2065, %scatter3A_2066, %scatter3A_2067] : memref<3x14x224xf32, #tpu.memory_space<vmem>> -> memref<1x14x224xf32, #tpu.memory_space<vmem>>
        %scatter3A_2069 = tpu.memref_squeeze %scatter3A_2068 : memref<1x14x224xf32, #tpu.memory_space<vmem>> -> memref<14x224xf32, #tpu.memory_space<vmem>>
        tpu.vector_store_idx %scatter3A_2069[%add3A_1984, %add3A_109], %mul3A_2064 masked %and3A_2057 {add = true} : memref<14x224xf32, #tpu.memory_space<vmem>>[vector<16xi32>, vector<16xi32>], vector<16xf32>, vector<16xi1>
        %mul3A_2070 = arith.mulf %min3A_2056, %gather3A_96 : vector<16xf32>
        %scatter3A_2071 = arith.constant 2 : i32
        %scatter3A_2072 = arith.constant 0 : i32
        %scatter3A_2073 = arith.constant 0 : i32
        %scatter3A_2074 = tpu.memref_slice %arg5[%scatter3A_2071, %scatter3A_2072, %scatter3A_2073] : memref<3x14x224xf32, #tpu.memory_space<vmem>> -> memref<1x14x224xf32, #tpu.memory_space<vmem>>
        %scatter3A_2075 = tpu.memref_squeeze %scatter3A_2074 : memref<1x14x224xf32, #tpu.memory_space<vmem>> -> memref<14x224xf32, #tpu.memory_space<vmem>>
        tpu.vector_store_idx %scatter3A_2075[%add3A_1984, %add3A_109], %mul3A_2070 masked %and3A_2057 {add = true} : memref<14x224xf32, #tpu.memory_space<vmem>>[vector<16xi32>, vector<16xi32>], vector<16xf32>, vector<16xi1>
        %add3A_2076 = arith.addf %mul3A_228, %mul3A_1995 : vector<16xf32>
        %mul3A_2077 = arith.mulf %add3A_2076, %add3A_209 : vector<16xf32>
        %add3A_2078 = arith.addf %mul3A_2077, %mul3A_1997 : vector<16xf32>
        %exp3A_2079 = math.exp %add3A_2078 : vector<16xf32>
        %min3A_2080 = arith.constant 1.000000e+00 : f32
        %min3A_2081 = vector.broadcast %min3A_2080 : f32 to vector<16xf32>
        %min3A_2082 = arith.minimumf %exp3A_2079, %min3A_2081 : vector<16xf32>
        %and3A_2083 = arith.andi %and3A_1991, %and3A_157 : vector<16xi1>
        %mul3A_2084 = arith.mulf %min3A_2082, %gather3A_86 : vector<16xf32>
        %scatter3A_2085 = arith.constant 0 : i32
        %scatter3A_2086 = arith.constant 0 : i32
        %scatter3A_2087 = arith.constant 0 : i32
        %scatter3A_2088 = tpu.memref_slice %arg5[%scatter3A_2085, %scatter3A_2086, %scatter3A_2087] : memref<3x14x224xf32, #tpu.memory_space<vmem>> -> memref<1x14x224xf32, #tpu.memory_space<vmem>>
        %scatter3A_2089 = tpu.memref_squeeze %scatter3A_2088 : memref<1x14x224xf32, #tpu.memory_space<vmem>> -> memref<14x224xf32, #tpu.memory_space<vmem>>
        tpu.vector_store_idx %scatter3A_2089[%add3A_1984, %add3A_112], %mul3A_2084 masked %and3A_2083 {add = true} : memref<14x224xf32, #tpu.memory_space<vmem>>[vector<16xi32>, vector<16xi32>], vector<16xf32>, vector<16xi1>
        %mul3A_2090 = arith.mulf %min3A_2082, %gather3A_91 : vector<16xf32>
        %scatter3A_2091 = arith.constant 1 : i32
        %scatter3A_2092 = arith.constant 0 : i32
        %scatter3A_2093 = arith.constant 0 : i32
        %scatter3A_2094 = tpu.memref_slice %arg5[%scatter3A_2091, %scatter3A_2092, %scatter3A_2093] : memref<3x14x224xf32, #tpu.memory_space<vmem>> -> memref<1x14x224xf32, #tpu.memory_space<vmem>>
        %scatter3A_2095 = tpu.memref_squeeze %scatter3A_2094 : memref<1x14x224xf32, #tpu.memory_space<vmem>> -> memref<14x224xf32, #tpu.memory_space<vmem>>
        tpu.vector_store_idx %scatter3A_2095[%add3A_1984, %add3A_112], %mul3A_2090 masked %and3A_2083 {add = true} : memref<14x224xf32, #tpu.memory_space<vmem>>[vector<16xi32>, vector<16xi32>], vector<16xf32>, vector<16xi1>
        %mul3A_2096 = arith.mulf %min3A_2082, %gather3A_96 : vector<16xf32>
        %scatter3A_2097 = arith.constant 2 : i32
        %scatter3A_2098 = arith.constant 0 : i32
        %scatter3A_2099 = arith.constant 0 : i32
        %scatter3A_2100 = tpu.memref_slice %arg5[%scatter3A_2097, %scatter3A_2098, %scatter3A_2099] : memref<3x14x224xf32, #tpu.memory_space<vmem>> -> memref<1x14x224xf32, #tpu.memory_space<vmem>>
        %scatter3A_2101 = tpu.memref_squeeze %scatter3A_2100 : memref<1x14x224xf32, #tpu.memory_space<vmem>> -> memref<14x224xf32, #tpu.memory_space<vmem>>
        tpu.vector_store_idx %scatter3A_2101[%add3A_1984, %add3A_112], %mul3A_2096 masked %and3A_2083 {add = true} : memref<14x224xf32, #tpu.memory_space<vmem>>[vector<16xi32>, vector<16xi32>], vector<16xf32>, vector<16xi1>
        %add3A_2102 = arith.addf %mul3A_229, %mul3A_1995 : vector<16xf32>
        %mul3A_2103 = arith.mulf %add3A_2102, %add3A_212 : vector<16xf32>
        %add3A_2104 = arith.addf %mul3A_2103, %mul3A_1997 : vector<16xf32>
        %exp3A_2105 = math.exp %add3A_2104 : vector<16xf32>
        %min3A_2106 = arith.constant 1.000000e+00 : f32
        %min3A_2107 = vector.broadcast %min3A_2106 : f32 to vector<16xf32>
        %min3A_2108 = arith.minimumf %exp3A_2105, %min3A_2107 : vector<16xf32>
        %and3A_2109 = arith.andi %and3A_1991, %and3A_165 : vector<16xi1>
        %mul3A_2110 = arith.mulf %min3A_2108, %gather3A_86 : vector<16xf32>
        %scatter3A_2111 = arith.constant 0 : i32
        %scatter3A_2112 = arith.constant 0 : i32
        %scatter3A_2113 = arith.constant 0 : i32
        %scatter3A_2114 = tpu.memref_slice %arg5[%scatter3A_2111, %scatter3A_2112, %scatter3A_2113] : memref<3x14x224xf32, #tpu.memory_space<vmem>> -> memref<1x14x224xf32, #tpu.memory_space<vmem>>
        %scatter3A_2115 = tpu.memref_squeeze %scatter3A_2114 : memref<1x14x224xf32, #tpu.memory_space<vmem>> -> memref<14x224xf32, #tpu.memory_space<vmem>>
        tpu.vector_store_idx %scatter3A_2115[%add3A_1984, %add3A_115], %mul3A_2110 masked %and3A_2109 {add = true} : memref<14x224xf32, #tpu.memory_space<vmem>>[vector<16xi32>, vector<16xi32>], vector<16xf32>, vector<16xi1>
        %mul3A_2116 = arith.mulf %min3A_2108, %gather3A_91 : vector<16xf32>
        %scatter3A_2117 = arith.constant 1 : i32
        %scatter3A_2118 = arith.constant 0 : i32
        %scatter3A_2119 = arith.constant 0 : i32
        %scatter3A_2120 = tpu.memref_slice %arg5[%scatter3A_2117, %scatter3A_2118, %scatter3A_2119] : memref<3x14x224xf32, #tpu.memory_space<vmem>> -> memref<1x14x224xf32, #tpu.memory_space<vmem>>
        %scatter3A_2121 = tpu.memref_squeeze %scatter3A_2120 : memref<1x14x224xf32, #tpu.memory_space<vmem>> -> memref<14x224xf32, #tpu.memory_space<vmem>>
        tpu.vector_store_idx %scatter3A_2121[%add3A_1984, %add3A_115], %mul3A_2116 masked %and3A_2109 {add = true} : memref<14x224xf32, #tpu.memory_space<vmem>>[vector<16xi32>, vector<16xi32>], vector<16xf32>, vector<16xi1>
        %mul3A_2122 = arith.mulf %min3A_2108, %gather3A_96 : vector<16xf32>
        %scatter3A_2123 = arith.constant 2 : i32
        %scatter3A_2124 = arith.constant 0 : i32
        %scatter3A_2125 = arith.constant 0 : i32
        %scatter3A_2126 = tpu.memref_slice %arg5[%scatter3A_2123, %scatter3A_2124, %scatter3A_2125] : memref<3x14x224xf32, #tpu.memory_space<vmem>> -> memref<1x14x224xf32, #tpu.memory_space<vmem>>
        %scatter3A_2127 = tpu.memref_squeeze %scatter3A_2126 : memref<1x14x224xf32, #tpu.memory_space<vmem>> -> memref<14x224xf32, #tpu.memory_space<vmem>>
        tpu.vector_store_idx %scatter3A_2127[%add3A_1984, %add3A_115], %mul3A_2122 masked %and3A_2109 {add = true} : memref<14x224xf32, #tpu.memory_space<vmem>>[vector<16xi32>, vector<16xi32>], vector<16xf32>, vector<16xi1>
        %add3A_2128 = arith.addf %mul3A_230, %mul3A_1995 : vector<16xf32>
        %mul3A_2129 = arith.mulf %add3A_2128, %add3A_215 : vector<16xf32>
        %add3A_2130 = arith.addf %mul3A_2129, %mul3A_1997 : vector<16xf32>
        %exp3A_2131 = math.exp %add3A_2130 : vector<16xf32>
        %min3A_2132 = arith.constant 1.000000e+00 : f32
        %min3A_2133 = vector.broadcast %min3A_2132 : f32 to vector<16xf32>
        %min3A_2134 = arith.minimumf %exp3A_2131, %min3A_2133 : vector<16xf32>
        %and3A_2135 = arith.andi %and3A_1991, %and3A_173 : vector<16xi1>
        %mul3A_2136 = arith.mulf %min3A_2134, %gather3A_86 : vector<16xf32>
        %scatter3A_2137 = arith.constant 0 : i32
        %scatter3A_2138 = arith.constant 0 : i32
        %scatter3A_2139 = arith.constant 0 : i32
        %scatter3A_2140 = tpu.memref_slice %arg5[%scatter3A_2137, %scatter3A_2138, %scatter3A_2139] : memref<3x14x224xf32, #tpu.memory_space<vmem>> -> memref<1x14x224xf32, #tpu.memory_space<vmem>>
        %scatter3A_2141 = tpu.memref_squeeze %scatter3A_2140 : memref<1x14x224xf32, #tpu.memory_space<vmem>> -> memref<14x224xf32, #tpu.memory_space<vmem>>
        tpu.vector_store_idx %scatter3A_2141[%add3A_1984, %add3A_118], %mul3A_2136 masked %and3A_2135 {add = true} : memref<14x224xf32, #tpu.memory_space<vmem>>[vector<16xi32>, vector<16xi32>], vector<16xf32>, vector<16xi1>
        %mul3A_2142 = arith.mulf %min3A_2134, %gather3A_91 : vector<16xf32>
        %scatter3A_2143 = arith.constant 1 : i32
        %scatter3A_2144 = arith.constant 0 : i32
        %scatter3A_2145 = arith.constant 0 : i32
        %scatter3A_2146 = tpu.memref_slice %arg5[%scatter3A_2143, %scatter3A_2144, %scatter3A_2145] : memref<3x14x224xf32, #tpu.memory_space<vmem>> -> memref<1x14x224xf32, #tpu.memory_space<vmem>>
        %scatter3A_2147 = tpu.memref_squeeze %scatter3A_2146 : memref<1x14x224xf32, #tpu.memory_space<vmem>> -> memref<14x224xf32, #tpu.memory_space<vmem>>
        tpu.vector_store_idx %scatter3A_2147[%add3A_1984, %add3A_118], %mul3A_2142 masked %and3A_2135 {add = true} : memref<14x224xf32, #tpu.memory_space<vmem>>[vector<16xi32>, vector<16xi32>], vector<16xf32>, vector<16xi1>
        %mul3A_2148 = arith.mulf %min3A_2134, %gather3A_96 : vector<16xf32>
        %scatter3A_2149 = arith.constant 2 : i32
        %scatter3A_2150 = arith.constant 0 : i32
        %scatter3A_2151 = arith.constant 0 : i32
        %scatter3A_2152 = tpu.memref_slice %arg5[%scatter3A_2149, %scatter3A_2150, %scatter3A_2151] : memref<3x14x224xf32, #tpu.memory_space<vmem>> -> memref<1x14x224xf32, #tpu.memory_space<vmem>>
        %scatter3A_2153 = tpu.memref_squeeze %scatter3A_2152 : memref<1x14x224xf32, #tpu.memory_space<vmem>> -> memref<14x224xf32, #tpu.memory_space<vmem>>
        tpu.vector_store_idx %scatter3A_2153[%add3A_1984, %add3A_118], %mul3A_2148 masked %and3A_2135 {add = true} : memref<14x224xf32, #tpu.memory_space<vmem>>[vector<16xi32>, vector<16xi32>], vector<16xf32>, vector<16xi1>
        %add3A_2154 = arith.addf %mul3A_231, %mul3A_1995 : vector<16xf32>
        %mul3A_2155 = arith.mulf %add3A_2154, %add3A_218 : vector<16xf32>
        %add3A_2156 = arith.addf %mul3A_2155, %mul3A_1997 : vector<16xf32>
        %exp3A_2157 = math.exp %add3A_2156 : vector<16xf32>
        %min3A_2158 = arith.constant 1.000000e+00 : f32
        %min3A_2159 = vector.broadcast %min3A_2158 : f32 to vector<16xf32>
        %min3A_2160 = arith.minimumf %exp3A_2157, %min3A_2159 : vector<16xf32>
        %and3A_2161 = arith.andi %and3A_1991, %and3A_181 : vector<16xi1>
        %mul3A_2162 = arith.mulf %min3A_2160, %gather3A_86 : vector<16xf32>
        %scatter3A_2163 = arith.constant 0 : i32
        %scatter3A_2164 = arith.constant 0 : i32
        %scatter3A_2165 = arith.constant 0 : i32
        %scatter3A_2166 = tpu.memref_slice %arg5[%scatter3A_2163, %scatter3A_2164, %scatter3A_2165] : memref<3x14x224xf32, #tpu.memory_space<vmem>> -> memref<1x14x224xf32, #tpu.memory_space<vmem>>
        %scatter3A_2167 = tpu.memref_squeeze %scatter3A_2166 : memref<1x14x224xf32, #tpu.memory_space<vmem>> -> memref<14x224xf32, #tpu.memory_space<vmem>>
        tpu.vector_store_idx %scatter3A_2167[%add3A_1984, %add3A_121], %mul3A_2162 masked %and3A_2161 {add = true} : memref<14x224xf32, #tpu.memory_space<vmem>>[vector<16xi32>, vector<16xi32>], vector<16xf32>, vector<16xi1>
        %mul3A_2168 = arith.mulf %min3A_2160, %gather3A_91 : vector<16xf32>
        %scatter3A_2169 = arith.constant 1 : i32
        %scatter3A_2170 = arith.constant 0 : i32
        %scatter3A_2171 = arith.constant 0 : i32
        %scatter3A_2172 = tpu.memref_slice %arg5[%scatter3A_2169, %scatter3A_2170, %scatter3A_2171] : memref<3x14x224xf32, #tpu.memory_space<vmem>> -> memref<1x14x224xf32, #tpu.memory_space<vmem>>
        %scatter3A_2173 = tpu.memref_squeeze %scatter3A_2172 : memref<1x14x224xf32, #tpu.memory_space<vmem>> -> memref<14x224xf32, #tpu.memory_space<vmem>>
        tpu.vector_store_idx %scatter3A_2173[%add3A_1984, %add3A_121], %mul3A_2168 masked %and3A_2161 {add = true} : memref<14x224xf32, #tpu.memory_space<vmem>>[vector<16xi32>, vector<16xi32>], vector<16xf32>, vector<16xi1>
        %mul3A_2174 = arith.mulf %min3A_2160, %gather3A_96 : vector<16xf32>
        %scatter3A_2175 = arith.constant 2 : i32
        %scatter3A_2176 = arith.constant 0 : i32
        %scatter3A_2177 = arith.constant 0 : i32
        %scatter3A_2178 = tpu.memref_slice %arg5[%scatter3A_2175, %scatter3A_2176, %scatter3A_2177] : memref<3x14x224xf32, #tpu.memory_space<vmem>> -> memref<1x14x224xf32, #tpu.memory_space<vmem>>
        %scatter3A_2179 = tpu.memref_squeeze %scatter3A_2178 : memref<1x14x224xf32, #tpu.memory_space<vmem>> -> memref<14x224xf32, #tpu.memory_space<vmem>>
        tpu.vector_store_idx %scatter3A_2179[%add3A_1984, %add3A_121], %mul3A_2174 masked %and3A_2161 {add = true} : memref<14x224xf32, #tpu.memory_space<vmem>>[vector<16xi32>, vector<16xi32>], vector<16xf32>, vector<16xi1>
        %add3A_2180 = arith.addf %mul3A_232, %mul3A_1995 : vector<16xf32>
        %mul3A_2181 = arith.mulf %add3A_2180, %add3A_221 : vector<16xf32>
        %add3A_2182 = arith.addf %mul3A_2181, %mul3A_1997 : vector<16xf32>
        %exp3A_2183 = math.exp %add3A_2182 : vector<16xf32>
        %min3A_2184 = arith.constant 1.000000e+00 : f32
        %min3A_2185 = vector.broadcast %min3A_2184 : f32 to vector<16xf32>
        %min3A_2186 = arith.minimumf %exp3A_2183, %min3A_2185 : vector<16xf32>
        %and3A_2187 = arith.andi %and3A_1991, %and3A_189 : vector<16xi1>
        %mul3A_2188 = arith.mulf %min3A_2186, %gather3A_86 : vector<16xf32>
        %scatter3A_2189 = arith.constant 0 : i32
        %scatter3A_2190 = arith.constant 0 : i32
        %scatter3A_2191 = arith.constant 0 : i32
        %scatter3A_2192 = tpu.memref_slice %arg5[%scatter3A_2189, %scatter3A_2190, %scatter3A_2191] : memref<3x14x224xf32, #tpu.memory_space<vmem>> -> memref<1x14x224xf32, #tpu.memory_space<vmem>>
        %scatter3A_2193 = tpu.memref_squeeze %scatter3A_2192 : memref<1x14x224xf32, #tpu.memory_space<vmem>> -> memref<14x224xf32, #tpu.memory_space<vmem>>
        tpu.vector_store_idx %scatter3A_2193[%add3A_1984, %add3A_124], %mul3A_2188 masked %and3A_2187 {add = true} : memref<14x224xf32, #tpu.memory_space<vmem>>[vector<16xi32>, vector<16xi32>], vector<16xf32>, vector<16xi1>
        %mul3A_2194 = arith.mulf %min3A_2186, %gather3A_91 : vector<16xf32>
        %scatter3A_2195 = arith.constant 1 : i32
        %scatter3A_2196 = arith.constant 0 : i32
        %scatter3A_2197 = arith.constant 0 : i32
        %scatter3A_2198 = tpu.memref_slice %arg5[%scatter3A_2195, %scatter3A_2196, %scatter3A_2197] : memref<3x14x224xf32, #tpu.memory_space<vmem>> -> memref<1x14x224xf32, #tpu.memory_space<vmem>>
        %scatter3A_2199 = tpu.memref_squeeze %scatter3A_2198 : memref<1x14x224xf32, #tpu.memory_space<vmem>> -> memref<14x224xf32, #tpu.memory_space<vmem>>
        tpu.vector_store_idx %scatter3A_2199[%add3A_1984, %add3A_124], %mul3A_2194 masked %and3A_2187 {add = true} : memref<14x224xf32, #tpu.memory_space<vmem>>[vector<16xi32>, vector<16xi32>], vector<16xf32>, vector<16xi1>
        %mul3A_2200 = arith.mulf %min3A_2186, %gather3A_96 : vector<16xf32>
        %scatter3A_2201 = arith.constant 2 : i32
        %scatter3A_2202 = arith.constant 0 : i32
        %scatter3A_2203 = arith.constant 0 : i32
        %scatter3A_2204 = tpu.memref_slice %arg5[%scatter3A_2201, %scatter3A_2202, %scatter3A_2203] : memref<3x14x224xf32, #tpu.memory_space<vmem>> -> memref<1x14x224xf32, #tpu.memory_space<vmem>>
        %scatter3A_2205 = tpu.memref_squeeze %scatter3A_2204 : memref<1x14x224xf32, #tpu.memory_space<vmem>> -> memref<14x224xf32, #tpu.memory_space<vmem>>
        tpu.vector_store_idx %scatter3A_2205[%add3A_1984, %add3A_124], %mul3A_2200 masked %and3A_2187 {add = true} : memref<14x224xf32, #tpu.memory_space<vmem>>[vector<16xi32>, vector<16xi32>], vector<16xf32>, vector<16xi1>
        %add3A_2206 = arith.addf %mul3A_233, %mul3A_1995 : vector<16xf32>
        %mul3A_2207 = arith.mulf %add3A_2206, %add3A_224 : vector<16xf32>
        %add3A_2208 = arith.addf %mul3A_2207, %mul3A_1997 : vector<16xf32>
        %exp3A_2209 = math.exp %add3A_2208 : vector<16xf32>
        %min3A_2210 = arith.constant 1.000000e+00 : f32
        %min3A_2211 = vector.broadcast %min3A_2210 : f32 to vector<16xf32>
        %min3A_2212 = arith.minimumf %exp3A_2209, %min3A_2211 : vector<16xf32>
        %and3A_2213 = arith.andi %and3A_1991, %and3A_197 : vector<16xi1>
        %mul3A_2214 = arith.mulf %min3A_2212, %gather3A_86 : vector<16xf32>
        %scatter3A_2215 = arith.constant 0 : i32
        %scatter3A_2216 = arith.constant 0 : i32
        %scatter3A_2217 = arith.constant 0 : i32
        %scatter3A_2218 = tpu.memref_slice %arg5[%scatter3A_2215, %scatter3A_2216, %scatter3A_2217] : memref<3x14x224xf32, #tpu.memory_space<vmem>> -> memref<1x14x224xf32, #tpu.memory_space<vmem>>
        %scatter3A_2219 = tpu.memref_squeeze %scatter3A_2218 : memref<1x14x224xf32, #tpu.memory_space<vmem>> -> memref<14x224xf32, #tpu.memory_space<vmem>>
        tpu.vector_store_idx %scatter3A_2219[%add3A_1984, %add3A_127], %mul3A_2214 masked %and3A_2213 {add = true} : memref<14x224xf32, #tpu.memory_space<vmem>>[vector<16xi32>, vector<16xi32>], vector<16xf32>, vector<16xi1>
        %mul3A_2220 = arith.mulf %min3A_2212, %gather3A_91 : vector<16xf32>
        %scatter3A_2221 = arith.constant 1 : i32
        %scatter3A_2222 = arith.constant 0 : i32
        %scatter3A_2223 = arith.constant 0 : i32
        %scatter3A_2224 = tpu.memref_slice %arg5[%scatter3A_2221, %scatter3A_2222, %scatter3A_2223] : memref<3x14x224xf32, #tpu.memory_space<vmem>> -> memref<1x14x224xf32, #tpu.memory_space<vmem>>
        %scatter3A_2225 = tpu.memref_squeeze %scatter3A_2224 : memref<1x14x224xf32, #tpu.memory_space<vmem>> -> memref<14x224xf32, #tpu.memory_space<vmem>>
        tpu.vector_store_idx %scatter3A_2225[%add3A_1984, %add3A_127], %mul3A_2220 masked %and3A_2213 {add = true} : memref<14x224xf32, #tpu.memory_space<vmem>>[vector<16xi32>, vector<16xi32>], vector<16xf32>, vector<16xi1>
        %mul3A_2226 = arith.mulf %min3A_2212, %gather3A_96 : vector<16xf32>
        %scatter3A_2227 = arith.constant 2 : i32
        %scatter3A_2228 = arith.constant 0 : i32
        %scatter3A_2229 = arith.constant 0 : i32
        %scatter3A_2230 = tpu.memref_slice %arg5[%scatter3A_2227, %scatter3A_2228, %scatter3A_2229] : memref<3x14x224xf32, #tpu.memory_space<vmem>> -> memref<1x14x224xf32, #tpu.memory_space<vmem>>
        %scatter3A_2231 = tpu.memref_squeeze %scatter3A_2230 : memref<1x14x224xf32, #tpu.memory_space<vmem>> -> memref<14x224xf32, #tpu.memory_space<vmem>>
        tpu.vector_store_idx %scatter3A_2231[%add3A_1984, %add3A_127], %mul3A_2226 masked %and3A_2213 {add = true} : memref<14x224xf32, #tpu.memory_space<vmem>>[vector<16xi32>, vector<16xi32>], vector<16xf32>, vector<16xi1>
        %add3A_2232 = arith.constant 4 : i32
        %add3A_2233 = vector.broadcast %add3A_2232 : i32 to vector<16xi32>
        %add3A_2234 = arith.addi %sub3A_100, %add3A_2233 : vector<16xi32>
        %ge3A_2235 = arith.constant 0 : i32
        %ge3A_2236 = vector.broadcast %ge3A_2235 : i32 to vector<16xi32>
        %ge3A_2237 = arith.cmpi sge, %add3A_2234, %ge3A_2236 : vector<16xi32>
        %lt3A_2238 = arith.constant 14 : i32
        %lt3A_2239 = vector.broadcast %lt3A_2238 : i32 to vector<16xi32>
        %lt3A_2240 = arith.cmpi slt, %add3A_2234, %lt3A_2239 : vector<16xi32>
        %and3A_2241 = arith.andi %ge3A_2237, %lt3A_2240 : vector<16xi1>
        %add3A_2242 = arith.constant 4.000000e+00 : f32
        %add3A_2243 = vector.broadcast %add3A_2242 : f32 to vector<16xf32>
        %add3A_2244 = arith.addf %gather3A_55, %add3A_2243 : vector<16xf32>
        %mul3A_2245 = arith.mulf %gather3A_76, %add3A_2244 : vector<16xf32>
        %mul3A_2246 = arith.mulf %gather3A_81, %add3A_2244 : vector<16xf32>
        %mul3A_2247 = arith.mulf %mul3A_2246, %add3A_2244 : vector<16xf32>
        %add3A_2248 = arith.addf %mul3A_225, %mul3A_2245 : vector<16xf32>
        %mul3A_2249 = arith.mulf %add3A_2248, %add3A_200 : vector<16xf32>
        %add3A_2250 = arith.addf %mul3A_2249, %mul3A_2247 : vector<16xf32>
        %exp3A_2251 = math.exp %add3A_2250 : vector<16xf32>
        %min3A_2252 = arith.constant 1.000000e+00 : f32
        %min3A_2253 = vector.broadcast %min3A_2252 : f32 to vector<16xf32>
        %min3A_2254 = arith.minimumf %exp3A_2251, %min3A_2253 : vector<16xf32>
        %and3A_2255 = arith.andi %and3A_2241, %and3A_133 : vector<16xi1>
        %mul3A_2256 = arith.mulf %min3A_2254, %gather3A_86 : vector<16xf32>
        %scatter3A_2257 = arith.constant 0 : i32
        %scatter3A_2258 = arith.constant 0 : i32
        %scatter3A_2259 = arith.constant 0 : i32
        %scatter3A_2260 = tpu.memref_slice %arg5[%scatter3A_2257, %scatter3A_2258, %scatter3A_2259] : memref<3x14x224xf32, #tpu.memory_space<vmem>> -> memref<1x14x224xf32, #tpu.memory_space<vmem>>
        %scatter3A_2261 = tpu.memref_squeeze %scatter3A_2260 : memref<1x14x224xf32, #tpu.memory_space<vmem>> -> memref<14x224xf32, #tpu.memory_space<vmem>>
        tpu.vector_store_idx %scatter3A_2261[%add3A_2234, %add3A_103], %mul3A_2256 masked %and3A_2255 {add = true} : memref<14x224xf32, #tpu.memory_space<vmem>>[vector<16xi32>, vector<16xi32>], vector<16xf32>, vector<16xi1>
        %mul3A_2262 = arith.mulf %min3A_2254, %gather3A_91 : vector<16xf32>
        %scatter3A_2263 = arith.constant 1 : i32
        %scatter3A_2264 = arith.constant 0 : i32
        %scatter3A_2265 = arith.constant 0 : i32
        %scatter3A_2266 = tpu.memref_slice %arg5[%scatter3A_2263, %scatter3A_2264, %scatter3A_2265] : memref<3x14x224xf32, #tpu.memory_space<vmem>> -> memref<1x14x224xf32, #tpu.memory_space<vmem>>
        %scatter3A_2267 = tpu.memref_squeeze %scatter3A_2266 : memref<1x14x224xf32, #tpu.memory_space<vmem>> -> memref<14x224xf32, #tpu.memory_space<vmem>>
        tpu.vector_store_idx %scatter3A_2267[%add3A_2234, %add3A_103], %mul3A_2262 masked %and3A_2255 {add = true} : memref<14x224xf32, #tpu.memory_space<vmem>>[vector<16xi32>, vector<16xi32>], vector<16xf32>, vector<16xi1>
        %mul3A_2268 = arith.mulf %min3A_2254, %gather3A_96 : vector<16xf32>
        %scatter3A_2269 = arith.constant 2 : i32
        %scatter3A_2270 = arith.constant 0 : i32
        %scatter3A_2271 = arith.constant 0 : i32
        %scatter3A_2272 = tpu.memref_slice %arg5[%scatter3A_2269, %scatter3A_2270, %scatter3A_2271] : memref<3x14x224xf32, #tpu.memory_space<vmem>> -> memref<1x14x224xf32, #tpu.memory_space<vmem>>
        %scatter3A_2273 = tpu.memref_squeeze %scatter3A_2272 : memref<1x14x224xf32, #tpu.memory_space<vmem>> -> memref<14x224xf32, #tpu.memory_space<vmem>>
        tpu.vector_store_idx %scatter3A_2273[%add3A_2234, %add3A_103], %mul3A_2268 masked %and3A_2255 {add = true} : memref<14x224xf32, #tpu.memory_space<vmem>>[vector<16xi32>, vector<16xi32>], vector<16xf32>, vector<16xi1>
        %add3A_2274 = arith.addf %mul3A_226, %mul3A_2245 : vector<16xf32>
        %mul3A_2275 = arith.mulf %add3A_2274, %add3A_203 : vector<16xf32>
        %add3A_2276 = arith.addf %mul3A_2275, %mul3A_2247 : vector<16xf32>
        %exp3A_2277 = math.exp %add3A_2276 : vector<16xf32>
        %min3A_2278 = arith.constant 1.000000e+00 : f32
        %min3A_2279 = vector.broadcast %min3A_2278 : f32 to vector<16xf32>
        %min3A_2280 = arith.minimumf %exp3A_2277, %min3A_2279 : vector<16xf32>
        %and3A_2281 = arith.andi %and3A_2241, %and3A_141 : vector<16xi1>
        %mul3A_2282 = arith.mulf %min3A_2280, %gather3A_86 : vector<16xf32>
        %scatter3A_2283 = arith.constant 0 : i32
        %scatter3A_2284 = arith.constant 0 : i32
        %scatter3A_2285 = arith.constant 0 : i32
        %scatter3A_2286 = tpu.memref_slice %arg5[%scatter3A_2283, %scatter3A_2284, %scatter3A_2285] : memref<3x14x224xf32, #tpu.memory_space<vmem>> -> memref<1x14x224xf32, #tpu.memory_space<vmem>>
        %scatter3A_2287 = tpu.memref_squeeze %scatter3A_2286 : memref<1x14x224xf32, #tpu.memory_space<vmem>> -> memref<14x224xf32, #tpu.memory_space<vmem>>
        tpu.vector_store_idx %scatter3A_2287[%add3A_2234, %add3A_106], %mul3A_2282 masked %and3A_2281 {add = true} : memref<14x224xf32, #tpu.memory_space<vmem>>[vector<16xi32>, vector<16xi32>], vector<16xf32>, vector<16xi1>
        %mul3A_2288 = arith.mulf %min3A_2280, %gather3A_91 : vector<16xf32>
        %scatter3A_2289 = arith.constant 1 : i32
        %scatter3A_2290 = arith.constant 0 : i32
        %scatter3A_2291 = arith.constant 0 : i32
        %scatter3A_2292 = tpu.memref_slice %arg5[%scatter3A_2289, %scatter3A_2290, %scatter3A_2291] : memref<3x14x224xf32, #tpu.memory_space<vmem>> -> memref<1x14x224xf32, #tpu.memory_space<vmem>>
        %scatter3A_2293 = tpu.memref_squeeze %scatter3A_2292 : memref<1x14x224xf32, #tpu.memory_space<vmem>> -> memref<14x224xf32, #tpu.memory_space<vmem>>
        tpu.vector_store_idx %scatter3A_2293[%add3A_2234, %add3A_106], %mul3A_2288 masked %and3A_2281 {add = true} : memref<14x224xf32, #tpu.memory_space<vmem>>[vector<16xi32>, vector<16xi32>], vector<16xf32>, vector<16xi1>
        %mul3A_2294 = arith.mulf %min3A_2280, %gather3A_96 : vector<16xf32>
        %scatter3A_2295 = arith.constant 2 : i32
        %scatter3A_2296 = arith.constant 0 : i32
        %scatter3A_2297 = arith.constant 0 : i32
        %scatter3A_2298 = tpu.memref_slice %arg5[%scatter3A_2295, %scatter3A_2296, %scatter3A_2297] : memref<3x14x224xf32, #tpu.memory_space<vmem>> -> memref<1x14x224xf32, #tpu.memory_space<vmem>>
        %scatter3A_2299 = tpu.memref_squeeze %scatter3A_2298 : memref<1x14x224xf32, #tpu.memory_space<vmem>> -> memref<14x224xf32, #tpu.memory_space<vmem>>
        tpu.vector_store_idx %scatter3A_2299[%add3A_2234, %add3A_106], %mul3A_2294 masked %and3A_2281 {add = true} : memref<14x224xf32, #tpu.memory_space<vmem>>[vector<16xi32>, vector<16xi32>], vector<16xf32>, vector<16xi1>
        %add3A_2300 = arith.addf %mul3A_227, %mul3A_2245 : vector<16xf32>
        %mul3A_2301 = arith.mulf %add3A_2300, %add3A_206 : vector<16xf32>
        %add3A_2302 = arith.addf %mul3A_2301, %mul3A_2247 : vector<16xf32>
        %exp3A_2303 = math.exp %add3A_2302 : vector<16xf32>
        %min3A_2304 = arith.constant 1.000000e+00 : f32
        %min3A_2305 = vector.broadcast %min3A_2304 : f32 to vector<16xf32>
        %min3A_2306 = arith.minimumf %exp3A_2303, %min3A_2305 : vector<16xf32>
        %and3A_2307 = arith.andi %and3A_2241, %and3A_149 : vector<16xi1>
        %mul3A_2308 = arith.mulf %min3A_2306, %gather3A_86 : vector<16xf32>
        %scatter3A_2309 = arith.constant 0 : i32
        %scatter3A_2310 = arith.constant 0 : i32
        %scatter3A_2311 = arith.constant 0 : i32
        %scatter3A_2312 = tpu.memref_slice %arg5[%scatter3A_2309, %scatter3A_2310, %scatter3A_2311] : memref<3x14x224xf32, #tpu.memory_space<vmem>> -> memref<1x14x224xf32, #tpu.memory_space<vmem>>
        %scatter3A_2313 = tpu.memref_squeeze %scatter3A_2312 : memref<1x14x224xf32, #tpu.memory_space<vmem>> -> memref<14x224xf32, #tpu.memory_space<vmem>>
        tpu.vector_store_idx %scatter3A_2313[%add3A_2234, %add3A_109], %mul3A_2308 masked %and3A_2307 {add = true} : memref<14x224xf32, #tpu.memory_space<vmem>>[vector<16xi32>, vector<16xi32>], vector<16xf32>, vector<16xi1>
        %mul3A_2314 = arith.mulf %min3A_2306, %gather3A_91 : vector<16xf32>
        %scatter3A_2315 = arith.constant 1 : i32
        %scatter3A_2316 = arith.constant 0 : i32
        %scatter3A_2317 = arith.constant 0 : i32
        %scatter3A_2318 = tpu.memref_slice %arg5[%scatter3A_2315, %scatter3A_2316, %scatter3A_2317] : memref<3x14x224xf32, #tpu.memory_space<vmem>> -> memref<1x14x224xf32, #tpu.memory_space<vmem>>
        %scatter3A_2319 = tpu.memref_squeeze %scatter3A_2318 : memref<1x14x224xf32, #tpu.memory_space<vmem>> -> memref<14x224xf32, #tpu.memory_space<vmem>>
        tpu.vector_store_idx %scatter3A_2319[%add3A_2234, %add3A_109], %mul3A_2314 masked %and3A_2307 {add = true} : memref<14x224xf32, #tpu.memory_space<vmem>>[vector<16xi32>, vector<16xi32>], vector<16xf32>, vector<16xi1>
        %mul3A_2320 = arith.mulf %min3A_2306, %gather3A_96 : vector<16xf32>
        %scatter3A_2321 = arith.constant 2 : i32
        %scatter3A_2322 = arith.constant 0 : i32
        %scatter3A_2323 = arith.constant 0 : i32
        %scatter3A_2324 = tpu.memref_slice %arg5[%scatter3A_2321, %scatter3A_2322, %scatter3A_2323] : memref<3x14x224xf32, #tpu.memory_space<vmem>> -> memref<1x14x224xf32, #tpu.memory_space<vmem>>
        %scatter3A_2325 = tpu.memref_squeeze %scatter3A_2324 : memref<1x14x224xf32, #tpu.memory_space<vmem>> -> memref<14x224xf32, #tpu.memory_space<vmem>>
        tpu.vector_store_idx %scatter3A_2325[%add3A_2234, %add3A_109], %mul3A_2320 masked %and3A_2307 {add = true} : memref<14x224xf32, #tpu.memory_space<vmem>>[vector<16xi32>, vector<16xi32>], vector<16xf32>, vector<16xi1>
        %add3A_2326 = arith.addf %mul3A_228, %mul3A_2245 : vector<16xf32>
        %mul3A_2327 = arith.mulf %add3A_2326, %add3A_209 : vector<16xf32>
        %add3A_2328 = arith.addf %mul3A_2327, %mul3A_2247 : vector<16xf32>
        %exp3A_2329 = math.exp %add3A_2328 : vector<16xf32>
        %min3A_2330 = arith.constant 1.000000e+00 : f32
        %min3A_2331 = vector.broadcast %min3A_2330 : f32 to vector<16xf32>
        %min3A_2332 = arith.minimumf %exp3A_2329, %min3A_2331 : vector<16xf32>
        %and3A_2333 = arith.andi %and3A_2241, %and3A_157 : vector<16xi1>
        %mul3A_2334 = arith.mulf %min3A_2332, %gather3A_86 : vector<16xf32>
        %scatter3A_2335 = arith.constant 0 : i32
        %scatter3A_2336 = arith.constant 0 : i32
        %scatter3A_2337 = arith.constant 0 : i32
        %scatter3A_2338 = tpu.memref_slice %arg5[%scatter3A_2335, %scatter3A_2336, %scatter3A_2337] : memref<3x14x224xf32, #tpu.memory_space<vmem>> -> memref<1x14x224xf32, #tpu.memory_space<vmem>>
        %scatter3A_2339 = tpu.memref_squeeze %scatter3A_2338 : memref<1x14x224xf32, #tpu.memory_space<vmem>> -> memref<14x224xf32, #tpu.memory_space<vmem>>
        tpu.vector_store_idx %scatter3A_2339[%add3A_2234, %add3A_112], %mul3A_2334 masked %and3A_2333 {add = true} : memref<14x224xf32, #tpu.memory_space<vmem>>[vector<16xi32>, vector<16xi32>], vector<16xf32>, vector<16xi1>
        %mul3A_2340 = arith.mulf %min3A_2332, %gather3A_91 : vector<16xf32>
        %scatter3A_2341 = arith.constant 1 : i32
        %scatter3A_2342 = arith.constant 0 : i32
        %scatter3A_2343 = arith.constant 0 : i32
        %scatter3A_2344 = tpu.memref_slice %arg5[%scatter3A_2341, %scatter3A_2342, %scatter3A_2343] : memref<3x14x224xf32, #tpu.memory_space<vmem>> -> memref<1x14x224xf32, #tpu.memory_space<vmem>>
        %scatter3A_2345 = tpu.memref_squeeze %scatter3A_2344 : memref<1x14x224xf32, #tpu.memory_space<vmem>> -> memref<14x224xf32, #tpu.memory_space<vmem>>
        tpu.vector_store_idx %scatter3A_2345[%add3A_2234, %add3A_112], %mul3A_2340 masked %and3A_2333 {add = true} : memref<14x224xf32, #tpu.memory_space<vmem>>[vector<16xi32>, vector<16xi32>], vector<16xf32>, vector<16xi1>
        %mul3A_2346 = arith.mulf %min3A_2332, %gather3A_96 : vector<16xf32>
        %scatter3A_2347 = arith.constant 2 : i32
        %scatter3A_2348 = arith.constant 0 : i32
        %scatter3A_2349 = arith.constant 0 : i32
        %scatter3A_2350 = tpu.memref_slice %arg5[%scatter3A_2347, %scatter3A_2348, %scatter3A_2349] : memref<3x14x224xf32, #tpu.memory_space<vmem>> -> memref<1x14x224xf32, #tpu.memory_space<vmem>>
        %scatter3A_2351 = tpu.memref_squeeze %scatter3A_2350 : memref<1x14x224xf32, #tpu.memory_space<vmem>> -> memref<14x224xf32, #tpu.memory_space<vmem>>
        tpu.vector_store_idx %scatter3A_2351[%add3A_2234, %add3A_112], %mul3A_2346 masked %and3A_2333 {add = true} : memref<14x224xf32, #tpu.memory_space<vmem>>[vector<16xi32>, vector<16xi32>], vector<16xf32>, vector<16xi1>
        %add3A_2352 = arith.addf %mul3A_229, %mul3A_2245 : vector<16xf32>
        %mul3A_2353 = arith.mulf %add3A_2352, %add3A_212 : vector<16xf32>
        %add3A_2354 = arith.addf %mul3A_2353, %mul3A_2247 : vector<16xf32>
        %exp3A_2355 = math.exp %add3A_2354 : vector<16xf32>
        %min3A_2356 = arith.constant 1.000000e+00 : f32
        %min3A_2357 = vector.broadcast %min3A_2356 : f32 to vector<16xf32>
        %min3A_2358 = arith.minimumf %exp3A_2355, %min3A_2357 : vector<16xf32>
        %and3A_2359 = arith.andi %and3A_2241, %and3A_165 : vector<16xi1>
        %mul3A_2360 = arith.mulf %min3A_2358, %gather3A_86 : vector<16xf32>
        %scatter3A_2361 = arith.constant 0 : i32
        %scatter3A_2362 = arith.constant 0 : i32
        %scatter3A_2363 = arith.constant 0 : i32
        %scatter3A_2364 = tpu.memref_slice %arg5[%scatter3A_2361, %scatter3A_2362, %scatter3A_2363] : memref<3x14x224xf32, #tpu.memory_space<vmem>> -> memref<1x14x224xf32, #tpu.memory_space<vmem>>
        %scatter3A_2365 = tpu.memref_squeeze %scatter3A_2364 : memref<1x14x224xf32, #tpu.memory_space<vmem>> -> memref<14x224xf32, #tpu.memory_space<vmem>>
        tpu.vector_store_idx %scatter3A_2365[%add3A_2234, %add3A_115], %mul3A_2360 masked %and3A_2359 {add = true} : memref<14x224xf32, #tpu.memory_space<vmem>>[vector<16xi32>, vector<16xi32>], vector<16xf32>, vector<16xi1>
        %mul3A_2366 = arith.mulf %min3A_2358, %gather3A_91 : vector<16xf32>
        %scatter3A_2367 = arith.constant 1 : i32
        %scatter3A_2368 = arith.constant 0 : i32
        %scatter3A_2369 = arith.constant 0 : i32
        %scatter3A_2370 = tpu.memref_slice %arg5[%scatter3A_2367, %scatter3A_2368, %scatter3A_2369] : memref<3x14x224xf32, #tpu.memory_space<vmem>> -> memref<1x14x224xf32, #tpu.memory_space<vmem>>
        %scatter3A_2371 = tpu.memref_squeeze %scatter3A_2370 : memref<1x14x224xf32, #tpu.memory_space<vmem>> -> memref<14x224xf32, #tpu.memory_space<vmem>>
        tpu.vector_store_idx %scatter3A_2371[%add3A_2234, %add3A_115], %mul3A_2366 masked %and3A_2359 {add = true} : memref<14x224xf32, #tpu.memory_space<vmem>>[vector<16xi32>, vector<16xi32>], vector<16xf32>, vector<16xi1>
        %mul3A_2372 = arith.mulf %min3A_2358, %gather3A_96 : vector<16xf32>
        %scatter3A_2373 = arith.constant 2 : i32
        %scatter3A_2374 = arith.constant 0 : i32
        %scatter3A_2375 = arith.constant 0 : i32
        %scatter3A_2376 = tpu.memref_slice %arg5[%scatter3A_2373, %scatter3A_2374, %scatter3A_2375] : memref<3x14x224xf32, #tpu.memory_space<vmem>> -> memref<1x14x224xf32, #tpu.memory_space<vmem>>
        %scatter3A_2377 = tpu.memref_squeeze %scatter3A_2376 : memref<1x14x224xf32, #tpu.memory_space<vmem>> -> memref<14x224xf32, #tpu.memory_space<vmem>>
        tpu.vector_store_idx %scatter3A_2377[%add3A_2234, %add3A_115], %mul3A_2372 masked %and3A_2359 {add = true} : memref<14x224xf32, #tpu.memory_space<vmem>>[vector<16xi32>, vector<16xi32>], vector<16xf32>, vector<16xi1>
        %add3A_2378 = arith.addf %mul3A_230, %mul3A_2245 : vector<16xf32>
        %mul3A_2379 = arith.mulf %add3A_2378, %add3A_215 : vector<16xf32>
        %add3A_2380 = arith.addf %mul3A_2379, %mul3A_2247 : vector<16xf32>
        %exp3A_2381 = math.exp %add3A_2380 : vector<16xf32>
        %min3A_2382 = arith.constant 1.000000e+00 : f32
        %min3A_2383 = vector.broadcast %min3A_2382 : f32 to vector<16xf32>
        %min3A_2384 = arith.minimumf %exp3A_2381, %min3A_2383 : vector<16xf32>
        %and3A_2385 = arith.andi %and3A_2241, %and3A_173 : vector<16xi1>
        %mul3A_2386 = arith.mulf %min3A_2384, %gather3A_86 : vector<16xf32>
        %scatter3A_2387 = arith.constant 0 : i32
        %scatter3A_2388 = arith.constant 0 : i32
        %scatter3A_2389 = arith.constant 0 : i32
        %scatter3A_2390 = tpu.memref_slice %arg5[%scatter3A_2387, %scatter3A_2388, %scatter3A_2389] : memref<3x14x224xf32, #tpu.memory_space<vmem>> -> memref<1x14x224xf32, #tpu.memory_space<vmem>>
        %scatter3A_2391 = tpu.memref_squeeze %scatter3A_2390 : memref<1x14x224xf32, #tpu.memory_space<vmem>> -> memref<14x224xf32, #tpu.memory_space<vmem>>
        tpu.vector_store_idx %scatter3A_2391[%add3A_2234, %add3A_118], %mul3A_2386 masked %and3A_2385 {add = true} : memref<14x224xf32, #tpu.memory_space<vmem>>[vector<16xi32>, vector<16xi32>], vector<16xf32>, vector<16xi1>
        %mul3A_2392 = arith.mulf %min3A_2384, %gather3A_91 : vector<16xf32>
        %scatter3A_2393 = arith.constant 1 : i32
        %scatter3A_2394 = arith.constant 0 : i32
        %scatter3A_2395 = arith.constant 0 : i32
        %scatter3A_2396 = tpu.memref_slice %arg5[%scatter3A_2393, %scatter3A_2394, %scatter3A_2395] : memref<3x14x224xf32, #tpu.memory_space<vmem>> -> memref<1x14x224xf32, #tpu.memory_space<vmem>>
        %scatter3A_2397 = tpu.memref_squeeze %scatter3A_2396 : memref<1x14x224xf32, #tpu.memory_space<vmem>> -> memref<14x224xf32, #tpu.memory_space<vmem>>
        tpu.vector_store_idx %scatter3A_2397[%add3A_2234, %add3A_118], %mul3A_2392 masked %and3A_2385 {add = true} : memref<14x224xf32, #tpu.memory_space<vmem>>[vector<16xi32>, vector<16xi32>], vector<16xf32>, vector<16xi1>
        %mul3A_2398 = arith.mulf %min3A_2384, %gather3A_96 : vector<16xf32>
        %scatter3A_2399 = arith.constant 2 : i32
        %scatter3A_2400 = arith.constant 0 : i32
        %scatter3A_2401 = arith.constant 0 : i32
        %scatter3A_2402 = tpu.memref_slice %arg5[%scatter3A_2399, %scatter3A_2400, %scatter3A_2401] : memref<3x14x224xf32, #tpu.memory_space<vmem>> -> memref<1x14x224xf32, #tpu.memory_space<vmem>>
        %scatter3A_2403 = tpu.memref_squeeze %scatter3A_2402 : memref<1x14x224xf32, #tpu.memory_space<vmem>> -> memref<14x224xf32, #tpu.memory_space<vmem>>
        tpu.vector_store_idx %scatter3A_2403[%add3A_2234, %add3A_118], %mul3A_2398 masked %and3A_2385 {add = true} : memref<14x224xf32, #tpu.memory_space<vmem>>[vector<16xi32>, vector<16xi32>], vector<16xf32>, vector<16xi1>
        %add3A_2404 = arith.addf %mul3A_231, %mul3A_2245 : vector<16xf32>
        %mul3A_2405 = arith.mulf %add3A_2404, %add3A_218 : vector<16xf32>
        %add3A_2406 = arith.addf %mul3A_2405, %mul3A_2247 : vector<16xf32>
        %exp3A_2407 = math.exp %add3A_2406 : vector<16xf32>
        %min3A_2408 = arith.constant 1.000000e+00 : f32
        %min3A_2409 = vector.broadcast %min3A_2408 : f32 to vector<16xf32>
        %min3A_2410 = arith.minimumf %exp3A_2407, %min3A_2409 : vector<16xf32>
        %and3A_2411 = arith.andi %and3A_2241, %and3A_181 : vector<16xi1>
        %mul3A_2412 = arith.mulf %min3A_2410, %gather3A_86 : vector<16xf32>
        %scatter3A_2413 = arith.constant 0 : i32
        %scatter3A_2414 = arith.constant 0 : i32
        %scatter3A_2415 = arith.constant 0 : i32
        %scatter3A_2416 = tpu.memref_slice %arg5[%scatter3A_2413, %scatter3A_2414, %scatter3A_2415] : memref<3x14x224xf32, #tpu.memory_space<vmem>> -> memref<1x14x224xf32, #tpu.memory_space<vmem>>
        %scatter3A_2417 = tpu.memref_squeeze %scatter3A_2416 : memref<1x14x224xf32, #tpu.memory_space<vmem>> -> memref<14x224xf32, #tpu.memory_space<vmem>>
        tpu.vector_store_idx %scatter3A_2417[%add3A_2234, %add3A_121], %mul3A_2412 masked %and3A_2411 {add = true} : memref<14x224xf32, #tpu.memory_space<vmem>>[vector<16xi32>, vector<16xi32>], vector<16xf32>, vector<16xi1>
        %mul3A_2418 = arith.mulf %min3A_2410, %gather3A_91 : vector<16xf32>
        %scatter3A_2419 = arith.constant 1 : i32
        %scatter3A_2420 = arith.constant 0 : i32
        %scatter3A_2421 = arith.constant 0 : i32
        %scatter3A_2422 = tpu.memref_slice %arg5[%scatter3A_2419, %scatter3A_2420, %scatter3A_2421] : memref<3x14x224xf32, #tpu.memory_space<vmem>> -> memref<1x14x224xf32, #tpu.memory_space<vmem>>
        %scatter3A_2423 = tpu.memref_squeeze %scatter3A_2422 : memref<1x14x224xf32, #tpu.memory_space<vmem>> -> memref<14x224xf32, #tpu.memory_space<vmem>>
        tpu.vector_store_idx %scatter3A_2423[%add3A_2234, %add3A_121], %mul3A_2418 masked %and3A_2411 {add = true} : memref<14x224xf32, #tpu.memory_space<vmem>>[vector<16xi32>, vector<16xi32>], vector<16xf32>, vector<16xi1>
        %mul3A_2424 = arith.mulf %min3A_2410, %gather3A_96 : vector<16xf32>
        %scatter3A_2425 = arith.constant 2 : i32
        %scatter3A_2426 = arith.constant 0 : i32
        %scatter3A_2427 = arith.constant 0 : i32
        %scatter3A_2428 = tpu.memref_slice %arg5[%scatter3A_2425, %scatter3A_2426, %scatter3A_2427] : memref<3x14x224xf32, #tpu.memory_space<vmem>> -> memref<1x14x224xf32, #tpu.memory_space<vmem>>
        %scatter3A_2429 = tpu.memref_squeeze %scatter3A_2428 : memref<1x14x224xf32, #tpu.memory_space<vmem>> -> memref<14x224xf32, #tpu.memory_space<vmem>>
        tpu.vector_store_idx %scatter3A_2429[%add3A_2234, %add3A_121], %mul3A_2424 masked %and3A_2411 {add = true} : memref<14x224xf32, #tpu.memory_space<vmem>>[vector<16xi32>, vector<16xi32>], vector<16xf32>, vector<16xi1>
        %add3A_2430 = arith.addf %mul3A_232, %mul3A_2245 : vector<16xf32>
        %mul3A_2431 = arith.mulf %add3A_2430, %add3A_221 : vector<16xf32>
        %add3A_2432 = arith.addf %mul3A_2431, %mul3A_2247 : vector<16xf32>
        %exp3A_2433 = math.exp %add3A_2432 : vector<16xf32>
        %min3A_2434 = arith.constant 1.000000e+00 : f32
        %min3A_2435 = vector.broadcast %min3A_2434 : f32 to vector<16xf32>
        %min3A_2436 = arith.minimumf %exp3A_2433, %min3A_2435 : vector<16xf32>
        %and3A_2437 = arith.andi %and3A_2241, %and3A_189 : vector<16xi1>
        %mul3A_2438 = arith.mulf %min3A_2436, %gather3A_86 : vector<16xf32>
        %scatter3A_2439 = arith.constant 0 : i32
        %scatter3A_2440 = arith.constant 0 : i32
        %scatter3A_2441 = arith.constant 0 : i32
        %scatter3A_2442 = tpu.memref_slice %arg5[%scatter3A_2439, %scatter3A_2440, %scatter3A_2441] : memref<3x14x224xf32, #tpu.memory_space<vmem>> -> memref<1x14x224xf32, #tpu.memory_space<vmem>>
        %scatter3A_2443 = tpu.memref_squeeze %scatter3A_2442 : memref<1x14x224xf32, #tpu.memory_space<vmem>> -> memref<14x224xf32, #tpu.memory_space<vmem>>
        tpu.vector_store_idx %scatter3A_2443[%add3A_2234, %add3A_124], %mul3A_2438 masked %and3A_2437 {add = true} : memref<14x224xf32, #tpu.memory_space<vmem>>[vector<16xi32>, vector<16xi32>], vector<16xf32>, vector<16xi1>
        %mul3A_2444 = arith.mulf %min3A_2436, %gather3A_91 : vector<16xf32>
        %scatter3A_2445 = arith.constant 1 : i32
        %scatter3A_2446 = arith.constant 0 : i32
        %scatter3A_2447 = arith.constant 0 : i32
        %scatter3A_2448 = tpu.memref_slice %arg5[%scatter3A_2445, %scatter3A_2446, %scatter3A_2447] : memref<3x14x224xf32, #tpu.memory_space<vmem>> -> memref<1x14x224xf32, #tpu.memory_space<vmem>>
        %scatter3A_2449 = tpu.memref_squeeze %scatter3A_2448 : memref<1x14x224xf32, #tpu.memory_space<vmem>> -> memref<14x224xf32, #tpu.memory_space<vmem>>
        tpu.vector_store_idx %scatter3A_2449[%add3A_2234, %add3A_124], %mul3A_2444 masked %and3A_2437 {add = true} : memref<14x224xf32, #tpu.memory_space<vmem>>[vector<16xi32>, vector<16xi32>], vector<16xf32>, vector<16xi1>
        %mul3A_2450 = arith.mulf %min3A_2436, %gather3A_96 : vector<16xf32>
        %scatter3A_2451 = arith.constant 2 : i32
        %scatter3A_2452 = arith.constant 0 : i32
        %scatter3A_2453 = arith.constant 0 : i32
        %scatter3A_2454 = tpu.memref_slice %arg5[%scatter3A_2451, %scatter3A_2452, %scatter3A_2453] : memref<3x14x224xf32, #tpu.memory_space<vmem>> -> memref<1x14x224xf32, #tpu.memory_space<vmem>>
        %scatter3A_2455 = tpu.memref_squeeze %scatter3A_2454 : memref<1x14x224xf32, #tpu.memory_space<vmem>> -> memref<14x224xf32, #tpu.memory_space<vmem>>
        tpu.vector_store_idx %scatter3A_2455[%add3A_2234, %add3A_124], %mul3A_2450 masked %and3A_2437 {add = true} : memref<14x224xf32, #tpu.memory_space<vmem>>[vector<16xi32>, vector<16xi32>], vector<16xf32>, vector<16xi1>
        %add3A_2456 = arith.addf %mul3A_233, %mul3A_2245 : vector<16xf32>
        %mul3A_2457 = arith.mulf %add3A_2456, %add3A_224 : vector<16xf32>
        %add3A_2458 = arith.addf %mul3A_2457, %mul3A_2247 : vector<16xf32>
        %exp3A_2459 = math.exp %add3A_2458 : vector<16xf32>
        %min3A_2460 = arith.constant 1.000000e+00 : f32
        %min3A_2461 = vector.broadcast %min3A_2460 : f32 to vector<16xf32>
        %min3A_2462 = arith.minimumf %exp3A_2459, %min3A_2461 : vector<16xf32>
        %and3A_2463 = arith.andi %and3A_2241, %and3A_197 : vector<16xi1>
        %mul3A_2464 = arith.mulf %min3A_2462, %gather3A_86 : vector<16xf32>
        %scatter3A_2465 = arith.constant 0 : i32
        %scatter3A_2466 = arith.constant 0 : i32
        %scatter3A_2467 = arith.constant 0 : i32
        %scatter3A_2468 = tpu.memref_slice %arg5[%scatter3A_2465, %scatter3A_2466, %scatter3A_2467] : memref<3x14x224xf32, #tpu.memory_space<vmem>> -> memref<1x14x224xf32, #tpu.memory_space<vmem>>
        %scatter3A_2469 = tpu.memref_squeeze %scatter3A_2468 : memref<1x14x224xf32, #tpu.memory_space<vmem>> -> memref<14x224xf32, #tpu.memory_space<vmem>>
        tpu.vector_store_idx %scatter3A_2469[%add3A_2234, %add3A_127], %mul3A_2464 masked %and3A_2463 {add = true} : memref<14x224xf32, #tpu.memory_space<vmem>>[vector<16xi32>, vector<16xi32>], vector<16xf32>, vector<16xi1>
        %mul3A_2470 = arith.mulf %min3A_2462, %gather3A_91 : vector<16xf32>
        %scatter3A_2471 = arith.constant 1 : i32
        %scatter3A_2472 = arith.constant 0 : i32
        %scatter3A_2473 = arith.constant 0 : i32
        %scatter3A_2474 = tpu.memref_slice %arg5[%scatter3A_2471, %scatter3A_2472, %scatter3A_2473] : memref<3x14x224xf32, #tpu.memory_space<vmem>> -> memref<1x14x224xf32, #tpu.memory_space<vmem>>
        %scatter3A_2475 = tpu.memref_squeeze %scatter3A_2474 : memref<1x14x224xf32, #tpu.memory_space<vmem>> -> memref<14x224xf32, #tpu.memory_space<vmem>>
        tpu.vector_store_idx %scatter3A_2475[%add3A_2234, %add3A_127], %mul3A_2470 masked %and3A_2463 {add = true} : memref<14x224xf32, #tpu.memory_space<vmem>>[vector<16xi32>, vector<16xi32>], vector<16xf32>, vector<16xi1>
        %mul3A_2476 = arith.mulf %min3A_2462, %gather3A_96 : vector<16xf32>
        %scatter3A_2477 = arith.constant 2 : i32
        %scatter3A_2478 = arith.constant 0 : i32
        %scatter3A_2479 = arith.constant 0 : i32
        %scatter3A_2480 = tpu.memref_slice %arg5[%scatter3A_2477, %scatter3A_2478, %scatter3A_2479] : memref<3x14x224xf32, #tpu.memory_space<vmem>> -> memref<1x14x224xf32, #tpu.memory_space<vmem>>
        %scatter3A_2481 = tpu.memref_squeeze %scatter3A_2480 : memref<1x14x224xf32, #tpu.memory_space<vmem>> -> memref<14x224xf32, #tpu.memory_space<vmem>>
        tpu.vector_store_idx %scatter3A_2481[%add3A_2234, %add3A_127], %mul3A_2476 masked %and3A_2463 {add = true} : memref<14x224xf32, #tpu.memory_space<vmem>>[vector<16xi32>, vector<16xi32>], vector<16xf32>, vector<16xi1>
        %scan3A_2482 = arith.constant 0 : i32
        scf.yield %scan3A_2482 : i32
      }
      %scan3A_37 = arith.constant 15 : i32
      %scan3A_38 = arith.constant 0 : i32
      scf.yield %scan3A_38 : i32
    }
    %scan3A_21 = arith.constant 24 : i32
    %scan3A_22 = arith.constant 0 : i32
    %scan3A_23 = arith.constant 0 : i32
    %scan3A_24 = arith.constant 14 : i32
    %scan3A_25 = arith.addi %scan3A_23, %scan3A_24 : i32
    %scan3A_26 = arith.constant 1 : i32
    %scan3A_27 = scf.for %scan3A_29 = %scan3A_23 to %scan3A_25 step %scan3A_26 iter_args(%scan3A_30 = %scan3A_22) -> (i32)  : i32 {
      %get3A = arith.constant 0 : i32
      %get3A_31 = arith.index_cast %get3A : i32 to index
      %get3A_32 = arith.index_cast %scan3A_29 : i32 to index
      %get3A_33 = arith.constant 0 : index
      %get3A_34 = tpu.vector_load %arg5[%get3A_31, %get3A_32, %get3A_33] {strides = array<i32>} : memref<3x14x224xf32, #tpu.memory_space<vmem>>, vector<16xf32>,
      %max3A_35 = arith.constant 0.000000e+00 : f32
      %max3A_36 = vector.broadcast %max3A_35 : f32 to vector<16xf32>
      %max3A_37 = arith.maximumf %get3A_34, %max3A_36 : vector<16xf32>
      %min3A_38 = arith.constant 1.000000e+00 : f32
      %min3A_39 = vector.broadcast %min3A_38 : f32 to vector<16xf32>
      %min3A_40 = arith.minimumf %max3A_37, %min3A_39 : vector<16xf32>
      %swap3A = arith.constant 0 : i32
      %swap3A_41 = arith.index_cast %swap3A : i32 to index
      %swap3A_42 = arith.index_cast %scan3A_29 : i32 to index
      %swap3A_43 = arith.constant 0 : index
      %swap3A_44 = tpu.vector_load %arg5[%swap3A_41, %swap3A_42, %swap3A_43] {strides = array<i32>} : memref<3x14x224xf32, #tpu.memory_space<vmem>>, vector<16xf32>,
      tpu.vector_store %arg5[%swap3A_41, %swap3A_42, %swap3A_43], %min3A_40 {strides = array<i32>} : memref<3x14x224xf32, #tpu.memory_space<vmem>>, vector<16xf32>,
      %get3A_45 = arith.constant 0 : i32
      %get3A_46 = arith.index_cast %get3A_45 : i32 to index
      %get3A_47 = arith.index_cast %scan3A_29 : i32 to index
      %get3A_48 = arith.constant 16 : index
      %get3A_49 = tpu.vector_load %arg5[%get3A_46, %get3A_47, %get3A_48] {strides = array<i32>} : memref<3x14x224xf32, #tpu.memory_space<vmem>>, vector<16xf32>,
      %max3A_50 = arith.constant 0.000000e+00 : f32
      %max3A_51 = vector.broadcast %max3A_50 : f32 to vector<16xf32>
      %max3A_52 = arith.maximumf %get3A_49, %max3A_51 : vector<16xf32>
      %min3A_53 = arith.constant 1.000000e+00 : f32
      %min3A_54 = vector.broadcast %min3A_53 : f32 to vector<16xf32>
      %min3A_55 = arith.minimumf %max3A_52, %min3A_54 : vector<16xf32>
      %swap3A_56 = arith.constant 0 : i32
      %swap3A_57 = arith.index_cast %swap3A_56 : i32 to index
      %swap3A_58 = arith.index_cast %scan3A_29 : i32 to index
      %swap3A_59 = arith.constant 16 : index
      %swap3A_60 = tpu.vector_load %arg5[%swap3A_57, %swap3A_58, %swap3A_59] {strides = array<i32>} : memref<3x14x224xf32, #tpu.memory_space<vmem>>, vector<16xf32>,
      tpu.vector_store %arg5[%swap3A_57, %swap3A_58, %swap3A_59], %min3A_55 {strides = array<i32>} : memref<3x14x224xf32, #tpu.memory_space<vmem>>, vector<16xf32>,
      %get3A_61 = arith.constant 0 : i32
      %get3A_62 = arith.index_cast %get3A_61 : i32 to index
      %get3A_63 = arith.index_cast %scan3A_29 : i32 to index
      %get3A_64 = arith.constant 32 : index
      %get3A_65 = tpu.vector_load %arg5[%get3A_62, %get3A_63, %get3A_64] {strides = array<i32>} : memref<3x14x224xf32, #tpu.memory_space<vmem>>, vector<16xf32>,
      %max3A_66 = arith.constant 0.000000e+00 : f32
      %max3A_67 = vector.broadcast %max3A_66 : f32 to vector<16xf32>
      %max3A_68 = arith.maximumf %get3A_65, %max3A_67 : vector<16xf32>
      %min3A_69 = arith.constant 1.000000e+00 : f32
      %min3A_70 = vector.broadcast %min3A_69 : f32 to vector<16xf32>
      %min3A_71 = arith.minimumf %max3A_68, %min3A_70 : vector<16xf32>
      %swap3A_72 = arith.constant 0 : i32
      %swap3A_73 = arith.index_cast %swap3A_72 : i32 to index
      %swap3A_74 = arith.index_cast %scan3A_29 : i32 to index
      %swap3A_75 = arith.constant 32 : index
      %swap3A_76 = tpu.vector_load %arg5[%swap3A_73, %swap3A_74, %swap3A_75] {strides = array<i32>} : memref<3x14x224xf32, #tpu.memory_space<vmem>>, vector<16xf32>,
      tpu.vector_store %arg5[%swap3A_73, %swap3A_74, %swap3A_75], %min3A_71 {strides = array<i32>} : memref<3x14x224xf32, #tpu.memory_space<vmem>>, vector<16xf32>,
      %get3A_77 = arith.constant 0 : i32
      %get3A_78 = arith.index_cast %get3A_77 : i32 to index
      %get3A_79 = arith.index_cast %scan3A_29 : i32 to index
      %get3A_80 = arith.constant 48 : index
      %get3A_81 = tpu.vector_load %arg5[%get3A_78, %get3A_79, %get3A_80] {strides = array<i32>} : memref<3x14x224xf32, #tpu.memory_space<vmem>>, vector<16xf32>,
      %max3A_82 = arith.constant 0.000000e+00 : f32
      %max3A_83 = vector.broadcast %max3A_82 : f32 to vector<16xf32>
      %max3A_84 = arith.maximumf %get3A_81, %max3A_83 : vector<16xf32>
      %min3A_85 = arith.constant 1.000000e+00 : f32
      %min3A_86 = vector.broadcast %min3A_85 : f32 to vector<16xf32>
      %min3A_87 = arith.minimumf %max3A_84, %min3A_86 : vector<16xf32>
      %swap3A_88 = arith.constant 0 : i32
      %swap3A_89 = arith.index_cast %swap3A_88 : i32 to index
      %swap3A_90 = arith.index_cast %scan3A_29 : i32 to index
      %swap3A_91 = arith.constant 48 : index
      %swap3A_92 = tpu.vector_load %arg5[%swap3A_89, %swap3A_90, %swap3A_91] {strides = array<i32>} : memref<3x14x224xf32, #tpu.memory_space<vmem>>, vector<16xf32>,
      tpu.vector_store %arg5[%swap3A_89, %swap3A_90, %swap3A_91], %min3A_87 {strides = array<i32>} : memref<3x14x224xf32, #tpu.memory_space<vmem>>, vector<16xf32>,
      %get3A_93 = arith.constant 0 : i32
      %get3A_94 = arith.index_cast %get3A_93 : i32 to index
      %get3A_95 = arith.index_cast %scan3A_29 : i32 to index
      %get3A_96 = arith.constant 64 : index
      %get3A_97 = tpu.vector_load %arg5[%get3A_94, %get3A_95, %get3A_96] {strides = array<i32>} : memref<3x14x224xf32, #tpu.memory_space<vmem>>, vector<16xf32>,
      %max3A_98 = arith.constant 0.000000e+00 : f32
      %max3A_99 = vector.broadcast %max3A_98 : f32 to vector<16xf32>
      %max3A_100 = arith.maximumf %get3A_97, %max3A_99 : vector<16xf32>
      %min3A_101 = arith.constant 1.000000e+00 : f32
      %min3A_102 = vector.broadcast %min3A_101 : f32 to vector<16xf32>
      %min3A_103 = arith.minimumf %max3A_100, %min3A_102 : vector<16xf32>
      %swap3A_104 = arith.constant 0 : i32
      %swap3A_105 = arith.index_cast %swap3A_104 : i32 to index
      %swap3A_106 = arith.index_cast %scan3A_29 : i32 to index
      %swap3A_107 = arith.constant 64 : index
      %swap3A_108 = tpu.vector_load %arg5[%swap3A_105, %swap3A_106, %swap3A_107] {strides = array<i32>} : memref<3x14x224xf32, #tpu.memory_space<vmem>>, vector<16xf32>,
      tpu.vector_store %arg5[%swap3A_105, %swap3A_106, %swap3A_107], %min3A_103 {strides = array<i32>} : memref<3x14x224xf32, #tpu.memory_space<vmem>>, vector<16xf32>,
      %get3A_109 = arith.constant 0 : i32
      %get3A_110 = arith.index_cast %get3A_109 : i32 to index
      %get3A_111 = arith.index_cast %scan3A_29 : i32 to index
      %get3A_112 = arith.constant 80 : index
      %get3A_113 = tpu.vector_load %arg5[%get3A_110, %get3A_111, %get3A_112] {strides = array<i32>} : memref<3x14x224xf32, #tpu.memory_space<vmem>>, vector<16xf32>,
      %max3A_114 = arith.constant 0.000000e+00 : f32
      %max3A_115 = vector.broadcast %max3A_114 : f32 to vector<16xf32>
      %max3A_116 = arith.maximumf %get3A_113, %max3A_115 : vector<16xf32>
      %min3A_117 = arith.constant 1.000000e+00 : f32
      %min3A_118 = vector.broadcast %min3A_117 : f32 to vector<16xf32>
      %min3A_119 = arith.minimumf %max3A_116, %min3A_118 : vector<16xf32>
      %swap3A_120 = arith.constant 0 : i32
      %swap3A_121 = arith.index_cast %swap3A_120 : i32 to index
      %swap3A_122 = arith.index_cast %scan3A_29 : i32 to index
      %swap3A_123 = arith.constant 80 : index
      %swap3A_124 = tpu.vector_load %arg5[%swap3A_121, %swap3A_122, %swap3A_123] {strides = array<i32>} : memref<3x14x224xf32, #tpu.memory_space<vmem>>, vector<16xf32>,
      tpu.vector_store %arg5[%swap3A_121, %swap3A_122, %swap3A_123], %min3A_119 {strides = array<i32>} : memref<3x14x224xf32, #tpu.memory_space<vmem>>, vector<16xf32>,
      %get3A_125 = arith.constant 0 : i32
      %get3A_126 = arith.index_cast %get3A_125 : i32 to index
      %get3A_127 = arith.index_cast %scan3A_29 : i32 to index
      %get3A_128 = arith.constant 96 : index
      %get3A_129 = tpu.vector_load %arg5[%get3A_126, %get3A_127, %get3A_128] {strides = array<i32>} : memref<3x14x224xf32, #tpu.memory_space<vmem>>, vector<16xf32>,
      %max3A_130 = arith.constant 0.000000e+00 : f32
      %max3A_131 = vector.broadcast %max3A_130 : f32 to vector<16xf32>
      %max3A_132 = arith.maximumf %get3A_129, %max3A_131 : vector<16xf32>
      %min3A_133 = arith.constant 1.000000e+00 : f32
      %min3A_134 = vector.broadcast %min3A_133 : f32 to vector<16xf32>
      %min3A_135 = arith.minimumf %max3A_132, %min3A_134 : vector<16xf32>
      %swap3A_136 = arith.constant 0 : i32
      %swap3A_137 = arith.index_cast %swap3A_136 : i32 to index
      %swap3A_138 = arith.index_cast %scan3A_29 : i32 to index
      %swap3A_139 = arith.constant 96 : index
      %swap3A_140 = tpu.vector_load %arg5[%swap3A_137, %swap3A_138, %swap3A_139] {strides = array<i32>} : memref<3x14x224xf32, #tpu.memory_space<vmem>>, vector<16xf32>,
      tpu.vector_store %arg5[%swap3A_137, %swap3A_138, %swap3A_139], %min3A_135 {strides = array<i32>} : memref<3x14x224xf32, #tpu.memory_space<vmem>>, vector<16xf32>,
      %get3A_141 = arith.constant 0 : i32
      %get3A_142 = arith.index_cast %get3A_141 : i32 to index
      %get3A_143 = arith.index_cast %scan3A_29 : i32 to index
      %get3A_144 = arith.constant 112 : index
      %get3A_145 = tpu.vector_load %arg5[%get3A_142, %get3A_143, %get3A_144] {strides = array<i32>} : memref<3x14x224xf32, #tpu.memory_space<vmem>>, vector<16xf32>,
      %max3A_146 = arith.constant 0.000000e+00 : f32
      %max3A_147 = vector.broadcast %max3A_146 : f32 to vector<16xf32>
      %max3A_148 = arith.maximumf %get3A_145, %max3A_147 : vector<16xf32>
      %min3A_149 = arith.constant 1.000000e+00 : f32
      %min3A_150 = vector.broadcast %min3A_149 : f32 to vector<16xf32>
      %min3A_151 = arith.minimumf %max3A_148, %min3A_150 : vector<16xf32>
      %swap3A_152 = arith.constant 0 : i32
      %swap3A_153 = arith.index_cast %swap3A_152 : i32 to index
      %swap3A_154 = arith.index_cast %scan3A_29 : i32 to index
      %swap3A_155 = arith.constant 112 : index
      %swap3A_156 = tpu.vector_load %arg5[%swap3A_153, %swap3A_154, %swap3A_155] {strides = array<i32>} : memref<3x14x224xf32, #tpu.memory_space<vmem>>, vector<16xf32>,
      tpu.vector_store %arg5[%swap3A_153, %swap3A_154, %swap3A_155], %min3A_151 {strides = array<i32>} : memref<3x14x224xf32, #tpu.memory_space<vmem>>, vector<16xf32>,
      %get3A_157 = arith.constant 0 : i32
      %get3A_158 = arith.index_cast %get3A_157 : i32 to index
      %get3A_159 = arith.index_cast %scan3A_29 : i32 to index
      %get3A_160 = arith.constant 128 : index
      %get3A_161 = tpu.vector_load %arg5[%get3A_158, %get3A_159, %get3A_160] {strides = array<i32>} : memref<3x14x224xf32, #tpu.memory_space<vmem>>, vector<16xf32>,
      %max3A_162 = arith.constant 0.000000e+00 : f32
      %max3A_163 = vector.broadcast %max3A_162 : f32 to vector<16xf32>
      %max3A_164 = arith.maximumf %get3A_161, %max3A_163 : vector<16xf32>
      %min3A_165 = arith.constant 1.000000e+00 : f32
      %min3A_166 = vector.broadcast %min3A_165 : f32 to vector<16xf32>
      %min3A_167 = arith.minimumf %max3A_164, %min3A_166 : vector<16xf32>
      %swap3A_168 = arith.constant 0 : i32
      %swap3A_169 = arith.index_cast %swap3A_168 : i32 to index
      %swap3A_170 = arith.index_cast %scan3A_29 : i32 to index
      %swap3A_171 = arith.constant 128 : index
      %swap3A_172 = tpu.vector_load %arg5[%swap3A_169, %swap3A_170, %swap3A_171] {strides = array<i32>} : memref<3x14x224xf32, #tpu.memory_space<vmem>>, vector<16xf32>,
      tpu.vector_store %arg5[%swap3A_169, %swap3A_170, %swap3A_171], %min3A_167 {strides = array<i32>} : memref<3x14x224xf32, #tpu.memory_space<vmem>>, vector<16xf32>,
      %get3A_173 = arith.constant 0 : i32
      %get3A_174 = arith.index_cast %get3A_173 : i32 to index
      %get3A_175 = arith.index_cast %scan3A_29 : i32 to index
      %get3A_176 = arith.constant 144 : index
      %get3A_177 = tpu.vector_load %arg5[%get3A_174, %get3A_175, %get3A_176] {strides = array<i32>} : memref<3x14x224xf32, #tpu.memory_space<vmem>>, vector<16xf32>,
      %max3A_178 = arith.constant 0.000000e+00 : f32
      %max3A_179 = vector.broadcast %max3A_178 : f32 to vector<16xf32>
      %max3A_180 = arith.maximumf %get3A_177, %max3A_179 : vector<16xf32>
      %min3A_181 = arith.constant 1.000000e+00 : f32
      %min3A_182 = vector.broadcast %min3A_181 : f32 to vector<16xf32>
      %min3A_183 = arith.minimumf %max3A_180, %min3A_182 : vector<16xf32>
      %swap3A_184 = arith.constant 0 : i32
      %swap3A_185 = arith.index_cast %swap3A_184 : i32 to index
      %swap3A_186 = arith.index_cast %scan3A_29 : i32 to index
      %swap3A_187 = arith.constant 144 : index
      %swap3A_188 = tpu.vector_load %arg5[%swap3A_185, %swap3A_186, %swap3A_187] {strides = array<i32>} : memref<3x14x224xf32, #tpu.memory_space<vmem>>, vector<16xf32>,
      tpu.vector_store %arg5[%swap3A_185, %swap3A_186, %swap3A_187], %min3A_183 {strides = array<i32>} : memref<3x14x224xf32, #tpu.memory_space<vmem>>, vector<16xf32>,
      %get3A_189 = arith.constant 0 : i32
      %get3A_190 = arith.index_cast %get3A_189 : i32 to index
      %get3A_191 = arith.index_cast %scan3A_29 : i32 to index
      %get3A_192 = arith.constant 160 : index
      %get3A_193 = tpu.vector_load %arg5[%get3A_190, %get3A_191, %get3A_192] {strides = array<i32>} : memref<3x14x224xf32, #tpu.memory_space<vmem>>, vector<16xf32>,
      %max3A_194 = arith.constant 0.000000e+00 : f32
      %max3A_195 = vector.broadcast %max3A_194 : f32 to vector<16xf32>
      %max3A_196 = arith.maximumf %get3A_193, %max3A_195 : vector<16xf32>
      %min3A_197 = arith.constant 1.000000e+00 : f32
      %min3A_198 = vector.broadcast %min3A_197 : f32 to vector<16xf32>
      %min3A_199 = arith.minimumf %max3A_196, %min3A_198 : vector<16xf32>
      %swap3A_200 = arith.constant 0 : i32
      %swap3A_201 = arith.index_cast %swap3A_200 : i32 to index
      %swap3A_202 = arith.index_cast %scan3A_29 : i32 to index
      %swap3A_203 = arith.constant 160 : index
      %swap3A_204 = tpu.vector_load %arg5[%swap3A_201, %swap3A_202, %swap3A_203] {strides = array<i32>} : memref<3x14x224xf32, #tpu.memory_space<vmem>>, vector<16xf32>,
      tpu.vector_store %arg5[%swap3A_201, %swap3A_202, %swap3A_203], %min3A_199 {strides = array<i32>} : memref<3x14x224xf32, #tpu.memory_space<vmem>>, vector<16xf32>,
      %get3A_205 = arith.constant 0 : i32
      %get3A_206 = arith.index_cast %get3A_205 : i32 to index
      %get3A_207 = arith.index_cast %scan3A_29 : i32 to index
      %get3A_208 = arith.constant 176 : index
      %get3A_209 = tpu.vector_load %arg5[%get3A_206, %get3A_207, %get3A_208] {strides = array<i32>} : memref<3x14x224xf32, #tpu.memory_space<vmem>>, vector<16xf32>,
      %max3A_210 = arith.constant 0.000000e+00 : f32
      %max3A_211 = vector.broadcast %max3A_210 : f32 to vector<16xf32>
      %max3A_212 = arith.maximumf %get3A_209, %max3A_211 : vector<16xf32>
      %min3A_213 = arith.constant 1.000000e+00 : f32
      %min3A_214 = vector.broadcast %min3A_213 : f32 to vector<16xf32>
      %min3A_215 = arith.minimumf %max3A_212, %min3A_214 : vector<16xf32>
      %swap3A_216 = arith.constant 0 : i32
      %swap3A_217 = arith.index_cast %swap3A_216 : i32 to index
      %swap3A_218 = arith.index_cast %scan3A_29 : i32 to index
      %swap3A_219 = arith.constant 176 : index
      %swap3A_220 = tpu.vector_load %arg5[%swap3A_217, %swap3A_218, %swap3A_219] {strides = array<i32>} : memref<3x14x224xf32, #tpu.memory_space<vmem>>, vector<16xf32>,
      tpu.vector_store %arg5[%swap3A_217, %swap3A_218, %swap3A_219], %min3A_215 {strides = array<i32>} : memref<3x14x224xf32, #tpu.memory_space<vmem>>, vector<16xf32>,
      %get3A_221 = arith.constant 0 : i32
      %get3A_222 = arith.index_cast %get3A_221 : i32 to index
      %get3A_223 = arith.index_cast %scan3A_29 : i32 to index
      %get3A_224 = arith.constant 192 : index
      %get3A_225 = tpu.vector_load %arg5[%get3A_222, %get3A_223, %get3A_224] {strides = array<i32>} : memref<3x14x224xf32, #tpu.memory_space<vmem>>, vector<16xf32>,
      %max3A_226 = arith.constant 0.000000e+00 : f32
      %max3A_227 = vector.broadcast %max3A_226 : f32 to vector<16xf32>
      %max3A_228 = arith.maximumf %get3A_225, %max3A_227 : vector<16xf32>
      %min3A_229 = arith.constant 1.000000e+00 : f32
      %min3A_230 = vector.broadcast %min3A_229 : f32 to vector<16xf32>
      %min3A_231 = arith.minimumf %max3A_228, %min3A_230 : vector<16xf32>
      %swap3A_232 = arith.constant 0 : i32
      %swap3A_233 = arith.index_cast %swap3A_232 : i32 to index
      %swap3A_234 = arith.index_cast %scan3A_29 : i32 to index
      %swap3A_235 = arith.constant 192 : index
      %swap3A_236 = tpu.vector_load %arg5[%swap3A_233, %swap3A_234, %swap3A_235] {strides = array<i32>} : memref<3x14x224xf32, #tpu.memory_space<vmem>>, vector<16xf32>,
      tpu.vector_store %arg5[%swap3A_233, %swap3A_234, %swap3A_235], %min3A_231 {strides = array<i32>} : memref<3x14x224xf32, #tpu.memory_space<vmem>>, vector<16xf32>,
      %get3A_237 = arith.constant 0 : i32
      %get3A_238 = arith.index_cast %get3A_237 : i32 to index
      %get3A_239 = arith.index_cast %scan3A_29 : i32 to index
      %get3A_240 = arith.constant 208 : index
      %get3A_241 = tpu.vector_load %arg5[%get3A_238, %get3A_239, %get3A_240] {strides = array<i32>} : memref<3x14x224xf32, #tpu.memory_space<vmem>>, vector<16xf32>,
      %max3A_242 = arith.constant 0.000000e+00 : f32
      %max3A_243 = vector.broadcast %max3A_242 : f32 to vector<16xf32>
      %max3A_244 = arith.maximumf %get3A_241, %max3A_243 : vector<16xf32>
      %min3A_245 = arith.constant 1.000000e+00 : f32
      %min3A_246 = vector.broadcast %min3A_245 : f32 to vector<16xf32>
      %min3A_247 = arith.minimumf %max3A_244, %min3A_246 : vector<16xf32>
      %swap3A_248 = arith.constant 0 : i32
      %swap3A_249 = arith.index_cast %swap3A_248 : i32 to index
      %swap3A_250 = arith.index_cast %scan3A_29 : i32 to index
      %swap3A_251 = arith.constant 208 : index
      %swap3A_252 = tpu.vector_load %arg5[%swap3A_249, %swap3A_250, %swap3A_251] {strides = array<i32>} : memref<3x14x224xf32, #tpu.memory_space<vmem>>, vector<16xf32>,
      tpu.vector_store %arg5[%swap3A_249, %swap3A_250, %swap3A_251], %min3A_247 {strides = array<i32>} : memref<3x14x224xf32, #tpu.memory_space<vmem>>, vector<16xf32>,
      %get3A_253 = arith.constant 1 : i32
      %get3A_254 = arith.index_cast %get3A_253 : i32 to index
      %get3A_255 = arith.index_cast %scan3A_29 : i32 to index
      %get3A_256 = arith.constant 0 : index
      %get3A_257 = tpu.vector_load %arg5[%get3A_254, %get3A_255, %get3A_256] {strides = array<i32>} : memref<3x14x224xf32, #tpu.memory_space<vmem>>, vector<16xf32>,
      %max3A_258 = arith.constant 0.000000e+00 : f32
      %max3A_259 = vector.broadcast %max3A_258 : f32 to vector<16xf32>
      %max3A_260 = arith.maximumf %get3A_257, %max3A_259 : vector<16xf32>
      %min3A_261 = arith.constant 1.000000e+00 : f32
      %min3A_262 = vector.broadcast %min3A_261 : f32 to vector<16xf32>
      %min3A_263 = arith.minimumf %max3A_260, %min3A_262 : vector<16xf32>
      %swap3A_264 = arith.constant 1 : i32
      %swap3A_265 = arith.index_cast %swap3A_264 : i32 to index
      %swap3A_266 = arith.index_cast %scan3A_29 : i32 to index
      %swap3A_267 = arith.constant 0 : index
      %swap3A_268 = tpu.vector_load %arg5[%swap3A_265, %swap3A_266, %swap3A_267] {strides = array<i32>} : memref<3x14x224xf32, #tpu.memory_space<vmem>>, vector<16xf32>,
      tpu.vector_store %arg5[%swap3A_265, %swap3A_266, %swap3A_267], %min3A_263 {strides = array<i32>} : memref<3x14x224xf32, #tpu.memory_space<vmem>>, vector<16xf32>,
      %get3A_269 = arith.constant 1 : i32
      %get3A_270 = arith.index_cast %get3A_269 : i32 to index
      %get3A_271 = arith.index_cast %scan3A_29 : i32 to index
      %get3A_272 = arith.constant 16 : index
      %get3A_273 = tpu.vector_load %arg5[%get3A_270, %get3A_271, %get3A_272] {strides = array<i32>} : memref<3x14x224xf32, #tpu.memory_space<vmem>>, vector<16xf32>,
      %max3A_274 = arith.constant 0.000000e+00 : f32
      %max3A_275 = vector.broadcast %max3A_274 : f32 to vector<16xf32>
      %max3A_276 = arith.maximumf %get3A_273, %max3A_275 : vector<16xf32>
      %min3A_277 = arith.constant 1.000000e+00 : f32
      %min3A_278 = vector.broadcast %min3A_277 : f32 to vector<16xf32>
      %min3A_279 = arith.minimumf %max3A_276, %min3A_278 : vector<16xf32>
      %swap3A_280 = arith.constant 1 : i32
      %swap3A_281 = arith.index_cast %swap3A_280 : i32 to index
      %swap3A_282 = arith.index_cast %scan3A_29 : i32 to index
      %swap3A_283 = arith.constant 16 : index
      %swap3A_284 = tpu.vector_load %arg5[%swap3A_281, %swap3A_282, %swap3A_283] {strides = array<i32>} : memref<3x14x224xf32, #tpu.memory_space<vmem>>, vector<16xf32>,
      tpu.vector_store %arg5[%swap3A_281, %swap3A_282, %swap3A_283], %min3A_279 {strides = array<i32>} : memref<3x14x224xf32, #tpu.memory_space<vmem>>, vector<16xf32>,
      %get3A_285 = arith.constant 1 : i32
      %get3A_286 = arith.index_cast %get3A_285 : i32 to index
      %get3A_287 = arith.index_cast %scan3A_29 : i32 to index
      %get3A_288 = arith.constant 32 : index
      %get3A_289 = tpu.vector_load %arg5[%get3A_286, %get3A_287, %get3A_288] {strides = array<i32>} : memref<3x14x224xf32, #tpu.memory_space<vmem>>, vector<16xf32>,
      %max3A_290 = arith.constant 0.000000e+00 : f32
      %max3A_291 = vector.broadcast %max3A_290 : f32 to vector<16xf32>
      %max3A_292 = arith.maximumf %get3A_289, %max3A_291 : vector<16xf32>
      %min3A_293 = arith.constant 1.000000e+00 : f32
      %min3A_294 = vector.broadcast %min3A_293 : f32 to vector<16xf32>
      %min3A_295 = arith.minimumf %max3A_292, %min3A_294 : vector<16xf32>
      %swap3A_296 = arith.constant 1 : i32
      %swap3A_297 = arith.index_cast %swap3A_296 : i32 to index
      %swap3A_298 = arith.index_cast %scan3A_29 : i32 to index
      %swap3A_299 = arith.constant 32 : index
      %swap3A_300 = tpu.vector_load %arg5[%swap3A_297, %swap3A_298, %swap3A_299] {strides = array<i32>} : memref<3x14x224xf32, #tpu.memory_space<vmem>>, vector<16xf32>,
      tpu.vector_store %arg5[%swap3A_297, %swap3A_298, %swap3A_299], %min3A_295 {strides = array<i32>} : memref<3x14x224xf32, #tpu.memory_space<vmem>>, vector<16xf32>,
      %get3A_301 = arith.constant 1 : i32
      %get3A_302 = arith.index_cast %get3A_301 : i32 to index
      %get3A_303 = arith.index_cast %scan3A_29 : i32 to index
      %get3A_304 = arith.constant 48 : index
      %get3A_305 = tpu.vector_load %arg5[%get3A_302, %get3A_303, %get3A_304] {strides = array<i32>} : memref<3x14x224xf32, #tpu.memory_space<vmem>>, vector<16xf32>,
      %max3A_306 = arith.constant 0.000000e+00 : f32
      %max3A_307 = vector.broadcast %max3A_306 : f32 to vector<16xf32>
      %max3A_308 = arith.maximumf %get3A_305, %max3A_307 : vector<16xf32>
      %min3A_309 = arith.constant 1.000000e+00 : f32
      %min3A_310 = vector.broadcast %min3A_309 : f32 to vector<16xf32>
      %min3A_311 = arith.minimumf %max3A_308, %min3A_310 : vector<16xf32>
      %swap3A_312 = arith.constant 1 : i32
      %swap3A_313 = arith.index_cast %swap3A_312 : i32 to index
      %swap3A_314 = arith.index_cast %scan3A_29 : i32 to index
      %swap3A_315 = arith.constant 48 : index
      %swap3A_316 = tpu.vector_load %arg5[%swap3A_313, %swap3A_314, %swap3A_315] {strides = array<i32>} : memref<3x14x224xf32, #tpu.memory_space<vmem>>, vector<16xf32>,
      tpu.vector_store %arg5[%swap3A_313, %swap3A_314, %swap3A_315], %min3A_311 {strides = array<i32>} : memref<3x14x224xf32, #tpu.memory_space<vmem>>, vector<16xf32>,
      %get3A_317 = arith.constant 1 : i32
      %get3A_318 = arith.index_cast %get3A_317 : i32 to index
      %get3A_319 = arith.index_cast %scan3A_29 : i32 to index
      %get3A_320 = arith.constant 64 : index
      %get3A_321 = tpu.vector_load %arg5[%get3A_318, %get3A_319, %get3A_320] {strides = array<i32>} : memref<3x14x224xf32, #tpu.memory_space<vmem>>, vector<16xf32>,
      %max3A_322 = arith.constant 0.000000e+00 : f32
      %max3A_323 = vector.broadcast %max3A_322 : f32 to vector<16xf32>
      %max3A_324 = arith.maximumf %get3A_321, %max3A_323 : vector<16xf32>
      %min3A_325 = arith.constant 1.000000e+00 : f32
      %min3A_326 = vector.broadcast %min3A_325 : f32 to vector<16xf32>
      %min3A_327 = arith.minimumf %max3A_324, %min3A_326 : vector<16xf32>
      %swap3A_328 = arith.constant 1 : i32
      %swap3A_329 = arith.index_cast %swap3A_328 : i32 to index
      %swap3A_330 = arith.index_cast %scan3A_29 : i32 to index
      %swap3A_331 = arith.constant 64 : index
      %swap3A_332 = tpu.vector_load %arg5[%swap3A_329, %swap3A_330, %swap3A_331] {strides = array<i32>} : memref<3x14x224xf32, #tpu.memory_space<vmem>>, vector<16xf32>,
      tpu.vector_store %arg5[%swap3A_329, %swap3A_330, %swap3A_331], %min3A_327 {strides = array<i32>} : memref<3x14x224xf32, #tpu.memory_space<vmem>>, vector<16xf32>,
      %get3A_333 = arith.constant 1 : i32
      %get3A_334 = arith.index_cast %get3A_333 : i32 to index
      %get3A_335 = arith.index_cast %scan3A_29 : i32 to index
      %get3A_336 = arith.constant 80 : index
      %get3A_337 = tpu.vector_load %arg5[%get3A_334, %get3A_335, %get3A_336] {strides = array<i32>} : memref<3x14x224xf32, #tpu.memory_space<vmem>>, vector<16xf32>,
      %max3A_338 = arith.constant 0.000000e+00 : f32
      %max3A_339 = vector.broadcast %max3A_338 : f32 to vector<16xf32>
      %max3A_340 = arith.maximumf %get3A_337, %max3A_339 : vector<16xf32>
      %min3A_341 = arith.constant 1.000000e+00 : f32
      %min3A_342 = vector.broadcast %min3A_341 : f32 to vector<16xf32>
      %min3A_343 = arith.minimumf %max3A_340, %min3A_342 : vector<16xf32>
      %swap3A_344 = arith.constant 1 : i32
      %swap3A_345 = arith.index_cast %swap3A_344 : i32 to index
      %swap3A_346 = arith.index_cast %scan3A_29 : i32 to index
      %swap3A_347 = arith.constant 80 : index
      %swap3A_348 = tpu.vector_load %arg5[%swap3A_345, %swap3A_346, %swap3A_347] {strides = array<i32>} : memref<3x14x224xf32, #tpu.memory_space<vmem>>, vector<16xf32>,
      tpu.vector_store %arg5[%swap3A_345, %swap3A_346, %swap3A_347], %min3A_343 {strides = array<i32>} : memref<3x14x224xf32, #tpu.memory_space<vmem>>, vector<16xf32>,
      %get3A_349 = arith.constant 1 : i32
      %get3A_350 = arith.index_cast %get3A_349 : i32 to index
      %get3A_351 = arith.index_cast %scan3A_29 : i32 to index
      %get3A_352 = arith.constant 96 : index
      %get3A_353 = tpu.vector_load %arg5[%get3A_350, %get3A_351, %get3A_352] {strides = array<i32>} : memref<3x14x224xf32, #tpu.memory_space<vmem>>, vector<16xf32>,
      %max3A_354 = arith.constant 0.000000e+00 : f32
      %max3A_355 = vector.broadcast %max3A_354 : f32 to vector<16xf32>
      %max3A_356 = arith.maximumf %get3A_353, %max3A_355 : vector<16xf32>
      %min3A_357 = arith.constant 1.000000e+00 : f32
      %min3A_358 = vector.broadcast %min3A_357 : f32 to vector<16xf32>
      %min3A_359 = arith.minimumf %max3A_356, %min3A_358 : vector<16xf32>
      %swap3A_360 = arith.constant 1 : i32
      %swap3A_361 = arith.index_cast %swap3A_360 : i32 to index
      %swap3A_362 = arith.index_cast %scan3A_29 : i32 to index
      %swap3A_363 = arith.constant 96 : index
      %swap3A_364 = tpu.vector_load %arg5[%swap3A_361, %swap3A_362, %swap3A_363] {strides = array<i32>} : memref<3x14x224xf32, #tpu.memory_space<vmem>>, vector<16xf32>,
      tpu.vector_store %arg5[%swap3A_361, %swap3A_362, %swap3A_363], %min3A_359 {strides = array<i32>} : memref<3x14x224xf32, #tpu.memory_space<vmem>>, vector<16xf32>,
      %get3A_365 = arith.constant 1 : i32
      %get3A_366 = arith.index_cast %get3A_365 : i32 to index
      %get3A_367 = arith.index_cast %scan3A_29 : i32 to index
      %get3A_368 = arith.constant 112 : index
      %get3A_369 = tpu.vector_load %arg5[%get3A_366, %get3A_367, %get3A_368] {strides = array<i32>} : memref<3x14x224xf32, #tpu.memory_space<vmem>>, vector<16xf32>,
      %max3A_370 = arith.constant 0.000000e+00 : f32
      %max3A_371 = vector.broadcast %max3A_370 : f32 to vector<16xf32>
      %max3A_372 = arith.maximumf %get3A_369, %max3A_371 : vector<16xf32>
      %min3A_373 = arith.constant 1.000000e+00 : f32
      %min3A_374 = vector.broadcast %min3A_373 : f32 to vector<16xf32>
      %min3A_375 = arith.minimumf %max3A_372, %min3A_374 : vector<16xf32>
      %swap3A_376 = arith.constant 1 : i32
      %swap3A_377 = arith.index_cast %swap3A_376 : i32 to index
      %swap3A_378 = arith.index_cast %scan3A_29 : i32 to index
      %swap3A_379 = arith.constant 112 : index
      %swap3A_380 = tpu.vector_load %arg5[%swap3A_377, %swap3A_378, %swap3A_379] {strides = array<i32>} : memref<3x14x224xf32, #tpu.memory_space<vmem>>, vector<16xf32>,
      tpu.vector_store %arg5[%swap3A_377, %swap3A_378, %swap3A_379], %min3A_375 {strides = array<i32>} : memref<3x14x224xf32, #tpu.memory_space<vmem>>, vector<16xf32>,
      %get3A_381 = arith.constant 1 : i32
      %get3A_382 = arith.index_cast %get3A_381 : i32 to index
      %get3A_383 = arith.index_cast %scan3A_29 : i32 to index
      %get3A_384 = arith.constant 128 : index
      %get3A_385 = tpu.vector_load %arg5[%get3A_382, %get3A_383, %get3A_384] {strides = array<i32>} : memref<3x14x224xf32, #tpu.memory_space<vmem>>, vector<16xf32>,
      %max3A_386 = arith.constant 0.000000e+00 : f32
      %max3A_387 = vector.broadcast %max3A_386 : f32 to vector<16xf32>
      %max3A_388 = arith.maximumf %get3A_385, %max3A_387 : vector<16xf32>
      %min3A_389 = arith.constant 1.000000e+00 : f32
      %min3A_390 = vector.broadcast %min3A_389 : f32 to vector<16xf32>
      %min3A_391 = arith.minimumf %max3A_388, %min3A_390 : vector<16xf32>
      %swap3A_392 = arith.constant 1 : i32
      %swap3A_393 = arith.index_cast %swap3A_392 : i32 to index
      %swap3A_394 = arith.index_cast %scan3A_29 : i32 to index
      %swap3A_395 = arith.constant 128 : index
      %swap3A_396 = tpu.vector_load %arg5[%swap3A_393, %swap3A_394, %swap3A_395] {strides = array<i32>} : memref<3x14x224xf32, #tpu.memory_space<vmem>>, vector<16xf32>,
      tpu.vector_store %arg5[%swap3A_393, %swap3A_394, %swap3A_395], %min3A_391 {strides = array<i32>} : memref<3x14x224xf32, #tpu.memory_space<vmem>>, vector<16xf32>,
      %get3A_397 = arith.constant 1 : i32
      %get3A_398 = arith.index_cast %get3A_397 : i32 to index
      %get3A_399 = arith.index_cast %scan3A_29 : i32 to index
      %get3A_400 = arith.constant 144 : index
      %get3A_401 = tpu.vector_load %arg5[%get3A_398, %get3A_399, %get3A_400] {strides = array<i32>} : memref<3x14x224xf32, #tpu.memory_space<vmem>>, vector<16xf32>,
      %max3A_402 = arith.constant 0.000000e+00 : f32
      %max3A_403 = vector.broadcast %max3A_402 : f32 to vector<16xf32>
      %max3A_404 = arith.maximumf %get3A_401, %max3A_403 : vector<16xf32>
      %min3A_405 = arith.constant 1.000000e+00 : f32
      %min3A_406 = vector.broadcast %min3A_405 : f32 to vector<16xf32>
      %min3A_407 = arith.minimumf %max3A_404, %min3A_406 : vector<16xf32>
      %swap3A_408 = arith.constant 1 : i32
      %swap3A_409 = arith.index_cast %swap3A_408 : i32 to index
      %swap3A_410 = arith.index_cast %scan3A_29 : i32 to index
      %swap3A_411 = arith.constant 144 : index
      %swap3A_412 = tpu.vector_load %arg5[%swap3A_409, %swap3A_410, %swap3A_411] {strides = array<i32>} : memref<3x14x224xf32, #tpu.memory_space<vmem>>, vector<16xf32>,
      tpu.vector_store %arg5[%swap3A_409, %swap3A_410, %swap3A_411], %min3A_407 {strides = array<i32>} : memref<3x14x224xf32, #tpu.memory_space<vmem>>, vector<16xf32>,
      %get3A_413 = arith.constant 1 : i32
      %get3A_414 = arith.index_cast %get3A_413 : i32 to index
      %get3A_415 = arith.index_cast %scan3A_29 : i32 to index
      %get3A_416 = arith.constant 160 : index
      %get3A_417 = tpu.vector_load %arg5[%get3A_414, %get3A_415, %get3A_416] {strides = array<i32>} : memref<3x14x224xf32, #tpu.memory_space<vmem>>, vector<16xf32>,
      %max3A_418 = arith.constant 0.000000e+00 : f32
      %max3A_419 = vector.broadcast %max3A_418 : f32 to vector<16xf32>
      %max3A_420 = arith.maximumf %get3A_417, %max3A_419 : vector<16xf32>
      %min3A_421 = arith.constant 1.000000e+00 : f32
      %min3A_422 = vector.broadcast %min3A_421 : f32 to vector<16xf32>
      %min3A_423 = arith.minimumf %max3A_420, %min3A_422 : vector<16xf32>
      %swap3A_424 = arith.constant 1 : i32
      %swap3A_425 = arith.index_cast %swap3A_424 : i32 to index
      %swap3A_426 = arith.index_cast %scan3A_29 : i32 to index
      %swap3A_427 = arith.constant 160 : index
      %swap3A_428 = tpu.vector_load %arg5[%swap3A_425, %swap3A_426, %swap3A_427] {strides = array<i32>} : memref<3x14x224xf32, #tpu.memory_space<vmem>>, vector<16xf32>,
      tpu.vector_store %arg5[%swap3A_425, %swap3A_426, %swap3A_427], %min3A_423 {strides = array<i32>} : memref<3x14x224xf32, #tpu.memory_space<vmem>>, vector<16xf32>,
      %get3A_429 = arith.constant 1 : i32
      %get3A_430 = arith.index_cast %get3A_429 : i32 to index
      %get3A_431 = arith.index_cast %scan3A_29 : i32 to index
      %get3A_432 = arith.constant 176 : index
      %get3A_433 = tpu.vector_load %arg5[%get3A_430, %get3A_431, %get3A_432] {strides = array<i32>} : memref<3x14x224xf32, #tpu.memory_space<vmem>>, vector<16xf32>,
      %max3A_434 = arith.constant 0.000000e+00 : f32
      %max3A_435 = vector.broadcast %max3A_434 : f32 to vector<16xf32>
      %max3A_436 = arith.maximumf %get3A_433, %max3A_435 : vector<16xf32>
      %min3A_437 = arith.constant 1.000000e+00 : f32
      %min3A_438 = vector.broadcast %min3A_437 : f32 to vector<16xf32>
      %min3A_439 = arith.minimumf %max3A_436, %min3A_438 : vector<16xf32>
      %swap3A_440 = arith.constant 1 : i32
      %swap3A_441 = arith.index_cast %swap3A_440 : i32 to index
      %swap3A_442 = arith.index_cast %scan3A_29 : i32 to index
      %swap3A_443 = arith.constant 176 : index
      %swap3A_444 = tpu.vector_load %arg5[%swap3A_441, %swap3A_442, %swap3A_443] {strides = array<i32>} : memref<3x14x224xf32, #tpu.memory_space<vmem>>, vector<16xf32>,
      tpu.vector_store %arg5[%swap3A_441, %swap3A_442, %swap3A_443], %min3A_439 {strides = array<i32>} : memref<3x14x224xf32, #tpu.memory_space<vmem>>, vector<16xf32>,
      %get3A_445 = arith.constant 1 : i32
      %get3A_446 = arith.index_cast %get3A_445 : i32 to index
      %get3A_447 = arith.index_cast %scan3A_29 : i32 to index
      %get3A_448 = arith.constant 192 : index
      %get3A_449 = tpu.vector_load %arg5[%get3A_446, %get3A_447, %get3A_448] {strides = array<i32>} : memref<3x14x224xf32, #tpu.memory_space<vmem>>, vector<16xf32>,
      %max3A_450 = arith.constant 0.000000e+00 : f32
      %max3A_451 = vector.broadcast %max3A_450 : f32 to vector<16xf32>
      %max3A_452 = arith.maximumf %get3A_449, %max3A_451 : vector<16xf32>
      %min3A_453 = arith.constant 1.000000e+00 : f32
      %min3A_454 = vector.broadcast %min3A_453 : f32 to vector<16xf32>
      %min3A_455 = arith.minimumf %max3A_452, %min3A_454 : vector<16xf32>
      %swap3A_456 = arith.constant 1 : i32
      %swap3A_457 = arith.index_cast %swap3A_456 : i32 to index
      %swap3A_458 = arith.index_cast %scan3A_29 : i32 to index
      %swap3A_459 = arith.constant 192 : index
      %swap3A_460 = tpu.vector_load %arg5[%swap3A_457, %swap3A_458, %swap3A_459] {strides = array<i32>} : memref<3x14x224xf32, #tpu.memory_space<vmem>>, vector<16xf32>,
      tpu.vector_store %arg5[%swap3A_457, %swap3A_458, %swap3A_459], %min3A_455 {strides = array<i32>} : memref<3x14x224xf32, #tpu.memory_space<vmem>>, vector<16xf32>,
      %get3A_461 = arith.constant 1 : i32
      %get3A_462 = arith.index_cast %get3A_461 : i32 to index
      %get3A_463 = arith.index_cast %scan3A_29 : i32 to index
      %get3A_464 = arith.constant 208 : index
      %get3A_465 = tpu.vector_load %arg5[%get3A_462, %get3A_463, %get3A_464] {strides = array<i32>} : memref<3x14x224xf32, #tpu.memory_space<vmem>>, vector<16xf32>,
      %max3A_466 = arith.constant 0.000000e+00 : f32
      %max3A_467 = vector.broadcast %max3A_466 : f32 to vector<16xf32>
      %max3A_468 = arith.maximumf %get3A_465, %max3A_467 : vector<16xf32>
      %min3A_469 = arith.constant 1.000000e+00 : f32
      %min3A_470 = vector.broadcast %min3A_469 : f32 to vector<16xf32>
      %min3A_471 = arith.minimumf %max3A_468, %min3A_470 : vector<16xf32>
      %swap3A_472 = arith.constant 1 : i32
      %swap3A_473 = arith.index_cast %swap3A_472 : i32 to index
      %swap3A_474 = arith.index_cast %scan3A_29 : i32 to index
      %swap3A_475 = arith.constant 208 : index
      %swap3A_476 = tpu.vector_load %arg5[%swap3A_473, %swap3A_474, %swap3A_475] {strides = array<i32>} : memref<3x14x224xf32, #tpu.memory_space<vmem>>, vector<16xf32>,
      tpu.vector_store %arg5[%swap3A_473, %swap3A_474, %swap3A_475], %min3A_471 {strides = array<i32>} : memref<3x14x224xf32, #tpu.memory_space<vmem>>, vector<16xf32>,
      %get3A_477 = arith.constant 2 : i32
      %get3A_478 = arith.index_cast %get3A_477 : i32 to index
      %get3A_479 = arith.index_cast %scan3A_29 : i32 to index
      %get3A_480 = arith.constant 0 : index
      %get3A_481 = tpu.vector_load %arg5[%get3A_478, %get3A_479, %get3A_480] {strides = array<i32>} : memref<3x14x224xf32, #tpu.memory_space<vmem>>, vector<16xf32>,
      %max3A_482 = arith.constant 0.000000e+00 : f32
      %max3A_483 = vector.broadcast %max3A_482 : f32 to vector<16xf32>
      %max3A_484 = arith.maximumf %get3A_481, %max3A_483 : vector<16xf32>
      %min3A_485 = arith.constant 1.000000e+00 : f32
      %min3A_486 = vector.broadcast %min3A_485 : f32 to vector<16xf32>
      %min3A_487 = arith.minimumf %max3A_484, %min3A_486 : vector<16xf32>
      %swap3A_488 = arith.constant 2 : i32
      %swap3A_489 = arith.index_cast %swap3A_488 : i32 to index
      %swap3A_490 = arith.index_cast %scan3A_29 : i32 to index
      %swap3A_491 = arith.constant 0 : index
      %swap3A_492 = tpu.vector_load %arg5[%swap3A_489, %swap3A_490, %swap3A_491] {strides = array<i32>} : memref<3x14x224xf32, #tpu.memory_space<vmem>>, vector<16xf32>,
      tpu.vector_store %arg5[%swap3A_489, %swap3A_490, %swap3A_491], %min3A_487 {strides = array<i32>} : memref<3x14x224xf32, #tpu.memory_space<vmem>>, vector<16xf32>,
      %get3A_493 = arith.constant 2 : i32
      %get3A_494 = arith.index_cast %get3A_493 : i32 to index
      %get3A_495 = arith.index_cast %scan3A_29 : i32 to index
      %get3A_496 = arith.constant 16 : index
      %get3A_497 = tpu.vector_load %arg5[%get3A_494, %get3A_495, %get3A_496] {strides = array<i32>} : memref<3x14x224xf32, #tpu.memory_space<vmem>>, vector<16xf32>,
      %max3A_498 = arith.constant 0.000000e+00 : f32
      %max3A_499 = vector.broadcast %max3A_498 : f32 to vector<16xf32>
      %max3A_500 = arith.maximumf %get3A_497, %max3A_499 : vector<16xf32>
      %min3A_501 = arith.constant 1.000000e+00 : f32
      %min3A_502 = vector.broadcast %min3A_501 : f32 to vector<16xf32>
      %min3A_503 = arith.minimumf %max3A_500, %min3A_502 : vector<16xf32>
      %swap3A_504 = arith.constant 2 : i32
      %swap3A_505 = arith.index_cast %swap3A_504 : i32 to index
      %swap3A_506 = arith.index_cast %scan3A_29 : i32 to index
      %swap3A_507 = arith.constant 16 : index
      %swap3A_508 = tpu.vector_load %arg5[%swap3A_505, %swap3A_506, %swap3A_507] {strides = array<i32>} : memref<3x14x224xf32, #tpu.memory_space<vmem>>, vector<16xf32>,
      tpu.vector_store %arg5[%swap3A_505, %swap3A_506, %swap3A_507], %min3A_503 {strides = array<i32>} : memref<3x14x224xf32, #tpu.memory_space<vmem>>, vector<16xf32>,
      %get3A_509 = arith.constant 2 : i32
      %get3A_510 = arith.index_cast %get3A_509 : i32 to index
      %get3A_511 = arith.index_cast %scan3A_29 : i32 to index
      %get3A_512 = arith.constant 32 : index
      %get3A_513 = tpu.vector_load %arg5[%get3A_510, %get3A_511, %get3A_512] {strides = array<i32>} : memref<3x14x224xf32, #tpu.memory_space<vmem>>, vector<16xf32>,
      %max3A_514 = arith.constant 0.000000e+00 : f32
      %max3A_515 = vector.broadcast %max3A_514 : f32 to vector<16xf32>
      %max3A_516 = arith.maximumf %get3A_513, %max3A_515 : vector<16xf32>
      %min3A_517 = arith.constant 1.000000e+00 : f32
      %min3A_518 = vector.broadcast %min3A_517 : f32 to vector<16xf32>
      %min3A_519 = arith.minimumf %max3A_516, %min3A_518 : vector<16xf32>
      %swap3A_520 = arith.constant 2 : i32
      %swap3A_521 = arith.index_cast %swap3A_520 : i32 to index
      %swap3A_522 = arith.index_cast %scan3A_29 : i32 to index
      %swap3A_523 = arith.constant 32 : index
      %swap3A_524 = tpu.vector_load %arg5[%swap3A_521, %swap3A_522, %swap3A_523] {strides = array<i32>} : memref<3x14x224xf32, #tpu.memory_space<vmem>>, vector<16xf32>,
      tpu.vector_store %arg5[%swap3A_521, %swap3A_522, %swap3A_523], %min3A_519 {strides = array<i32>} : memref<3x14x224xf32, #tpu.memory_space<vmem>>, vector<16xf32>,
      %get3A_525 = arith.constant 2 : i32
      %get3A_526 = arith.index_cast %get3A_525 : i32 to index
      %get3A_527 = arith.index_cast %scan3A_29 : i32 to index
      %get3A_528 = arith.constant 48 : index
      %get3A_529 = tpu.vector_load %arg5[%get3A_526, %get3A_527, %get3A_528] {strides = array<i32>} : memref<3x14x224xf32, #tpu.memory_space<vmem>>, vector<16xf32>,
      %max3A_530 = arith.constant 0.000000e+00 : f32
      %max3A_531 = vector.broadcast %max3A_530 : f32 to vector<16xf32>
      %max3A_532 = arith.maximumf %get3A_529, %max3A_531 : vector<16xf32>
      %min3A_533 = arith.constant 1.000000e+00 : f32
      %min3A_534 = vector.broadcast %min3A_533 : f32 to vector<16xf32>
      %min3A_535 = arith.minimumf %max3A_532, %min3A_534 : vector<16xf32>
      %swap3A_536 = arith.constant 2 : i32
      %swap3A_537 = arith.index_cast %swap3A_536 : i32 to index
      %swap3A_538 = arith.index_cast %scan3A_29 : i32 to index
      %swap3A_539 = arith.constant 48 : index
      %swap3A_540 = tpu.vector_load %arg5[%swap3A_537, %swap3A_538, %swap3A_539] {strides = array<i32>} : memref<3x14x224xf32, #tpu.memory_space<vmem>>, vector<16xf32>,
      tpu.vector_store %arg5[%swap3A_537, %swap3A_538, %swap3A_539], %min3A_535 {strides = array<i32>} : memref<3x14x224xf32, #tpu.memory_space<vmem>>, vector<16xf32>,
      %get3A_541 = arith.constant 2 : i32
      %get3A_542 = arith.index_cast %get3A_541 : i32 to index
      %get3A_543 = arith.index_cast %scan3A_29 : i32 to index
      %get3A_544 = arith.constant 64 : index
      %get3A_545 = tpu.vector_load %arg5[%get3A_542, %get3A_543, %get3A_544] {strides = array<i32>} : memref<3x14x224xf32, #tpu.memory_space<vmem>>, vector<16xf32>,
      %max3A_546 = arith.constant 0.000000e+00 : f32
      %max3A_547 = vector.broadcast %max3A_546 : f32 to vector<16xf32>
      %max3A_548 = arith.maximumf %get3A_545, %max3A_547 : vector<16xf32>
      %min3A_549 = arith.constant 1.000000e+00 : f32
      %min3A_550 = vector.broadcast %min3A_549 : f32 to vector<16xf32>
      %min3A_551 = arith.minimumf %max3A_548, %min3A_550 : vector<16xf32>
      %swap3A_552 = arith.constant 2 : i32
      %swap3A_553 = arith.index_cast %swap3A_552 : i32 to index
      %swap3A_554 = arith.index_cast %scan3A_29 : i32 to index
      %swap3A_555 = arith.constant 64 : index
      %swap3A_556 = tpu.vector_load %arg5[%swap3A_553, %swap3A_554, %swap3A_555] {strides = array<i32>} : memref<3x14x224xf32, #tpu.memory_space<vmem>>, vector<16xf32>,
      tpu.vector_store %arg5[%swap3A_553, %swap3A_554, %swap3A_555], %min3A_551 {strides = array<i32>} : memref<3x14x224xf32, #tpu.memory_space<vmem>>, vector<16xf32>,
      %get3A_557 = arith.constant 2 : i32
      %get3A_558 = arith.index_cast %get3A_557 : i32 to index
      %get3A_559 = arith.index_cast %scan3A_29 : i32 to index
      %get3A_560 = arith.constant 80 : index
      %get3A_561 = tpu.vector_load %arg5[%get3A_558, %get3A_559, %get3A_560] {strides = array<i32>} : memref<3x14x224xf32, #tpu.memory_space<vmem>>, vector<16xf32>,
      %max3A_562 = arith.constant 0.000000e+00 : f32
      %max3A_563 = vector.broadcast %max3A_562 : f32 to vector<16xf32>
      %max3A_564 = arith.maximumf %get3A_561, %max3A_563 : vector<16xf32>
      %min3A_565 = arith.constant 1.000000e+00 : f32
      %min3A_566 = vector.broadcast %min3A_565 : f32 to vector<16xf32>
      %min3A_567 = arith.minimumf %max3A_564, %min3A_566 : vector<16xf32>
      %swap3A_568 = arith.constant 2 : i32
      %swap3A_569 = arith.index_cast %swap3A_568 : i32 to index
      %swap3A_570 = arith.index_cast %scan3A_29 : i32 to index
      %swap3A_571 = arith.constant 80 : index
      %swap3A_572 = tpu.vector_load %arg5[%swap3A_569, %swap3A_570, %swap3A_571] {strides = array<i32>} : memref<3x14x224xf32, #tpu.memory_space<vmem>>, vector<16xf32>,
      tpu.vector_store %arg5[%swap3A_569, %swap3A_570, %swap3A_571], %min3A_567 {strides = array<i32>} : memref<3x14x224xf32, #tpu.memory_space<vmem>>, vector<16xf32>,
      %get3A_573 = arith.constant 2 : i32
      %get3A_574 = arith.index_cast %get3A_573 : i32 to index
      %get3A_575 = arith.index_cast %scan3A_29 : i32 to index
      %get3A_576 = arith.constant 96 : index
      %get3A_577 = tpu.vector_load %arg5[%get3A_574, %get3A_575, %get3A_576] {strides = array<i32>} : memref<3x14x224xf32, #tpu.memory_space<vmem>>, vector<16xf32>,
      %max3A_578 = arith.constant 0.000000e+00 : f32
      %max3A_579 = vector.broadcast %max3A_578 : f32 to vector<16xf32>
      %max3A_580 = arith.maximumf %get3A_577, %max3A_579 : vector<16xf32>
      %min3A_581 = arith.constant 1.000000e+00 : f32
      %min3A_582 = vector.broadcast %min3A_581 : f32 to vector<16xf32>
      %min3A_583 = arith.minimumf %max3A_580, %min3A_582 : vector<16xf32>
      %swap3A_584 = arith.constant 2 : i32
      %swap3A_585 = arith.index_cast %swap3A_584 : i32 to index
      %swap3A_586 = arith.index_cast %scan3A_29 : i32 to index
      %swap3A_587 = arith.constant 96 : index
      %swap3A_588 = tpu.vector_load %arg5[%swap3A_585, %swap3A_586, %swap3A_587] {strides = array<i32>} : memref<3x14x224xf32, #tpu.memory_space<vmem>>, vector<16xf32>,
      tpu.vector_store %arg5[%swap3A_585, %swap3A_586, %swap3A_587], %min3A_583 {strides = array<i32>} : memref<3x14x224xf32, #tpu.memory_space<vmem>>, vector<16xf32>,
      %get3A_589 = arith.constant 2 : i32
      %get3A_590 = arith.index_cast %get3A_589 : i32 to index
      %get3A_591 = arith.index_cast %scan3A_29 : i32 to index
      %get3A_592 = arith.constant 112 : index
      %get3A_593 = tpu.vector_load %arg5[%get3A_590, %get3A_591, %get3A_592] {strides = array<i32>} : memref<3x14x224xf32, #tpu.memory_space<vmem>>, vector<16xf32>,
      %max3A_594 = arith.constant 0.000000e+00 : f32
      %max3A_595 = vector.broadcast %max3A_594 : f32 to vector<16xf32>
      %max3A_596 = arith.maximumf %get3A_593, %max3A_595 : vector<16xf32>
      %min3A_597 = arith.constant 1.000000e+00 : f32
      %min3A_598 = vector.broadcast %min3A_597 : f32 to vector<16xf32>
      %min3A_599 = arith.minimumf %max3A_596, %min3A_598 : vector<16xf32>
      %swap3A_600 = arith.constant 2 : i32
      %swap3A_601 = arith.index_cast %swap3A_600 : i32 to index
      %swap3A_602 = arith.index_cast %scan3A_29 : i32 to index
      %swap3A_603 = arith.constant 112 : index
      %swap3A_604 = tpu.vector_load %arg5[%swap3A_601, %swap3A_602, %swap3A_603] {strides = array<i32>} : memref<3x14x224xf32, #tpu.memory_space<vmem>>, vector<16xf32>,
      tpu.vector_store %arg5[%swap3A_601, %swap3A_602, %swap3A_603], %min3A_599 {strides = array<i32>} : memref<3x14x224xf32, #tpu.memory_space<vmem>>, vector<16xf32>,
      %get3A_605 = arith.constant 2 : i32
      %get3A_606 = arith.index_cast %get3A_605 : i32 to index
      %get3A_607 = arith.index_cast %scan3A_29 : i32 to index
      %get3A_608 = arith.constant 128 : index
      %get3A_609 = tpu.vector_load %arg5[%get3A_606, %get3A_607, %get3A_608] {strides = array<i32>} : memref<3x14x224xf32, #tpu.memory_space<vmem>>, vector<16xf32>,
      %max3A_610 = arith.constant 0.000000e+00 : f32
      %max3A_611 = vector.broadcast %max3A_610 : f32 to vector<16xf32>
      %max3A_612 = arith.maximumf %get3A_609, %max3A_611 : vector<16xf32>
      %min3A_613 = arith.constant 1.000000e+00 : f32
      %min3A_614 = vector.broadcast %min3A_613 : f32 to vector<16xf32>
      %min3A_615 = arith.minimumf %max3A_612, %min3A_614 : vector<16xf32>
      %swap3A_616 = arith.constant 2 : i32
      %swap3A_617 = arith.index_cast %swap3A_616 : i32 to index
      %swap3A_618 = arith.index_cast %scan3A_29 : i32 to index
      %swap3A_619 = arith.constant 128 : index
      %swap3A_620 = tpu.vector_load %arg5[%swap3A_617, %swap3A_618, %swap3A_619] {strides = array<i32>} : memref<3x14x224xf32, #tpu.memory_space<vmem>>, vector<16xf32>,
      tpu.vector_store %arg5[%swap3A_617, %swap3A_618, %swap3A_619], %min3A_615 {strides = array<i32>} : memref<3x14x224xf32, #tpu.memory_space<vmem>>, vector<16xf32>,
      %get3A_621 = arith.constant 2 : i32
      %get3A_622 = arith.index_cast %get3A_621 : i32 to index
      %get3A_623 = arith.index_cast %scan3A_29 : i32 to index
      %get3A_624 = arith.constant 144 : index
      %get3A_625 = tpu.vector_load %arg5[%get3A_622, %get3A_623, %get3A_624] {strides = array<i32>} : memref<3x14x224xf32, #tpu.memory_space<vmem>>, vector<16xf32>,
      %max3A_626 = arith.constant 0.000000e+00 : f32
      %max3A_627 = vector.broadcast %max3A_626 : f32 to vector<16xf32>
      %max3A_628 = arith.maximumf %get3A_625, %max3A_627 : vector<16xf32>
      %min3A_629 = arith.constant 1.000000e+00 : f32
      %min3A_630 = vector.broadcast %min3A_629 : f32 to vector<16xf32>
      %min3A_631 = arith.minimumf %max3A_628, %min3A_630 : vector<16xf32>
      %swap3A_632 = arith.constant 2 : i32
      %swap3A_633 = arith.index_cast %swap3A_632 : i32 to index
      %swap3A_634 = arith.index_cast %scan3A_29 : i32 to index
      %swap3A_635 = arith.constant 144 : index
      %swap3A_636 = tpu.vector_load %arg5[%swap3A_633, %swap3A_634, %swap3A_635] {strides = array<i32>} : memref<3x14x224xf32, #tpu.memory_space<vmem>>, vector<16xf32>,
      tpu.vector_store %arg5[%swap3A_633, %swap3A_634, %swap3A_635], %min3A_631 {strides = array<i32>} : memref<3x14x224xf32, #tpu.memory_space<vmem>>, vector<16xf32>,
      %get3A_637 = arith.constant 2 : i32
      %get3A_638 = arith.index_cast %get3A_637 : i32 to index
      %get3A_639 = arith.index_cast %scan3A_29 : i32 to index
      %get3A_640 = arith.constant 160 : index
      %get3A_641 = tpu.vector_load %arg5[%get3A_638, %get3A_639, %get3A_640] {strides = array<i32>} : memref<3x14x224xf32, #tpu.memory_space<vmem>>, vector<16xf32>,
      %max3A_642 = arith.constant 0.000000e+00 : f32
      %max3A_643 = vector.broadcast %max3A_642 : f32 to vector<16xf32>
      %max3A_644 = arith.maximumf %get3A_641, %max3A_643 : vector<16xf32>
      %min3A_645 = arith.constant 1.000000e+00 : f32
      %min3A_646 = vector.broadcast %min3A_645 : f32 to vector<16xf32>
      %min3A_647 = arith.minimumf %max3A_644, %min3A_646 : vector<16xf32>
      %swap3A_648 = arith.constant 2 : i32
      %swap3A_649 = arith.index_cast %swap3A_648 : i32 to index
      %swap3A_650 = arith.index_cast %scan3A_29 : i32 to index
      %swap3A_651 = arith.constant 160 : index
      %swap3A_652 = tpu.vector_load %arg5[%swap3A_649, %swap3A_650, %swap3A_651] {strides = array<i32>} : memref<3x14x224xf32, #tpu.memory_space<vmem>>, vector<16xf32>,
      tpu.vector_store %arg5[%swap3A_649, %swap3A_650, %swap3A_651], %min3A_647 {strides = array<i32>} : memref<3x14x224xf32, #tpu.memory_space<vmem>>, vector<16xf32>,
      %get3A_653 = arith.constant 2 : i32
      %get3A_654 = arith.index_cast %get3A_653 : i32 to index
      %get3A_655 = arith.index_cast %scan3A_29 : i32 to index
      %get3A_656 = arith.constant 176 : index
      %get3A_657 = tpu.vector_load %arg5[%get3A_654, %get3A_655, %get3A_656] {strides = array<i32>} : memref<3x14x224xf32, #tpu.memory_space<vmem>>, vector<16xf32>,
      %max3A_658 = arith.constant 0.000000e+00 : f32
      %max3A_659 = vector.broadcast %max3A_658 : f32 to vector<16xf32>
      %max3A_660 = arith.maximumf %get3A_657, %max3A_659 : vector<16xf32>
      %min3A_661 = arith.constant 1.000000e+00 : f32
      %min3A_662 = vector.broadcast %min3A_661 : f32 to vector<16xf32>
      %min3A_663 = arith.minimumf %max3A_660, %min3A_662 : vector<16xf32>
      %swap3A_664 = arith.constant 2 : i32
      %swap3A_665 = arith.index_cast %swap3A_664 : i32 to index
      %swap3A_666 = arith.index_cast %scan3A_29 : i32 to index
      %swap3A_667 = arith.constant 176 : index
      %swap3A_668 = tpu.vector_load %arg5[%swap3A_665, %swap3A_666, %swap3A_667] {strides = array<i32>} : memref<3x14x224xf32, #tpu.memory_space<vmem>>, vector<16xf32>,
      tpu.vector_store %arg5[%swap3A_665, %swap3A_666, %swap3A_667], %min3A_663 {strides = array<i32>} : memref<3x14x224xf32, #tpu.memory_space<vmem>>, vector<16xf32>,
      %get3A_669 = arith.constant 2 : i32
      %get3A_670 = arith.index_cast %get3A_669 : i32 to index
      %get3A_671 = arith.index_cast %scan3A_29 : i32 to index
      %get3A_672 = arith.constant 192 : index
      %get3A_673 = tpu.vector_load %arg5[%get3A_670, %get3A_671, %get3A_672] {strides = array<i32>} : memref<3x14x224xf32, #tpu.memory_space<vmem>>, vector<16xf32>,
      %max3A_674 = arith.constant 0.000000e+00 : f32
      %max3A_675 = vector.broadcast %max3A_674 : f32 to vector<16xf32>
      %max3A_676 = arith.maximumf %get3A_673, %max3A_675 : vector<16xf32>
      %min3A_677 = arith.constant 1.000000e+00 : f32
      %min3A_678 = vector.broadcast %min3A_677 : f32 to vector<16xf32>
      %min3A_679 = arith.minimumf %max3A_676, %min3A_678 : vector<16xf32>
      %swap3A_680 = arith.constant 2 : i32
      %swap3A_681 = arith.index_cast %swap3A_680 : i32 to index
      %swap3A_682 = arith.index_cast %scan3A_29 : i32 to index
      %swap3A_683 = arith.constant 192 : index
      %swap3A_684 = tpu.vector_load %arg5[%swap3A_681, %swap3A_682, %swap3A_683] {strides = array<i32>} : memref<3x14x224xf32, #tpu.memory_space<vmem>>, vector<16xf32>,
      tpu.vector_store %arg5[%swap3A_681, %swap3A_682, %swap3A_683], %min3A_679 {strides = array<i32>} : memref<3x14x224xf32, #tpu.memory_space<vmem>>, vector<16xf32>,
      %get3A_685 = arith.constant 2 : i32
      %get3A_686 = arith.index_cast %get3A_685 : i32 to index
      %get3A_687 = arith.index_cast %scan3A_29 : i32 to index
      %get3A_688 = arith.constant 208 : index
      %get3A_689 = tpu.vector_load %arg5[%get3A_686, %get3A_687, %get3A_688] {strides = array<i32>} : memref<3x14x224xf32, #tpu.memory_space<vmem>>, vector<16xf32>,
      %max3A_690 = arith.constant 0.000000e+00 : f32
      %max3A_691 = vector.broadcast %max3A_690 : f32 to vector<16xf32>
      %max3A_692 = arith.maximumf %get3A_689, %max3A_691 : vector<16xf32>
      %min3A_693 = arith.constant 1.000000e+00 : f32
      %min3A_694 = vector.broadcast %min3A_693 : f32 to vector<16xf32>
      %min3A_695 = arith.minimumf %max3A_692, %min3A_694 : vector<16xf32>
      %swap3A_696 = arith.constant 2 : i32
      %swap3A_697 = arith.index_cast %swap3A_696 : i32 to index
      %swap3A_698 = arith.index_cast %scan3A_29 : i32 to index
      %swap3A_699 = arith.constant 208 : index
      %swap3A_700 = tpu.vector_load %arg5[%swap3A_697, %swap3A_698, %swap3A_699] {strides = array<i32>} : memref<3x14x224xf32, #tpu.memory_space<vmem>>, vector<16xf32>,
      tpu.vector_store %arg5[%swap3A_697, %swap3A_698, %swap3A_699], %min3A_695 {strides = array<i32>} : memref<3x14x224xf32, #tpu.memory_space<vmem>>, vector<16xf32>,
      %scan3A_701 = arith.constant 0 : i32
      scf.yield %scan3A_701 : i32
    }
    %scan3A_28 = arith.constant 14 : i32
    "tpu.region"() ({
      %run_scoped3A = tpu.sem_alloc : memref<!tpu.dma_semaphore, #tpu.memory_space<semaphore_mem>>
      %dma_start3A = arith.constant 0 : i32
      %dma_start3A_29 = arith.constant 0 : i32
      %dma_start3A_30 = tpu.memref_slice %arg3[%arg0, %dma_start3A, %mul3A_0, %dma_start3A_29] : memref<2x3x224x224xf32, #tpu.memory_space<hbm>> -> memref<1x3x14x224xf32, #tpu.memory_space<hbm>>
      %dma_start3A_31 = tpu.memref_squeeze %dma_start3A_30 : memref<1x3x14x224xf32, #tpu.memory_space<hbm>> -> memref<3x14x224xf32, #tpu.memory_space<hbm>>
      %dma_start3A_32 = arith.constant 0 : i32
      %dma_start3A_33 = arith.constant 0 : i32
      %dma_start3A_34 = tpu.memref_slice %arg3[%arg0, %dma_start3A_32, %mul3A_0, %dma_start3A_33] : memref<2x3x224x224xf32, #tpu.memory_space<hbm>> -> memref<1x3x14x224xf32, #tpu.memory_space<hbm>>
      %dma_start3A_35 = tpu.memref_squeeze %dma_start3A_34 : memref<1x3x14x224xf32, #tpu.memory_space<hbm>> -> memref<3x14x224xf32, #tpu.memory_space<hbm>>
      tpu.enqueue_dma source(%arg5 : memref<3x14x224xf32, #tpu.memory_space<vmem>>) target(%dma_start3A_35 : memref<3x14x224xf32, #tpu.memory_space<hbm>>) target_semaphore(%run_scoped3A : memref<!tpu.dma_semaphore, #tpu.memory_space<semaphore_mem>>)
      %dma_wait3A = arith.constant 0 : i32
      %dma_wait3A_36 = arith.constant 0 : i32
      %dma_wait3A_37 = tpu.memref_slice %arg3[%arg0, %dma_wait3A, %mul3A_0, %dma_wait3A_36] : memref<2x3x224x224xf32, #tpu.memory_space<hbm>> -> memref<1x3x14x224xf32, #tpu.memory_space<hbm>>
      %dma_wait3A_38 = tpu.memref_squeeze %dma_wait3A_37 : memref<1x3x14x224xf32, #tpu.memory_space<hbm>> -> memref<3x14x224xf32, #tpu.memory_space<hbm>>
      %dma_wait3A_39 = arith.constant 0 : i32
      %dma_wait3A_40 = arith.constant 0 : i32
      %dma_wait3A_41 = tpu.memref_slice %arg3[%arg0, %dma_wait3A_39, %mul3A_0, %dma_wait3A_40] : memref<2x3x224x224xf32, #tpu.memory_space<hbm>> -> memref<1x3x14x224xf32, #tpu.memory_space<hbm>>
      %dma_wait3A_42 = tpu.memref_squeeze %dma_wait3A_41 : memref<1x3x14x224xf32, #tpu.memory_space<hbm>> -> memref<3x14x224xf32, #tpu.memory_space<hbm>>
      tpu.wait_dma2 semaphore(%run_scoped3A : memref<!tpu.dma_semaphore, #tpu.memory_space<semaphore_mem>>) src(%arg5 : memref<3x14x224xf32, #tpu.memory_space<vmem>>) dst(%dma_wait3A_42 : memref<3x14x224xf32, #tpu.memory_space<hbm>>)
      tpu.yield
    }) : () -> ()
    return
  }
}

module attributes {stable_mosaic.version = 14 : i64} {
  func.func @_params_kernel(%arg0: i32, %arg1: i32, %arg2: memref<1x32x6272xf32, #tpu.memory_space<vmem>>, %arg3: memref<64x32xf32, #tpu.memory_space<vmem>>, %arg4: memref<64x1xf32, #tpu.memory_space<vmem>>, %arg5: memref<8x64xf32, #tpu.memory_space<vmem>>, %arg6: memref<8x1xf32, #tpu.memory_space<vmem>>, %arg7: memref<1x10x6272xf32, #tpu.memory_space<vmem>>) attributes {dimension_semantics = [#tpu.dimension_semantics<arbitrary>, #tpu.dimension_semantics<arbitrary>], iteration_bounds = array<i64: 2, 8>, scalar_prefetch = 0 : i64, scratch_operands = 0 : i64, tpu.core_type = #tpu.core_type<tc>, window_params = [{transform_indices = @transform_0, window_bounds = array<i64: 1, 32, 6272>}, {pipeline_mode = #tpu.pipeline_mode<synchronous>, transform_indices = @transform_1, window_bounds = array<i64: 64, 32>}, {pipeline_mode = #tpu.pipeline_mode<synchronous>, transform_indices = @transform_2, window_bounds = array<i64: 64, 1>}, {pipeline_mode = #tpu.pipeline_mode<synchronous>, transform_indices = @transform_3, window_bounds = array<i64: 8, 64>}, {pipeline_mode = #tpu.pipeline_mode<synchronous>, transform_indices = @transform_4, window_bounds = array<i64: 8, 1>}, {transform_indices = @transform_5, window_bounds = array<i64: 1, 10, 6272>}]} {
    %get3A = arith.constant 0 : index
    %get3A_0 = arith.constant 0 : index
    %get3A_1 = arith.constant 0 : index
    %get3A_2 = vector.load %arg2[%get3A, %get3A_0, %get3A_1] : memref<1x32x6272xf32, #tpu.memory_space<vmem>>, vector<1x32x6272xf32>
    %get3A_3 = vector.shape_cast %get3A_2 : vector<1x32x6272xf32> to vector<32x6272xf32>
    %get3A_4 = arith.constant 0 : index
    %get3A_5 = arith.constant 0 : index
    %get3A_6 = vector.load %arg3[%get3A_4, %get3A_5] : memref<64x32xf32, #tpu.memory_space<vmem>>, vector<64x32xf32>
    %get3A_7 = arith.constant 0 : index
    %get3A_8 = arith.constant 0 : index
    %get3A_9 = vector.load %arg5[%get3A_7, %get3A_8] : memref<8x64xf32, #tpu.memory_space<vmem>>, vector<8x64xf32>
    %dot_general3A = arith.constant dense<0.000000e+00> : vector<64x6272xf32>
    %dot_general3A_10 = tpu.matmul %get3A_6, %get3A_3, %dot_general3A {dimension_numbers = #tpu.dot_dimension_numbers<[1], [0], [0], [1], [0, 0, 1, 1], [], []>, transpose_lhs_hint = false} : vector<64x32xf32>, vector<32x6272xf32>, vector<64x6272xf32> -> vector<64x6272xf32>
    %get3A_11 = arith.constant 0 : index
    %get3A_12 = arith.constant 0 : index
    %get3A_13 = vector.load %arg4[%get3A_11, %get3A_12] : memref<64x1xf32, #tpu.memory_space<vmem>>, vector<64x1xf32>
    %add3A = vector.broadcast %get3A_13 : vector<64x1xf32> to vector<64x6272xf32>
    %add3A_14 = arith.addf %dot_general3A_10, %add3A : vector<64x6272xf32>
    %max3A = arith.constant 0.000000e+00 : f32
    %max3A_15 = vector.broadcast %max3A : f32 to vector<64x6272xf32>
    %max3A_16 = arith.maximumf %add3A_14, %max3A_15 : vector<64x6272xf32>
    %dot_general3A_17 = arith.constant dense<0.000000e+00> : vector<8x6272xf32>
    %dot_general3A_18 = tpu.matmul %get3A_9, %max3A_16, %dot_general3A_17 {dimension_numbers = #tpu.dot_dimension_numbers<[1], [0], [0], [1], [0, 0, 1, 1], [], []>, transpose_lhs_hint = false} : vector<8x64xf32>, vector<64x6272xf32>, vector<8x6272xf32> -> vector<8x6272xf32>
    %get3A_19 = arith.constant 0 : index
    %get3A_20 = arith.constant 0 : index
    %get3A_21 = vector.load %arg6[%get3A_19, %get3A_20] : memref<8x1xf32, #tpu.memory_space<vmem>>, vector<8x1xf32>
    %add3A_22 = vector.broadcast %get3A_21 : vector<8x1xf32> to vector<8x6272xf32>
    %add3A_23 = arith.addf %dot_general3A_18, %add3A_22 : vector<8x6272xf32>
    %slice3A = vector.extract_strided_slice %add3A_23 {offsets = [0, 0], sizes = [3, 6272], strides = [1, 1]} : vector<8x6272xf32> to vector<3x6272xf32>
    %slice3A_24 = vector.extract_strided_slice %add3A_23 {offsets = [3, 0], sizes = [3, 6272], strides = [1, 1]} : vector<8x6272xf32> to vector<3x6272xf32>
    %neg3A = arith.constant 0.000000e+00 : f32
    %neg3A_25 = vector.broadcast %neg3A : f32 to vector<3x6272xf32>
    %neg3A_26 = arith.subf %neg3A_25, %slice3A_24 : vector<3x6272xf32>
    %exp3A = math.exp %neg3A_26 : vector<3x6272xf32>
    %add3A_27 = arith.constant 1.000000e+00 : f32
    %add3A_28 = vector.broadcast %add3A_27 : f32 to vector<3x6272xf32>
    %add3A_29 = arith.addf %add3A_28, %exp3A : vector<3x6272xf32>
    %div3A = arith.constant 1.000000e+00 : f32
    %div3A_30 = vector.broadcast %div3A : f32 to vector<3x6272xf32>
    %div3A_31 = arith.divf %div3A_30, %add3A_29 : vector<3x6272xf32>
    %slice3A_32 = vector.extract_strided_slice %div3A_31 {offsets = [0, 0], sizes = [1, 6272], strides = [1, 1]} : vector<3x6272xf32> to vector<1x6272xf32>
    %squeeze3A = vector.shape_cast %slice3A_32 : vector<1x6272xf32> to vector<6272xf32>
    %mul3A = arith.constant 6.28318548 : f32
    %mul3A_33 = vector.broadcast %mul3A : f32 to vector<6272xf32>
    %mul3A_34 = arith.mulf %squeeze3A, %mul3A_33 : vector<6272xf32>
    %slice3A_35 = vector.extract_strided_slice %div3A_31 {offsets = [1, 0], sizes = [1, 6272], strides = [1, 1]} : vector<3x6272xf32> to vector<1x6272xf32>
    %squeeze3A_36 = vector.shape_cast %slice3A_35 : vector<1x6272xf32> to vector<6272xf32>
    %mul3A_37 = arith.constant 5.000000e-01 : f32
    %mul3A_38 = vector.broadcast %mul3A_37 : f32 to vector<6272xf32>
    %mul3A_39 = arith.mulf %squeeze3A_36, %mul3A_38 : vector<6272xf32>
    %add3A_40 = arith.constant 9.99999997E-7 : f32
    %add3A_41 = vector.broadcast %add3A_40 : f32 to vector<6272xf32>
    %add3A_42 = arith.addf %mul3A_39, %add3A_41 : vector<6272xf32>
    %mul3A_43 = arith.constant 1.120000e+02 : f32
    %mul3A_44 = vector.broadcast %mul3A_43 : f32 to vector<6272xf32>
    %mul3A_45 = arith.mulf %add3A_42, %mul3A_44 : vector<6272xf32>
    %slice3A_46 = vector.extract_strided_slice %div3A_31 {offsets = [2, 0], sizes = [1, 6272], strides = [1, 1]} : vector<3x6272xf32> to vector<1x6272xf32>
    %squeeze3A_47 = vector.shape_cast %slice3A_46 : vector<1x6272xf32> to vector<6272xf32>
    %mul3A_48 = arith.constant 5.000000e-01 : f32
    %mul3A_49 = vector.broadcast %mul3A_48 : f32 to vector<6272xf32>
    %mul3A_50 = arith.mulf %squeeze3A_47, %mul3A_49 : vector<6272xf32>
    %add3A_51 = arith.constant 9.99999997E-7 : f32
    %add3A_52 = vector.broadcast %add3A_51 : f32 to vector<6272xf32>
    %add3A_53 = arith.addf %mul3A_50, %add3A_52 : vector<6272xf32>
    %mul3A_54 = arith.constant 1.120000e+02 : f32
    %mul3A_55 = vector.broadcast %mul3A_54 : f32 to vector<6272xf32>
    %mul3A_56 = arith.mulf %add3A_53, %mul3A_55 : vector<6272xf32>
    %slice3A_57 = vector.extract_strided_slice %add3A_23 {offsets = [6, 0], sizes = [2, 6272], strides = [1, 1]} : vector<8x6272xf32> to vector<2x6272xf32>
    %tanh3A = math.tanh %slice3A_57 : vector<2x6272xf32>
    %cos3A = math.cos %mul3A_34 : vector<6272xf32>
    %sin3A = math.sin %mul3A_34 : vector<6272xf32>
    %mul3A_58 = arith.mulf %mul3A_45, %mul3A_45 : vector<6272xf32>
    %mul3A_59 = arith.mulf %mul3A_56, %mul3A_56 : vector<6272xf32>
    %mul3A_60 = arith.mulf %cos3A, %cos3A : vector<6272xf32>
    %mul3A_61 = arith.mulf %sin3A, %sin3A : vector<6272xf32>
    %mul3A_62 = arith.mulf %mul3A_60, %mul3A_58 : vector<6272xf32>
    %mul3A_63 = arith.mulf %mul3A_61, %mul3A_59 : vector<6272xf32>
    %add3A_64 = arith.addf %mul3A_62, %mul3A_63 : vector<6272xf32>
    %mul3A_65 = arith.mulf %cos3A, %sin3A : vector<6272xf32>
    %sub3A = arith.subf %mul3A_58, %mul3A_59 : vector<6272xf32>
    %mul3A_66 = arith.mulf %mul3A_65, %sub3A : vector<6272xf32>
    %mul3A_67 = arith.mulf %mul3A_61, %mul3A_58 : vector<6272xf32>
    %mul3A_68 = arith.mulf %mul3A_60, %mul3A_59 : vector<6272xf32>
    %add3A_69 = arith.addf %mul3A_67, %mul3A_68 : vector<6272xf32>
    %mul3A_70 = arith.mulf %add3A_64, %add3A_69 : vector<6272xf32>
    %mul3A_71 = arith.mulf %mul3A_66, %mul3A_66 : vector<6272xf32>
    %sub3A_72 = arith.subf %mul3A_70, %mul3A_71 : vector<6272xf32>
    %add3A_73 = arith.constant 9.99999996E-13 : f32
    %add3A_74 = vector.broadcast %add3A_73 : f32 to vector<6272xf32>
    %add3A_75 = arith.addf %sub3A_72, %add3A_74 : vector<6272xf32>
    %div3A_76 = arith.constant 1.000000e+00 : f32
    %div3A_77 = vector.broadcast %div3A_76 : f32 to vector<6272xf32>
    %div3A_78 = arith.divf %div3A_77, %add3A_75 : vector<6272xf32>
    %slice3A_79 = vector.extract_strided_slice %tanh3A {offsets = [0, 0], sizes = [1, 6272], strides = [1, 1]} : vector<2x6272xf32> to vector<1x6272xf32>
    %squeeze3A_80 = vector.shape_cast %slice3A_79 : vector<1x6272xf32> to vector<6272xf32>
    %sub3A_81 = arith.constant 5.000000e-01 : f32
    %sub3A_82 = vector.broadcast %sub3A_81 : f32 to vector<6272xf32>
    %sub3A_83 = arith.subf %squeeze3A_80, %sub3A_82 : vector<6272xf32>
    %floor3A = math.floor %sub3A_83 : vector<6272xf32>
    %slice3A_84 = vector.extract_strided_slice %tanh3A {offsets = [1, 0], sizes = [1, 6272], strides = [1, 1]} : vector<2x6272xf32> to vector<1x6272xf32>
    %squeeze3A_85 = vector.shape_cast %slice3A_84 : vector<1x6272xf32> to vector<6272xf32>
    %sub3A_86 = arith.constant 5.000000e-01 : f32
    %sub3A_87 = vector.broadcast %sub3A_86 : f32 to vector<6272xf32>
    %sub3A_88 = arith.subf %squeeze3A_85, %sub3A_87 : vector<6272xf32>
    %floor3A_89 = math.floor %sub3A_88 : vector<6272xf32>
    %add3A_90 = arith.constant 1.000000e+00 : f32
    %add3A_91 = vector.broadcast %add3A_90 : f32 to vector<6272xf32>
    %add3A_92 = arith.addf %floor3A, %add3A_91 : vector<6272xf32>
    %slice3A_93 = vector.extract_strided_slice %tanh3A {offsets = [0, 0], sizes = [1, 6272], strides = [1, 1]} : vector<2x6272xf32> to vector<1x6272xf32>
    %squeeze3A_94 = vector.shape_cast %slice3A_93 : vector<1x6272xf32> to vector<6272xf32>
    %sub3A_95 = arith.subf %add3A_92, %squeeze3A_94 : vector<6272xf32>
    %add3A_96 = arith.constant 1.000000e+00 : f32
    %add3A_97 = vector.broadcast %add3A_96 : f32 to vector<6272xf32>
    %add3A_98 = arith.addf %floor3A_89, %add3A_97 : vector<6272xf32>
    %slice3A_99 = vector.extract_strided_slice %tanh3A {offsets = [1, 0], sizes = [1, 6272], strides = [1, 1]} : vector<2x6272xf32> to vector<1x6272xf32>
    %squeeze3A_100 = vector.shape_cast %slice3A_99 : vector<1x6272xf32> to vector<6272xf32>
    %sub3A_101 = arith.subf %add3A_98, %squeeze3A_100 : vector<6272xf32>
    %neg3A_102 = arith.constant 0.000000e+00 : f32
    %neg3A_103 = vector.broadcast %neg3A_102 : f32 to vector<6272xf32>
    %neg3A_104 = arith.subf %neg3A_103, %floor3A : vector<6272xf32>
    %neg3A_105 = arith.constant 0.000000e+00 : f32
    %neg3A_106 = vector.broadcast %neg3A_105 : f32 to vector<6272xf32>
    %neg3A_107 = arith.subf %neg3A_106, %floor3A_89 : vector<6272xf32>
    %mul3A_108 = arith.constant -5.000000e-01 : f32
    %mul3A_109 = vector.broadcast %mul3A_108 : f32 to vector<6272xf32>
    %mul3A_110 = arith.mulf %mul3A_109, %add3A_69 : vector<6272xf32>
    %mul3A_111 = arith.mulf %mul3A_110, %div3A_78 : vector<6272xf32>
    %mul3A_112 = arith.mulf %mul3A_66, %div3A_78 : vector<6272xf32>
    %mul3A_113 = arith.constant -5.000000e-01 : f32
    %mul3A_114 = vector.broadcast %mul3A_113 : f32 to vector<6272xf32>
    %mul3A_115 = arith.mulf %mul3A_114, %add3A_64 : vector<6272xf32>
    %mul3A_116 = arith.mulf %mul3A_115, %div3A_78 : vector<6272xf32>
    %broadcast_in_dim3A = vector.shape_cast %sub3A_95 : vector<6272xf32> to vector<1x6272xf32>
    %broadcast_in_dim3A_117 = vector.shape_cast %sub3A_101 : vector<6272xf32> to vector<1x6272xf32>
    %broadcast_in_dim3A_118 = vector.shape_cast %neg3A_104 : vector<6272xf32> to vector<1x6272xf32>
    %broadcast_in_dim3A_119 = vector.shape_cast %neg3A_107 : vector<6272xf32> to vector<1x6272xf32>
    %broadcast_in_dim3A_120 = vector.shape_cast %mul3A_111 : vector<6272xf32> to vector<1x6272xf32>
    %broadcast_in_dim3A_121 = vector.shape_cast %mul3A_112 : vector<6272xf32> to vector<1x6272xf32>
    %broadcast_in_dim3A_122 = vector.shape_cast %mul3A_116 : vector<6272xf32> to vector<1x6272xf32>
    %concatenate3A = tpu.concatenate %broadcast_in_dim3A, %broadcast_in_dim3A_117, %broadcast_in_dim3A_118, %broadcast_in_dim3A_119, %broadcast_in_dim3A_120, %broadcast_in_dim3A_121, %broadcast_in_dim3A_122, %slice3A in 0 : vector<1x6272xf32>, vector<1x6272xf32>, vector<1x6272xf32>, vector<1x6272xf32>, vector<1x6272xf32>, vector<1x6272xf32>, vector<1x6272xf32>, vector<3x6272xf32> -> vector<10x6272xf32>
    %swap3A = arith.constant 0 : index
    %swap3A_123 = arith.constant 0 : index
    %swap3A_124 = arith.constant 0 : index
    %swap3A_125 = vector.load %arg7[%swap3A, %swap3A_123, %swap3A_124] : memref<1x10x6272xf32, #tpu.memory_space<vmem>>, vector<1x10x6272xf32>
    %swap3A_126 = vector.shape_cast %swap3A_125 : vector<1x10x6272xf32> to vector<10x6272xf32>
    %swap3A_127 = vector.shape_cast %concatenate3A : vector<10x6272xf32> to vector<1x10x6272xf32>
    tpu.vector_store %arg7[%swap3A, %swap3A_123, %swap3A_124], %swap3A_127 {strides = array<i32>} : memref<1x10x6272xf32, #tpu.memory_space<vmem>>, vector<1x10x6272xf32>,
    return
  }
  func.func @transform_0(%arg0: i32, %arg1: i32) -> (i32, i32, i32) {
    %c0_i32 = arith.constant 0 : i32
    %c0_i32_0 = arith.constant 0 : i32
    return %arg0, %c0_i32, %arg1 : i32, i32, i32
  }
  func.func @transform_1(%arg0: i32, %arg1: i32) -> (i32, i32) {
    %c0_i32 = arith.constant 0 : i32
    %c0_i32_0 = arith.constant 0 : i32
    %c0_i32_1 = arith.constant 0 : i32
    return %c0_i32, %c0_i32_0 : i32, i32
  }
  func.func @transform_2(%arg0: i32, %arg1: i32) -> (i32, i32) {
    %c0_i32 = arith.constant 0 : i32
    %c0_i32_0 = arith.constant 0 : i32
    %c0_i32_1 = arith.constant 0 : i32
    return %c0_i32, %c0_i32_0 : i32, i32
  }
  func.func @transform_3(%arg0: i32, %arg1: i32) -> (i32, i32) {
    %c0_i32 = arith.constant 0 : i32
    %c0_i32_0 = arith.constant 0 : i32
    %c0_i32_1 = arith.constant 0 : i32
    return %c0_i32, %c0_i32_0 : i32, i32
  }
  func.func @transform_4(%arg0: i32, %arg1: i32) -> (i32, i32) {
    %c0_i32 = arith.constant 0 : i32
    %c0_i32_0 = arith.constant 0 : i32
    %c0_i32_1 = arith.constant 0 : i32
    return %c0_i32, %c0_i32_0 : i32, i32
  }
  func.func @transform_5(%arg0: i32, %arg1: i32) -> (i32, i32, i32) {
    %c0_i32 = arith.constant 0 : i32
    %c0_i32_0 = arith.constant 0 : i32
    return %arg0, %c0_i32, %arg1 : i32, i32, i32
  }
}

</mosaic_0001>

<sc_bundles>
// kernel: kernel.5.cloned.1.call-start
scs
__scs_entry_jumppad:
0x0: {  	(pc) =	sbr.rel $0x88, $3  }
0x1: {  	(tag) =	ssettag $0x0;
	lr =	simm.s32 $0x1  }
0x2: {  	[smem:$0x3F9C] =	sst lr;
	_ =	strace $0xD0000000  }
0x3: {  	_ = 	snop  }
0x4: {  	_ = 	snop  }
0x5: {  	_ = 	snop  }
0x6: {  	_ = 	snop  }
0x7: {  	_ = 	snop  }
__scs_overlays_trampoline_lowered:
0x8: {  	[smem:$0x3FAB] =	sst s0  }
0x9: {  	[smem:$0x3FAC] =	sst s1  }
0xa: {  	[smem:$0x3FAD] =	sst s2  }
0xb: {  	[smem:$0x3FAE] =	sst s3  }
0xc: {  	[smem:$0x3FAF] =	sst s4  }
0xd: {  	[smem:$0x3FB0] =	sst s5  }
0xe: {  	[smem:$0x3FB1] =	sst s6  }
0xf: {  	[smem:$0x3FB2] =	sst s7  }
0x10: {  	[smem:$0x3FB3] =	sst s8  }
0x11: {  	[smem:$0x3FB4] =	sst s9;
	s0 =	simm.s32 @!p0 $0x0  }
0x12: {  	s1 =	sld [smem:$0x3F9A];
	s0 =	simm.s32 @p0 $0x1  }
0x13: {  	[smem:$0x3FB5] =	sst s0;
	s0 =	simm.s32 @!p1 $0x0  }
0x14: {  	s2 =	sld [smem:$0x3F99];
	s0 =	simm.s32 @p1 $0x1  }
0x15: {  	[smem:$0x3FB6] =	sst s0;
	s0 =	simm.s32 @!p2 $0x0  }
0x16: {  	s3 =	sld [smem:$0x3FDB];
	s0 =	simm.s32 @p2 $0x1  }
0x17: {  	s4 =	simm.s32 $0x1BF5;
	[smem:$0x3FB8] =	sst s0  }
0x18: {  	s0 =	sld [smem:$0x3F9B];
	_ =	swait.ge [sflag:s4], $0x0  }
0x19: {  	s7 =	sld [smem:$0x3F9C]  }
0x1a: {  	s8 =	sadd.s32 $0xFFFFE003, lr  }
0x1b: {  	s9 =	sadd.s32 $0xFFFFFEF7, lr;
	s5 =	simm.s32 $0xFFFFFFFF;
	p2 =	slt.u32 s8, $0xFFFFF086  }
0x1c: {  	p1 =	slt.u32 s9, $0xF7A;
	s5 =	simm.s32 @!p2 $0x0  }
0x1d: {  	s5 =	simm.s32 @p1 $0x1;
	p0 =	seq.s32 s7, s2  }
0x1e: {  	s7 =	smul.u32 @!p0 $0xF7A, s2;
	p2 =	seq.s32 @!p0 s5, $0x0  }
0x1f: {  	s9 =	smul.u32 $0xF7A, s1;
	s8 =	simm.s32 @!p0 $0x1BF5;
	p2 =	por !p2, p0  }
0x20: {  	[sflag:s8] =	ssyncset.s32 @!p0 $0xFFFFF086;
	s6 =	sadd.s32 @!p0 s3, s7;
	s7 =	simm.s32 @!p0 $0x108  }
0x21: {  	s3 =	sadd.s32 s3, s9;
	s6 =	sadd.s32 @!p0 $0x88, s6;
	s7 =	simm.s32 @p2 $0x1082  }
0x22: {  	[simem:s7], [sflag:s8] =	dma.local @!p0 [hbm:s6], $0xF7A  }
0x23: {  	s9 =	sor.u32 $0xD0000000, s2;
	s6 =	simm.s32 $0x108;
	_ =	swait.ge @!p0 [sflag:s8], $0x0  }
0x24: {  	s3 =	sadd.s32 $0x88, s3;
	s6 =	simm.s32 @!p1 $0x1082;
	[sflag:s4] =	ssyncset.s32 $0xFFFFF086  }
0x25: {  	[simem:s6], [sflag:s4] =	dma.local [hbm:s3], $0xF7A  }
0x26: {  	[smem:$0x3F9C] =	sst s1;
	(tag) =	ssettag s2;
	_ =	strace s9  }
0x27: {  	s1 =	sld [smem:$0x3FAC]  }
0x28: {  	s2 =	sld [smem:$0x3FAD]  }
0x29: {  	s4 =	sld [smem:$0x3FAF]  }
0x2a: {  	p0 =	seq.s32 s5, $0x0;
	s5 =	sld [smem:$0x3FB0]  }
0x2b: {  	s6 =	sld [smem:$0x3FB1]  }
0x2c: {  	s7 =	sld [smem:$0x3FB2]  }
0x2d: {  	s3 =	simm.s32 $0x108;
	s8 =	sld [smem:$0x3FB3]  }
0x2e: {  	s3 =	simm.s32 @!p0 $0x1082;
	s9 =	sld [smem:$0x3FB4]  }
0x2f: {  	lr =	sadd.s32 s0, s3;
	s0 =	sld [smem:$0x3FAB]  }
0x30: {  	s3 =	sld [smem:$0x3FAE]  }
0x31: {  	[smem:$0x3FB7] =	sst s10  }
0x32: {  	s10 =	sld [smem:$0x3FB5];
	_ =	sdelay $0x3  }
0x33: {  	p0 =	seq.s32 s10, $0x1;
	s10 =	sld [smem:$0x3FB7];
	_ =	sdelay $0x3  }
0x34: {  	[smem:$0x3FB7] =	sst s10  }
0x35: {  	s10 =	sld [smem:$0x3FB6];
	_ =	sdelay $0x3  }
0x36: {  	p1 =	seq.s32 s10, $0x1;
	s10 =	sld [smem:$0x3FB7];
	_ =	sdelay $0x3  }
0x37: {  	[smem:$0x3FB7] =	sst s10  }
0x38: {  	s10 =	sld [smem:$0x3FB8]  }
0x39: {  	_ = 	snop;
	(pc) =	sbr.ind lr, $3  }
0x3a: {  	_ = 	snop  }
0x3b: {  	_ = 	snop  }
0x3c: {  	p2 =	seq.s32 s10, $0x1;
	s10 =	sld [smem:$0x3FB7]  }
0x3d: {  	_ =	shalt  }
0x3e: {  	_ =	shalt  }
0x3f: {  	_ =	shalt  }
0x40: {  	_ =	shalt  }
0x41: {  	_ =	shalt  }
0x42: {  	_ =	shalt  }
0x43: {  	_ =	shalt  }
0x44: {  	_ =	shalt  }
0x45: {  	_ =	shalt  }
0x46: {  	_ =	shalt  }
0x47: {  	_ =	shalt  }
0x48: {  	_ =	shalt  }
0x49: {  	_ =	shalt  }
0x4a: {  	_ =	shalt  }
0x4b: {  	_ =	shalt  }
0x4c: {  	_ =	shalt  }
0x4d: {  	_ =	shalt  }
0x4e: {  	_ =	shalt  }
0x4f: {  	_ =	shalt  }
0x50: {  	_ =	shalt  }
0x51: {  	_ =	shalt  }
0x52: {  	_ =	shalt  }
0x53: {  	_ =	shalt  }
0x54: {  	_ =	shalt  }
0x55: {  	_ =	shalt  }
0x56: {  	_ =	shalt  }
0x57: {  	_ =	shalt  }
0x58: {  	_ =	shalt  }
0x59: {  	_ =	shalt  }
0x5a: {  	_ =	shalt  }
0x5b: {  	_ =	shalt  }
0x5c: {  	_ =	shalt  }
0x5d: {  	_ =	shalt  }
0x5e: {  	_ =	shalt  }
0x5f: {  	_ =	shalt  }
0x60: {  	_ =	shalt  }
0x61: {  	_ =	shalt  }
0x62: {  	_ =	shalt  }
0x63: {  	_ =	shalt  }
0x64: {  	_ =	shalt  }
0x65: {  	_ =	shalt  }
0x66: {  	_ =	shalt  }
0x67: {  	_ =	shalt  }
0x68: {  	_ =	shalt  }
0x69: {  	_ =	shalt  }
0x6a: {  	_ =	shalt  }
0x6b: {  	_ =	shalt  }
0x6c: {  	_ =	shalt  }
0x6d: {  	_ =	shalt  }
0x6e: {  	_ =	shalt  }
0x6f: {  	_ =	shalt  }
0x70: {  	_ =	shalt  }
0x71: {  	_ =	shalt  }
0x72: {  	_ =	shalt  }
0x73: {  	_ =	shalt  }
0x74: {  	_ =	shalt  }
0x75: {  	_ =	shalt  }
0x76: {  	_ =	shalt  }
0x77: {  	_ =	shalt  }
0x78: {  	_ =	shalt  }
0x79: {  	_ =	shalt  }
0x7a: {  	_ =	shalt  }
0x7b: {  	_ =	shalt  }
0x7c: {  	_ =	shalt  }
0x7d: {  	_ =	shalt  }
0x7e: {  	_ =	shalt  }
0x7f: {  	_ =	shalt  }
0x80: {  	_ =	shalt  }
0x81: {  	_ =	shalt  }
0x82: {  	_ =	shalt  }
0x83: {  	_ =	shalt  }
0x84: {  	_ =	shalt  }
0x85: {  	_ =	shalt  }
0x86: {  	_ =	shalt  }
0x87: {  	_ =	shalt  }
.Lfunc_end0:
.L_simem_size_0:
called_computation_lowered:
.L_overlay_start_0:
0x88: {  	s2 =	sld [smem:$0x3FD9]  }
0x89: {  	s3 =	sld [smem:$0x3FFE];
	_ =	sdelay $0x1  }
0x8a: {  	s1 =	srdreg.scid  }
0x8b: {  	s0 =	sand.u32 $0x1, s1  }
0x8c: {  	s16 =	sshll.u32 s0, $0xA;
	s2 =	sadd.s32 s3, s2  }
0x8d: {  	s2 =	sadd.s32 s2, s16  }
0x8e: {  	[smem:$0x3FC3] =	sst s2  }
0x8f: {  	_ = 	snop  }
0x90: {  	(tm) =	ssettm $0x1  }
0x91: {  	s17 =	sld [smem:$0x3FFB];
	_ =	sdelay $0x3  }
0x92: {  	_ =	strace s17  }
0x93: {  	s2 =	sld [smem:$0x3FFC];
	_ =	sdelay $0x3  }
0x94: {  	_ =	strace s2  }
0x95: {  	s2 =	sld [smem:$0x3FFD];
	_ =	sdelay $0x3  }
0x96: {  	_ =	strace s2  }
0x97: {  	_ =	strace $0x8FFFFFFF  }
0x98: {  	s18 =	sld [smem:$0x3FDB];
	_ =	sdelay $0x1  }
0x99: {  	s19 =	simm.s32 $_scs_section_size  }
0x9a: {  	s4 =	simm.s32 $_size__tile_overlayer_lowered;
	s5 =	simm.s32 $_tile_overlayer_lowered  }
0x9b: {  	s22 =	simm.s32 $0x1BFF;
	s21 =	sshll.u32 s5, $0x1;
	s2 =	sadd.s32 s19, s18  }
0x9c: {  	s6 =	simm.s32 $0x0;
	s20 =	sshll.u32 s4, $0x1;
	s4 =	sadd.s32 s21, s2  }
0x9d: {  	[timem:s6], [sflag:s22] =	dma.local [hbm:s4], s20  }
0x9e: {  	_ =	swait.ge [sflag:s22], s20  }
0x9f: {  	s3 =	ssub.s32 $0x0, s20;
	[sflag:s22] =	ssyncset.done $0x0  }
0xa0: {  	[sflag:s22] =	ssyncadd.s32 s3;
	_ =	sdelay $0x1  }
0xa1: {  	s23 =	simm.s32 $0x1B8B  }
0xa2: {  	_ =	swait.ge [sflag:s23], $0x1  }
0xa3: {  	[sflag:s23] =	ssyncset.done $0x0  }
0xa4: {  	s25 =	simm.s32 $0x1B8E;
	s24 =	sld [smem:$0x3FFE];
	[sflag:s23] =	ssyncadd.s32 $0xFFFFFFFF  }
0xa5: {  	s26 =	simm.s32 $execute0_lowered;
	[smem:$0x3FD2] =	sst s25  }
0xa6: {  	s4 =	sshll.u32 s26, $0x1;
	_ =	strace $0x80000046;
	[dreg:$0x1] =	wrdreg $0xFFFFFFFF  }
0xa7: {  	s28 =	simm.s32 $_size_execute0_lowered;
	s2 =	sadd.s32 s2, s4;
	[dreg:$0x0] =	wrdreg $0x0  }
0xa8: {  	s4 =	sshll.u32 s28, $0x1;
	[dreg:$0x2] =	wrdreg s2  }
0xa9: {  	[dreg:$0x3] =	wrdreg s4  }
0xaa: {  	[dreg:$0x4] =	wrdreg $0xC0  }
0xab: {  	_ =	task [dreg:s6], $0x5FFFF  }
0xac: {  	[dreg:$0x1] =	wrdreg $0xFFFFFFFF  }
0xad: {  	[dreg:$0x0] =	wrdreg $0x60  }
0xae: {  	[dreg:$0x2] =	wrdreg s24  }
0xaf: {  	[dreg:$0x3] =	wrdreg $0x9  }
0xb0: {  	_ =	task.clear_ibuf [dreg:s6], $0x4FFFF;
	_ =	strace $0x90000046  }
0xb1: {  	s29 =	simm.s32 $0x9;
	_ =	strace $0x80000048  }
0xb2: {  	_ =	swait.ge [sflag:s29], $0x1  }
0xb3: {  	[sflag:s29] =	ssyncadd.s32 $0xFFFFFFFF  }
0xb4: {  	_ =	strace $0x90000048  }
0xb5: {  	_ =	sfence  }
0xb6: {  	s30 =	sld [smem:$0x0];
	_ =	sdelay $0x2  }
0xb7: {  	s31 =	sshll.u32 s1, $0xD;
	s1 =	sshrl.u32 s1, $0x2  }
0xb8: {  	s3 =	sand.u32 $0x4000, s31;
	s1 =	sadd.s32 s1, s30  }
0xb9: {  	s0 =	sor.u32 s3, s0;
	s1 =	sshll.u32 s1, $0x11  }
0xba: {  	s0 =	sor.u32 s1, s0  }
0xbb: {  	s0 =	sadd.s32 $0x8F2B, s0  }
0xbc: {  	[sflag:s0] =	ssyncadd.remote.s32 $0x1  }
0xbd: {  	_ =	sfence.sel $0xFFFF  }
0xbe: {  	[dreg:$0x0] =	wrdreg $0xFFFFFFFF;
	(pc) =	sbr.abs _section_cstart, $3  }
0xbf: {  	[dreg:$0x1] =	wrdreg $0xFFFFFFFF  }
0xc0: {  	_ =	task.clear_ibuf [dreg:s6], $0x2FFFF;
	_ =	strace $0x9FFFFFFF  }
0xc1: {  	(tm) =	ssettm $0x7FFFFFFF  }
tec
execute0_lowered:
.L_overlay_start_1:
0x0: {  	(tag) =	ssettag $0x1  }
0x1: {  	s0 =	stileid.u32  }
0x2: {  	s1 =	srdreg.scid;
	s7 =	rddreg [dreg:$0x0];
	s11 =	simm.s32 $0xDE40  }
0x3: {  	s12 =	simm.s32 $0xEA80;
	s13 =	simm.s32 $0xC40;
	s4 =	smul.u32 $0xE, s0  }
0x4: {  	s14 =	simm.s32 $0x0;
	s3 =	sand.u32 $0x1, s1;
	s10 =	smul.u32 $0xC40, s0  }
0x5: {  	s1 =	rddreg [dreg:$0x1];
	s5 =	smul.u32 $0x7A800, s3;
	s2 =	smax.u32 s4, $0x4  }
0x6: {  	s9 =	smul.u32 $0x24C00, s3;
	s3 =	ssub.s32 $0x2, s3;
	s28 =	smin.u32 s2, $0xCC  }
0x7: {  	s30 =	sshrl.u32 s3, $0x1;
	s2 =	simm.s32 $0x0;
	s6 =	sadd.s32 $0xFFFFFFFC, s28  }
0x8: {  	s29 =	sadd.s32 s10, s9;
	s31 =	ssub.s32 s3, s30;
	s8 =	smul.u32 $0xE0, s6  }
0x9: {  	s9 =	simm.s32 $0x1;
	s10 =	simm.s32 $0xD200;
	[smem:$0x7FF] =	sst s2  }
0xa: {  	v1 =	vlaneseq.u32;
	_ =	strace $0x80000047;
	s4 =	ssub.s32 s6, s4;
	s5 =	sadd.s32 s5, s8  }
0xb: {  	v11 =	vmul.u32 $0xF, v1;
	s6 =	smax.u32 s31, $0x1;
	s8 =	sshrl.u32 s29, $0x3;
	s5 =	sshrl.u32 s5, $0x3  }
0xc: {  	s5 =	sadd.s32 s5, s7;
	s7 =	sadd.s32 s8, s7;
	s8 =	simm.s32 $0xC400  }
0xd: {  	v0 =	vimm.f32 $0.0e+00;
	[tilespmem:$0x1FFF0] =	vst v11;
	s3 =	sadd.s32 $0xE00, s5;
	s5 =	sadd.s32 $0x1F800, s7;
	s7 =	simm.s32 $0x1500  }
.LBB2_1:
0xe: {  	[tilespmem:s2], [sflag:$0x1] =	stream.strided.gather [hbm4b:s3+s7], $0xD200, s8, s7, $0x38;
	[tilespmem:$0xF6C0] =	vst v63  }
0xf: {  	_ =	swait.ge [sflag:s9], $0xD200  }
0x10: {  	[sflag:s9] =	ssyncset.done $0x0  }
0x11: {  	s16 =	simm.s32 $0xFFFFF3C0;
	s15 =	simm.s32 $0xFFFFD280;
	[sflag:s9] =	ssyncadd.s32 $0xFFFF2E00  }
.LBB2_2:
0x12: {  	p0 =	sne.s32 s15, $0xFFFFFC80;
	[tilespmem:s16+$0xF790] =	vst v0  }
0x13: {  	[tilespmem:s16+$0xDE40] =	vst v0  }
0x14: {  	[tilespmem:s16+$0xDE50] =	vst v0  }
0x15: {  	[tilespmem:s16+$0xDE60] =	vst v0  }
0x16: {  	[tilespmem:s16+$0xDE70] =	vst v0  }
0x17: {  	[tilespmem:s16+$0xDE80] =	vst v0  }
0x18: {  	[tilespmem:s16+$0xDE90] =	vst v0  }
0x19: {  	[tilespmem:s16+$0xDEA0] =	vst v0  }
0x1a: {  	[tilespmem:s16+$0xDEB0] =	vst v0  }
0x1b: {  	[tilespmem:s16+$0xDEC0] =	vst v0  }
0x1c: {  	[tilespmem:s16+$0xDED0] =	vst v0  }
0x1d: {  	[tilespmem:s16+$0xDEE0] =	vst v0  }
0x1e: {  	[tilespmem:s16+$0xDEF0] =	vst v0  }
0x1f: {  	[tilespmem:s16+$0xDF00] =	vst v0  }
0x20: {  	[tilespmem:s16+$0xDF10] =	vst v0  }
0x21: {  	[tilespmem:s16+$0xEA80] =	vst v0  }
0x22: {  	[tilespmem:s16+$0xEA90] =	vst v0  }
0x23: {  	[tilespmem:s16+$0xEAA0] =	vst v0  }
0x24: {  	[tilespmem:s16+$0xEAB0] =	vst v0  }
0x25: {  	[tilespmem:s16+$0xEAC0] =	vst v0  }
0x26: {  	[tilespmem:s16+$0xEAD0] =	vst v0  }
0x27: {  	[tilespmem:s16+$0xEAE0] =	vst v0  }
0x28: {  	[tilespmem:s16+$0xEAF0] =	vst v0  }
0x29: {  	[tilespmem:s16+$0xEB00] =	vst v0  }
0x2a: {  	[tilespmem:s16+$0xEB10] =	vst v0  }
0x2b: {  	[tilespmem:s16+$0xEB20] =	vst v0  }
0x2c: {  	[tilespmem:s16+$0xEB30] =	vst v0  }
0x2d: {  	[tilespmem:s16+$0xEB40] =	vst v0  }
0x2e: {  	[tilespmem:s16+$0xEB50] =	vst v0  }
0x2f: {  	[tilespmem:s16+$0xF6C0] =	vst v0  }
0x30: {  	[tilespmem:s16+$0xF6D0] =	vst v0  }
0x31: {  	[tilespmem:s16+$0xF6E0] =	vst v0  }
0x32: {  	[tilespmem:s16+$0xF6F0] =	vst v0  }
0x33: {  	[tilespmem:s16+$0xF700] =	vst v0  }
0x34: {  	[tilespmem:s16+$0xF710] =	vst v0  }
0x35: {  	[tilespmem:s16+$0xF720] =	vst v0  }
0x36: {  	[tilespmem:s16+$0xF730] =	vst v0  }
.Ltmp0:
0x37: {  	[tilespmem:s16+$0xF740] =	vst v0;
	(pc) =	sbr.rel @p0 .LBB2_2-.Ltmp0, $4  }
0x38: {  	[tilespmem:s16+$0xF750] =	vst v0  }
0x39: {  	[tilespmem:s16+$0xF760] =	vst v0  }
0x3a: {  	[tilespmem:s16+$0xF770] =	vst v0  }
0x3b: {  	[tilespmem:s16+$0xF780] =	vst v0;
	s16 =	sshra.s32 s15, $0x2;
	s15 =	sadd.s32 $0x380, s15  }
0x3c: {  	[tilespmem:s16+$0xF790] =	vst v0  }
0x3d: {  	[tilespmem:s16+$0xDE40] =	vst v0  }
0x3e: {  	[tilespmem:s16+$0xDE50] =	vst v0  }
0x3f: {  	[tilespmem:s16+$0xDE60] =	vst v0  }
0x40: {  	[tilespmem:s16+$0xDE70] =	vst v0  }
0x41: {  	[tilespmem:s16+$0xDE80] =	vst v0  }
0x42: {  	[tilespmem:s16+$0xDE90] =	vst v0  }
0x43: {  	[tilespmem:s16+$0xDEA0] =	vst v0  }
0x44: {  	[tilespmem:s16+$0xDEB0] =	vst v0  }
0x45: {  	[tilespmem:s16+$0xDEC0] =	vst v0  }
0x46: {  	[tilespmem:s16+$0xDED0] =	vst v0  }
0x47: {  	[tilespmem:s16+$0xDEE0] =	vst v0  }
0x48: {  	[tilespmem:s16+$0xDEF0] =	vst v0  }
0x49: {  	[tilespmem:s16+$0xDF00] =	vst v0  }
0x4a: {  	[tilespmem:s16+$0xDF10] =	vst v0  }
0x4b: {  	[tilespmem:s16+$0xEA80] =	vst v0  }
0x4c: {  	[tilespmem:s16+$0xEA90] =	vst v0  }
0x4d: {  	[tilespmem:s16+$0xEAA0] =	vst v0  }
0x4e: {  	[tilespmem:s16+$0xEAB0] =	vst v0  }
0x4f: {  	[tilespmem:s16+$0xEAC0] =	vst v0  }
0x50: {  	[tilespmem:s16+$0xEAD0] =	vst v0  }
0x51: {  	[tilespmem:s16+$0xEAE0] =	vst v0  }
0x52: {  	[tilespmem:s16+$0xEAF0] =	vst v0  }
0x53: {  	[tilespmem:s16+$0xEB00] =	vst v0  }
0x54: {  	[tilespmem:s16+$0xEB10] =	vst v0  }
0x55: {  	[tilespmem:s16+$0xEB20] =	vst v0  }
0x56: {  	[tilespmem:s16+$0xEB30] =	vst v0  }
0x57: {  	[tilespmem:s16+$0xEB40] =	vst v0  }
0x58: {  	[tilespmem:s16+$0xEB50] =	vst v0  }
0x59: {  	[tilespmem:s16+$0xF6C0] =	vst v0  }
0x5a: {  	[tilespmem:s16+$0xF6D0] =	vst v0  }
0x5b: {  	[tilespmem:s16+$0xF6E0] =	vst v0  }
0x5c: {  	[tilespmem:s16+$0xF6F0] =	vst v0  }
0x5d: {  	[tilespmem:s16+$0xF700] =	vst v0  }
0x5e: {  	[tilespmem:s16+$0xF710] =	vst v0  }
0x5f: {  	[tilespmem:s16+$0xF720] =	vst v0  }
0x60: {  	[tilespmem:s16+$0xF730] =	vst v0  }
0x61: {  	[tilespmem:s16+$0xF740] =	vst v0  }
0x62: {  	[tilespmem:s16+$0xF750] =	vst v0  }
0x63: {  	[tilespmem:s16+$0xF760] =	vst v0  }
0x64: {  	[tilespmem:s16+$0xF770] =	vst v0  }
0x65: {  	s15 =	simm.s32 $0x0;
	[tilespmem:s16+$0xF780] =	vst v0  }
.LBB2_4:
0x66: {  	s16 =	smul.u32 $0x380, s15  }
0x67: {  	s26 =	sadd.s32 s15, s4  }
0x68: {  	v0 =	vmov s26;
	s26 =	simm.s32 $0x0;
	s16 =	sshra.s32 s16, $0x2  }
0x69: {  	s17 =	sadd.s32 $0x1500, s16;
	s18 =	sadd.s32 $0x2A00, s16;
	s19 =	sadd.s32 $0x3F00, s16  }
0x6a: {  	s20 =	sadd.s32 $0x5400, s16;
	s21 =	sadd.s32 $0x6900, s16;
	s22 =	sadd.s32 $0x7E00, s16  }
0x6b: {  	[tilespmem:$0x1FFE0] =	vst v0;
	s23 =	sadd.s32 $0x9300, s16;
	s24 =	sadd.s32 $0xA800, s16;
	s25 =	sadd.s32 $0xBD00, s16  }
.LBB2_5:
0x6c: {  	v3 =	vadd.s32 s26, v11  }
0x6d: {  	vm0 =	vlt.s32 v3, $0xDF  }
0x6e: {  	v5 =	vnsel vm0, $0xDF, v3;
	_ =	sdelay $0x4  }
0x6f: {  	v4 =	vld.idx.msk [tilespmem:v5+s18+$0x0], $0xffff  }
0x70: {  	v10 =	vld.idx.msk [tilespmem:v5+s16+$0x0], $0xffff  }
0x71: {  	v34 =	vld.idx.msk [tilespmem:v5+s17+$0x0], $0xffff  }
0x72: {  	v6 =	vld.idx.msk [tilespmem:v5+s19+$0x0], $0xffff  }
0x73: {  	v18 =	vld.idx.msk [tilespmem:v5+s20+$0x0], $0xffff  }
0x74: {  	v41 =	vimm.s32 $0x0;
	v36 =	vld.idx.msk [tilespmem:v5+s21+$0x0], $0xffff  }
0x75: {  	v50 =	vimm.s32 $0x0;
	vm0 =	vlt.u32 v3, $0xE0;
	v32 =	vld.idx.msk [tilespmem:v5+s22+$0x0], $0xffff;
	v33 =	vadd.f32 $-4.000000000e+00, v10  }
0x76: {  	v4 =	vtrunc.f32 v4;
	v29 =	vadd.f32 $-4.000000000e+00, v34;
	v7 =	vadd.f32 $-3.000000000e+00, v10  }
0x77: {  	v6 =	vtrunc.f32 v6;
	v2 =	vadd.f32 $-2.000000000e+00, v10;
	v16 =	vadd.f32 $-1.000000000e+00, v10  }
0x78: {  	v0 =	vld [tilespmem:$0x1FFE0];
	v14 =	vadd.f32 $0.0e+00, v10;
	v12 =	vadd.f32 $1.000000000e+00, v10;
	v4 =	vcvt.f32.s32 v4  }
0x79: {  	v9 =	vadd.f32 $2.000000000e+00, v10;
	v6 =	vcvt.f32.s32 v6;
	v19 =	vmul.f32 v18, v33  }
0x7a: {  	v52 =	vadd.f32 $3.000000000e+00, v10;
	v40 =	vmul.f32 v36, v29;
	v30 =	vmul.f32 v32, v29  }
0x7b: {  	v17 =	vadd.f32 $4.000000000e+00, v10;
	v35 =	vmul.f32 v18, v7;
	v22 =	vmul.f32 v18, v2  }
0x7c: {  	v23 =	vmul.f32 v18, v16;
	v15 =	vmul.f32 v18, v14;
	v38 =	vsub.s32 v3, v4  }
0x7d: {  	v60 =	vmul.f32 v18, v9;
	v8 =	vsub.s32 v0, v6;
	v20 =	vadd.s32 $0xFFFFFFFC, v38  }
0x7e: {  	v25 =	vadd.s32 $0xFFFFFFFD, v38;
	v27 =	vadd.s32 $0xFFFFFFFE, v38;
	v37 =	vadd.s32 $0xFFFFFFFF, v38  }
0x7f: {  	v39 =	vadd.s32 $0x1, v38;
	v42 =	vadd.s32 $0x2, v38;
	v44 =	vadd.s32 $0x3, v38  }
0x80: {  	v45 =	vadd.s32 $0x4, v38;
	v31 =	vadd.f32 v40, v19;
	v46 =	vadd.f32 v40, v35  }
0x81: {  	vm11 =	vlt.u32 v38, $0xE0;
	v47 =	vadd.f32 v40, v22;
	v51 =	vadd.f32 v40, v23  }
0x82: {  	v24 =	vadd.s32 $0xFFFFFFFC, v8;
	v59 =	vadd.f32 v40, v15;
	vm1 =	vlt.u32 v20, $0xE0  }
0x83: {  	vm9 =	vlt.u32 v25, $0xE0;
	vm10 =	vlt.u32 v27, $0xE0;
	vm2 =	vlt.u32 v37, $0xE0  }
0x84: {  	vm15 =	vmand vm0, vm11;
	vm12 =	vlt.u32 v39, $0xE0;
	vm13 =	vlt.u32 v42, $0xE0  }
0x85: {  	vm14 =	vlt.u32 v44, $0xE0;
	v55 =	vand.u32 $0xFFFFFFF8, v20;
	v58 =	vand.u32 $0xFFFFFFF8, v25  }
0x86: {  	v1 =	vand.u32 $0xFFFFFFF8, v27;
	vm3 =	vmand vm0, vm1;
	vm6 =	vmand vm0, vm9  }
0x87: {  	v43 =	vmul.f32 v31, v33;
	vm4 =	vmand vm0, vm10;
	vm5 =	vmand vm0, vm2  }
0x88: {  	vm8 =	vmand vm0, vm12;
	v4 =	vmul.f32 v46, v7;
	vm7 =	vmand vm0, vm13  }
0x89: {  	v49 =	vmul.f32 v47, v2;
	vm2 =	vmand vm0, vm14;
	vm9 =	vlt.u32 v45, $0xE0  }
0x8a: {  	v13 =	vmul.f32 v51, v16;
	v31 =	vmul.f32 v18, v52;
	vm1 =	vmmov vm15  }
0x8b: {  	v0 =	vsel vm6, $0xFFFFFFFF, v41;
	v41 =	vmul.f32 v30, v29;
	vm0 =	vmand vm0, vm9  }
0x8c: {  	v30 =	vmul.f32 v18, v12;
	vm9 =	vlt.u32 v24, $0xE;
	v29 =	vmul.u32 $0xE0, v8  }
0x8d: {  	[tilespmem:$0x1FD40] =	vst v0;
	v0 =	vsel vm0, $0xFFFFFFFF, v50;
	vm10 =	vmand vm9, vm3;
	vm13 =	vmand vm9, vm6  }
0x8e: {  	vm12 =	vmand vm9, vm4;
	vm11 =	vmand vm9, vm5;
	v3 =	vadd.f32 v41, v43  }
0x8f: {  	vm14 =	vmand vm15, vm9;
	vm0 =	vmand vm9, vm7;
	v48 =	vadd.f32 v41, v4  }
0x90: {  	v21 =	vmovc v2;
	v4 =	vadd.f32 v41, v49;
	v47 =	vadd.s32 $0xFFFFFC80, v29;
	v3 =	vmul.f32 $1.442695020e+00, v3  }
0x91: {  	[tilespmem:$0x1FED0] =	vst v2;
	v10 =	vadd.f32 v41, v13;
	v2 =	vadd.f32 v40, v30;
	v56 =	vadd.s32 v55, v47  }
0x92: {  	v61 =	vadd.s32 v58, v47;
	(erf) = vpow2.f32 v3;
	v3 =	vmul.f32 $1.442695020e+00, v48  }
0x93: {  	v11 =	vmul.f32 $1.442695020e+00, v4;
	v26 =	vmul.f32 $1.442695020e+00, v10;
	v10 =	vand.u32 $0x7, v20  }
0x94: {  	[tilespmem:$0x1FF10] =	vst v55;
	v20 =	vmul.f32 v59, v14;
	v59 =	vadd.f32 v40, v60;
	(erf) = vpow2.f32 v3  }
0x95: {  	[tilespmem:$0x1FD20] =	vst v10;
	v46 =	vor.u32 v10, v56;
	v10 =	vand.u32 $0x7, v25;
	(erf) = vpow2.f32 v11  }
0x96: {  	[tilespmem:$0x1FE40] =	vst v0;
	v0 =	vmul.f32 v18, v17;
	v51 =	vor.u32 v10, v61;
	v61 =	vmul.f32 v2, v12  }
0x97: {  	[tilespmem:$0x1FDF0] =	vst v1;
	v55 =	vadd.s32 v1, v47;
	v1 =	vadd.f32 $-3.000000000e+00, v34;
	v4 =	vld.idx.msk [tilespmem:v5+s24+$0x0], $0xffff;
	v59 =	vmul.f32 v59, v9  }
0x98: {  	v20 =	vadd.f32 v41, v20;
	v3 =	vld.idx.msk [tilespmem:v5+s23+$0x0], $0xffff;
	v61 =	vadd.f32 v41, v61;
	(erf) = vpow2.f32 v26  }
0x99: {  	[tilespmem:$0x1FF70] =	vst v16;
	v25 =	vand.u32 $0x7, v27;
	v27 =	vand.u32 $0x7, v37;
	v5 =	vld.idx.msk [tilespmem:v5+s25+$0x0], $0xffff;
	v59 =	vadd.f32 v41, v59  }
0x9a: {  	[tilespmem:$0x1FE60] =	vst v14;
	v55 =	vor.u32 v25, v55;
	v20 =	vmul.f32 $1.442695020e+00, v20;
	v61 =	vmul.f32 $1.442695020e+00, v61  }
0x9b: {  	[tilespmem:$0x1FF60] =	vst v22;
	v26 =	vand.u32 $0xFFFFFFF8, v37;
	v24 =	vmul.f32 $1.442695020e+00, v59;
	v37 =	vmul.f32 v32, v1;
	v53 =	vpop (erf)  }
0x9c: {  	[tilespmem:$0x1FEF0] =	vst v23;
	v59 =	vmul.f32 v36, v1;
	(erf) = vpow2.f32 v20;
	v54 =	vmin.f32 v53, $1.000000000e+00  }
0x9d: {  	[tilespmem:$0x1FFD0] =	vst v15;
	v20 =	vadd.s32 v26, v47;
	v1 =	vmul.f32 v37, v1;
	v43 =	vmul.f32 v54, v3;
	v57 =	vpop (erf)  }
0x9e: {  	[tilespmem:$0x1FF80] =	vst v58;
	v48 =	vmul.f32 v54, v4;
	v49 =	vmul.f32 v54, v5;
	v18 =	vmin.f32 v57, $1.000000000e+00;
	v62 =	vpop (erf)  }
0x9f: {  	[tilespmem:$0x1FDD0] =	vst v30;
	v13 =	vmovc v52;
	v50 =	vmul.f32 v18, v3;
	v52 =	vmul.f32 v18, v4;
	v63 =	vmin.f32 v62, $1.000000000e+00  }
0xa0: {  	[tilespmem:$0x1FD30] =	vst v10;
	v2 =	vor.u32 v27, v20;
	v53 =	vmul.f32 v18, v5;
	v54 =	vmul.f32 v63, v3  }
0xa1: {  	v22 =	vadd.f32 v59, v22;
	v57 =	vpop (erf);
	[tilespmem:$0x1FF20] =	vst v12;
	v56 =	vmul.f32 v63, v4;
	v58 =	vmul.f32 v63, v5  }
0xa2: {  	v57 =	vmin.f32 v57, $1.000000000e+00;
	v63 =	vadd.f32 v40, v31;
	(erf) = vpow2.f32 v61  }
0xa3: {  	v40 =	vadd.f32 v40, v0;
	v6 =	vmul.f32 v57, v3;
	v62 =	vmul.f32 v57, v4  }
0xa4: {  	v23 =	vadd.f32 v59, v23;
	v57 =	vmul.f32 v57, v5;
	v63 =	vmul.f32 v63, v13  }
0xa5: {  	v10 =	vmovc v0;
	v11 =	vmovc v17;
	[tilespmem:v46+s10+$0x0] =	vst.idx.add.f32.msk vm10, v43;
	v43 =	vimm.s32 $0x0;
	(erf) = vpow2.f32 v24;
	v40 =	vmul.f32 v40, v17  }
0xa6: {  	v18 =	vmov v19;
	v24 =	vpop (erf);
	[tilespmem:v46+s11+$0x0] =	vst.idx.add.f32.msk vm10, v48;
	v28 =	vadd.f32 v41, v63;
	v63 =	vadd.f32 v59, v19  }
0xa7: {  	v0 =	vmin.f32 v24, $1.000000000e+00;
	v17 =	vadd.f32 v59, v15;
	[tilespmem:v46+s12+$0x0] =	vst.idx.add.f32.msk vm10, v49;
	v40 =	vadd.f32 v41, v40  }
0xa8: {  	[tilespmem:v51+s10+$0x0] =	vst.idx.add.f32.msk vm13, v50;
	v61 =	vmul.f32 $1.442695020e+00, v28;
	v28 =	vadd.f32 v59, v35;
	v20 =	vmul.f32 v63, v33  }
0xa9: {  	v19 =	vmovc v33;
	[tilespmem:v51+s11+$0x0] =	vst.idx.add.f32.msk vm13, v52;
	v52 =	vand.u32 $0xFFFFFFF8, v42;
	v40 =	vmul.f32 $1.442695020e+00, v40;
	v33 =	vmul.f32 v22, v21  }
0xaa: {  	[tilespmem:v51+s12+$0x0] =	vst.idx.add.f32.msk vm13, v53;
	v63 =	vimm.s32 $0x0;
	v21 =	vand.u32 $0x7, v38;
	v41 =	vmul.f32 v28, v7  }
0xab: {  	v24 =	vmovc v7;
	[tilespmem:v55+s10+$0x0] =	vst.idx.add.f32.msk vm12, v54;
	(erf) = vpow2.f32 v61;
	v37 =	vadd.f32 v1, v20;
	v7 =	vsel vm15, $0xFFFFFFFF, v63  }
0xac: {  	[tilespmem:v55+s11+$0x0] =	vst.idx.add.f32.msk vm12, v56;
	v61 =	vmul.f32 v23, v16;
	v63 =	vmul.f32 v17, v14;
	vm15 =	vmand vm9, vm8  }
0xad: {  	v20 =	vand.u32 $0xFFFFFFF8, v39;
	[tilespmem:v55+s12+$0x0] =	vst.idx.add.f32.msk vm12, v58;
	vm12 =	vmand vm9, vm2;
	(erf) = vpow2.f32 v40  }
0xae: {  	[tilespmem:$0x1FD50] =	vst v7;
	v28 =	vadd.f32 v1, v41;
	v7 =	vmul.f32 $1.442695020e+00, v37;
	v41 =	vadd.f32 v1, v33  }
0xaf: {  	v37 =	vand.u32 $0xFFFFFFF8, v38;
	v61 =	vadd.f32 v1, v61;
	v63 =	vadd.f32 v1, v63  }
0xb0: {  	v33 =	vadd.f32 v59, v30;
	v38 =	vand.u32 $0x7, v39;
	v39 =	vand.u32 $0x7, v42  }
0xb1: {  	v42 =	vadd.s32 v52, v47;
	v23 =	vadd.s32 v37, v47;
	v40 =	vmul.f32 $1.442695020e+00, v28  }
0xb2: {  	v53 =	vor.u32 v39, v42;
	(erf) = vpow2.f32 v7;
	v22 =	vmul.f32 $1.442695020e+00, v41  }
0xb3: {  	v61 =	vmul.f32 $1.442695020e+00, v61;
	v41 =	vor.u32 v21, v23;
	v7 =	vsel vm8, $0xFFFFFFFF, v43  }
0xb4: {  	v14 =	vmul.f32 $1.442695020e+00, v63;
	v17 =	vmul.f32 v33, v12;
	v33 =	vadd.s32 $0xFFFFFFFD, v8  }
0xb5: {  	v63 =	vadd.f32 v59, v60;
	v23 =	vadd.f32 v59, v10;
	vm10 =	vlt.u32 v33, $0xE  }
0xb6: {  	[tilespmem:$0x1FDE0] =	vst v9;
	(erf) = vpow2.f32 v40;
	v40 =	vmul.f32 v0, v3;
	v28 =	vpop (erf);
	v17 =	vadd.f32 v1, v17  }
0xb7: {  	v51 =	vmovc v39;
	[tilespmem:$0x1FFB0] =	vst v39;
	v39 =	vmul.f32 v23, v11;
	(erf) = vpow2.f32 v22;
	v15 =	vmin.f32 v28, $1.000000000e+00  }
0xb8: {  	[tilespmem:v2+s10+$0x0] =	vst.idx.add.f32.msk vm11, v6;
	v28 =	vadd.s32 v20, v47;
	v22 =	vand.u32 $0xFFFFFFF8, v44;
	(erf) = vpow2.f32 v61  }
0xb9: {  	[tilespmem:v2+s11+$0x0] =	vst.idx.add.f32.msk vm11, v62;
	v44 =	vand.u32 $0x7, v44;
	v61 =	vmul.f32 v0, v4;
	v0 =	vmul.f32 v0, v5  }
0xba: {  	[tilespmem:$0x1FD80] =	vst v60;
	v58 =	vld [tilespmem:$0x1FE40];
	v30 =	vpop (erf);
	v43 =	vmul.f32 v15, v3;
	v48 =	vor.u32 v38, v28;
	v46 =	vmul.f32 v15, v4  }
0xbb: {  	[tilespmem:v2+s12+$0x0] =	vst.idx.add.f32.msk vm11, v57;
	v15 =	vmul.f32 v15, v5;
	v49 =	vmin.f32 v30, $1.000000000e+00;
	v17 =	vmul.f32 $1.442695020e+00, v17  }
0xbc: {  	v6 =	vld [tilespmem:$0x1FD20];
	[tilespmem:$0x1FD60] =	vst v7;
	v12 =	vadd.s32 v22, v47;
	v50 =	vmul.f32 v49, v3;
	v54 =	vmul.f32 v49, v4  }
0xbd: {  	(erf) = vpow2.f32 v14;
	v56 =	vmul.f32 v49, v5;
	v55 =	vor.u32 v44, v12;
	[tilespmem:v41+s10+$0x0] =	vst.idx.add.f32.msk vm14, v40  }
0xbe: {  	v7 =	vpop (erf);
	(erf) = vpow2.f32 v17;
	v17 =	vmul.f32 v63, v9;
	[tilespmem:v41+s11+$0x0] =	vst.idx.add.f32.msk vm14, v61;
	v63 =	vadd.f32 v59, v31  }
0xbf: {  	v49 =	vmin.f32 v7, $1.000000000e+00;
	v28 =	vpop (erf);
	v9 =	vand.u32 $0xFFFFFFF8, v45;
	v45 =	vand.u32 $0x7, v45;
	[tilespmem:v41+s12+$0x0] =	vst.idx.add.f32.msk vm14, v0  }
0xc0: {  	[tilespmem:$0x1FD90] =	vst v13;
	v30 =	vmovc v60;
	v60 =	vmul.f32 v49, v3;
	v33 =	vmin.f32 v28, $1.000000000e+00;
	v28 =	vmul.f32 v63, v13;
	v63 =	vld [tilespmem:$0x1FF10]  }
0xc1: {  	v7 =	vmovc v13;
	v62 =	vmul.f32 v49, v5;
	v42 =	vadd.s32 v9, v47;
	v14 =	vadd.f32 v1, v17;
	v13 =	vld [tilespmem:$0x1FD30]  }
0xc2: {  	vm6 =	vnez.u8 v58;
	v17 =	vmul.f32 v49, v4;
	v2 =	vor.u32 v45, v42;
	[tilespmem:v48+s10+$0x0] =	vst.idx.add.f32.msk vm15, v43  }
0xc3: {  	vm9 =	vmand vm9, vm6;
	v40 =	vmul.f32 v33, v3;
	v41 =	vmul.f32 v33, v5;
	v16 =	vpop (erf);
	[tilespmem:v48+s11+$0x0] =	vst.idx.add.f32.msk vm15, v46  }
0xc4: {  	[tilespmem:$0x1FDA0] =	vst v11;
	v49 =	vadd.s32 $0xFFFFFD60, v29;
	v0 =	vmin.f32 v16, $1.000000000e+00;
	v42 =	vmovc v11;
	v43 =	vadd.f32 v1, v28;
	v11 =	vld [tilespmem:$0x1FDF0]  }
0xc5: {  	v57 =	vmul.f32 $1.442695020e+00, v14;
	v1 =	vadd.f32 v1, v39;
	v58 =	vmul.f32 v0, v3;
	[tilespmem:v48+s12+$0x0] =	vst.idx.add.f32.msk vm15, v15  }
0xc6: {  	[tilespmem:$0x1FF50] =	vst v10;
	v59 =	vmul.f32 v0, v4;
	v16 =	vpop (erf);
	v0 =	vmul.f32 v0, v5;
	v14 =	vmov v10;
	v10 =	vld [tilespmem:$0x1FD40]  }
0xc7: {  	(erf) = vpow2.f32 v57;
	v57 =	vmul.f32 v33, v4;
	v23 =	vmin.f32 v16, $1.000000000e+00;
	[tilespmem:v53+s10+$0x0] =	vst.idx.add.f32.msk vm0, v50  }
0xc8: {  	v43 =	vmul.f32 $1.442695020e+00, v43;
	v1 =	vmul.f32 $1.442695020e+00, v1;
	v33 =	vadd.s32 v63, v49;
	[tilespmem:v53+s11+$0x0] =	vst.idx.add.f32.msk vm0, v54  }
0xc9: {  	vm13 =	vmand vm10, vm3;
	v50 =	vmul.f32 v23, v3;
	v54 =	vmul.f32 v23, v4;
	[tilespmem:v53+s12+$0x0] =	vst.idx.add.f32.msk vm0, v56  }
0xca: {  	v15 =	vmul.f32 v23, v5;
	v46 =	vor.u32 v6, v33;
	(erf) = vpow2.f32 v43;
	v56 =	vpop (erf);
	[tilespmem:v55+s10+$0x0] =	vst.idx.add.f32.msk vm12, v60  }
0xcb: {  	v43 =	vmin.f32 v56, $1.000000000e+00;
	v16 =	vadd.s32 v11, v49;
	(erf) = vpow2.f32 v1;
	[tilespmem:v55+s11+$0x0] =	vst.idx.add.f32.msk vm12, v17  }
0xcc: {  	[tilespmem:$0x1FF90] =	vst v31;
	v33 =	vmovc v34;
	v34 =	vadd.f32 $-2.000000000e+00, v34;
	v17 =	vmul.f32 v43, v3;
	vm15 =	vnez.u8 v10;
	v10 =	vld [tilespmem:$0x1FF80]  }
0xcd: {  	vm14 =	vmand vm10, vm7;
	v56 =	vmul.f32 v43, v4;
	v43 =	vmul.f32 v43, v5;
	[tilespmem:v55+s12+$0x0] =	vst.idx.add.f32.msk vm12, v62  }
0xce: {  	v39 =	vmov v18;
	v48 =	vmul.f32 v36, v34;
	v12 =	vmul.f32 v32, v34;
	[tilespmem:v2+s10+$0x0] =	vst.idx.add.f32.msk vm9, v40  }
0xcf: {  	v55 =	vor.u32 v25, v16;
	v62 =	vadd.s32 v37, v49;
	vm11 =	vmand vm10, vm15;
	[tilespmem:v2+s11+$0x0] =	vst.idx.add.f32.msk vm9, v57  }
0xd0: {  	v16 =	vld [tilespmem:$0x1FF60];
	v23 =	vadd.f32 v48, v18;
	v47 =	vmul.f32 v12, v34;
	v34 =	vadd.s32 v26, v49;
	v18 =	vmovc v27  }
0xd1: {  	[tilespmem:v2+s12+$0x0] =	vst.idx.add.f32.msk vm9, v41;
	v60 =	vor.u32 v27, v34;
	v27 =	vadd.s32 $0xFFFFFFFE, v8;
	v34 =	vadd.f32 v48, v35  }
0xd2: {  	[tilespmem:v46+s10+$0x0] =	vst.idx.add.f32.msk vm13, v58;
	v28 =	vadd.s32 v10, v49;
	v1 =	vmul.f32 v23, v19;
	v23 =	vimm.s32 $0x0  }
0xd3: {  	[tilespmem:v46+s11+$0x0] =	vst.idx.add.f32.msk vm13, v59;
	v53 =	vor.u32 v13, v28;
	v12 =	vsel vm5, $0xFFFFFFFF, v23;
	v61 =	vmul.f32 v34, v24  }
0xd4: {  	vm15 =	vmand vm10, vm4;
	v31 =	vadd.f32 v48, v31;
	vm9 =	vlt.u32 v27, $0xE;
	[tilespmem:v46+s12+$0x0] =	vst.idx.add.f32.msk vm13, v0  }
0xd5: {  	[tilespmem:$0x1FD70] =	vst v8;
	v8 =	vld [tilespmem:$0x1FF70];
	v0 =	vor.u32 v21, v62;
	v1 =	vadd.f32 v47, v1;
	v28 =	vpop (erf);
	v27 =	vadd.f32 v47, v61  }
0xd6: {  	[tilespmem:$0x1FDB0] =	vst v12;
	v23 =	vmovc v24;
	v24 =	vadd.f32 v48, v16;
	v61 =	vadd.s32 v20, v49;
	v12 =	vmov v21;
	v21 =	vld [tilespmem:$0x1FED0]  }
0xd7: {  	v40 =	vmin.f32 v28, $1.000000000e+00;
	v28 =	vpop (erf);
	v1 =	vmul.f32 $1.442695020e+00, v1;
	v46 =	vmul.f32 $1.442695020e+00, v27;
	v27 =	vld [tilespmem:$0x1FFD0]  }
0xd8: {  	v57 =	vmul.f32 v40, v3;
	v2 =	vmul.f32 v40, v4;
	v41 =	vmin.f32 v28, $1.000000000e+00;
	v28 =	vpop (erf);
	[tilespmem:v53+s10+$0x0] =	vst.idx.add.f32.msk vm11, v50  }
0xd9: {  	[tilespmem:$0x1FE20] =	vst v52;
	v40 =	vmul.f32 v40, v5;
	v59 =	vmul.f32 v41, v3;
	v34 =	vmin.f32 v28, $1.000000000e+00;
	v28 =	vld [tilespmem:$0x1FE60]  }
0xda: {  	vm12 =	vmand vm10, vm5;
	v58 =	vmul.f32 v41, v4;
	v41 =	vmul.f32 v41, v5;
	[tilespmem:v53+s11+$0x0] =	vst.idx.add.f32.msk vm11, v54  }
0xdb: {  	(erf) = vpow2.f32 v1;
	v62 =	vpop (erf);
	v54 =	vor.u32 v38, v61;
	v61 =	vmul.f32 v34, v3;
	[tilespmem:v53+s12+$0x0] =	vst.idx.add.f32.msk vm11, v15  }
0xdc: {  	[tilespmem:$0x1FFC0] =	vst v22;
	v50 =	vmin.f32 v62, $1.000000000e+00;
	v62 =	vadd.s32 v52, v49;
	v1 =	vmul.f32 v24, v21;
	v24 =	vld [tilespmem:$0x1FEF0]  }
0xdd: {  	vm0 =	vmand vm1, vm10;
	v52 =	vadd.s32 v22, v49;
	v22 =	vadd.f32 v48, v30;
	[tilespmem:v55+s10+$0x0] =	vst.idx.add.f32.msk vm15, v17  }
0xde: {  	vm1 =	vmmov vm2;
	v49 =	vadd.s32 v9, v49;
	v15 =	vmul.f32 v34, v4;
	[tilespmem:v55+s11+$0x0] =	vst.idx.add.f32.msk vm15, v56  }
0xdf: {  	vm13 =	vmand vm10, vm8;
	v53 =	vmul.f32 v50, v3;
	v17 =	vmul.f32 v34, v5;
	[tilespmem:v55+s12+$0x0] =	vst.idx.add.f32.msk vm15, v43  }
0xe0: {  	(erf) = vpow2.f32 v46;
	v34 =	vadd.f32 v48, v27;
	v43 =	vor.u32 v51, v62;
	v51 =	vpop (erf);
	[tilespmem:v60+s10+$0x0] =	vst.idx.add.f32.msk vm12, v57  }
0xe1: {  	v1 =	vadd.f32 v47, v1;
	v55 =	vmul.f32 v50, v4;
	v56 =	vmin.f32 v51, $1.000000000e+00;
	v51 =	vmovc v9;
	v9 =	vld [tilespmem:$0x1FDE0]  }
0xe2: {  	vm8 =	vmmov vm6;
	v50 =	vmul.f32 v50, v5;
	v34 =	vmul.f32 v34, v28;
	[tilespmem:v60+s11+$0x0] =	vst.idx.add.f32.msk vm12, v2  }
0xe3: {  	vm11 =	vmand vm10, vm2;
	v1 =	vmul.f32 $1.442695020e+00, v1;
	v2 =	vmul.f32 v56, v3;
	[tilespmem:v60+s12+$0x0] =	vst.idx.add.f32.msk vm12, v40  }
0xe4: {  	vm15 =	vmand vm9, vm5;
	v46 =	vadd.f32 v48, v24;
	v40 =	vor.u32 v44, v52;
	[tilespmem:v0+s10+$0x0] =	vst.idx.add.f32.msk vm0, v59  }
0xe5: {  	v60 =	vpop (erf);
	vm12 =	vmand vm10, vm6;
	(erf) = vpow2.f32 v1;
	v1 =	vadd.f32 v47, v34;
	v34 =	vld [tilespmem:$0x1FDD0]  }
0xe6: {  	v57 =	vmin.f32 v60, $1.000000000e+00;
	v59 =	vor.u32 v45, v49;
	v49 =	vadd.s32 $0xFFFFFE40, v29;
	[tilespmem:v0+s11+$0x0] =	vst.idx.add.f32.msk vm0, v58  }
0xe7: {  	v46 =	vmul.f32 v46, v8;
	v8 =	vimm.s32 $0x0;
	v60 =	vmul.f32 v57, v3;
	v58 =	vld [tilespmem:$0x1FD40]  }
0xe8: {  	v52 =	vpop (erf);
	v8 =	vsel vm2, $0xFFFFFFFF, v8;
	v1 =	vmul.f32 $1.442695020e+00, v1;
	v30 =	vmul.f32 v22, v9;
	[tilespmem:v0+s12+$0x0] =	vst.idx.add.f32.msk vm0, v41  }
0xe9: {  	v0 =	vmul.f32 v57, v5;
	v41 =	vmin.f32 v52, $1.000000000e+00;
	v46 =	vadd.f32 v47, v46;
	[tilespmem:$0x1FEE0] =	vst v8;
	v8 =	vld [tilespmem:$0x1FF20]  }
0xea: {  	vm0 =	vmand vm9, vm3;
	[tilespmem:v54+s10+$0x0] =	vst.idx.add.f32.msk vm13, v61;
	v61 =	vimm.s32 $0x0;
	v30 =	vadd.f32 v47, v30  }
0xeb: {  	v52 =	vadd.s32 v63, v49;
	v22 =	vsel vm3, $0xFFFFFFFF, v61;
	[tilespmem:v54+s11+$0x0] =	vst.idx.add.f32.msk vm13, v15;
	v46 =	vmul.f32 $1.442695020e+00, v46  }
0xec: {  	v15 =	vmul.f32 v41, v3;
	v62 =	vadd.f32 v48, v34;
	[tilespmem:v54+s12+$0x0] =	vst.idx.add.f32.msk vm13, v17;
	v61 =	vmul.f32 $1.442695020e+00, v30  }
0xed: {  	v48 =	vadd.f32 v48, v14;
	[tilespmem:v43+s10+$0x0] =	vst.idx.add.f32.msk vm14, v53;
	v53 =	vmul.f32 v31, v7;
	(erf) = vpow2.f32 v46  }
0xee: {  	[tilespmem:$0x1FE80] =	vst v36;
	v17 =	vor.u32 v6, v52;
	v46 =	vmul.f32 v56, v4;
	v56 =	vmul.f32 v56, v5  }
0xef: {  	[tilespmem:$0x1FDC0] =	vst v22;
	vm13 =	vmand vm9, vm7;
	v48 =	vmul.f32 v48, v42;
	(erf) = vpow2.f32 v1  }
0xf0: {  	v52 =	vmovc v11;
	v7 =	vadd.s32 v11, v49;
	v11 =	vld [tilespmem:$0x1FD50];
	v1 =	vmul.f32 v62, v8;
	v62 =	vmul.f32 v57, v4  }
0xf1: {  	v31 =	vadd.f32 $-1.000000000e+00, v33;
	[tilespmem:v43+s11+$0x0] =	vst.idx.add.f32.msk vm14, v55;
	v57 =	vmul.f32 v41, v4;
	v41 =	vmul.f32 v41, v5;
	v30 =	vpop (erf)  }
0xf2: {  	vm6 =	vnez.u8 v58;
	[tilespmem:v43+s12+$0x0] =	vst.idx.add.f32.msk vm14, v50;
	v53 =	vadd.f32 v47, v53;
	v14 =	vpop (erf);
	v1 =	vadd.f32 v47, v1  }
0xf3: {  	[tilespmem:v40+s10+$0x0] =	vst.idx.add.f32.msk vm11, v2;
	v22 =	vmin.f32 v14, $1.000000000e+00;
	v47 =	vadd.f32 v47, v48;
	v48 =	vmul.f32 v36, v31  }
0xf4: {  	vm10 =	vmand vm9, vm6;
	[tilespmem:v40+s11+$0x0] =	vst.idx.add.f32.msk vm11, v46;
	v2 =	vmul.f32 v22, v3;
	v58 =	vmul.f32 v22, v4  }
0xf5: {  	v54 =	vmul.f32 v22, v5;
	[tilespmem:v40+s12+$0x0] =	vst.idx.add.f32.msk vm11, v56;
	v40 =	vor.u32 v25, v7;
	v1 =	vmul.f32 $1.442695020e+00, v1  }
0xf6: {  	[tilespmem:$0x1FEA0] =	vst v35;
	v7 =	vmovc v25;
	v22 =	vmul.f32 v32, v31;
	vm2 =	vnez.u8 v11;
	v11 =	vld [tilespmem:$0x1FD60];
	v25 =	vadd.f32 v48, v39  }
0xf7: {  	vm14 =	vmand vm9, vm4;
	[tilespmem:v59+s10+$0x0] =	vst.idx.add.f32.msk vm12, v60;
	v47 =	vmul.f32 $1.442695020e+00, v47;
	(erf) = vpow2.f32 v1  }
0xf8: {  	[tilespmem:v59+s11+$0x0] =	vst.idx.add.f32.msk vm12, v62;
	v1 =	vmin.f32 v30, $1.000000000e+00;
	v30 =	vmul.f32 $1.442695020e+00, v53;
	v25 =	vmul.f32 v25, v19  }
0xf9: {  	[tilespmem:v59+s12+$0x0] =	vst.idx.add.f32.msk vm12, v0;
	(erf) = vpow2.f32 v61;
	v61 =	vadd.s32 v10, v49;
	v43 =	vmul.f32 v1, v3;
	v14 =	vpop (erf)  }
0xfa: {  	[tilespmem:v17+s10+$0x0] =	vst.idx.add.f32.msk vm0, v15;
	v50 =	vor.u32 v13, v61;
	(erf) = vpow2.f32 v30;
	v46 =	vmin.f32 v14, $1.000000000e+00  }
0xfb: {  	[tilespmem:v17+s11+$0x0] =	vst.idx.add.f32.msk vm0, v57;
	(erf) = vpow2.f32 v47;
	v14 =	vadd.s32 v26, v49;
	v47 =	vmul.f32 v22, v31  }
0xfc: {  	v36 =	vmov v26;
	v26 =	vadd.f32 v48, v35;
	v35 =	vadd.s32 v37, v49;
	[tilespmem:v17+s12+$0x0] =	vst.idx.add.f32.msk vm0, v41  }
0xfd: {  	v55 =	vmul.f32 v1, v4;
	v17 =	vor.u32 v12, v35;
	v35 =	vadd.f32 v48, v16;
	v16 =	vld [tilespmem:$0x1FE20]  }
0xfe: {  	[tilespmem:$0x1FE10] =	vst v38;
	v1 =	vmul.f32 v1, v5;
	v60 =	vmul.f32 v46, v3;
	v56 =	vadd.f32 v47, v25;
	v25 =	vld [tilespmem:$0x1FFB0]  }
0xff: {  	vm11 =	vmand vm2, vm9;
	v22 =	vpop (erf);
	v0 =	vor.u32 v18, v14;
	v30 =	vmul.f32 v26, v23;
	[tilespmem:v50+s10+$0x0] =	vst.idx.add.f32.msk vm10, v43  }
0x100: {  	v15 =	vmul.f32 v46, v4;
	v46 =	vmul.f32 v46, v5;
	v53 =	vmin.f32 v22, $1.000000000e+00;
	[tilespmem:v50+s11+$0x0] =	vst.idx.add.f32.msk vm10, v55  }
0x101: {  	v42 =	vmovc v39;
	v22 =	vmovc v23;
	v39 =	vmul.f32 $1.442695020e+00, v56;
	v14 =	vadd.f32 v47, v30;
	v55 =	vmul.f32 v35, v21;
	v35 =	vld [tilespmem:$0x1FD70]  }
0x102: {  	v23 =	vmov v12;
	v26 =	vmov v20;
	v30 =	vadd.s32 v20, v49;
	v61 =	vpop (erf);
	[tilespmem:v50+s12+$0x0] =	vst.idx.add.f32.msk vm10, v1  }
0x103: {  	v20 =	vmovc v38;
	v50 =	vor.u32 v38, v30;
	v38 =	vmul.f32 $1.442695020e+00, v14;
	v12 =	vmin.f32 v61, $1.000000000e+00;
	[tilespmem:v40+s10+$0x0] =	vst.idx.add.f32.msk vm14, v2  }
0x104: {  	vm5 =	vnez.u8 v11;
	(erf) = vpow2.f32 v39;
	v1 =	vmul.f32 v12, v3;
	[tilespmem:v40+s11+$0x0] =	vst.idx.add.f32.msk vm14, v58  }
0x105: {  	[tilespmem:$0x1FE00] =	vst v19;
	v31 =	vmov v19;
	v39 =	vpop (erf);
	v56 =	vmul.f32 v12, v4;
	(erf) = vpow2.f32 v38;
	v38 =	vld [tilespmem:$0x1FFC0]  }
0x106: {  	vm12 =	vmand vm9, vm5;
	v43 =	vmul.f32 v12, v5;
	v12 =	vadd.s32 v16, v49;
	[tilespmem:v40+s12+$0x0] =	vst.idx.add.f32.msk vm14, v54  }
0x107: {  	v19 =	vmovc v21;
	v59 =	vmul.f32 v53, v3;
	v62 =	vmul.f32 v53, v4;
	v40 =	vor.u32 v25, v12;
	v12 =	vld [tilespmem:$0x1FF70]  }
0x108: {  	v41 =	vmul.f32 v53, v5;
	v14 =	vadd.f32 v47, v55;
	v61 =	vmin.f32 v39, $1.000000000e+00;
	[tilespmem:v0+s10+$0x0] =	vst.idx.add.f32.msk vm15, v60  }
0x109: {  	vm0 =	vmand vm9, vm1;
	v57 =	vmul.f32 v61, v3;
	v54 =	vmul.f32 v61, v4;
	[tilespmem:v0+s11+$0x0] =	vst.idx.add.f32.msk vm15, v15  }
0x10a: {  	v21 =	vpop (erf);
	v2 =	vmul.f32 v61, v5;
	v39 =	vadd.s32 $0xFFFFFFFF, v35;
	v61 =	vadd.f32 v48, v24;
	[tilespmem:v0+s12+$0x0] =	vst.idx.add.f32.msk vm15, v46  }
0x10b: {  	v55 =	vmin.f32 v21, $1.000000000e+00;
	v21 =	vadd.f32 v48, v27;
	v30 =	vadd.s32 v38, v49;
	[tilespmem:v17+s10+$0x0] =	vst.idx.add.f32.msk vm11, v59  }
0x10c: {  	vm10 =	vlt.u32 v39, $0xE;
	v49 =	vadd.s32 v51, v49;
	v0 =	vmul.f32 v61, v12;
	[tilespmem:v17+s11+$0x0] =	vst.idx.add.f32.msk vm11, v62  }
0x10d: {  	v39 =	vmov v45;
	v49 =	vor.u32 v45, v49;
	v45 =	vadd.f32 v48, v34;
	[tilespmem:v17+s12+$0x0] =	vst.idx.add.f32.msk vm11, v41  }
0x10e: {  	v53 =	vmul.f32 $1.442695020e+00, v14;
	v24 =	vpop (erf);
	v15 =	vmul.f32 v55, v3;
	v0 =	vadd.f32 v47, v0;
	[tilespmem:v50+s10+$0x0] =	vst.idx.add.f32.msk vm12, v1  }
0x10f: {  	v14 =	vmov v8;
	v58 =	vor.u32 v44, v30;
	v27 =	vpop (erf);
	v30 =	vmul.f32 v45, v8;
	v8 =	vld [tilespmem:$0x1FD80]  }
0x110: {  	(erf) = vpow2.f32 v53;
	v41 =	vmin.f32 v27, $1.000000000e+00;
	v27 =	vld [tilespmem:$0x1FF90];
	v0 =	vmul.f32 $1.442695020e+00, v0  }
0x111: {  	v53 =	vmul.f32 v55, v4;
	v46 =	vmul.f32 v21, v28;
	[tilespmem:v50+s11+$0x0] =	vst.idx.add.f32.msk vm12, v56  }
0x112: {  	v55 =	vmul.f32 v55, v5;
	v59 =	vmin.f32 v24, $1.000000000e+00;
	[tilespmem:v50+s12+$0x0] =	vst.idx.add.f32.msk vm12, v43;
	(erf) = vpow2.f32 v0  }
0x113: {  	vm1 =	vmand vm9, vm8;
	v46 =	vadd.f32 v47, v46;
	v60 =	vmul.f32 v59, v3;
	[tilespmem:v40+s10+$0x0] =	vst.idx.add.f32.msk vm13, v57  }
0x114: {  	vm9 =	vmand vm10, vm3;
	v61 =	vmul.f32 v59, v4;
	v17 =	vmul.f32 v59, v5;
	[tilespmem:v40+s11+$0x0] =	vst.idx.add.f32.msk vm13, v54  }
0x115: {  	v43 =	vadd.s32 $0xFFFFFF20, v29;
	v21 =	vadd.f32 v47, v30;
	v62 =	vadd.f32 v48, v8;
	[tilespmem:v40+s12+$0x0] =	vst.idx.add.f32.msk vm13, v2  }
0x116: {  	v59 =	vmul.f32 $1.442695020e+00, v46;
	v50 =	vmul.f32 v41, v4;
	v45 =	vpop (erf);
	v34 =	vadd.s32 v63, v43;
	[tilespmem:v58+s10+$0x0] =	vst.idx.add.f32.msk vm0, v15  }
0x117: {  	v11 =	vmovc v28;
	v57 =	vmin.f32 v45, $1.000000000e+00;
	v45 =	vadd.s32 v52, v43;
	v46 =	vmul.f32 v62, v9;
	v62 =	vld [tilespmem:$0x1FD90]  }
0x118: {  	v28 =	vmovc v13;
	v52 =	vmov v7;
	v30 =	vor.u32 v6, v34;
	v1 =	vmul.f32 $1.442695020e+00, v21;
	[tilespmem:v58+s11+$0x0] =	vst.idx.add.f32.msk vm0, v53  }
0x119: {  	v54 =	vmul.f32 v57, v5;
	v9 =	vmov v6;
	v6 =	vadd.s32 v10, v43;
	[tilespmem:v58+s12+$0x0] =	vst.idx.add.f32.msk vm0, v55  }
0x11a: {  	v56 =	vor.u32 v7, v45;
	v2 =	vmul.f32 v57, v3;
	v21 =	vpop (erf);
	v15 =	vor.u32 v13, v6;
	v6 =	vld [tilespmem:$0x1FF50]  }
0x11b: {  	[tilespmem:$0x1FE70] =	vst v33;
	v40 =	vmul.f32 v57, v4;
	v57 =	vadd.f32 $0.0e+00, v33;
	v13 =	vmov v33;
	v33 =	vld [tilespmem:$0x1FE80];
	v7 =	vpop (erf)  }
0x11c: {  	(erf) = vpow2.f32 v59;
	v46 =	vadd.f32 v47, v46;
	v58 =	vmin.f32 v7, $1.000000000e+00;
	v7 =	vld [tilespmem:$0x1FDA0]  }
0x11d: {  	v0 =	vmul.f32 v41, v3;
	v59 =	vadd.f32 v48, v27;
	(erf) = vpow2.f32 v1  }
0x11e: {  	v24 =	vmovc v63;
	v63 =	vmov v10;
	v41 =	vmul.f32 v41, v5;
	v10 =	vld [tilespmem:$0x1FDB0];
	v46 =	vmul.f32 $1.442695020e+00, v46  }
0x11f: {  	vm11 =	vmand vm10, vm6;
	[tilespmem:v49+s10+$0x0] =	vst.idx.add.f32.msk vm1, v60;
	v1 =	vmul.f32 v59, v62;
	v48 =	vadd.f32 v48, v6  }
0x120: {  	v34 =	vmin.f32 v21, $1.000000000e+00;
	v45 =	vmul.f32 v32, v57;
	[tilespmem:v49+s11+$0x0] =	vst.idx.add.f32.msk vm1, v61;
	(erf) = vpow2.f32 v46  }
0x121: {  	v1 =	vadd.f32 v47, v1;
	v21 =	vmul.f32 v48, v7;
	v48 =	vmul.f32 v33, v57  }
0x122: {  	v55 =	vmul.f32 v34, v4;
	v53 =	vmul.f32 v34, v5;
	[tilespmem:v49+s12+$0x0] =	vst.idx.add.f32.msk vm1, v17  }
0x123: {  	v61 =	vadd.s32 v36, v43;
	[tilespmem:v30+s10+$0x0] =	vst.idx.add.f32.msk vm9, v0;
	v1 =	vmul.f32 $1.442695020e+00, v1;
	v60 =	vadd.f32 v48, v42  }
0x124: {  	vm12 =	vmand vm10, vm4;
	vm1 =	vnez.u8 v10;
	v10 =	vmovc v36;
	v46 =	vmul.f32 v34, v3;
	[tilespmem:v30+s11+$0x0] =	vst.idx.add.f32.msk vm9, v50  }
0x125: {  	[tilespmem:v30+s12+$0x0] =	vst.idx.add.f32.msk vm9, v41;
	(erf) = vpow2.f32 v1;
	v0 =	vadd.f32 v47, v21;
	v1 =	vmul.f32 v60, v31;
	v31 =	vpop (erf)  }
0x126: {  	v36 =	vld [tilespmem:$0x1FEA0];
	v47 =	vmul.f32 v45, v57;
	v57 =	vor.u32 v18, v61;
	v45 =	vadd.s32 v37, v43;
	v61 =	vpop (erf)  }
0x127: {  	[tilespmem:v15+s10+$0x0] =	vst.idx.add.f32.msk vm11, v2;
	v30 =	vor.u32 v23, v45;
	v34 =	vmin.f32 v31, $1.000000000e+00;
	v31 =	vmovc v23;
	v23 =	vmin.f32 v61, $1.000000000e+00  }
0x128: {  	[tilespmem:v15+s11+$0x0] =	vst.idx.add.f32.msk vm11, v40  }
0x129: {  	[tilespmem:v15+s12+$0x0] =	vst.idx.add.f32.msk vm11, v54;
	v50 =	vmul.f32 v23, v3  }
0x12a: {  	[tilespmem:v56+s10+$0x0] =	vst.idx.add.f32.msk vm12, v46;
	v41 =	vmul.f32 v23, v4;
	v2 =	vmul.f32 v23, v5;
	v23 =	vpop (erf)  }
0x12b: {  	vm13 =	vmand vm10, vm1;
	v46 =	vmin.f32 v23, $1.000000000e+00;
	v23 =	vld [tilespmem:$0x1FF60]  }
0x12c: {  	v0 =	vmul.f32 $1.442695020e+00, v0  }
0x12d: {  	vm15 =	vmand vm2, vm10;
	vm3 =	vmmov vm2;
	v17 =	vmul.f32 v58, v3  }
0x12e: {  	[tilespmem:$0x1FEB0] =	vst v22;
	v45 =	vadd.f32 v48, v36;
	v1 =	vadd.f32 v47, v1;
	(erf) = vpow2.f32 v0  }
0x12f: {  	vm14 =	vmand vm10, vm5;
	v49 =	vmul.f32 v58, v4;
	[tilespmem:v56+s11+$0x0] =	vst.idx.add.f32.msk vm12, v55;
	v60 =	vadd.s32 v26, v43  }
0x130: {  	[tilespmem:v56+s12+$0x0] =	vst.idx.add.f32.msk vm12, v53;
	v61 =	vmul.f32 v45, v22;
	v1 =	vmul.f32 $1.442695020e+00, v1;
	v54 =	vadd.f32 v48, v23  }
0x131: {  	v58 =	vmul.f32 v58, v5;
	v21 =	vmovc v42;
	v42 =	vimm.s32 $0x0;
	v15 =	vor.u32 v20, v60;
	[tilespmem:v57+s10+$0x0] =	vst.idx.add.f32.msk vm13, v17  }
0x132: {  	[tilespmem:v57+s11+$0x0] =	vst.idx.add.f32.msk vm13, v49;
	(erf) = vpow2.f32 v1;
	v1 =	vadd.f32 v47, v61;
	v54 =	vmul.f32 v54, v19  }
0x133: {  	v20 =	vsel vm7, $0xFFFFFFFF, v42;
	v59 =	vmul.f32 v34, v3;
	v45 =	vadd.s32 v16, v43;
	[tilespmem:v57+s12+$0x0] =	vst.idx.add.f32.msk vm13, v58  }
0x134: {  	v53 =	vor.u32 v25, v45;
	v42 =	vmovc v25;
	v25 =	vmovc v19;
	v61 =	vld [tilespmem:$0x1FEE0];
	v1 =	vmul.f32 $1.442695020e+00, v1;
	v19 =	vadd.f32 v47, v54  }
0x135: {  	vm2 =	vmmov vm5;
	vm5 =	vmmov vm7;
	v0 =	vmul.f32 v34, v4;
	[tilespmem:v30+s10+$0x0] =	vst.idx.add.f32.msk vm15, v59  }
0x136: {  	[tilespmem:$0x1FFA0] =	vst v26;
	vm9 =	vlt.u32 v35, $0xE;
	v60 =	vpop (erf);
	(erf) = vpow2.f32 v1;
	v1 =	vmul.f32 $1.442695020e+00, v19;
	v19 =	vld [tilespmem:$0x1FEF0]  }
0x137: {  	v40 =	vmul.f32 v34, v5;
	v34 =	vmov v26;
	v26 =	vmov v22;
	[tilespmem:v30+s11+$0x0] =	vst.idx.add.f32.msk vm15, v0;
	v22 =	vpop (erf)  }
0x138: {  	vm11 =	vmand vm10, vm7;
	[tilespmem:$0x1FEC0] =	vst v20;
	v20 =	vadd.s32 v38, v43;
	v57 =	vmin.f32 v22, $1.000000000e+00;
	v22 =	vld [tilespmem:$0x1FFD0]  }
0x139: {  	v45 =	vmov v38;
	v59 =	vadd.s32 v51, v43;
	v55 =	vmul.f32 v46, v3;
	[tilespmem:v30+s12+$0x0] =	vst.idx.add.f32.msk vm15, v40  }
0x13a: {  	v17 =	vmul.f32 v46, v4;
	v46 =	vmul.f32 v46, v5;
	v56 =	vmin.f32 v60, $1.000000000e+00;
	[tilespmem:v15+s10+$0x0] =	vst.idx.add.f32.msk vm14, v50  }
0x13b: {  	v49 =	vmul.f32 v56, v3;
	[tilespmem:v15+s11+$0x0] =	vst.idx.add.f32.msk vm14, v41;
	vm7 =	vnez.u8 v61;
	v38 =	vadd.f32 v48, v19  }
0x13c: {  	v60 =	vmul.f32 v56, v4;
	[tilespmem:v15+s12+$0x0] =	vst.idx.add.f32.msk vm14, v2;
	vm0 =	vmand vm10, vm7;
	v0 =	vmul.f32 v57, v3  }
0x13d: {  	[tilespmem:$0x1FE30] =	vst v44;
	v30 =	vmul.f32 v57, v4;
	v61 =	vmul.f32 v38, v12;
	v12 =	vadd.f32 v48, v22  }
0x13e: {  	v40 =	vmul.f32 v57, v5;
	v54 =	vor.u32 v44, v20;
	v20 =	vmovc v35;
	v35 =	vadd.s32 v24, v29  }
0x13f: {  	[tilespmem:v53+s10+$0x0] =	vst.idx.add.f32.msk vm11, v55;
	v16 =	vpop (erf);
	v58 =	vor.u32 v9, v35;
	(erf) = vpow2.f32 v1;
	v57 =	vmul.f32 v12, v11  }
0x140: {  	[tilespmem:v53+s11+$0x0] =	vst.idx.add.f32.msk vm11, v17;
	v1 =	vor.u32 v39, v59;
	v38 =	vmin.f32 v16, $1.000000000e+00;
	v43 =	vadd.f32 v47, v61  }
0x141: {  	v44 =	vmovc v39;
	v39 =	vmovc v24;
	v2 =	vmul.f32 v38, v4;
	v12 =	vmov v9;
	v24 =	vadd.f32 v47, v57;
	v9 =	vld [tilespmem:$0x1FDD0]  }
0x142: {  	vm13 =	vmand vm10, vm8;
	v15 =	vmul.f32 v38, v5;
	v11 =	vld [tilespmem:$0x1FDC0];
	v61 =	vmul.f32 $1.442695020e+00, v43  }
0x143: {  	[tilespmem:v53+s12+$0x0] =	vst.idx.add.f32.msk vm11, v46;
	v57 =	vmul.f32 v38, v3;
	v38 =	vmul.f32 $1.442695020e+00, v24  }
0x144: {  	v56 =	vmul.f32 v56, v5;
	v35 =	vpop (erf);
	v59 =	vadd.s32 v63, v29;
	[tilespmem:v54+s10+$0x0] =	vst.idx.add.f32.msk vm0, v49;
	(erf) = vpow2.f32 v61  }
0x145: {  	[tilespmem:$0x1FE50] =	vst v51;
	v50 =	vmin.f32 v35, $1.000000000e+00;
	v17 =	vor.u32 v28, v59;
	(erf) = vpow2.f32 v38;
	v38 =	vld [tilespmem:$0x1FDE0]  }
0x146: {  	v35 =	vmov v63;
	v46 =	vmul.f32 v50, v3;
	[tilespmem:v54+s11+$0x0] =	vst.idx.add.f32.msk vm0, v60;
	v51 =	vadd.f32 v48, v9  }
0x147: {  	v55 =	vmul.f32 v50, v4;
	v49 =	vmul.f32 v50, v5;
	[tilespmem:v54+s12+$0x0] =	vst.idx.add.f32.msk vm0, v56;
	vm15 =	vnez.u8 v11  }
0x148: {  	[tilespmem:v1+s10+$0x0] =	vst.idx.add.f32.msk vm13, v0;
	v61 =	vadd.f32 v48, v8;
	vm10 =	vmand vm9, vm15;
	v24 =	vpop (erf);
	v63 =	vmul.f32 v51, v14  }
0x149: {  	vm14 =	vmand vm9, vm6;
	[tilespmem:v1+s11+$0x0] =	vst.idx.add.f32.msk vm13, v30;
	v11 =	vmovc v14;
	v14 =	vadd.f32 v48, v27;
	v27 =	vmin.f32 v24, $1.000000000e+00  }
0x14a: {  	v59 =	vmul.f32 v27, v3;
	v16 =	vmul.f32 v61, v38;
	v41 =	vadd.f32 v47, v63  }
0x14b: {  	[tilespmem:v1+s12+$0x0] =	vst.idx.add.f32.msk vm13, v40;
	v24 =	vadd.f32 $1.000000000e+00, v13;
	v50 =	vmul.f32 v27, v5;
	v43 =	vmul.f32 v14, v62  }
0x14c: {  	v14 =	vadd.f32 v48, v6;
	v41 =	vmul.f32 $1.442695020e+00, v41;
	v53 =	vadd.f32 v47, v16;
	v16 =	vld [tilespmem:$0x1FDF0]  }
0x14d: {  	v13 =	vld [tilespmem:$0x1FE00];
	v61 =	vmul.f32 v27, v4;
	v48 =	vmul.f32 v33, v24  }
0x14e: {  	[tilespmem:v58+s10+$0x0] =	vst.idx.add.f32.msk vm10, v57;
	v43 =	vadd.f32 v47, v43;
	v27 =	vmul.f32 v14, v7;
	(erf) = vpow2.f32 v41  }
0x14f: {  	vm12 =	vmand vm9, vm4;
	v56 =	vpop (erf);
	[tilespmem:v58+s11+$0x0] =	vst.idx.add.f32.msk vm10, v2;
	v33 =	vadd.f32 v48, v36;
	v36 =	vadd.s32 v34, v29  }
0x150: {  	[tilespmem:$0x1FF30] =	vst v52;
	v34 =	vadd.f32 v48, v19;
	v19 =	vld [tilespmem:$0x1FE40];
	v0 =	vmin.f32 v56, $1.000000000e+00;
	v56 =	vmul.f32 v32, v24  }
0x151: {  	v63 =	vmovc v52;
	[tilespmem:v58+s12+$0x0] =	vst.idx.add.f32.msk vm10, v15;
	v53 =	vmul.f32 $1.442695020e+00, v53;
	v60 =	vmul.f32 $1.442695020e+00, v43;
	v51 =	vadd.s32 v16, v29  }
0x152: {  	[tilespmem:v17+s10+$0x0] =	vst.idx.add.f32.msk vm14, v46;
	v54 =	vor.u32 v52, v51;
	v52 =	vmov v6;
	v6 =	vadd.f32 v48, v21  }
0x153: {  	vm0 =	vmand vm9, vm1;
	v1 =	vadd.f32 v47, v27;
	v47 =	vmul.f32 v56, v24;
	[tilespmem:v17+s11+$0x0] =	vst.idx.add.f32.msk vm14, v55  }
0x154: {  	(erf) = vpow2.f32 v53;
	v53 =	vadd.s32 v10, v29;
	[tilespmem:v17+s12+$0x0] =	vst.idx.add.f32.msk vm14, v49;
	v41 =	vmul.f32 v6, v13  }
0x155: {  	v1 =	vmul.f32 $1.442695020e+00, v1;
	(erf) = vpow2.f32 v60;
	v40 =	vor.u32 v18, v53;
	v60 =	vpop (erf);
	v6 =	vld [tilespmem:$0x1FE20]  }
0x156: {  	v27 =	vadd.f32 v47, v41;
	v41 =	vmul.f32 v33, v26;
	v26 =	vadd.f32 v48, v23;
	v33 =	vmovc v23;
	v23 =	vld [tilespmem:$0x1FE30]  }
0x157: {  	v24 =	vpop (erf);
	[tilespmem:v54+s10+$0x0] =	vst.idx.add.f32.msk vm12, v59  }
0x158: {  	v43 =	vmul.f32 v0, v3;
	(erf) = vpow2.f32 v1;
	v1 =	vmin.f32 v24, $1.000000000e+00;
	v24 =	vld [tilespmem:$0x1FE10]  }
0x159: {  	v53 =	vmul.f32 v0, v4;
	v0 =	vmul.f32 v0, v5;
	[tilespmem:v54+s11+$0x0] =	vst.idx.add.f32.msk vm12, v61  }
0x15a: {  	vm13 =	vmand vm9, vm3;
	v30 =	vmin.f32 v60, $1.000000000e+00;
	v51 =	vmovc v7;
	v7 =	vadd.s32 v37, v29;
	[tilespmem:v54+s12+$0x0] =	vst.idx.add.f32.msk vm12, v50  }
0x15b: {  	v2 =	vor.u32 v31, v7;
	v15 =	vmul.f32 $1.442695020e+00, v27;
	v27 =	vadd.s32 v6, v29;
	[tilespmem:v40+s10+$0x0] =	vst.idx.add.f32.msk vm0, v43  }
0x15c: {  	v56 =	vmul.f32 v30, v3;
	v57 =	vmul.f32 v30, v4;
	v59 =	vor.u32 v42, v27;
	v27 =	vld [tilespmem:$0x1FE50]  }
0x15d: {  	vm10 =	vmand vm9, vm2;
	v30 =	vmul.f32 v30, v5;
	v60 =	vadd.f32 v47, v41;
	[tilespmem:v40+s11+$0x0] =	vst.idx.add.f32.msk vm0, v53  }
0x15e: {  	vm11 =	vmand vm9, vm5;
	v41 =	vmul.f32 v26, v25;
	[tilespmem:v40+s12+$0x0] =	vst.idx.add.f32.msk vm0, v0;
	v46 =	vor.u32 v24, v36  }
0x15f: {  	[tilespmem:$0x1FE90] =	vst v32;
	v26 =	vadd.s32 $0x1, v20;
	v55 =	vmul.f32 v1, v3;
	v58 =	vmul.f32 v1, v4;
	v36 =	vld [tilespmem:$0x1FF70]  }
0x160: {  	v49 =	vpop (erf);
	v1 =	vmul.f32 v1, v5;
	vm12 =	vmand vm9, vm7;
	v54 =	vadd.s32 v45, v29;
	[tilespmem:v2+s10+$0x0] =	vst.idx.add.f32.msk vm13, v56  }
0x161: {  	vm7 =	vnez.u8 v19;
	(erf) = vpow2.f32 v15;
	v15 =	vmin.f32 v49, $1.000000000e+00;
	[tilespmem:v2+s11+$0x0] =	vst.idx.add.f32.msk vm13, v57  }
0x162: {  	v17 =	vmul.f32 $1.442695020e+00, v60;
	v41 =	vadd.f32 v47, v41;
	vm14 =	vmand vm9, vm7;
	[tilespmem:v2+s12+$0x0] =	vst.idx.add.f32.msk vm13, v30  }
0x163: {  	vm9 =	vlt.u32 v26, $0xE;
	v26 =	vadd.f32 v48, v9;
	v60 =	vmul.f32 v15, v3;
	[tilespmem:v46+s10+$0x0] =	vst.idx.add.f32.msk vm10, v55  }
0x164: {  	v61 =	vmul.f32 v15, v4;
	v49 =	vmul.f32 v34, v36;
	[tilespmem:v46+s11+$0x0] =	vst.idx.add.f32.msk vm10, v58  }
0x165: {  	v32 =	vpop (erf);
	v15 =	vmul.f32 v15, v5;
	v43 =	vor.u32 v23, v54;
	(erf) = vpow2.f32 v17;
	[tilespmem:v46+s12+$0x0] =	vst.idx.add.f32.msk vm10, v1  }
0x166: {  	v17 =	vmin.f32 v32, $1.000000000e+00;
	v14 =	vadd.f32 v47, v49;
	v49 =	vadd.s32 $0xE0, v29;
	[tilespmem:v59+s10+$0x0] =	vst.idx.add.f32.msk vm11, v60  }
0x167: {  	v41 =	vmul.f32 $1.442695020e+00, v41;
	v19 =	vadd.s32 v39, v49;
	v39 =	vmul.f32 v26, v11;
	v11 =	vld [tilespmem:$0x1FEB0]  }
0x168: {  	[tilespmem:$0x1FF00] =	vst v29;
	v50 =	vmul.f32 v17, v3;
	v40 =	vmul.f32 $1.442695020e+00, v14;
	v14 =	vld [tilespmem:$0x1FE60]  }
0x169: {  	v53 =	vmul.f32 v17, v4;
	v25 =	vadd.s32 v27, v29;
	[tilespmem:v59+s11+$0x0] =	vst.idx.add.f32.msk vm11, v61  }
0x16a: {  	v7 =	vpop (erf);
	v0 =	vmul.f32 v17, v5;
	(erf) = vpow2.f32 v41;
	v41 =	vor.u32 v44, v25;
	[tilespmem:v59+s12+$0x0] =	vst.idx.add.f32.msk vm11, v15  }
0x16b: {  	v17 =	vmin.f32 v7, $1.000000000e+00;
	v29 =	vmovc v35;
	v60 =	vadd.s32 v35, v49;
	v35 =	vmov v8;
	[tilespmem:v43+s10+$0x0] =	vst.idx.add.f32.msk vm12, v50  }
0x16c: {  	v55 =	vor.u32 v12, v19;
	v58 =	vor.u32 v28, v60;
	v19 =	vmovc v28;
	v28 =	vadd.f32 v48, v8;
	v8 =	vld [tilespmem:$0x1FEC0]  }
0x16d: {  	vm8 =	vmmov vm3;
	v54 =	vmul.f32 v17, v3;
	v34 =	vadd.f32 v48, v22;
	[tilespmem:v43+s11+$0x0] =	vst.idx.add.f32.msk vm12, v53  }
0x16e: {  	vm3 =	vmmov vm15;
	vm15 =	vmand vm9, vm15;
	v2 =	vmul.f32 v17, v4;
	v57 =	vpop (erf);
	[tilespmem:v43+s12+$0x0] =	vst.idx.add.f32.msk vm12, v0  }
0x16f: {  	v17 =	vmul.f32 v17, v5;
	v30 =	vmin.f32 v57, $1.000000000e+00;
	v25 =	vpop (erf);
	v7 =	vmul.f32 v34, v14;
	[tilespmem:v41+s10+$0x0] =	vst.idx.add.f32.msk vm14, v54  }
0x170: {  	v56 =	vmul.f32 v30, v3;
	v1 =	vmul.f32 v30, v4;
	v32 =	vmin.f32 v25, $1.000000000e+00;
	[tilespmem:v41+s11+$0x0] =	vst.idx.add.f32.msk vm14, v2  }
0x171: {  	(erf) = vpow2.f32 v40;
	v57 =	vmul.f32 v28, v38;
	v28 =	vadd.s32 v10, v49;
	[tilespmem:v41+s12+$0x0] =	vst.idx.add.f32.msk vm14, v17  }
0x172: {  	[tilespmem:$0x1FF40] =	vst v18;
	v30 =	vmul.f32 v30, v5;
	v60 =	vmul.f32 v32, v3;
	v41 =	vor.u32 v18, v28;
	v18 =	vld [tilespmem:$0x1FE90]  }
0x173: {  	v15 =	vmul.f32 v32, v4;
	v61 =	vadd.f32 v47, v39;
	v40 =	vadd.f32 v47, v7;
	v28 =	vld [tilespmem:$0x1FEA0];
	v7 =	vpop (erf)  }
0x174: {  	vm13 =	vmand vm9, vm6;
	v59 =	vadd.s32 v16, v49;
	v34 =	vmovc v12;
	[tilespmem:v55+s10+$0x0] =	vst.idx.add.f32.msk vm15, v56;
	v12 =	vmin.f32 v7, $1.000000000e+00  }
0x175: {  	v53 =	vor.u32 v63, v59;
	v40 =	vmul.f32 $1.442695020e+00, v40;
	[tilespmem:v55+s11+$0x0] =	vst.idx.add.f32.msk vm15, v1;
	v59 =	vmul.f32 v12, v3  }
0x176: {  	v7 =	vld [tilespmem:$0x1FF90];
	v0 =	vmul.f32 v12, v4;
	v50 =	vmul.f32 v12, v5;
	v12 =	vadd.f32 v47, v57  }
0x177: {  	vm5 =	vmmov vm1;
	v46 =	vmul.f32 v32, v5;
	[tilespmem:v55+s12+$0x0] =	vst.idx.add.f32.msk vm15, v30;
	(erf) = vpow2.f32 v40  }
0x178: {  	vm0 =	vmand vm9, vm4;
	v40 =	vmul.f32 $1.442695020e+00, v61;
	v32 =	vmul.f32 $1.442695020e+00, v12;
	v12 =	vld [tilespmem:$0x1FE70]  }
0x179: {  	vm12 =	vmand vm9, vm2;
	vm15 =	vmmov vm2;
	vm2 =	vnez.u8 v8;
	v8 =	vld [tilespmem:$0x1FEE0]  }
0x17a: {  	vm10 =	vmand vm9, vm1;
	vm1 =	vmmov vm7;
	v61 =	vpop (erf);
	[tilespmem:v58+s10+$0x0] =	vst.idx.add.f32.msk vm13, v60;
	(erf) = vpow2.f32 v40  }
0x17b: {  	v40 =	vmin.f32 v61, $1.000000000e+00;
	v63 =	vadd.f32 v48, v7;
	(erf) = vpow2.f32 v32;
	v32 =	vld [tilespmem:$0x1FE80]  }
0x17c: {  	v25 =	vmov v38;
	[tilespmem:v58+s11+$0x0] =	vst.idx.add.f32.msk vm13, v15;
	v17 =	vmul.f32 v40, v3;
	v48 =	vadd.f32 v48, v52  }
0x17d: {  	[tilespmem:v58+s12+$0x0] =	vst.idx.add.f32.msk vm13, v46;
	v54 =	vmul.f32 v40, v4;
	v26 =	vmul.f32 v63, v62;
	v39 =	vadd.f32 $2.000000000e+00, v12  }
0x17e: {  	vm11 =	vmand vm8, vm9;
	v40 =	vmul.f32 v40, v5;
	[tilespmem:v53+s10+$0x0] =	vst.idx.add.f32.msk vm0, v59;
	v63 =	vmul.f32 v48, v51  }
0x17f: {  	[tilespmem:v53+s11+$0x0] =	vst.idx.add.f32.msk vm0, v0;
	vm14 =	vnez.u8 v8;
	v2 =	vadd.f32 v47, v26;
	v26 =	vmul.f32 v18, v39  }
0x180: {  	[tilespmem:v53+s12+$0x0] =	vst.idx.add.f32.msk vm0, v50;
	vm0 =	vmand vm9, vm2;
	v43 =	vadd.f32 v47, v63;
	v38 =	vpop (erf);
	v48 =	vmul.f32 v32, v39  }
0x181: {  	v61 =	vmin.f32 v38, $1.000000000e+00;
	v2 =	vmul.f32 $1.442695020e+00, v2;
	v47 =	vmul.f32 v26, v39;
	v26 =	vld [tilespmem:$0x1FFA0]  }
0x182: {  	v38 =	vadd.s32 v37, v49;
	v43 =	vmul.f32 $1.442695020e+00, v43;
	v63 =	vadd.f32 v48, v28  }
0x183: {  	v52 =	vmovc v51;
	v55 =	vmul.f32 v61, v3;
	v39 =	vadd.f32 v48, v21;
	v56 =	vmul.f32 v61, v4  }
0x184: {  	v1 =	vmul.f32 v61, v5;
	v51 =	vpop (erf);
	(erf) = vpow2.f32 v2;
	v2 =	vor.u32 v31, v38  }
0x185: {  	[tilespmem:v41+s10+$0x0] =	vst.idx.add.f32.msk vm10, v17;
	v60 =	vmin.f32 v51, $1.000000000e+00;
	v51 =	vmovc v13;
	v30 =	vmul.f32 v39, v13;
	(erf) = vpow2.f32 v43  }
0x186: {  	v43 =	vmul.f32 v63, v11;
	v13 =	vadd.s32 v6, v49;
	v63 =	vmovc v6;
	v6 =	vld [tilespmem:$0x1FED0];
	v61 =	vadd.s32 v26, v49  }
0x187: {  	v46 =	vmul.f32 v60, v3;
	v30 =	vadd.f32 v47, v30;
	v39 =	vpop (erf);
	v57 =	vor.u32 v24, v61;
	v61 =	vld [tilespmem:$0x1FEF0]  }
0x188: {  	[tilespmem:v41+s11+$0x0] =	vst.idx.add.f32.msk vm10, v54;
	v58 =	vmul.f32 v60, v4;
	v15 =	vmul.f32 v60, v5;
	v59 =	vmin.f32 v39, $1.000000000e+00  }
0x189: {  	[tilespmem:v41+s12+$0x0] =	vst.idx.add.f32.msk vm10, v40;
	v33 =	vadd.f32 v48, v33;
	v30 =	vmul.f32 $1.442695020e+00, v30;
	v50 =	vmul.f32 v59, v3  }
0x18a: {  	v38 =	vmovc v24;
	v24 =	vadd.f32 v47, v43;
	v43 =	vor.u32 v42, v13;
	v53 =	vmul.f32 v59, v4  }
0x18b: {  	vm10 =	vmand vm9, vm14;
	v0 =	vmul.f32 v59, v5;
	[tilespmem:v2+s10+$0x0] =	vst.idx.add.f32.msk vm11, v55;
	v13 =	vadd.s32 v45, v49  }
0x18c: {  	[tilespmem:v2+s11+$0x0] =	vst.idx.add.f32.msk vm11, v56;
	(erf) = vpow2.f32 v30;
	v30 =	vmul.f32 v33, v6;
	v60 =	vadd.f32 v48, v61  }
0x18d: {  	v17 =	vmul.f32 $1.442695020e+00, v24;
	[tilespmem:v2+s12+$0x0] =	vst.idx.add.f32.msk vm11, v1;
	vm11 =	vmand vm9, vm7;
	vm7 =	vmmov vm3;
	v39 =	vpop (erf)  }
0x18e: {  	v54 =	vmin.f32 v39, $1.000000000e+00;
	v24 =	vadd.f32 v47, v30;
	v41 =	vmul.f32 v60, v36  }
0x18f: {  	(erf) = vpow2.f32 v17;
	v30 =	vor.u32 v23, v13;
	[tilespmem:v57+s10+$0x0] =	vst.idx.add.f32.msk vm12, v46;
	v40 =	vmul.f32 v54, v3  }
0x190: {  	v33 =	vpop (erf);
	v39 =	vld [tilespmem:$0x1FF00];
	v55 =	vmul.f32 v54, v4;
	v17 =	vmul.f32 $1.442695020e+00, v24;
	v24 =	vadd.f32 v47, v41  }
0x191: {  	v54 =	vmul.f32 v54, v5;
	[tilespmem:v57+s11+$0x0] =	vst.idx.add.f32.msk vm12, v58;
	v36 =	vmin.f32 v33, $1.000000000e+00;
	v60 =	vadd.s32 v27, v49  }
0x192: {  	v8 =	vmovc v20;
	v13 =	vmovc v27;
	v27 =	vadd.s32 $0x2, v20;
	v33 =	vadd.f32 v48, v22;
	v2 =	vmul.f32 $1.442695020e+00, v24;
	v24 =	vld [tilespmem:$0x1FF10]  }
0x193: {  	[tilespmem:v57+s12+$0x0] =	vst.idx.add.f32.msk vm12, v15;
	v1 =	vor.u32 v44, v60;
	v15 =	vmul.f32 v36, v4;
	(erf) = vpow2.f32 v17  }
0x194: {  	v56 =	vmul.f32 v36, v5;
	vm9 =	vlt.u32 v27, $0xE;
	[tilespmem:v43+s10+$0x0] =	vst.idx.add.f32.msk vm0, v50;
	v60 =	vmul.f32 v33, v14  }
0x195: {  	v59 =	vmovc v22;
	v41 =	vmul.f32 v36, v3;
	[tilespmem:v43+s11+$0x0] =	vst.idx.add.f32.msk vm0, v53;
	vm13 =	vmand vm9, vm3;
	v49 =	vadd.s32 $0x1C0, v39  }
0x196: {  	v20 =	vmovc v14;
	vm12 =	vmand vm9, vm6;
	vm3 =	vmmov vm5;
	[tilespmem:v43+s12+$0x0] =	vst.idx.add.f32.msk vm0, v0;
	v14 =	vadd.s32 v29, v49  }
0x197: {  	v58 =	vpop (erf);
	[tilespmem:v30+s10+$0x0] =	vst.idx.add.f32.msk vm10, v40;
	(erf) = vpow2.f32 v2;
	v2 =	vadd.f32 v47, v60;
	v22 =	vadd.s32 v24, v49  }
0x198: {  	v33 =	vmovc v34;
	v17 =	vmin.f32 v58, $1.000000000e+00;
	v60 =	vmovc v9;
	v46 =	vor.u32 v34, v22;
	v34 =	vadd.f32 v48, v9;
	v9 =	vld [tilespmem:$0x1FF20]  }
0x199: {  	v40 =	vor.u32 v19, v14;
	[tilespmem:v30+s11+$0x0] =	vst.idx.add.f32.msk vm10, v55;
	v50 =	vmul.f32 v17, v3;
	v2 =	vmul.f32 $1.442695020e+00, v2  }
0x19a: {  	vm0 =	vmand vm9, vm4;
	v53 =	vmul.f32 v17, v4;
	v17 =	vmul.f32 v17, v5;
	v27 =	vpop (erf);
	[tilespmem:v30+s12+$0x0] =	vst.idx.add.f32.msk vm10, v54  }
0x19b: {  	v29 =	vmovc v19;
	vm10 =	vmand vm9, vm5;
	v36 =	vmin.f32 v27, $1.000000000e+00;
	[tilespmem:v1+s10+$0x0] =	vst.idx.add.f32.msk vm11, v41;
	(erf) = vpow2.f32 v2  }
0x19c: {  	vm5 =	vmmov vm15;
	v27 =	vadd.f32 v48, v35;
	v43 =	vmul.f32 v36, v3;
	[tilespmem:v1+s11+$0x0] =	vst.idx.add.f32.msk vm11, v15;
	v19 =	vpop (erf)  }
0x19d: {  	v57 =	vmul.f32 v36, v4;
	[tilespmem:v1+s12+$0x0] =	vst.idx.add.f32.msk vm11, v56;
	v2 =	vmin.f32 v19, $1.000000000e+00;
	v58 =	vmul.f32 v34, v9  }
0x19e: {  	v0 =	vmul.f32 v36, v5;
	vm11 =	vmand vm8, vm9;
	v30 =	vmul.f32 v2, v3;
	[tilespmem:v46+s10+$0x0] =	vst.idx.add.f32.msk vm13, v50  }
0x19f: {  	v19 =	vmov v16;
	v41 =	vmul.f32 v2, v4;
	[tilespmem:v46+s11+$0x0] =	vst.idx.add.f32.msk vm13, v53;
	v22 =	vadd.f32 v47, v58  }
0x1a0: {  	v34 =	vadd.s32 v16, v49;
	v36 =	vpop (erf);
	v16 =	vmov v25;
	v58 =	vmul.f32 v27, v25;
	v25 =	vld [tilespmem:$0x1FF30]  }
0x1a1: {  	v54 =	vmin.f32 v36, $1.000000000e+00;
	[tilespmem:v46+s12+$0x0] =	vst.idx.add.f32.msk vm13, v17;
	v55 =	vmul.f32 $1.442695020e+00, v22;
	v22 =	vadd.f32 v48, v7  }
0x1a2: {  	v2 =	vmul.f32 v2, v5;
	v50 =	vmul.f32 v54, v3;
	v27 =	vadd.s32 v10, v49;
	v7 =	vld [tilespmem:$0x1FF40]  }
0x1a3: {  	v14 =	vadd.f32 v47, v58;
	(erf) = vpow2.f32 v55;
	v55 =	vmul.f32 v22, v62;
	v22 =	vld [tilespmem:$0x1FF50]  }
0x1a4: {  	v56 =	vmul.f32 v54, v4;
	v54 =	vmul.f32 v54, v5;
	[tilespmem:v40+s10+$0x0] =	vst.idx.add.f32.msk vm12, v43;
	v43 =	vadd.f32 $3.000000000e+00, v12;
	v36 =	vpop (erf)  }
0x1a5: {  	[tilespmem:v40+s11+$0x0] =	vst.idx.add.f32.msk vm12, v57;
	v17 =	vmin.f32 v36, $1.000000000e+00;
	v1 =	vmul.f32 $1.442695020e+00, v14;
	v15 =	vor.u32 v25, v34  }
0x1a6: {  	v36 =	vadd.s32 v37, v49;
	[tilespmem:v40+s12+$0x0] =	vst.idx.add.f32.msk vm12, v0;
	vm12 =	vmand vm9, vm15;
	v0 =	vmul.f32 v17, v4  }
0x1a7: {  	(erf) = vpow2.f32 v1;
	v58 =	vadd.f32 v47, v55;
	v55 =	vmul.f32 v17, v3  }
0x1a8: {  	v17 =	vmul.f32 v17, v5;
	v53 =	vor.u32 v7, v27;
	v14 =	vadd.f32 v48, v22  }
0x1a9: {  	v57 =	vor.u32 v31, v36;
	v1 =	vmul.f32 $1.442695020e+00, v58;
	v48 =	vmul.f32 v32, v43  }
0x1aa: {  	vm15 =	vmmov vm2;
	v36 =	vmovc v18;
	v27 =	vmov v52;
	[tilespmem:v15+s10+$0x0] =	vst.idx.add.f32.msk vm0, v30;
	v46 =	vmul.f32 v14, v52  }
0x1ab: {  	(erf) = vpow2.f32 v1;
	v14 =	vmul.f32 v18, v43;
	v18 =	vadd.f32 v48, v21;
	[tilespmem:v15+s11+$0x0] =	vst.idx.add.f32.msk vm0, v41  }
0x1ac: {  	[tilespmem:v15+s12+$0x0] =	vst.idx.add.f32.msk vm0, v2;
	vm0 =	vmand vm9, vm2;
	vm2 =	vmmov vm14;
	v1 =	vadd.f32 v47, v46;
	v52 =	vpop (erf)  }
0x1ad: {  	v47 =	vmul.f32 v14, v43;
	v14 =	vmul.f32 v18, v51;
	[tilespmem:v53+s10+$0x0] =	vst.idx.add.f32.msk vm10, v50;
	v30 =	vmin.f32 v52, $1.000000000e+00  }
0x1ae: {  	v52 =	vadd.s32 v26, v49;
	v26 =	vadd.f32 v48, v28;
	[tilespmem:v53+s11+$0x0] =	vst.idx.add.f32.msk vm10, v56;
	v1 =	vmul.f32 $1.442695020e+00, v1  }
0x1af: {  	v34 =	vmovc v10;
	v10 =	vld [tilespmem:$0x1FF70];
	v41 =	vmul.f32 v30, v3;
	v40 =	vor.u32 v38, v52;
	v43 =	vadd.f32 v47, v14  }
0x1b0: {  	v18 =	vpop (erf);
	v2 =	vmul.f32 v30, v5;
	v14 =	vadd.s32 v63, v49;
	[tilespmem:v53+s12+$0x0] =	vst.idx.add.f32.msk vm10, v54;
	vm10 =	vmand vm9, vm14  }
0x1b1: {  	v15 =	vmin.f32 v18, $1.000000000e+00;
	v26 =	vmul.f32 v26, v11;
	[tilespmem:v57+s10+$0x0] =	vst.idx.add.f32.msk vm11, v55;
	(erf) = vpow2.f32 v1  }
0x1b2: {  	v1 =	vmul.f32 v30, v4;
	v43 =	vmul.f32 $1.442695020e+00, v43;
	v30 =	vor.u32 v42, v14;
	v14 =	vld [tilespmem:$0x1FF60]  }
0x1b3: {  	vm14 =	vmmov vm1;
	v50 =	vmul.f32 v15, v3;
	v58 =	vmul.f32 v15, v4;
	[tilespmem:v57+s11+$0x0] =	vst.idx.add.f32.msk vm11, v0  }
0x1b4: {  	v52 =	vmovc v28;
	v15 =	vmul.f32 v15, v5;
	[tilespmem:v57+s12+$0x0] =	vst.idx.add.f32.msk vm11, v17;
	vm11 =	vmand vm9, vm1;
	v57 =	vmov v13  }
0x1b5: {  	vm1 =	vmmov vm4;
	v28 =	vpop (erf);
	(erf) = vpow2.f32 v43;
	v43 =	vadd.f32 v47, v26;
	[tilespmem:v40+s10+$0x0] =	vst.idx.add.f32.msk vm12, v41  }
0x1b6: {  	v53 =	vmin.f32 v28, $1.000000000e+00;
	v28 =	vadd.s32 v45, v49;
	v49 =	vadd.s32 v13, v49;
	[tilespmem:v40+s11+$0x0] =	vst.idx.add.f32.msk vm12, v1  }
0x1b7: {  	v13 =	vmovc v44;
	v55 =	vmul.f32 v53, v3;
	v41 =	vor.u32 v44, v49;
	v44 =	vld [tilespmem:$0x1FF80];
	v26 =	vadd.f32 v48, v14  }
0x1b8: {  	v43 =	vmul.f32 $1.442695020e+00, v43;
	v54 =	vor.u32 v23, v28;
	v56 =	vmul.f32 v53, v4;
	[tilespmem:v40+s12+$0x0] =	vst.idx.add.f32.msk vm12, v2  }
0x1b9: {  	v17 =	vmul.f32 v53, v5;
	v53 =	vadd.s32 $0x3, v8;
	[tilespmem:v30+s10+$0x0] =	vst.idx.add.f32.msk vm0, v50;
	v46 =	vmul.f32 v26, v6  }
0x1ba: {  	v18 =	vmovc v63;
	v28 =	vadd.f32 v48, v61;
	v49 =	vadd.s32 $0x2A0, v39;
	vm9 =	vlt.u32 v53, $0xE;
	[tilespmem:v30+s11+$0x0] =	vst.idx.add.f32.msk vm0, v58  }
0x1bb: {  	vm13 =	vmand vm9, vm7;
	[tilespmem:v30+s12+$0x0] =	vst.idx.add.f32.msk vm0, v15;
	v0 =	vpop (erf);
	(erf) = vpow2.f32 v43;
	v26 =	vadd.f32 v47, v46  }
0x1bc: {  	v63 =	vmovc v11;
	v46 =	vmul.f32 v28, v10;
	v28 =	vadd.f32 v48, v59;
	v59 =	vadd.s32 v24, v49  }
0x1bd: {  	v11 =	vmovc v33;
	[tilespmem:v54+s10+$0x0] =	vst.idx.add.f32.msk vm10, v55;
	v0 =	vmin.f32 v0, $1.000000000e+00;
	v30 =	vor.u32 v33, v59;
	v43 =	vmul.f32 $1.442695020e+00, v26  }
0x1be: {  	v58 =	vmovc v60;
	v33 =	vadd.f32 v48, v60;
	v1 =	vmul.f32 v0, v3;
	v26 =	vadd.f32 v47, v46  }
0x1bf: {  	[tilespmem:v54+s11+$0x0] =	vst.idx.add.f32.msk vm10, v56;
	v60 =	vadd.s32 v44, v49;
	v53 =	vpop (erf);
	v40 =	vmul.f32 v28, v20;
	(erf) = vpow2.f32 v43  }
0x1c0: {  	[tilespmem:v54+s12+$0x0] =	vst.idx.add.f32.msk vm10, v17;
	vm10 =	vmand vm9, vm6;
	v46 =	vmin.f32 v53, $1.000000000e+00;
	v2 =	vmul.f32 $1.442695020e+00, v26  }
0x1c1: {  	v53 =	vmul.f32 v33, v9;
	v43 =	vmul.f32 v0, v4;
	v26 =	vadd.f32 v47, v40  }
0x1c2: {  	v17 =	vor.u32 v29, v60;
	v0 =	vmul.f32 v0, v5;
	(erf) = vpow2.f32 v2  }
0x1c3: {  	v33 =	vadd.s32 v19, v49;
	v15 =	vmul.f32 v46, v3;
	[tilespmem:v41+s10+$0x0] =	vst.idx.add.f32.msk vm11, v1;
	v2 =	vmul.f32 $1.442695020e+00, v26  }
0x1c4: {  	v8 =	vadd.s32 $0x4, v8;
	v40 =	vmul.f32 v46, v4;
	v46 =	vmul.f32 v46, v5;
	[tilespmem:v41+s11+$0x0] =	vst.idx.add.f32.msk vm11, v43;
	v28 =	vpop (erf)  }
0x1c5: {  	v45 =	vmovc v29;
	[tilespmem:v41+s12+$0x0] =	vst.idx.add.f32.msk vm11, v0;
	(erf) = vpow2.f32 v2;
	v50 =	vmin.f32 v28, $1.000000000e+00;
	v28 =	vadd.f32 v48, v35  }
0x1c6: {  	vm12 =	vmand vm9, vm4;
	v53 =	vadd.f32 v47, v53;
	v0 =	vor.u32 v25, v33;
	[tilespmem:v30+s10+$0x0] =	vst.idx.add.f32.msk vm13, v15  }
0x1c7: {  	vm0 =	vmand vm9, vm3;
	[tilespmem:v30+s11+$0x0] =	vst.idx.add.f32.msk vm13, v40;
	v1 =	vmul.f32 v50, v3;
	v42 =	vmul.f32 v28, v16  }
0x1c8: {  	v60 =	vmov v35;
	[tilespmem:v30+s12+$0x0] =	vst.idx.add.f32.msk vm13, v46;
	v2 =	vmul.f32 v50, v4;
	v43 =	vmul.f32 v50, v5;
	v26 =	vpop (erf)  }
0x1c9: {  	v35 =	vmul.f32 $1.442695020e+00, v53;
	[tilespmem:v17+s10+$0x0] =	vst.idx.add.f32.msk vm10, v1;
	v29 =	vmin.f32 v26, $1.000000000e+00;
	v26 =	vmovc v19;
	v19 =	vadd.f32 v47, v42  }
0x1ca: {  	v56 =	vmov v16;
	[tilespmem:v17+s11+$0x0] =	vst.idx.add.f32.msk vm10, v2;
	v54 =	vmul.f32 v29, v3;
	v55 =	vmul.f32 v29, v4  }
0x1cb: {  	v15 =	vmul.f32 v29, v5;
	v16 =	vpop (erf);
	(erf) = vpow2.f32 v35;
	[tilespmem:v17+s12+$0x0] =	vst.idx.add.f32.msk vm10, v43;
	vm10 =	vmand vm8, vm9  }
0x1cc: {  	v29 =	vld [tilespmem:$0x1FF90];
	v33 =	vmin.f32 v16, $1.000000000e+00;
	v16 =	vadd.s32 v34, v49;
	v41 =	vmul.f32 $1.442695020e+00, v19  }
0x1cd: {  	v59 =	vmovc v7;
	v30 =	vmul.f32 v33, v3;
	v46 =	vor.u32 v7, v16;
	v53 =	vmul.f32 v33, v4  }
0x1ce: {  	v1 =	vmul.f32 v33, v5;
	v7 =	vadd.f32 $4.000000000e+00, v12;
	[tilespmem:v0+s10+$0x0] =	vst.idx.add.f32.msk vm12, v54;
	(erf) = vpow2.f32 v41;
	v19 =	vpop (erf)  }
0x1cf: {  	v41 =	vadd.f32 v48, v22;
	[tilespmem:v0+s11+$0x0] =	vst.idx.add.f32.msk vm12, v55;
	v2 =	vmin.f32 v19, $1.000000000e+00;
	v19 =	vadd.s32 v37, v49  }
0x1d0: {  	v42 =	vmov v34;
	v32 =	vmul.f32 v32, v7;
	v34 =	vmul.f32 v36, v7;
	[tilespmem:v0+s12+$0x0] =	vst.idx.add.f32.msk vm12, v15  }
0x1d1: {  	v35 =	vadd.f32 v48, v29;
	v17 =	vmul.f32 v2, v3;
	v43 =	vor.u32 v31, v19  }
0x1d2: {  	v36 =	vadd.s32 v18, v49;
	v41 =	vmul.f32 v41, v27;
	v0 =	vmul.f32 v2, v5  }
0x1d3: {  	vm4 =	vmmov vm8;
	v55 =	vadd.f32 v32, v52;
	v50 =	vmul.f32 v35, v62;
	[tilespmem:v46+s10+$0x0] =	vst.idx.add.f32.msk vm0, v30  }
0x1d4: {  	vm11 =	vmand vm9, vm5;
	v41 =	vadd.f32 v47, v41;
	v35 =	vadd.f32 v32, v21;
	[tilespmem:v46+s11+$0x0] =	vst.idx.add.f32.msk vm0, v53  }
0x1d5: {  	vm12 =	vmand vm9, vm15;
	v63 =	vmul.f32 v55, v63;
	v28 =	vadd.f32 v47, v50;
	[tilespmem:v46+s12+$0x0] =	vst.idx.add.f32.msk vm0, v1  }
0x1d6: {  	v14 =	vadd.f32 v32, v14;
	v47 =	vmul.f32 v2, v4;
	v41 =	vmul.f32 $1.442695020e+00, v41;
	[tilespmem:v43+s10+$0x0] =	vst.idx.add.f32.msk vm10, v17  }
0x1d7: {  	v61 =	vadd.f32 v32, v61;
	v21 =	vmul.f32 v35, v51;
	v50 =	vmovc v27;
	v40 =	vmul.f32 $1.442695020e+00, v28;
	v27 =	vld [tilespmem:$0x1FFA0]  }
0x1d8: {  	v48 =	vmov v22;
	v22 =	vpop (erf);
	v28 =	vmul.f32 v34, v7;
	[tilespmem:v43+s11+$0x0] =	vst.idx.add.f32.msk vm10, v47;
	v47 =	vmul.f32 v14, v6  }
0x1d9: {  	v14 =	vmul.f32 v61, v10;
	[tilespmem:v43+s12+$0x0] =	vst.idx.add.f32.msk vm10, v0;
	(erf) = vpow2.f32 v40;
	v40 =	vmin.f32 v22, $1.000000000e+00  }
0x1da: {  	v19 =	vadd.f32 v28, v47;
	v47 =	vld [tilespmem:$0x1FFD0];
	v30 =	vmul.f32 v40, v3;
	(erf) = vpow2.f32 v41  }
0x1db: {  	v21 =	vadd.f32 v28, v21;
	v15 =	vmul.f32 v40, v4;
	v2 =	vmul.f32 v40, v5;
	v40 =	vld [tilespmem:$0x1FFB0]  }
0x1dc: {  	v61 =	vadd.f32 v32, v58;
	v7 =	vpop (erf);
	vm10 =	vmand vm9, vm2;
	v41 =	vld [tilespmem:$0x1FFC0];
	v54 =	vadd.s32 v27, v49  }
0x1dd: {  	v12 =	vmin.f32 v7, $1.000000000e+00;
	v21 =	vmul.f32 $1.442695020e+00, v21;
	v33 =	vor.u32 v38, v54  }
0x1de: {  	v22 =	vadd.f32 v28, v63;
	v35 =	vmul.f32 v12, v3;
	v46 =	vmul.f32 v12, v4  }
0x1df: {  	v16 =	vadd.f32 v28, v14;
	v52 =	vmul.f32 v12, v5;
	(erf) = vpow2.f32 v21  }
0x1e0: {  	v22 =	vmul.f32 $1.442695020e+00, v22;
	v19 =	vmul.f32 $1.442695020e+00, v19;
	v17 =	vor.u32 v40, v36  }
0x1e1: {  	v55 =	vadd.s32 v41, v49;
	v36 =	vadd.s32 v57, v49;
	v49 =	vadd.f32 v32, v47  }
0x1e2: {  	v63 =	vor.u32 v23, v55;
	v43 =	vor.u32 v13, v36;
	v51 =	vpop (erf);
	[tilespmem:v33+s10+$0x0] =	vst.idx.add.f32.msk vm11, v30;
	(erf) = vpow2.f32 v22  }
0x1e3: {  	v30 =	vadd.f32 v32, v29;
	v53 =	vmin.f32 v51, $1.000000000e+00;
	[tilespmem:v33+s11+$0x0] =	vst.idx.add.f32.msk vm11, v15;
	v7 =	vpop (erf);
	(erf) = vpow2.f32 v19  }
0x1e4: {  	vm13 =	vmand vm9, vm14;
	v54 =	vmul.f32 v53, v3;
	v34 =	vmul.f32 v53, v4;
	[tilespmem:v33+s12+$0x0] =	vst.idx.add.f32.msk vm11, v2  }
0x1e5: {  	vm9 =	vlt.u32 v8, $0xE;
	v1 =	vmul.f32 v53, v5;
	v53 =	vmul.f32 v49, v20;
	[tilespmem:v17+s10+$0x0] =	vst.idx.add.f32.msk vm12, v35  }
0x1e6: {  	v12 =	vmin.f32 v7, $1.000000000e+00;
	v20 =	vmul.f32 v61, v9;
	v33 =	vmul.f32 v30, v62;
	[tilespmem:v17+s11+$0x0] =	vst.idx.add.f32.msk vm12, v46  }
0x1e7: {  	v22 =	vmul.f32 v12, v3;
	v2 =	vmul.f32 v12, v5;
	[tilespmem:v17+s12+$0x0] =	vst.idx.add.f32.msk vm12, v52;
	v17 =	vadd.s32 $0x380, v39  }
0x1e8: {  	vm8 =	vmand vm9, vm7;
	v46 =	vmul.f32 v12, v4;
	v8 =	vpop (erf);
	[tilespmem:v63+s10+$0x0] =	vst.idx.add.f32.msk vm10, v54;
	v10 =	vadd.s32 v24, v17  }
0x1e9: {  	v14 =	vadd.f32 v28, v53;
	v8 =	vmin.f32 v8, $1.000000000e+00;
	[tilespmem:v63+s11+$0x0] =	vst.idx.add.f32.msk vm10, v34;
	v10 =	vor.u32 v11, v10  }
0x1ea: {  	v16 =	vmul.f32 $1.442695020e+00, v16;
	v12 =	vadd.f32 v28, v20;
	v51 =	vmul.f32 v8, v3;
	[tilespmem:v63+s12+$0x0] =	vst.idx.add.f32.msk vm10, v1  }
0x1eb: {  	vm12 =	vmand vm9, vm6;
	v52 =	vmul.f32 v8, v4;
	v55 =	vadd.s32 v44, v17;
	[tilespmem:v43+s10+$0x0] =	vst.idx.add.f32.msk vm13, v22  }
0x1ec: {  	(erf) = vpow2.f32 v16;
	v24 =	vadd.f32 v32, v60;
	v16 =	vor.u32 v45, v55;
	[tilespmem:v43+s11+$0x0] =	vst.idx.add.f32.msk vm13, v46  }
0x1ed: {  	v54 =	vmul.f32 v8, v5;
	v14 =	vmul.f32 $1.442695020e+00, v14;
	v11 =	vpop (erf);
	[tilespmem:v43+s12+$0x0] =	vst.idx.add.f32.msk vm13, v2  }
0x1ee: {  	v35 =	vmovc v13;
	v12 =	vmul.f32 $1.442695020e+00, v12;
	v9 =	vmul.f32 v24, v56;
	v11 =	vmin.f32 v11, $1.000000000e+00;
	[tilespmem:v10+s10+$0x0] =	vst.idx.add.f32.msk vm8, v51  }
0x1ef: {  	v21 =	vadd.s32 v26, v17;
	v13 =	vpop (erf);
	(erf) = vpow2.f32 v14;
	v8 =	vmul.f32 v11, v3;
	[tilespmem:v10+s11+$0x0] =	vst.idx.add.f32.msk vm8, v52  }
0x1f0: {  	v1 =	vor.u32 v25, v21;
	v63 =	vmul.f32 v11, v4;
	vm13 =	vmand vm9, vm1;
	[tilespmem:v10+s12+$0x0] =	vst.idx.add.f32.msk vm8, v54  }
0x1f1: {  	vm4 =	vmand vm4, vm9;
	v9 =	vadd.f32 v28, v9;
	v11 =	vmul.f32 v11, v5;
	[tilespmem:v16+s10+$0x0] =	vst.idx.add.f32.msk vm12, v8  }
0x1f2: {  	vm10 =	vmand vm9, vm3;
	v19 =	vmin.f32 v13, $1.000000000e+00;
	(erf) = vpow2.f32 v12;
	[tilespmem:v16+s11+$0x0] =	vst.idx.add.f32.msk vm12, v63  }
0x1f3: {  	v26 =	vmul.f32 v19, v3;
	v9 =	vmul.f32 $1.442695020e+00, v9;
	[tilespmem:v16+s12+$0x0] =	vst.idx.add.f32.msk vm12, v11;
	v11 =	vadd.s32 v42, v17  }
0x1f4: {  	v8 =	vmul.f32 v19, v4;
	v34 =	vor.u32 v59, v11;
	v11 =	vadd.f32 v32, v48  }
0x1f5: {  	v7 =	vadd.f32 v28, v33;
	v45 =	vadd.s32 v27, v17;
	v2 =	vmul.f32 v19, v5;
	v10 =	vpop (erf)  }
0x1f6: {  	(erf) = vpow2.f32 v9;
	v10 =	vmin.f32 v10, $1.000000000e+00;
	[tilespmem:v1+s10+$0x0] =	vst.idx.add.f32.msk vm13, v26;
	v39 =	vmul.f32 v11, v50  }
0x1f7: {  	v43 =	vmul.f32 $1.442695020e+00, v7;
	v36 =	vmul.f32 v10, v3;
	v42 =	vadd.s32 v37, v17;
	[tilespmem:v1+s11+$0x0] =	vst.idx.add.f32.msk vm13, v8  }
0x1f8: {  	vm11 =	vmand vm9, vm5;
	v8 =	vpop (erf);
	[tilespmem:v1+s12+$0x0] =	vst.idx.add.f32.msk vm13, v2;
	v1 =	vor.u32 v31, v42;
	v6 =	vadd.f32 v28, v39  }
0x1f9: {  	v44 =	vmul.f32 v10, v4;
	(erf) = vpow2.f32 v43;
	v11 =	vld [tilespmem:$0x1FFF0];
	v8 =	vmin.f32 v8, $1.000000000e+00  }
0x1fa: {  	v9 =	vmul.f32 v10, v5;
	v2 =	vor.u32 v38, v45;
	[tilespmem:v34+s10+$0x0] =	vst.idx.add.f32.msk vm10, v36;
	v6 =	vmul.f32 $1.442695020e+00, v6  }
0x1fb: {  	v46 =	vmul.f32 v8, v3;
	v10 =	vmul.f32 v8, v4;
	[tilespmem:v34+s11+$0x0] =	vst.idx.add.f32.msk vm10, v44  }
0x1fc: {  	v47 =	vmul.f32 v8, v5;
	v8 =	vpop (erf);
	[tilespmem:v34+s12+$0x0] =	vst.idx.add.f32.msk vm10, v9;
	(erf) = vpow2.f32 v6  }
0x1fd: {  	v49 =	vadd.s32 v18, v17;
	vm12 =	vmand vm9, vm15;
	v48 =	vmin.f32 v8, $1.000000000e+00;
	[tilespmem:v1+s10+$0x0] =	vst.idx.add.f32.msk vm4, v46  }
0x1fe: {  	v7 =	vor.u32 v40, v49;
	v8 =	vmul.f32 v48, v3;
	[tilespmem:v1+s11+$0x0] =	vst.idx.add.f32.msk vm4, v10  }
0x1ff: {  	vm13 =	vmand vm9, vm2;
	v9 =	vpop (erf);
	v50 =	vmul.f32 v48, v4;
	[tilespmem:v1+s12+$0x0] =	vst.idx.add.f32.msk vm4, v47  }
0x200: {  	v51 =	vmul.f32 v48, v5;
	v52 =	vmin.f32 v9, $1.000000000e+00;
	[tilespmem:v2+s10+$0x0] =	vst.idx.add.f32.msk vm11, v8;
	v8 =	vadd.s32 v41, v17  }
0x201: {  	v53 =	vmul.f32 v52, v3;
	[tilespmem:v2+s11+$0x0] =	vst.idx.add.f32.msk vm11, v50;
	v8 =	vor.u32 v23, v8  }
0x202: {  	v57 =	vadd.s32 v57, v17;
	v54 =	vmul.f32 v52, v4;
	v9 =	vpop (erf);
	[tilespmem:v2+s12+$0x0] =	vst.idx.add.f32.msk vm11, v51  }
0x203: {  	vm15 =	vmand vm9, vm14;
	v55 =	vmul.f32 v52, v5;
	v56 =	vmin.f32 v9, $1.000000000e+00;
	[tilespmem:v7+s10+$0x0] =	vst.idx.add.f32.msk vm12, v53  }
0x204: {  	v6 =	vor.u32 v35, v57;
	v58 =	vmul.f32 v56, v3;
	[tilespmem:v7+s11+$0x0] =	vst.idx.add.f32.msk vm12, v54  }
0x205: {  	v59 =	vmul.f32 v56, v4;
	[tilespmem:v7+s12+$0x0] =	vst.idx.add.f32.msk vm12, v55;
	v60 =	vpop (erf)  }
0x206: {  	p0 =	sne.s32 s26, $0xE;
	v0 =	vmul.f32 v56, v5;
	[tilespmem:v8+s10+$0x0] =	vst.idx.add.f32.msk vm13, v58;
	v61 =	vmin.f32 v60, $1.000000000e+00  }
.Ltmp1:
0x207: {  	[tilespmem:v8+s11+$0x0] =	vst.idx.add.f32.msk vm13, v59;
	v62 =	vmul.f32 v61, v3;
	(pc) =	sbr.rel @p0 .LBB2_5-.Ltmp1, $4  }
0x208: {  	[tilespmem:v8+s12+$0x0] =	vst.idx.add.f32.msk vm13, v0;
	v63 =	vmul.f32 v61, v4  }
0x209: {  	v1 =	vmul.f32 v61, v5;
	[tilespmem:v6+s10+$0x0] =	vst.idx.add.f32.msk vm15, v62  }
0x20a: {  	[tilespmem:v6+s11+$0x0] =	vst.idx.add.f32.msk vm15, v63  }
0x20b: {  	s26 =	sadd.s32 $0x1, s26;
	[tilespmem:v6+s12+$0x0] =	vst.idx.add.f32.msk vm15, v1  }
0x20c: {  	s15 =	sadd.s32 $0x1, s15  }
0x20d: {  	p0 =	sne.s32 s15, $0x18  }
.Ltmp2:
0x20e: {  	_ = 	snop;
	(pc) =	sbr.rel @p0 .LBB2_4-.Ltmp2, $1  }
0x20f: {  	_ =	sdelay $0x3  }
0x210: {  	s15 =	simm.s32 $0x0  }
0x211: {  	v0 =	vld [tilespmem:s15+$0xD200]  }
0x212: {  	v1 =	vld [tilespmem:s15+$0xD210]  }
0x213: {  	v2 =	vld [tilespmem:s15+$0xD220]  }
0x214: {  	v3 =	vld [tilespmem:s15+$0xD230]  }
0x215: {  	v4 =	vld [tilespmem:s15+$0xD240]  }
0x216: {  	v5 =	vld [tilespmem:s15+$0xD250];
	v0 =	vmax.f32 v0, $0.0e+00  }
0x217: {  	v6 =	vld [tilespmem:s15+$0xD260];
	v1 =	vmax.f32 v1, $0.0e+00;
	v0 =	vmin.f32 v0, $1.000000000e+00  }
0x218: {  	v2 =	vmax.f32 v2, $0.0e+00;
	[tilespmem:s15+$0xD200] =	vst v0;
	v0 =	vmin.f32 v1, $1.000000000e+00;
	v1 =	vld [tilespmem:s15+$0xD270]  }
0x219: {  	v3 =	vmax.f32 v3, $0.0e+00;
	[tilespmem:s15+$0xD210] =	vst v0;
	v0 =	vmin.f32 v2, $1.000000000e+00;
	v2 =	vld [tilespmem:s15+$0xD280]  }
0x21a: {  	v4 =	vmax.f32 v4, $0.0e+00;
	[tilespmem:s15+$0xD220] =	vst v0;
	v0 =	vmin.f32 v3, $1.000000000e+00;
	v3 =	vld [tilespmem:s15+$0xD290]  }
0x21b: {  	v5 =	vmax.f32 v5, $0.0e+00;
	[tilespmem:s15+$0xD230] =	vst v0;
	v0 =	vmin.f32 v4, $1.000000000e+00;
	v4 =	vld [tilespmem:s15+$0xD2A0]  }
0x21c: {  	v6 =	vmax.f32 v6, $0.0e+00;
	[tilespmem:s15+$0xD240] =	vst v0;
	v0 =	vmin.f32 v5, $1.000000000e+00;
	v5 =	vld [tilespmem:s15+$0xD2B0]  }
0x21d: {  	[tilespmem:s15+$0xD250] =	vst v0;
	v0 =	vmin.f32 v6, $1.000000000e+00;
	v6 =	vld [tilespmem:s15+$0xD2C0];
	v1 =	vmax.f32 v1, $0.0e+00  }
0x21e: {  	[tilespmem:s15+$0xD260] =	vst v0;
	v0 =	vmin.f32 v1, $1.000000000e+00;
	v1 =	vld [tilespmem:s15+$0xD2D0];
	v2 =	vmax.f32 v2, $0.0e+00  }
0x21f: {  	[tilespmem:s15+$0xD270] =	vst v0;
	v0 =	vmin.f32 v2, $1.000000000e+00;
	v2 =	vld [tilespmem:s15+$0xDE40];
	v3 =	vmax.f32 v3, $0.0e+00  }
0x220: {  	[tilespmem:s15+$0xD280] =	vst v0;
	v0 =	vmin.f32 v3, $1.000000000e+00;
	v3 =	vld [tilespmem:s15+$0xDE50];
	v4 =	vmax.f32 v4, $0.0e+00  }
0x221: {  	[tilespmem:s15+$0xD290] =	vst v0;
	v0 =	vmin.f32 v4, $1.000000000e+00;
	v4 =	vld [tilespmem:s15+$0xDE60];
	v5 =	vmax.f32 v5, $0.0e+00  }
0x222: {  	[tilespmem:s15+$0xD2A0] =	vst v0;
	v0 =	vmin.f32 v5, $1.000000000e+00;
	v5 =	vld [tilespmem:s15+$0xDE70];
	v6 =	vmax.f32 v6, $0.0e+00  }
0x223: {  	[tilespmem:s15+$0xD2B0] =	vst v0;
	v0 =	vmin.f32 v6, $1.000000000e+00;
	v6 =	vld [tilespmem:s15+$0xDE80];
	v1 =	vmax.f32 v1, $0.0e+00  }
0x224: {  	[tilespmem:s15+$0xD2C0] =	vst v0;
	v0 =	vmin.f32 v1, $1.000000000e+00;
	v1 =	vld [tilespmem:s15+$0xDE90];
	v2 =	vmax.f32 v2, $0.0e+00  }
0x225: {  	[tilespmem:s15+$0xD2D0] =	vst v0;
	v0 =	vmin.f32 v2, $1.000000000e+00;
	v2 =	vld [tilespmem:s15+$0xDEA0];
	v3 =	vmax.f32 v3, $0.0e+00  }
0x226: {  	[tilespmem:s15+$0xDE40] =	vst v0;
	v0 =	vmin.f32 v3, $1.000000000e+00;
	v3 =	vld [tilespmem:s15+$0xDEB0];
	v4 =	vmax.f32 v4, $0.0e+00  }
0x227: {  	[tilespmem:s15+$0xDE50] =	vst v0;
	v0 =	vmin.f32 v4, $1.000000000e+00;
	v4 =	vld [tilespmem:s15+$0xDEC0];
	v5 =	vmax.f32 v5, $0.0e+00  }
0x228: {  	[tilespmem:s15+$0xDE60] =	vst v0;
	v0 =	vmin.f32 v5, $1.000000000e+00;
	v5 =	vld [tilespmem:s15+$0xDED0];
	v6 =	vmax.f32 v6, $0.0e+00  }
0x229: {  	[tilespmem:s15+$0xDE70] =	vst v0;
	v0 =	vmin.f32 v6, $1.000000000e+00;
	v6 =	vld [tilespmem:s15+$0xDEE0];
	v1 =	vmax.f32 v1, $0.0e+00  }
0x22a: {  	[tilespmem:s15+$0xDE80] =	vst v0;
	v0 =	vmin.f32 v1, $1.000000000e+00;
	v1 =	vld [tilespmem:s15+$0xDEF0];
	v2 =	vmax.f32 v2, $0.0e+00  }
0x22b: {  	[tilespmem:s15+$0xDE90] =	vst v0;
	v0 =	vmin.f32 v2, $1.000000000e+00;
	v2 =	vld [tilespmem:s15+$0xDF00];
	v3 =	vmax.f32 v3, $0.0e+00  }
0x22c: {  	[tilespmem:s15+$0xDEA0] =	vst v0;
	v0 =	vmin.f32 v3, $1.000000000e+00;
	v3 =	vld [tilespmem:s15+$0xDF10];
	v4 =	vmax.f32 v4, $0.0e+00  }
0x22d: {  	[tilespmem:s15+$0xDEB0] =	vst v0;
	v0 =	vmin.f32 v4, $1.000000000e+00;
	v4 =	vld [tilespmem:s15+$0xEA80];
	v5 =	vmax.f32 v5, $0.0e+00  }
0x22e: {  	[tilespmem:s15+$0xDEC0] =	vst v0;
	v0 =	vmin.f32 v5, $1.000000000e+00;
	v5 =	vld [tilespmem:s15+$0xEA90];
	v6 =	vmax.f32 v6, $0.0e+00  }
0x22f: {  	[tilespmem:s15+$0xDED0] =	vst v0;
	v0 =	vmin.f32 v6, $1.000000000e+00;
	v6 =	vld [tilespmem:s15+$0xEAA0];
	v1 =	vmax.f32 v1, $0.0e+00  }
0x230: {  	[tilespmem:s15+$0xDEE0] =	vst v0;
	v0 =	vmin.f32 v1, $1.000000000e+00;
	v1 =	vld [tilespmem:s15+$0xEAB0];
	v2 =	vmax.f32 v2, $0.0e+00  }
0x231: {  	v7 =	vld [tilespmem:s15+$0xEAC0];
	[tilespmem:s15+$0xDEF0] =	vst v0;
	v0 =	vmin.f32 v2, $1.000000000e+00;
	v2 =	vmax.f32 v3, $0.0e+00  }
0x232: {  	v8 =	vld [tilespmem:s15+$0xEAD0];
	[tilespmem:s15+$0xDF00] =	vst v0;
	v0 =	vmin.f32 v2, $1.000000000e+00;
	v2 =	vmax.f32 v4, $0.0e+00  }
0x233: {  	v9 =	vld [tilespmem:s15+$0xEAE0];
	[tilespmem:s15+$0xDF10] =	vst v0;
	v0 =	vmin.f32 v2, $1.000000000e+00;
	v2 =	vmax.f32 v5, $0.0e+00  }
0x234: {  	v10 =	vld [tilespmem:s15+$0xEAF0];
	[tilespmem:s15+$0xEA80] =	vst v0;
	v0 =	vmin.f32 v2, $1.000000000e+00;
	v2 =	vmax.f32 v6, $0.0e+00  }
0x235: {  	v3 =	vld [tilespmem:s15+$0xEB00];
	[tilespmem:s15+$0xEA90] =	vst v0;
	v0 =	vmin.f32 v2, $1.000000000e+00;
	v1 =	vmax.f32 v1, $0.0e+00  }
0x236: {  	v2 =	vld [tilespmem:s15+$0xEB10];
	[tilespmem:s15+$0xEAA0] =	vst v0;
	v0 =	vmin.f32 v1, $1.000000000e+00;
	v1 =	vmax.f32 v7, $0.0e+00  }
0x237: {  	v4 =	vld [tilespmem:s15+$0xEB20];
	[tilespmem:s15+$0xEAB0] =	vst v0;
	v0 =	vmin.f32 v1, $1.000000000e+00;
	v1 =	vmax.f32 v8, $0.0e+00  }
0x238: {  	v5 =	vld [tilespmem:s15+$0xEB30];
	[tilespmem:s15+$0xEAC0] =	vst v0;
	v0 =	vmin.f32 v1, $1.000000000e+00;
	v1 =	vmax.f32 v9, $0.0e+00  }
0x239: {  	s16 =	simm.s32 $0x380;
	v6 =	vld [tilespmem:s15+$0xEB40];
	v8 =	vmax.f32 v10, $0.0e+00;
	[tilespmem:s15+$0xEAD0] =	vst v0;
	v7 =	vmin.f32 v1, $1.000000000e+00  }
.LBB2_8:
0x23a: {  	s17 =	sshra.s32 s16, $0x2;
	p0 =	sne.s32 s16, $0x2D80;
	[tilespmem:s15+$0xEAE0] =	vst v7;
	v0 =	vmin.f32 v8, $1.000000000e+00;
	v1 =	vmax.f32 v3, $0.0e+00;
	v3 =	vld [tilespmem:s15+$0xEB50]  }
0x23b: {  	v7 =	vld [tilespmem:s17+$0xD200];
	[tilespmem:s15+$0xEAF0] =	vst v0;
	v0 =	vmin.f32 v1, $1.000000000e+00;
	v1 =	vmax.f32 v2, $0.0e+00  }
0x23c: {  	v2 =	vld [tilespmem:s17+$0xD210];
	[tilespmem:s15+$0xEB00] =	vst v0;
	v0 =	vmin.f32 v1, $1.000000000e+00;
	v1 =	vmax.f32 v4, $0.0e+00  }
0x23d: {  	v4 =	vld [tilespmem:s17+$0xD220];
	[tilespmem:s15+$0xEB10] =	vst v0;
	v0 =	vmin.f32 v1, $1.000000000e+00;
	v1 =	vmax.f32 v5, $0.0e+00  }
0x23e: {  	v5 =	vld [tilespmem:s17+$0xD230];
	[tilespmem:s15+$0xEB20] =	vst v0;
	v0 =	vmin.f32 v1, $1.000000000e+00;
	v1 =	vmax.f32 v6, $0.0e+00  }
0x23f: {  	v6 =	vld [tilespmem:s17+$0xD240];
	[tilespmem:s15+$0xEB30] =	vst v0;
	v0 =	vmin.f32 v1, $1.000000000e+00;
	v1 =	vmax.f32 v3, $0.0e+00  }
0x240: {  	v3 =	vmax.f32 v7, $0.0e+00;
	v7 =	vld [tilespmem:s17+$0xD250];
	[tilespmem:s15+$0xEB40] =	vst v0;
	v0 =	vmin.f32 v1, $1.000000000e+00  }
0x241: {  	v1 =	vmin.f32 v3, $1.000000000e+00;
	v2 =	vmax.f32 v2, $0.0e+00;
	v3 =	vld [tilespmem:s17+$0xD260];
	[tilespmem:s15+$0xEB50] =	vst v0;
	s15 =	smov.u32 s17  }
0x242: {  	[tilespmem:s15+$0xD200] =	vst v1;
	v0 =	vmin.f32 v2, $1.000000000e+00;
	v1 =	vmax.f32 v4, $0.0e+00;
	v2 =	vld [tilespmem:s15+$0xD270]  }
0x243: {  	[tilespmem:s15+$0xD210] =	vst v0;
	v0 =	vmin.f32 v1, $1.000000000e+00;
	v1 =	vmax.f32 v5, $0.0e+00;
	v4 =	vld [tilespmem:s15+$0xD280]  }
0x244: {  	[tilespmem:s15+$0xD220] =	vst v0;
	v0 =	vmin.f32 v1, $1.000000000e+00;
	v1 =	vmax.f32 v6, $0.0e+00;
	v5 =	vld [tilespmem:s15+$0xD290]  }
0x245: {  	[tilespmem:s15+$0xD230] =	vst v0;
	v0 =	vmin.f32 v1, $1.000000000e+00;
	v1 =	vmax.f32 v7, $0.0e+00;
	v6 =	vld [tilespmem:s15+$0xD2A0]  }
0x246: {  	[tilespmem:s15+$0xD240] =	vst v0;
	v0 =	vmin.f32 v1, $1.000000000e+00;
	v1 =	vmax.f32 v3, $0.0e+00;
	v3 =	vld [tilespmem:s15+$0xD2B0]  }
0x247: {  	[tilespmem:s15+$0xD250] =	vst v0;
	v0 =	vmin.f32 v1, $1.000000000e+00;
	v1 =	vmax.f32 v2, $0.0e+00;
	v2 =	vld [tilespmem:s15+$0xD2C0]  }
0x248: {  	[tilespmem:s15+$0xD260] =	vst v0;
	v0 =	vmin.f32 v1, $1.000000000e+00;
	v1 =	vmax.f32 v4, $0.0e+00;
	v4 =	vld [tilespmem:s15+$0xD2D0]  }
0x249: {  	[tilespmem:s15+$0xD270] =	vst v0;
	v0 =	vmin.f32 v1, $1.000000000e+00;
	v1 =	vmax.f32 v5, $0.0e+00;
	v5 =	vld [tilespmem:s15+$0xDE40]  }
0x24a: {  	[tilespmem:s15+$0xD280] =	vst v0;
	v0 =	vmin.f32 v1, $1.000000000e+00;
	v1 =	vmax.f32 v6, $0.0e+00;
	v6 =	vld [tilespmem:s15+$0xDE50]  }
0x24b: {  	[tilespmem:s15+$0xD290] =	vst v0;
	v0 =	vmin.f32 v1, $1.000000000e+00;
	v1 =	vmax.f32 v3, $0.0e+00;
	v3 =	vld [tilespmem:s15+$0xDE60]  }
0x24c: {  	[tilespmem:s15+$0xD2A0] =	vst v0;
	v0 =	vmin.f32 v1, $1.000000000e+00;
	v1 =	vmax.f32 v2, $0.0e+00;
	v2 =	vld [tilespmem:s15+$0xDE70]  }
0x24d: {  	[tilespmem:s15+$0xD2B0] =	vst v0;
	v0 =	vmin.f32 v1, $1.000000000e+00;
	v1 =	vmax.f32 v4, $0.0e+00;
	v4 =	vld [tilespmem:s15+$0xDE80]  }
0x24e: {  	[tilespmem:s15+$0xD2C0] =	vst v0;
	v0 =	vmin.f32 v1, $1.000000000e+00;
	v1 =	vmax.f32 v5, $0.0e+00;
	v5 =	vld [tilespmem:s15+$0xDE90]  }
0x24f: {  	[tilespmem:s15+$0xD2D0] =	vst v0;
	v0 =	vmin.f32 v1, $1.000000000e+00;
	v1 =	vmax.f32 v6, $0.0e+00;
	v6 =	vld [tilespmem:s15+$0xDEA0]  }
0x250: {  	[tilespmem:s15+$0xDE40] =	vst v0;
	v0 =	vmin.f32 v1, $1.000000000e+00;
	v1 =	vmax.f32 v3, $0.0e+00;
	v3 =	vld [tilespmem:s15+$0xDEB0]  }
0x251: {  	[tilespmem:s15+$0xDE50] =	vst v0;
	v0 =	vmin.f32 v1, $1.000000000e+00;
	v1 =	vmax.f32 v2, $0.0e+00;
	v2 =	vld [tilespmem:s15+$0xDEC0]  }
0x252: {  	[tilespmem:s15+$0xDE60] =	vst v0;
	v0 =	vmin.f32 v1, $1.000000000e+00;
	v1 =	vmax.f32 v4, $0.0e+00;
	v4 =	vld [tilespmem:s15+$0xDED0]  }
0x253: {  	[tilespmem:s15+$0xDE70] =	vst v0;
	v0 =	vmin.f32 v1, $1.000000000e+00;
	v1 =	vmax.f32 v5, $0.0e+00;
	v5 =	vld [tilespmem:s15+$0xDEE0]  }
0x254: {  	[tilespmem:s15+$0xDE80] =	vst v0;
	v0 =	vmin.f32 v1, $1.000000000e+00;
	v1 =	vmax.f32 v6, $0.0e+00;
	v6 =	vld [tilespmem:s15+$0xDEF0]  }
0x255: {  	[tilespmem:s15+$0xDE90] =	vst v0;
	v0 =	vmin.f32 v1, $1.000000000e+00;
	v1 =	vmax.f32 v3, $0.0e+00;
	v3 =	vld [tilespmem:s15+$0xDF00]  }
0x256: {  	[tilespmem:s15+$0xDEA0] =	vst v0;
	v0 =	vmin.f32 v1, $1.000000000e+00;
	v1 =	vmax.f32 v2, $0.0e+00;
	v2 =	vld [tilespmem:s15+$0xDF10]  }
0x257: {  	[tilespmem:s15+$0xDEB0] =	vst v0;
	v0 =	vmin.f32 v1, $1.000000000e+00;
	v1 =	vmax.f32 v4, $0.0e+00;
	v4 =	vld [tilespmem:s15+$0xEA80]  }
0x258: {  	[tilespmem:s15+$0xDEC0] =	vst v0;
	v0 =	vmin.f32 v1, $1.000000000e+00;
	v1 =	vmax.f32 v5, $0.0e+00;
	v5 =	vld [tilespmem:s15+$0xEA90]  }
0x259: {  	[tilespmem:s15+$0xDED0] =	vst v0;
	v0 =	vmin.f32 v1, $1.000000000e+00;
	v1 =	vmax.f32 v6, $0.0e+00;
	v6 =	vld [tilespmem:s15+$0xEAA0]  }
0x25a: {  	[tilespmem:s15+$0xDEE0] =	vst v0;
	v0 =	vmin.f32 v1, $1.000000000e+00;
	v1 =	vmax.f32 v3, $0.0e+00;
	v3 =	vld [tilespmem:s15+$0xEAB0]  }
0x25b: {  	[tilespmem:s15+$0xDEF0] =	vst v0;
	v0 =	vmin.f32 v1, $1.000000000e+00;
	v1 =	vmax.f32 v2, $0.0e+00;
	v2 =	vld [tilespmem:s15+$0xEAC0]  }
0x25c: {  	[tilespmem:s15+$0xDF00] =	vst v0;
	v0 =	vmin.f32 v1, $1.000000000e+00;
	v1 =	vmax.f32 v4, $0.0e+00;
	v4 =	vld [tilespmem:s15+$0xEAD0]  }
0x25d: {  	[tilespmem:s15+$0xDF10] =	vst v0;
	v0 =	vmin.f32 v1, $1.000000000e+00;
	v1 =	vmax.f32 v5, $0.0e+00;
	v5 =	vld [tilespmem:s15+$0xEAE0]  }
0x25e: {  	[tilespmem:s15+$0xEA80] =	vst v0;
	v0 =	vmin.f32 v1, $1.000000000e+00;
	v1 =	vmax.f32 v6, $0.0e+00;
	v6 =	vld [tilespmem:s15+$0xEAF0]  }
.Ltmp3:
0x25f: {  	[tilespmem:s15+$0xEA90] =	vst v0;
	v0 =	vmin.f32 v1, $1.000000000e+00;
	v1 =	vmax.f32 v3, $0.0e+00;
	v3 =	vld [tilespmem:s15+$0xEB00];
	(pc) =	sbr.rel @p0 .LBB2_8-.Ltmp3, $4  }
0x260: {  	[tilespmem:s15+$0xEAA0] =	vst v0;
	v0 =	vmin.f32 v1, $1.000000000e+00;
	v1 =	vmax.f32 v2, $0.0e+00;
	v2 =	vld [tilespmem:s15+$0xEB10]  }
0x261: {  	[tilespmem:s15+$0xEAB0] =	vst v0;
	v0 =	vmin.f32 v1, $1.000000000e+00;
	v1 =	vmax.f32 v4, $0.0e+00;
	v4 =	vld [tilespmem:s15+$0xEB20]  }
0x262: {  	[tilespmem:s15+$0xEAC0] =	vst v0;
	v0 =	vmin.f32 v1, $1.000000000e+00;
	v1 =	vmax.f32 v5, $0.0e+00;
	v5 =	vld [tilespmem:s15+$0xEB30]  }
0x263: {  	s16 =	sadd.s32 $0x380, s16;
	[tilespmem:s15+$0xEAD0] =	vst v0;
	v7 =	vmin.f32 v1, $1.000000000e+00;
	v8 =	vmax.f32 v6, $0.0e+00;
	v6 =	vld [tilespmem:s15+$0xEB40]  }
0x264: {  	[tilespmem:s15+$0xEAE0] =	vst v7;
	v0 =	vmin.f32 v8, $1.000000000e+00;
	v1 =	vmax.f32 v3, $0.0e+00;
	v3 =	vld [tilespmem:s15+$0xEB50]  }
0x265: {  	[tilespmem:s15+$0xEAF0] =	vst v0;
	v0 =	vmin.f32 v1, $1.000000000e+00;
	v1 =	vmax.f32 v2, $0.0e+00  }
0x266: {  	[tilespmem:s15+$0xEB00] =	vst v0;
	v0 =	vmin.f32 v1, $1.000000000e+00;
	v1 =	vmax.f32 v4, $0.0e+00  }
0x267: {  	[tilespmem:s15+$0xEB10] =	vst v0;
	v0 =	vmin.f32 v1, $1.000000000e+00;
	v1 =	vmax.f32 v5, $0.0e+00  }
0x268: {  	[tilespmem:s15+$0xEB20] =	vst v0;
	v0 =	vmin.f32 v1, $1.000000000e+00;
	v1 =	vmax.f32 v6, $0.0e+00  }
0x269: {  	s14 =	sadd.s32 $0x1, s14;
	[tilespmem:s15+$0xEB30] =	vst v0;
	v0 =	vmin.f32 v1, $1.000000000e+00;
	v1 =	vmax.f32 v3, $0.0e+00  }
0x26a: {  	p0 =	sne.s32 s14, s6;
	[tilespmem:s15+$0xEB40] =	vst v0;
	v0 =	vmin.f32 v1, $1.000000000e+00  }
.Ltmp4:
0x26b: {  	[tilespmem:s15+$0xEB50] =	vst v0;
	(pc) =	sbr.rel @p0 .LBB2_1-.Ltmp4, $4  }
0x26c: {  	[hbm4b:s5+s13] =	stream.strided.scatter [tilespmem:s10], [sflag:$0x1], $0x24C0, s8, s13, $0x38;
	[tilespmem:$0xF6C0] =	vst v63  }
0x26d: {  	_ =	swait.ge [sflag:s9], $0x24C0  }
0x26e: {  	[sflag:s9] =	ssyncset.done $0x0  }
0x26f: {  	v0 =	vimm.f32 $0.0e+00;
	[sflag:s9] =	ssyncadd.s32 $0xFFFFDB40  }
0x270: {  	_ =	sfence.sel $0x180000  }
0x271: {  	[bflag:$0x0] =	sbarrier.arrive $0xFFFF  }
0x272: {  	p0 =	sne.s32 s0, $0x0;
	_ =	strace $0x90000047  }
0x273: {  	s0 =	sadd.s32 @!p0 $0x100000, s1;
	[bflag:$0x2] =	sbarrier.arrive $0xFFFF  }
0x274: {  	[sflag:s0] =	ssyncadd.tile.s32 @!p0 $0x1;
	_ =	shalt  }
.Lfunc_end2:
_tile_overlayer_lowered:
.L_overlay_start_2:
0x275: {  	(tag) =	ssettag $0x2  }
0x276: {  	s0 =	rddreg [dreg:$0x0];
	s2 =	stileid.u32  }
0x277: {  	s1 =	rddreg [dreg:$0x1];
	p0 =	sne.s32 s2, $0x0  }
0x278: {  	s3 =	rddreg [dreg:$0x2];
	[bflag:$0x3] =	sbarrier.arrive $0xFFFF;
	s2 =	simm.s32 @!p0 $0x1C01  }
0x279: {  	[timem:s3], [sflag:s2] =	dma.local @!p0 [hbm:s0], s1  }
0x27a: {  	s0 =	simm.s32 @!p0 $0x1  }
0x27b: {  	_ =	swait.ge @!p0 [sflag:s0], s1  }
0x27c: {  	s1 =	ssub.s32 @!p0 $0x0, s1;
	[sflag:s0] =	ssyncset.done @!p0 $0x0  }
0x27d: {  	[sflag:s0] =	ssyncadd.s32 @!p0 s1  }
0x27e: {  	[bflag:$0x3] =	sbarrier.arrive $0xFFFF  }
0x27f: {  	_ =	shalt  }

</sc_bundles>
